<compile_context>
chip_gen: v7x
topology: tpu7x:2x2x1
jax: 0.10.2.dev20260603
libtpu: 0.0.44.dev20260713+nightly
codegen_flags: <defaults>
</compile_context>

<pallas_src>
import functools

import numpy as np
import jax
import jax.numpy as jnp
from jax import lax
from jax.experimental import pallas as pl
from jax.experimental.pallas import tpu as pltpu
from jax.experimental.pallas import tpu_sc as plsc

K = 8
T = 200
DT = np.float32(0.01)
R = 128
C = 64
LL1, RL1, LL2, RL2 = 20, 70, 120, 170
NC, NS, L = 2, 16, 16
NW = NC * NS

_F32 = jnp.float32
_I32 = jnp.int32


def _prep_body(beta_ref, fac_ref, consts_ref, pair_ref):
    fac = jax.nn.softplus(beta_ref[:])
    fac_ref[:] = fac

    iota = lax.broadcasted_iota(_I32, (K, 50), 1)

    def peak_idx(lo):
        w = fac[:, lo:lo + 50]
        m = jnp.max(w, axis=1, keepdims=True)
        return jnp.min(jnp.where(w == m, iota, 2 ** 30), axis=1, keepdims=True) + lo

    u = lax.bitcast_convert_type(fac, _I32)
    ub = lax.shift_right_logical(u + 0x8000, 16)
    ub_next = jnp.concatenate([ub[:, 1:], jnp.zeros((K, 1), _I32)], axis=1)
    pairs_ref1 = lax.shift_left(ub_next, 16)
    pairs_ref0 = jnp.bitwise_or(ub, pairs_ref1)
    pair_ref[...] = pairs_ref0

    idx = jnp.concatenate([peak_idx(LL1), peak_idx(LL2)], axis=0)
    avg = idx.astype(_F32) * DT

    is_w1 = lax.broadcasted_iota(_I32, (16, 1), 0) < 8
    left = jnp.where(is_w1, np.float32(LL1) * DT, np.float32(LL2) * DT)
    right = jnp.where(is_w1, np.float32(RL1) * DT, np.float32(RL2) * DT)
    lo_sub = left + DT
    hi_sub = right - DT
    n1b = (avg - left) / DT
    n2b = (avg - right) / DT
    avgb = avg / DT
    leftb = left / DT
    pad = jnp.zeros((16, 7), _F32)
    consts_ref[:] = jnp.concatenate(
        [avg, left, right, lo_sub, hi_sub, n1b, n2b, avgb, leftb, pad], axis=1)


def _prep(beta):
    return pl.pallas_call(
        _prep_body,
        out_shape=[jax.ShapeDtypeStruct((K, T), _F32),
                   jax.ShapeDtypeStruct((16, 16), _F32),
                   jax.ShapeDtypeStruct((K, T), _I32)],
    )(beta)


_SC_SCRATCH = [
    pltpu.VMEM((K * T,), _F32),
    pltpu.VMEM((K * T,), _I32),
    pltpu.VMEM((256,), _F32),
    pltpu.VMEM((C, R), _F32),
    pltpu.VMEM((C,), _F32),
    pltpu.VMEM((25, 8, R), _F32),
    pltpu.VMEM((25, 8, R), _F32),
    pltpu.VMEM((C, R), _F32),
    pltpu.VMEM((C, R), _F32),
    pltpu.SemaphoreType.DMA,
    pltpu.SemaphoreType.DMA,
    pltpu.SemaphoreType.DMA,
    pltpu.SemaphoreType.DMA,
]


def _sc_warp_body(tbl_hbm, pairs_hbm, consts_hbm, trial_hbm, config_hbm, out_hbm,
             tbl_v, tblp_v, consts_v, trial_v, config_v,
             stage_a, stage_b, dense_a, dense_b,
             wsem_a, wsem_b, dsem_a, dsem_b):
    wid = lax.axis_index("s") * NC + lax.axis_index("c")
    kk = wid // 4
    q = wid % 4

    win = q // 2
    j = kk + 8 * win
    i0 = 25 * (q % 2)
    wt0 = 20 + 25 * (q % 2) + 100 * win
    dt0 = jnp.where(q == 0, 0, jnp.where(q == 1, 70, jnp.where(q == 2, 95, 170)))
    dn = jnp.where(q == 0, 20, jnp.where(q == 3, 30, 25))

    pltpu.sync_copy(tbl_hbm, tbl_v)
    pltpu.sync_copy(pairs_hbm, tblp_v)
    pltpu.sync_copy(consts_hbm, consts_v)
    pltpu.sync_copy(trial_hbm.at[j], trial_v)
    pltpu.sync_copy(config_hbm.at[j], config_v)

    jbase = j * 16

    def csplat(row):
        return plsc.load_gather(consts_v, [jnp.full((L,), jbase + row, _I32)])

    avgv = csplat(0)
    leftv = csplat(1)
    rightv = csplat(2)
    lov = csplat(3)
    hiv = csplat(4)
    n1v = csplat(5)
    n2v = csplat(6)
    avgbv = csplat(7)
    leftbv = csplat(8)
    i0fv = jnp.full((L,), i0, _I32).astype(_F32)
    lst0v = i0fv * DT
    kbase_v = jnp.full((L,), kk * T, _I32)
    koffv = kbase_v.astype(_F32)

    def fill_chunk(c0, stage):
        @plsc.parallel_loop(0, 8)
        def cc_body(cc):
            c = c0 + cc
            cv = plsc.load_gather(config_v, [jnp.full((L,), c, _I32)])

            @plsc.parallel_loop(0, 8)
            def rb_body(rb):
                tv = trial_v[c, pl.ds(rb * 16, 16)]
                s = avgv + (tv + cv)
                s = jnp.where(s <= leftv, lov, s)
                s = jnp.where(s >= rightv, hiv, s)
                lsp = s - leftv
                rsp = s - rightv
                lspb = lsp * _F32(100.0)
                rspb = rsp * _F32(100.0)
                a1 = n1v / lspb
                a2 = n2v / rspb
                b2 = avgbv - lspb * a2
                b1f = (koffv + leftbv) + a1 * i0fv
                b2f = (koffv + b2) + a2 * i0fv
                lspf = lsp - lst0v
                for base, nb in ((0, 9), (9, 8), (17, 8)):
                    got = []
                    for ii in range(base, base + nb):
                        cii = _F32(np.float32(ii) * DT)
                        iif = _F32(float(ii))
                        wi = jnp.where(cii < lspf,
                                       a1 * iif + b1f, a2 * iif + b2f)
                        fl = wi.astype(_I32)
                        cw = wi - fl.astype(_F32)
                        w = plsc.load_gather(tblp_v, [fl])
                        got.append((ii, cw, w))
                    for ii, cw, w in got:
                        f0 = plsc.bitcast(lax.shift_left(w, 16), _F32)
                        f1 = plsc.bitcast(jnp.bitwise_and(w, _I32(-65536)),
                                          _F32)
                        val = f0 + cw * (f1 - f0)
                        stage[ii, cc, pl.ds(rb * 16, 16)] = val

    def warp_dma(c0, stage, sem):
        return pltpu.make_async_copy(
            stage, out_hbm.at[kk, pl.ds(wt0, 25), 0, 0, pl.ds(c0, 8)], sem)

    def chunk_pair(cp, carry):
        c0a = cp * 16
        c0b = cp * 16 + 8

        @pl.when(cp >= 1)
        def _():
            warp_dma(c0a, stage_a, wsem_a).wait()
            warp_dma(c0b, stage_b, wsem_b).wait()

        fill_chunk(c0a, stage_a)
        warp_dma(c0a, stage_a, wsem_a).start()
        fill_chunk(c0b, stage_b)
        warp_dma(c0b, stage_b, wsem_b).start()
        return carry

    def dense_fill(t, buf):
        val = plsc.load_gather(tbl_v, [kbase_v + jnp.full((L,), t, _I32)])

        @plsc.parallel_loop(0, C, unroll=4)
        def fb(cc):
            for rb in range(8):
                buf[cc, pl.ds(rb * 16, 16)] = val

    def dense_dma(t, buf, sem):
        return pltpu.make_async_copy(buf, out_hbm.at[kk, t, 0, 0], sem)

    def dense_pair(dp, carry):
        p0 = 2 * dp
        p1 = 2 * dp + 1
        t0 = dt0 + p0
        t1 = dt0 + p1

        @pl.when(jnp.logical_and(dp >= 1, p0 < dn))
        def _():
            dense_dma(t0, dense_a, dsem_a).wait()

        @pl.when(jnp.logical_and(dp >= 1, p1 < dn))
        def _():
            dense_dma(t1, dense_b, dsem_b).wait()

        @pl.when(p0 < dn)
        def _():
            dense_fill(t0, dense_a)
            dense_dma(t0, dense_a, dsem_a).start()

        @pl.when(p1 < dn)
        def _():
            dense_fill(t1, dense_b)
            dense_dma(t1, dense_b, dsem_b).start()
        return carry

    lax.fori_loop(0, 15, dense_pair, 0)
    lax.fori_loop(0, 4, chunk_pair, 0)

    warp_dma(48, stage_a, wsem_a).wait()
    warp_dma(56, stage_b, wsem_b).wait()
    dense_dma(dt0, dense_a, dsem_a).wait()
    dense_dma(dt0, dense_b, dsem_b).wait()


_SC_WARP_CACHE = []


def _sc_warp(*args):
    if not _SC_WARP_CACHE:
        mesh = plsc.VectorSubcoreMesh(core_axis_name="c", subcore_axis_name="s",
                                      num_cores=NC, num_subcores=NS)
        _SC_WARP_CACHE.append(functools.partial(
            pl.kernel,
            out_type=jax.ShapeDtypeStruct((K, T, 1, 1, C, R), _F32),
            mesh=mesh,
            scratch_types=_SC_SCRATCH,
            compiler_params=pltpu.CompilerParams(use_tc_tiling_on_sc=True,
                                                 needs_layout_passes=False),
        )(_sc_warp_body))
    return _SC_WARP_CACHE[0](*args)


def kernel(beta, transformed_trial_peak_offset_samples,
           transformed_config_peak_offset_samples):
    fac, consts, pairs = _prep(beta)
    tbl = fac.reshape(K * T)
    pairs_flat = pairs.reshape(K * T)
    consts_flat = consts.reshape(256)
    trial_t = jnp.transpose(
        transformed_trial_peak_offset_samples[0], (2, 1, 0))
    config_t = jnp.transpose(
        transformed_config_peak_offset_samples[0], (1, 0))
    out = _sc_warp(tbl, pairs_flat, consts_flat, trial_t, config_t)
    return jnp.swapaxes(out, 4, 5)

# --- scband reference (transcript-rebuilt; emitter-appended) ---
"""Pipeline reference for scband-likelihood-model-18253611008687 (READ-ONLY COPY).

The authoritative reference and input builder live on the scoring server;
editing this copy changes nothing except your own understanding.
"""

import jax, jax.numpy as jnp
import numpy as np

K = 8
T = 200
DT = 0.01
LL1, RL1, LL2, RL2 = 20, 70, 120, 170
R_TRIALS = 128
N_CONFIGS = 64


def _forward(beta, trial_samps, config_samps):
    time = jnp.arange(T, dtype=jnp.float32) * DT
    factors = jax.nn.softplus(beta)
    # compute_offsets_and_landmarks
    p1 = time[LL1 + jnp.argmax(factors[:, LL1:RL1], axis=1)]
    p2 = time[LL2 + jnp.argmax(factors[:, LL2:RL2], axis=1)]
    avg_peak_times = jnp.concatenate([p1, p2])  # [2K]
    offsets = trial_samps[:, None] + config_samps[None, :, None]  # [1,1,R,C,2K]
    avg_r = avg_peak_times[None, None, None, None, :]
    s_new = avg_r + offsets
    left_lm = time[jnp.repeat(jnp.array([LL1, LL2]), K)][None, None, None, None, :]
    right_lm = time[jnp.repeat(jnp.array([RL1, RL2]), K)][None, None, None, None, :]
    s_new = jnp.where(s_new <= left_lm, left_lm + DT, s_new)
    s_new = jnp.where(s_new >= right_lm, right_lm - DT, s_new)
    # compute_warped_times (landmark spread = 50 bins -> 50 shifted times)
    lst = jnp.arange(50, dtype=jnp.float32) * DT
    lsp = s_new - left_lm
    rsp = s_new - right_lm
    lslope = (avg_r - left_lm) / lsp
    rslope = (avg_r - right_lm) / rsp
    lst_b = lst.reshape(50, 1, 1, 1, 1, 1)
    warped_times = jnp.where(
        lst_b < lsp[None],
        lst_b * lslope[None] + left_lm[None],
        (lst_b - lsp[None]) * rslope[None] + avg_r[None],
    )  # [50,1,1,R,C,2K]
    # compute_warped_factors: interpolated gather from the factor table
    wi = warped_times / DT
    fl = jnp.floor(wi).astype(jnp.int32)
    ce = jnp.ceil(wi).astype(jnp.int32)
    cw = wi - fl
    fw = 1.0 - cw
    outs = []
    for l in range(K):
        sel = jnp.array([l, l + K])
        fi = fl[..., sel]
        ci = ce[..., sel]
        f_fl = factors[l][fi] * fw[..., sel]
        f_ce = factors[l][ci] * cw[..., sel]
        outs.append(f_fl + f_ce)
    wf = jnp.stack(outs)  # [K,50,1,1,R,C,2]
    shp = wf.shape[2:-1]  # (1,1,R,C)
    early = jnp.broadcast_to(factors[:, :LL1][:, :, None, None, None, None], (K, LL1) + shp)
    mid = jnp.broadcast_to(factors[:, RL1:LL2][:, :, None, None, None, None], (K, LL2 - RL1) + shp)
    late = jnp.broadcast_to(factors[:, RL2:][:, :, None, None, None, None], (K, T - RL2) + shp)
    warped_factors = jnp.concatenate([early, wf[..., 0], mid, wf[..., 1], late], axis=1)
    return warped_factors  # [K, T, 1, 1, R, C]


def setup_inputs(seed: int = 0) -> dict:
    key = jax.random.key(seed)
    k1, k2, k3 = jax.random.split(key, 3)
    beta = jax.random.normal(k1, (K, T), dtype=jnp.float32)
    trial = 0.1 * jax.random.normal(k2, (1, R_TRIALS, N_CONFIGS, 2 * K), dtype=jnp.float32)
    config = 0.1 * jax.random.normal(k3, (1, N_CONFIGS, 2 * K), dtype=jnp.float32)
    return {
        "beta": beta,
        "transformed_trial_peak_offset_samples": trial,
        "transformed_config_peak_offset_samples": config,
    }


def reference(beta, transformed_trial_peak_offset_samples, transformed_config_peak_offset_samples):
    return _forward(beta, transformed_trial_peak_offset_samples, transformed_config_peak_offset_samples)

if __name__ == "__main__":
    import jax
    _d = setup_inputs()
    print(jax.jit(kernel)(*tuple(_d.values())))

</pallas_src>

<mosaic_0001>
#map = affine_map<(d0, d1) -> (0)>
#map1 = affine_map<(d0, d1) -> (0, 0, 0)>
#map2 = affine_map<(d0, d1) -> (0, 0)>
#map3 = affine_map<(d0, d1) -> (0, 0, 0, 0, 0, 0)>
module attributes {stable_mosaic.version = 14 : i64} {
  func.func @_sc_warp_body(%arg0: i32, %arg1: i32, %arg2: memref<1600xf32, #tpu.memory_space<hbm>>, %arg3: memref<1600xi32, #tpu.memory_space<hbm>>, %arg4: memref<256xf32, #tpu.memory_space<hbm>>, %arg5: memref<16x64x128xf32, #tpu.memory_space<hbm>>, %arg6: memref<16x64xf32, #tpu.memory_space<hbm>>, %arg7: memref<8x200x1x1x64x128xf32, #tpu.memory_space<hbm>>, %arg8: memref<1600xf32, #tpu.memory_space<vmem>>, %arg9: memref<1600xi32, #tpu.memory_space<vmem>>, %arg10: memref<256xf32, #tpu.memory_space<vmem>>, %arg11: memref<64x128xf32, #tpu.memory_space<vmem>>, %arg12: memref<64xf32, #tpu.memory_space<vmem>>, %arg13: memref<25x8x128xf32, #tpu.memory_space<vmem>>, %arg14: memref<25x8x128xf32, #tpu.memory_space<vmem>>, %arg15: memref<64x128xf32, #tpu.memory_space<vmem>>, %arg16: memref<64x128xf32, #tpu.memory_space<vmem>>, %arg17: memref<!tpu.dma_semaphore, #tpu.memory_space<semaphore_mem>>, %arg18: memref<!tpu.dma_semaphore, #tpu.memory_space<semaphore_mem>>, %arg19: memref<!tpu.dma_semaphore, #tpu.memory_space<semaphore_mem>>, %arg20: memref<!tpu.dma_semaphore, #tpu.memory_space<semaphore_mem>>) attributes {dimension_semantics = [#tpu.dimension_semantics<core_parallel>, #tpu.dimension_semantics<subcore_parallel>], iteration_bounds = array<i64: 2, 16>, scalar_prefetch = 0 : i64, scratch_operands = 13 : i64, tpu.core_type = #tpu.core_type<sc_vector_subcore>, window_params = [{transform_indices = #map}, {transform_indices = #map}, {transform_indices = #map}, {transform_indices = #map1}, {transform_indices = #map2}, {transform_indices = #map3}]} {
    %mul3A = arith.constant 2 : i32
    %mul3A_0 = arith.muli %arg1, %mul3A : i32
    %add3A = arith.addi %mul3A_0, %arg0 : i32
    %jit3A = arith.constant 4 : i32
    %div3A = arith.divsi %add3A, %jit3A : i32
    %sign3A = arith.constant 0 : i32
    %sign3A_1 = arith.cmpi sgt, %add3A, %sign3A : i32
    %sign3A_2 = arith.extui %sign3A_1 : i1 to i32
    %sign3A_3 = arith.constant 0 : i32
    %sign3A_4 = arith.cmpi slt, %add3A, %sign3A_3 : i32
    %sign3A_5 = arith.extui %sign3A_4 : i1 to i32
    %sign3A_6 = arith.subi %sign3A_2, %sign3A_5 : i32
    %sign3A_7 = arith.constant 0 : i32
    %sign3A_8 = arith.cmpi sgt, %jit3A, %sign3A_7 : i32
    %sign3A_9 = arith.extui %sign3A_8 : i1 to i32
    %sign3A_10 = arith.constant 0 : i32
    %sign3A_11 = arith.cmpi slt, %jit3A, %sign3A_10 : i32
    %sign3A_12 = arith.extui %sign3A_11 : i1 to i32
    %sign3A_13 = arith.subi %sign3A_9, %sign3A_12 : i32
    %ne3A = arith.cmpi ne, %sign3A_6, %sign3A_13 : i32
    %rem3A = arith.remsi %add3A, %jit3A : i32
    %ne3A_14 = arith.constant 0 : i32
    %ne3A_15 = arith.cmpi ne, %rem3A, %ne3A_14 : i32
    %and3A = arith.andi %ne3A, %ne3A_15 : i1
    %sub3A = arith.constant 1 : i32
    %sub3A_16 = arith.subi %div3A, %sub3A : i32
    %select_n3A = arith.select %and3A, %sub3A_16, %div3A : i32
    %jit3A_17 = arith.constant 4 : i32
    %eq3A = arith.constant 0 : i32
    %eq3A_18 = arith.cmpi eq, %jit3A_17, %eq3A : i32
    %jit3A_19 = arith.constant 1 : i32
    %select_n3A_20 = arith.select %eq3A_18, %jit3A_19, %jit3A_17 : i32
    %rem3A_21 = arith.remsi %add3A, %select_n3A_20 : i32
    %ne3A_22 = arith.constant 0 : i32
    %ne3A_23 = arith.cmpi ne, %rem3A_21, %ne3A_22 : i32
    %lt3A = arith.constant 0 : i32
    %lt3A_24 = arith.cmpi slt, %rem3A_21, %lt3A : i32
    %lt3A_25 = arith.constant 0 : i32
    %lt3A_26 = arith.cmpi slt, %select_n3A_20, %lt3A_25 : i32
    %ne3A_27 = arith.xori %lt3A_24, %lt3A_26 : i1
    %and3A_28 = arith.andi %ne3A_27, %ne3A_23 : i1
    %add3A_29 = arith.addi %rem3A_21, %select_n3A_20 : i32
    %select_n3A_30 = arith.select %and3A_28, %add3A_29, %rem3A_21 : i32
    %jit3A_31 = arith.constant 2 : i32
    %div3A_32 = arith.divsi %select_n3A_30, %jit3A_31 : i32
    %sign3A_33 = arith.constant 0 : i32
    %sign3A_34 = arith.cmpi sgt, %select_n3A_30, %sign3A_33 : i32
    %sign3A_35 = arith.extui %sign3A_34 : i1 to i32
    %sign3A_36 = arith.constant 0 : i32
    %sign3A_37 = arith.cmpi slt, %select_n3A_30, %sign3A_36 : i32
    %sign3A_38 = arith.extui %sign3A_37 : i1 to i32
    %sign3A_39 = arith.subi %sign3A_35, %sign3A_38 : i32
    %sign3A_40 = arith.constant 0 : i32
    %sign3A_41 = arith.cmpi sgt, %jit3A_31, %sign3A_40 : i32
    %sign3A_42 = arith.extui %sign3A_41 : i1 to i32
    %sign3A_43 = arith.constant 0 : i32
    %sign3A_44 = arith.cmpi slt, %jit3A_31, %sign3A_43 : i32
    %sign3A_45 = arith.extui %sign3A_44 : i1 to i32
    %sign3A_46 = arith.subi %sign3A_42, %sign3A_45 : i32
    %ne3A_47 = arith.cmpi ne, %sign3A_39, %sign3A_46 : i32
    %rem3A_48 = arith.remsi %select_n3A_30, %jit3A_31 : i32
    %ne3A_49 = arith.constant 0 : i32
    %ne3A_50 = arith.cmpi ne, %rem3A_48, %ne3A_49 : i32
    %and3A_51 = arith.andi %ne3A_47, %ne3A_50 : i1
    %sub3A_52 = arith.constant 1 : i32
    %sub3A_53 = arith.subi %div3A_32, %sub3A_52 : i32
    %select_n3A_54 = arith.select %and3A_51, %sub3A_53, %div3A_32 : i32
    %mul3A_55 = arith.constant 8 : i32
    %mul3A_56 = arith.muli %mul3A_55, %select_n3A_54 : i32
    %add3A_57 = arith.addi %select_n3A, %mul3A_56 : i32
    %jit3A_58 = arith.constant 2 : i32
    %eq3A_59 = arith.constant 0 : i32
    %eq3A_60 = arith.cmpi eq, %jit3A_58, %eq3A_59 : i32
    %jit3A_61 = arith.constant 1 : i32
    %select_n3A_62 = arith.select %eq3A_60, %jit3A_61, %jit3A_58 : i32
    %rem3A_63 = arith.remsi %select_n3A_30, %select_n3A_62 : i32
    %ne3A_64 = arith.constant 0 : i32
    %ne3A_65 = arith.cmpi ne, %rem3A_63, %ne3A_64 : i32
    %lt3A_66 = arith.constant 0 : i32
    %lt3A_67 = arith.cmpi slt, %rem3A_63, %lt3A_66 : i32
    %lt3A_68 = arith.constant 0 : i32
    %lt3A_69 = arith.cmpi slt, %select_n3A_62, %lt3A_68 : i32
    %ne3A_70 = arith.xori %lt3A_67, %lt3A_69 : i1
    %and3A_71 = arith.andi %ne3A_70, %ne3A_65 : i1
    %add3A_72 = arith.addi %rem3A_63, %select_n3A_62 : i32
    %select_n3A_73 = arith.select %and3A_71, %add3A_72, %rem3A_63 : i32
    %mul3A_74 = arith.constant 25 : i32
    %mul3A_75 = arith.muli %mul3A_74, %select_n3A_73 : i32
    %jit3A_76 = arith.constant 2 : i32
    %eq3A_77 = arith.constant 0 : i32
    %eq3A_78 = arith.cmpi eq, %jit3A_76, %eq3A_77 : i32
    %jit3A_79 = arith.constant 1 : i32
    %select_n3A_80 = arith.select %eq3A_78, %jit3A_79, %jit3A_76 : i32
    %rem3A_81 = arith.remsi %select_n3A_30, %select_n3A_80 : i32
    %ne3A_82 = arith.constant 0 : i32
    %ne3A_83 = arith.cmpi ne, %rem3A_81, %ne3A_82 : i32
    %lt3A_84 = arith.constant 0 : i32
    %lt3A_85 = arith.cmpi slt, %rem3A_81, %lt3A_84 : i32
    %lt3A_86 = arith.constant 0 : i32
    %lt3A_87 = arith.cmpi slt, %select_n3A_80, %lt3A_86 : i32
    %ne3A_88 = arith.xori %lt3A_85, %lt3A_87 : i1
    %and3A_89 = arith.andi %ne3A_88, %ne3A_83 : i1
    %add3A_90 = arith.addi %rem3A_81, %select_n3A_80 : i32
    %select_n3A_91 = arith.select %and3A_89, %add3A_90, %rem3A_81 : i32
    %mul3A_92 = arith.constant 25 : i32
    %mul3A_93 = arith.muli %mul3A_92, %select_n3A_91 : i32
    %add3A_94 = arith.constant 20 : i32
    %add3A_95 = arith.addi %add3A_94, %mul3A_93 : i32
    %mul3A_96 = arith.constant 100 : i32
    %mul3A_97 = arith.muli %mul3A_96, %select_n3A_54 : i32
    %add3A_98 = arith.addi %add3A_95, %mul3A_97 : i32
    %eq3A_99 = arith.constant 0 : i32
    %eq3A_100 = arith.cmpi eq, %select_n3A_30, %eq3A_99 : i32
    %eq3A_101 = arith.constant 1 : i32
    %eq3A_102 = arith.cmpi eq, %select_n3A_30, %eq3A_101 : i32
    %eq3A_103 = arith.constant 2 : i32
    %eq3A_104 = arith.cmpi eq, %select_n3A_30, %eq3A_103 : i32
    %jit3A_105 = arith.constant 95 : i32
    %jit3A_106 = arith.constant 170 : i32
    %select_n3A_107 = arith.select %eq3A_104, %jit3A_105, %jit3A_106 : i32
    %jit3A_108 = arith.constant 70 : i32
    %select_n3A_109 = arith.select %eq3A_102, %jit3A_108, %select_n3A_107 : i32
    %jit3A_110 = arith.constant 0 : i32
    %select_n3A_111 = arith.select %eq3A_100, %jit3A_110, %select_n3A_109 : i32
    %eq3A_112 = arith.constant 0 : i32
    %eq3A_113 = arith.cmpi eq, %select_n3A_30, %eq3A_112 : i32
    %eq3A_114 = arith.constant 3 : i32
    %eq3A_115 = arith.cmpi eq, %select_n3A_30, %eq3A_114 : i32
    %jit3A_116 = arith.constant 30 : i32
    %jit3A_117 = arith.constant 25 : i32
    %select_n3A_118 = arith.select %eq3A_115, %jit3A_116, %jit3A_117 : i32
    %jit3A_119 = arith.constant 20 : i32
    %select_n3A_120 = arith.select %eq3A_113, %jit3A_119, %select_n3A_118 : i32
    "tpu.region"() ({
      %run_scoped3A = tpu.sem_alloc : memref<!tpu.dma_semaphore, #tpu.memory_space<semaphore_mem>>
      tpu.enqueue_dma source(%arg2 : memref<1600xf32, #tpu.memory_space<hbm>>) target(%arg8 : memref<1600xf32, #tpu.memory_space<vmem>>) target_semaphore(%run_scoped3A : memref<!tpu.dma_semaphore, #tpu.memory_space<semaphore_mem>>)
      tpu.wait_dma2 semaphore(%run_scoped3A : memref<!tpu.dma_semaphore, #tpu.memory_space<semaphore_mem>>) src(%arg2 : memref<1600xf32, #tpu.memory_space<hbm>>) dst(%arg8 : memref<1600xf32, #tpu.memory_space<vmem>>)
      tpu.yield
    }) : () -> ()
    "tpu.region"() ({
      %run_scoped3A = tpu.sem_alloc : memref<!tpu.dma_semaphore, #tpu.memory_space<semaphore_mem>>
      tpu.enqueue_dma source(%arg3 : memref<1600xi32, #tpu.memory_space<hbm>>) target(%arg9 : memref<1600xi32, #tpu.memory_space<vmem>>) target_semaphore(%run_scoped3A : memref<!tpu.dma_semaphore, #tpu.memory_space<semaphore_mem>>)
      tpu.wait_dma2 semaphore(%run_scoped3A : memref<!tpu.dma_semaphore, #tpu.memory_space<semaphore_mem>>) src(%arg3 : memref<1600xi32, #tpu.memory_space<hbm>>) dst(%arg9 : memref<1600xi32, #tpu.memory_space<vmem>>)
      tpu.yield
    }) : () -> ()
    "tpu.region"() ({
      %run_scoped3A = tpu.sem_alloc : memref<!tpu.dma_semaphore, #tpu.memory_space<semaphore_mem>>
      tpu.enqueue_dma source(%arg4 : memref<256xf32, #tpu.memory_space<hbm>>) target(%arg10 : memref<256xf32, #tpu.memory_space<vmem>>) target_semaphore(%run_scoped3A : memref<!tpu.dma_semaphore, #tpu.memory_space<semaphore_mem>>)
      tpu.wait_dma2 semaphore(%run_scoped3A : memref<!tpu.dma_semaphore, #tpu.memory_space<semaphore_mem>>) src(%arg4 : memref<256xf32, #tpu.memory_space<hbm>>) dst(%arg10 : memref<256xf32, #tpu.memory_space<vmem>>)
      tpu.yield
    }) : () -> ()
    "tpu.region"() ({
      %run_scoped3A = tpu.sem_alloc : memref<!tpu.dma_semaphore, #tpu.memory_space<semaphore_mem>>
      %dma_start3A = arith.constant 0 : i32
      %dma_start3A_215 = arith.constant 0 : i32
      %dma_start3A_216 = tpu.memref_slice %arg5[%add3A_57, %dma_start3A, %dma_start3A_215] : memref<16x64x128xf32, #tpu.memory_space<hbm>> -> memref<1x64x128xf32, #tpu.memory_space<hbm>>
      %dma_start3A_217 = tpu.memref_squeeze %dma_start3A_216 : memref<1x64x128xf32, #tpu.memory_space<hbm>> -> memref<64x128xf32, #tpu.memory_space<hbm>>
      %dma_start3A_218 = arith.constant 0 : i32
      %dma_start3A_219 = arith.constant 0 : i32
      %dma_start3A_220 = tpu.memref_slice %arg5[%add3A_57, %dma_start3A_218, %dma_start3A_219] : memref<16x64x128xf32, #tpu.memory_space<hbm>> -> memref<1x64x128xf32, #tpu.memory_space<hbm>>
      %dma_start3A_221 = tpu.memref_squeeze %dma_start3A_220 : memref<1x64x128xf32, #tpu.memory_space<hbm>> -> memref<64x128xf32, #tpu.memory_space<hbm>>
      tpu.enqueue_dma source(%dma_start3A_221 : memref<64x128xf32, #tpu.memory_space<hbm>>) target(%arg11 : memref<64x128xf32, #tpu.memory_space<vmem>>) target_semaphore(%run_scoped3A : memref<!tpu.dma_semaphore, #tpu.memory_space<semaphore_mem>>)
      %dma_wait3A_222 = arith.constant 0 : i32
      %dma_wait3A_223 = arith.constant 0 : i32
      %dma_wait3A_224 = tpu.memref_slice %arg5[%add3A_57, %dma_wait3A_222, %dma_wait3A_223] : memref<16x64x128xf32, #tpu.memory_space<hbm>> -> memref<1x64x128xf32, #tpu.memory_space<hbm>>
      %dma_wait3A_225 = tpu.memref_squeeze %dma_wait3A_224 : memref<1x64x128xf32, #tpu.memory_space<hbm>> -> memref<64x128xf32, #tpu.memory_space<hbm>>
      %dma_wait3A_226 = arith.constant 0 : i32
      %dma_wait3A_227 = arith.constant 0 : i32
      %dma_wait3A_228 = tpu.memref_slice %arg5[%add3A_57, %dma_wait3A_226, %dma_wait3A_227] : memref<16x64x128xf32, #tpu.memory_space<hbm>> -> memref<1x64x128xf32, #tpu.memory_space<hbm>>
      %dma_wait3A_229 = tpu.memref_squeeze %dma_wait3A_228 : memref<1x64x128xf32, #tpu.memory_space<hbm>> -> memref<64x128xf32, #tpu.memory_space<hbm>>
      tpu.wait_dma2 semaphore(%run_scoped3A : memref<!tpu.dma_semaphore, #tpu.memory_space<semaphore_mem>>) src(%dma_wait3A_229 : memref<64x128xf32, #tpu.memory_space<hbm>>) dst(%arg11 : memref<64x128xf32, #tpu.memory_space<vmem>>)
      tpu.yield
    }) : () -> ()
    "tpu.region"() ({
      %run_scoped3A = tpu.sem_alloc : memref<!tpu.dma_semaphore, #tpu.memory_space<semaphore_mem>>
      %dma_start3A = arith.constant 0 : i32
      %dma_start3A_215 = tpu.memref_slice %arg6[%add3A_57, %dma_start3A] : memref<16x64xf32, #tpu.memory_space<hbm>> -> memref<1x64xf32, #tpu.memory_space<hbm>>
      %dma_start3A_216 = tpu.memref_squeeze %dma_start3A_215 : memref<1x64xf32, #tpu.memory_space<hbm>> -> memref<64xf32, #tpu.memory_space<hbm>>
      %dma_start3A_217 = arith.constant 0 : i32
      %dma_start3A_218 = tpu.memref_slice %arg6[%add3A_57, %dma_start3A_217] : memref<16x64xf32, #tpu.memory_space<hbm>> -> memref<1x64xf32, #tpu.memory_space<hbm>>
      %dma_start3A_219 = tpu.memref_squeeze %dma_start3A_218 : memref<1x64xf32, #tpu.memory_space<hbm>> -> memref<64xf32, #tpu.memory_space<hbm>>
      tpu.enqueue_dma source(%dma_start3A_219 : memref<64xf32, #tpu.memory_space<hbm>>) target(%arg12 : memref<64xf32, #tpu.memory_space<vmem>>) target_semaphore(%run_scoped3A : memref<!tpu.dma_semaphore, #tpu.memory_space<semaphore_mem>>)
      %dma_wait3A_220 = arith.constant 0 : i32
      %dma_wait3A_221 = tpu.memref_slice %arg6[%add3A_57, %dma_wait3A_220] : memref<16x64xf32, #tpu.memory_space<hbm>> -> memref<1x64xf32, #tpu.memory_space<hbm>>
      %dma_wait3A_222 = tpu.memref_squeeze %dma_wait3A_221 : memref<1x64xf32, #tpu.memory_space<hbm>> -> memref<64xf32, #tpu.memory_space<hbm>>
      %dma_wait3A_223 = arith.constant 0 : i32
      %dma_wait3A_224 = tpu.memref_slice %arg6[%add3A_57, %dma_wait3A_223] : memref<16x64xf32, #tpu.memory_space<hbm>> -> memref<1x64xf32, #tpu.memory_space<hbm>>
      %dma_wait3A_225 = tpu.memref_squeeze %dma_wait3A_224 : memref<1x64xf32, #tpu.memory_space<hbm>> -> memref<64xf32, #tpu.memory_space<hbm>>
      tpu.wait_dma2 semaphore(%run_scoped3A : memref<!tpu.dma_semaphore, #tpu.memory_space<semaphore_mem>>) src(%dma_wait3A_225 : memref<64xf32, #tpu.memory_space<hbm>>) dst(%arg12 : memref<64xf32, #tpu.memory_space<vmem>>)
      tpu.yield
    }) : () -> ()
    %mul3A_121 = arith.constant 16 : i32
    %mul3A_122 = arith.muli %add3A_57, %mul3A_121 : i32
    %add3A_123 = arith.constant 0 : i32
    %add3A_124 = arith.addi %mul3A_122, %add3A_123 : i32
    %broadcast_in_dim3A = vector.broadcast %add3A_124 : i32 to vector<16xi32>
    %gather3A = tpu.vector_load_idx %arg10[%broadcast_in_dim3A] : memref<256xf32, #tpu.memory_space<vmem>>[vector<16xi32>], vector<16xf32>,
    %add3A_125 = arith.constant 1 : i32
    %add3A_126 = arith.addi %mul3A_122, %add3A_125 : i32
    %broadcast_in_dim3A_127 = vector.broadcast %add3A_126 : i32 to vector<16xi32>
    %gather3A_128 = tpu.vector_load_idx %arg10[%broadcast_in_dim3A_127] : memref<256xf32, #tpu.memory_space<vmem>>[vector<16xi32>], vector<16xf32>,
    %add3A_129 = arith.constant 2 : i32
    %add3A_130 = arith.addi %mul3A_122, %add3A_129 : i32
    %broadcast_in_dim3A_131 = vector.broadcast %add3A_130 : i32 to vector<16xi32>
    %gather3A_132 = tpu.vector_load_idx %arg10[%broadcast_in_dim3A_131] : memref<256xf32, #tpu.memory_space<vmem>>[vector<16xi32>], vector<16xf32>,
    %add3A_133 = arith.constant 3 : i32
    %add3A_134 = arith.addi %mul3A_122, %add3A_133 : i32
    %broadcast_in_dim3A_135 = vector.broadcast %add3A_134 : i32 to vector<16xi32>
    %gather3A_136 = tpu.vector_load_idx %arg10[%broadcast_in_dim3A_135] : memref<256xf32, #tpu.memory_space<vmem>>[vector<16xi32>], vector<16xf32>,
    %add3A_137 = arith.constant 4 : i32
    %add3A_138 = arith.addi %mul3A_122, %add3A_137 : i32
    %broadcast_in_dim3A_139 = vector.broadcast %add3A_138 : i32 to vector<16xi32>
    %gather3A_140 = tpu.vector_load_idx %arg10[%broadcast_in_dim3A_139] : memref<256xf32, #tpu.memory_space<vmem>>[vector<16xi32>], vector<16xf32>,
    %add3A_141 = arith.constant 5 : i32
    %add3A_142 = arith.addi %mul3A_122, %add3A_141 : i32
    %broadcast_in_dim3A_143 = vector.broadcast %add3A_142 : i32 to vector<16xi32>
    %gather3A_144 = tpu.vector_load_idx %arg10[%broadcast_in_dim3A_143] : memref<256xf32, #tpu.memory_space<vmem>>[vector<16xi32>], vector<16xf32>,
    %add3A_145 = arith.constant 6 : i32
    %add3A_146 = arith.addi %mul3A_122, %add3A_145 : i32
    %broadcast_in_dim3A_147 = vector.broadcast %add3A_146 : i32 to vector<16xi32>
    %gather3A_148 = tpu.vector_load_idx %arg10[%broadcast_in_dim3A_147] : memref<256xf32, #tpu.memory_space<vmem>>[vector<16xi32>], vector<16xf32>,
    %add3A_149 = arith.constant 7 : i32
    %add3A_150 = arith.addi %mul3A_122, %add3A_149 : i32
    %broadcast_in_dim3A_151 = vector.broadcast %add3A_150 : i32 to vector<16xi32>
    %gather3A_152 = tpu.vector_load_idx %arg10[%broadcast_in_dim3A_151] : memref<256xf32, #tpu.memory_space<vmem>>[vector<16xi32>], vector<16xf32>,
    %add3A_153 = arith.constant 8 : i32
    %add3A_154 = arith.addi %mul3A_122, %add3A_153 : i32
    %broadcast_in_dim3A_155 = vector.broadcast %add3A_154 : i32 to vector<16xi32>
    %gather3A_156 = tpu.vector_load_idx %arg10[%broadcast_in_dim3A_155] : memref<256xf32, #tpu.memory_space<vmem>>[vector<16xi32>], vector<16xf32>,
    %broadcast_in_dim3A_157 = vector.broadcast %mul3A_75 : i32 to vector<16xi32>
    %convert_element_type3A = arith.sitofp %broadcast_in_dim3A_157 : vector<16xi32> to vector<16xf32>
    %mul3A_158 = arith.constant 0.00999999977 : f32
    %mul3A_159 = vector.broadcast %mul3A_158 : f32 to vector<16xf32>
    %mul3A_160 = arith.mulf %convert_element_type3A, %mul3A_159 : vector<16xf32>
    %mul3A_161 = arith.constant 200 : i32
    %mul3A_162 = arith.muli %select_n3A, %mul3A_161 : i32
    %broadcast_in_dim3A_163 = vector.broadcast %mul3A_162 : i32 to vector<16xi32>
    %convert_element_type3A_164 = arith.sitofp %broadcast_in_dim3A_163 : vector<16xi32> to vector<16xf32>
    %scan3A = arith.constant 0 : i32
    %scan3A_165 = arith.constant 0 : i32
    %scan3A_166 = arith.constant 15 : i32
    %scan3A_167 = arith.addi %scan3A_165, %scan3A_166 : i32
    %scan3A_168 = arith.constant 1 : i32
    scf.for %scan3A_215 = %scan3A_165 to %scan3A_167 step %scan3A_168  : i32 {
      %mul3A_216 = arith.constant 2 : i32
      %mul3A_217 = arith.muli %mul3A_216, %scan3A_215 : i32
      %mul3A_218 = arith.constant 2 : i32
      %mul3A_219 = arith.muli %mul3A_218, %scan3A_215 : i32
      %add3A_220 = arith.constant 1 : i32
      %add3A_221 = arith.addi %mul3A_219, %add3A_220 : i32
      %add3A_222 = arith.addi %select_n3A_111, %mul3A_217 : i32
      %add3A_223 = arith.addi %select_n3A_111, %add3A_221 : i32
      %ge3A = arith.constant 1 : i32
      %ge3A_224 = arith.cmpi sge, %scan3A_215, %ge3A : i32
      %lt3A_225 = arith.cmpi slt, %mul3A_217, %select_n3A_120 : i32
      %and3A_226 = arith.andi %ge3A_224, %lt3A_225 : i1
      %convert_element_type3A_227 = arith.extui %and3A_226 : i1 to i32
      %cond3A = arith.constant 0 : i32
      %cond3A_228 = arith.cmpi ne, %convert_element_type3A_227, %cond3A : i32
      scf.if %cond3A_228 {
        %dma_wait3A_244 = arith.constant 0 : i32
        %dma_wait3A_245 = arith.constant 0 : i32
        %dma_wait3A_246 = arith.constant 0 : i32
        %dma_wait3A_247 = arith.constant 0 : i32
        %dma_wait3A_248 = tpu.memref_slice %arg7[%select_n3A, %add3A_222, %dma_wait3A_244, %dma_wait3A_245, %dma_wait3A_246, %dma_wait3A_247] : memref<8x200x1x1x64x128xf32, #tpu.memory_space<hbm>> -> memref<1x1x1x1x64x128xf32, #tpu.memory_space<hbm>>
        %dma_wait3A_249 = tpu.memref_squeeze %dma_wait3A_248 : memref<1x1x1x1x64x128xf32, #tpu.memory_space<hbm>> -> memref<64x128xf32, #tpu.memory_space<hbm>>
        %dma_wait3A_250 = arith.constant 0 : i32
        %dma_wait3A_251 = arith.constant 0 : i32
        %dma_wait3A_252 = tpu.memref_slice %arg7[%select_n3A, %add3A_222, %dma_wait3A_244, %dma_wait3A_245, %dma_wait3A_250, %dma_wait3A_251] : memref<8x200x1x1x64x128xf32, #tpu.memory_space<hbm>> -> memref<1x1x1x1x64x128xf32, #tpu.memory_space<hbm>>
        %dma_wait3A_253 = tpu.memref_squeeze %dma_wait3A_252 : memref<1x1x1x1x64x128xf32, #tpu.memory_space<hbm>> -> memref<64x128xf32, #tpu.memory_space<hbm>>
        tpu.wait_dma2 semaphore(%arg19 : memref<!tpu.dma_semaphore, #tpu.memory_space<semaphore_mem>>) src(%arg15 : memref<64x128xf32, #tpu.memory_space<vmem>>) dst(%dma_wait3A_253 : memref<64x128xf32, #tpu.memory_space<hbm>>)
      } else {
      }
      %ge3A_229 = arith.constant 1 : i32
      %ge3A_230 = arith.cmpi sge, %scan3A_215, %ge3A_229 : i32
      %lt3A_231 = arith.cmpi slt, %add3A_221, %select_n3A_120 : i32
      %and3A_232 = arith.andi %ge3A_230, %lt3A_231 : i1
      %convert_element_type3A_233 = arith.extui %and3A_232 : i1 to i32
      %cond3A_234 = arith.constant 0 : i32
      %cond3A_235 = arith.cmpi ne, %convert_element_type3A_233, %cond3A_234 : i32
      scf.if %cond3A_235 {
        %dma_wait3A_244 = arith.constant 0 : i32
        %dma_wait3A_245 = arith.constant 0 : i32
        %dma_wait3A_246 = arith.constant 0 : i32
        %dma_wait3A_247 = arith.constant 0 : i32
        %dma_wait3A_248 = tpu.memref_slice %arg7[%select_n3A, %add3A_223, %dma_wait3A_244, %dma_wait3A_245, %dma_wait3A_246, %dma_wait3A_247] : memref<8x200x1x1x64x128xf32, #tpu.memory_space<hbm>> -> memref<1x1x1x1x64x128xf32, #tpu.memory_space<hbm>>
        %dma_wait3A_249 = tpu.memref_squeeze %dma_wait3A_248 : memref<1x1x1x1x64x128xf32, #tpu.memory_space<hbm>> -> memref<64x128xf32, #tpu.memory_space<hbm>>
        %dma_wait3A_250 = arith.constant 0 : i32
        %dma_wait3A_251 = arith.constant 0 : i32
        %dma_wait3A_252 = tpu.memref_slice %arg7[%select_n3A, %add3A_223, %dma_wait3A_244, %dma_wait3A_245, %dma_wait3A_250, %dma_wait3A_251] : memref<8x200x1x1x64x128xf32, #tpu.memory_space<hbm>> -> memref<1x1x1x1x64x128xf32, #tpu.memory_space<hbm>>
        %dma_wait3A_253 = tpu.memref_squeeze %dma_wait3A_252 : memref<1x1x1x1x64x128xf32, #tpu.memory_space<hbm>> -> memref<64x128xf32, #tpu.memory_space<hbm>>
        tpu.wait_dma2 semaphore(%arg20 : memref<!tpu.dma_semaphore, #tpu.memory_space<semaphore_mem>>) src(%arg16 : memref<64x128xf32, #tpu.memory_space<vmem>>) dst(%dma_wait3A_253 : memref<64x128xf32, #tpu.memory_space<hbm>>)
      } else {
      }
      %lt3A_236 = arith.cmpi slt, %mul3A_217, %select_n3A_120 : i32
      %convert_element_type3A_237 = arith.extui %lt3A_236 : i1 to i32
      %cond3A_238 = arith.constant 0 : i32
      %cond3A_239 = arith.cmpi ne, %convert_element_type3A_237, %cond3A_238 : i32
      scf.if %cond3A_239 {
        %broadcast_in_dim3A_244 = vector.broadcast %add3A_222 : i32 to vector<16xi32>
        %add3A_245 = arith.addi %broadcast_in_dim3A_163, %broadcast_in_dim3A_244 : vector<16xi32>
        %gather3A_246 = tpu.vector_load_idx %arg8[%add3A_245] : memref<1600xf32, #tpu.memory_space<vmem>>[vector<16xi32>], vector<16xf32>,
        %parallel_loop3A = arith.constant 0 : i32
        %parallel_loop3A_247 = arith.constant 64 : i32
        %parallel_loop3A_248 = arith.constant 1 : i32
        scf.for %parallel_loop3A_258 = %parallel_loop3A to %parallel_loop3A_247 step %parallel_loop3A_248  : i32 {
          %parallel_loop3A_259 = arith.index_cast %parallel_loop3A_258 : i32 to index
          %parallel_loop3A_260 = arith.constant 0 : index
          %parallel_loop3A_261 = tpu.vector_load %arg15[%parallel_loop3A_259, %parallel_loop3A_260] {strides = array<i32>} : memref<64x128xf32, #tpu.memory_space<vmem>>, vector<16xf32>,
          tpu.vector_store %arg15[%parallel_loop3A_259, %parallel_loop3A_260], %gather3A_246 {strides = array<i32>} : memref<64x128xf32, #tpu.memory_space<vmem>>, vector<16xf32>,
          %parallel_loop3A_262 = arith.index_cast %parallel_loop3A_258 : i32 to index
          %parallel_loop3A_263 = arith.constant 16 : index
          %parallel_loop3A_264 = tpu.vector_load %arg15[%parallel_loop3A_262, %parallel_loop3A_263] {strides = array<i32>} : memref<64x128xf32, #tpu.memory_space<vmem>>, vector<16xf32>,
          tpu.vector_store %arg15[%parallel_loop3A_262, %parallel_loop3A_263], %gather3A_246 {strides = array<i32>} : memref<64x128xf32, #tpu.memory_space<vmem>>, vector<16xf32>,
          %parallel_loop3A_265 = arith.index_cast %parallel_loop3A_258 : i32 to index
          %parallel_loop3A_266 = arith.constant 32 : index
          %parallel_loop3A_267 = tpu.vector_load %arg15[%parallel_loop3A_265, %parallel_loop3A_266] {strides = array<i32>} : memref<64x128xf32, #tpu.memory_space<vmem>>, vector<16xf32>,
          tpu.vector_store %arg15[%parallel_loop3A_265, %parallel_loop3A_266], %gather3A_246 {strides = array<i32>} : memref<64x128xf32, #tpu.memory_space<vmem>>, vector<16xf32>,
          %parallel_loop3A_268 = arith.index_cast %parallel_loop3A_258 : i32 to index
          %parallel_loop3A_269 = arith.constant 48 : index
          %parallel_loop3A_270 = tpu.vector_load %arg15[%parallel_loop3A_268, %parallel_loop3A_269] {strides = array<i32>} : memref<64x128xf32, #tpu.memory_space<vmem>>, vector<16xf32>,
          tpu.vector_store %arg15[%parallel_loop3A_268, %parallel_loop3A_269], %gather3A_246 {strides = array<i32>} : memref<64x128xf32, #tpu.memory_space<vmem>>, vector<16xf32>,
          %parallel_loop3A_271 = arith.index_cast %parallel_loop3A_258 : i32 to index
          %parallel_loop3A_272 = arith.constant 64 : index
          %parallel_loop3A_273 = tpu.vector_load %arg15[%parallel_loop3A_271, %parallel_loop3A_272] {strides = array<i32>} : memref<64x128xf32, #tpu.memory_space<vmem>>, vector<16xf32>,
          tpu.vector_store %arg15[%parallel_loop3A_271, %parallel_loop3A_272], %gather3A_246 {strides = array<i32>} : memref<64x128xf32, #tpu.memory_space<vmem>>, vector<16xf32>,
          %parallel_loop3A_274 = arith.index_cast %parallel_loop3A_258 : i32 to index
          %parallel_loop3A_275 = arith.constant 80 : index
          %parallel_loop3A_276 = tpu.vector_load %arg15[%parallel_loop3A_274, %parallel_loop3A_275] {strides = array<i32>} : memref<64x128xf32, #tpu.memory_space<vmem>>, vector<16xf32>,
          tpu.vector_store %arg15[%parallel_loop3A_274, %parallel_loop3A_275], %gather3A_246 {strides = array<i32>} : memref<64x128xf32, #tpu.memory_space<vmem>>, vector<16xf32>,
          %parallel_loop3A_277 = arith.index_cast %parallel_loop3A_258 : i32 to index
          %parallel_loop3A_278 = arith.constant 96 : index
          %parallel_loop3A_279 = tpu.vector_load %arg15[%parallel_loop3A_277, %parallel_loop3A_278] {strides = array<i32>} : memref<64x128xf32, #tpu.memory_space<vmem>>, vector<16xf32>,
          tpu.vector_store %arg15[%parallel_loop3A_277, %parallel_loop3A_278], %gather3A_246 {strides = array<i32>} : memref<64x128xf32, #tpu.memory_space<vmem>>, vector<16xf32>,
          %parallel_loop3A_280 = arith.index_cast %parallel_loop3A_258 : i32 to index
          %parallel_loop3A_281 = arith.constant 112 : index
          %parallel_loop3A_282 = tpu.vector_load %arg15[%parallel_loop3A_280, %parallel_loop3A_281] {strides = array<i32>} : memref<64x128xf32, #tpu.memory_space<vmem>>, vector<16xf32>,
          tpu.vector_store %arg15[%parallel_loop3A_280, %parallel_loop3A_281], %gather3A_246 {strides = array<i32>} : memref<64x128xf32, #tpu.memory_space<vmem>>, vector<16xf32>,
        } {sc.loop_unroll_factor = 4 : i64, sc.parallel_access}
        %dma_start3A = arith.constant 0 : i32
        %dma_start3A_249 = arith.constant 0 : i32
        %dma_start3A_250 = arith.constant 0 : i32
        %dma_start3A_251 = arith.constant 0 : i32
        %dma_start3A_252 = tpu.memref_slice %arg7[%select_n3A, %add3A_222, %dma_start3A, %dma_start3A_249, %dma_start3A_250, %dma_start3A_251] : memref<8x200x1x1x64x128xf32, #tpu.memory_space<hbm>> -> memref<1x1x1x1x64x128xf32, #tpu.memory_space<hbm>>
        %dma_start3A_253 = tpu.memref_squeeze %dma_start3A_252 : memref<1x1x1x1x64x128xf32, #tpu.memory_space<hbm>> -> memref<64x128xf32, #tpu.memory_space<hbm>>
        %dma_start3A_254 = arith.constant 0 : i32
        %dma_start3A_255 = arith.constant 0 : i32
        %dma_start3A_256 = tpu.memref_slice %arg7[%select_n3A, %add3A_222, %dma_start3A, %dma_start3A_249, %dma_start3A_254, %dma_start3A_255] : memref<8x200x1x1x64x128xf32, #tpu.memory_space<hbm>> -> memref<1x1x1x1x64x128xf32, #tpu.memory_space<hbm>>
        %dma_start3A_257 = tpu.memref_squeeze %dma_start3A_256 : memref<1x1x1x1x64x128xf32, #tpu.memory_space<hbm>> -> memref<64x128xf32, #tpu.memory_space<hbm>>
        tpu.enqueue_dma source(%arg15 : memref<64x128xf32, #tpu.memory_space<vmem>>) target(%dma_start3A_257 : memref<64x128xf32, #tpu.memory_space<hbm>>) target_semaphore(%arg19 : memref<!tpu.dma_semaphore, #tpu.memory_space<semaphore_mem>>)
      } else {
      }
      %lt3A_240 = arith.cmpi slt, %add3A_221, %select_n3A_120 : i32
      %convert_element_type3A_241 = arith.extui %lt3A_240 : i1 to i32
      %cond3A_242 = arith.constant 0 : i32
      %cond3A_243 = arith.cmpi ne, %convert_element_type3A_241, %cond3A_242 : i32
      scf.if %cond3A_243 {
        %broadcast_in_dim3A_244 = vector.broadcast %add3A_223 : i32 to vector<16xi32>
        %add3A_245 = arith.addi %broadcast_in_dim3A_163, %broadcast_in_dim3A_244 : vector<16xi32>
        %gather3A_246 = tpu.vector_load_idx %arg8[%add3A_245] : memref<1600xf32, #tpu.memory_space<vmem>>[vector<16xi32>], vector<16xf32>,
        %parallel_loop3A = arith.constant 0 : i32
        %parallel_loop3A_247 = arith.constant 64 : i32
        %parallel_loop3A_248 = arith.constant 1 : i32
        scf.for %parallel_loop3A_258 = %parallel_loop3A to %parallel_loop3A_247 step %parallel_loop3A_248  : i32 {
          %parallel_loop3A_259 = arith.index_cast %parallel_loop3A_258 : i32 to index
          %parallel_loop3A_260 = arith.constant 0 : index
          %parallel_loop3A_261 = tpu.vector_load %arg16[%parallel_loop3A_259, %parallel_loop3A_260] {strides = array<i32>} : memref<64x128xf32, #tpu.memory_space<vmem>>, vector<16xf32>,
          tpu.vector_store %arg16[%parallel_loop3A_259, %parallel_loop3A_260], %gather3A_246 {strides = array<i32>} : memref<64x128xf32, #tpu.memory_space<vmem>>, vector<16xf32>,
          %parallel_loop3A_262 = arith.index_cast %parallel_loop3A_258 : i32 to index
          %parallel_loop3A_263 = arith.constant 16 : index
          %parallel_loop3A_264 = tpu.vector_load %arg16[%parallel_loop3A_262, %parallel_loop3A_263] {strides = array<i32>} : memref<64x128xf32, #tpu.memory_space<vmem>>, vector<16xf32>,
          tpu.vector_store %arg16[%parallel_loop3A_262, %parallel_loop3A_263], %gather3A_246 {strides = array<i32>} : memref<64x128xf32, #tpu.memory_space<vmem>>, vector<16xf32>,
          %parallel_loop3A_265 = arith.index_cast %parallel_loop3A_258 : i32 to index
          %parallel_loop3A_266 = arith.constant 32 : index
          %parallel_loop3A_267 = tpu.vector_load %arg16[%parallel_loop3A_265, %parallel_loop3A_266] {strides = array<i32>} : memref<64x128xf32, #tpu.memory_space<vmem>>, vector<16xf32>,
          tpu.vector_store %arg16[%parallel_loop3A_265, %parallel_loop3A_266], %gather3A_246 {strides = array<i32>} : memref<64x128xf32, #tpu.memory_space<vmem>>, vector<16xf32>,
          %parallel_loop3A_268 = arith.index_cast %parallel_loop3A_258 : i32 to index
          %parallel_loop3A_269 = arith.constant 48 : index
          %parallel_loop3A_270 = tpu.vector_load %arg16[%parallel_loop3A_268, %parallel_loop3A_269] {strides = array<i32>} : memref<64x128xf32, #tpu.memory_space<vmem>>, vector<16xf32>,
          tpu.vector_store %arg16[%parallel_loop3A_268, %parallel_loop3A_269], %gather3A_246 {strides = array<i32>} : memref<64x128xf32, #tpu.memory_space<vmem>>, vector<16xf32>,
          %parallel_loop3A_271 = arith.index_cast %parallel_loop3A_258 : i32 to index
          %parallel_loop3A_272 = arith.constant 64 : index
          %parallel_loop3A_273 = tpu.vector_load %arg16[%parallel_loop3A_271, %parallel_loop3A_272] {strides = array<i32>} : memref<64x128xf32, #tpu.memory_space<vmem>>, vector<16xf32>,
          tpu.vector_store %arg16[%parallel_loop3A_271, %parallel_loop3A_272], %gather3A_246 {strides = array<i32>} : memref<64x128xf32, #tpu.memory_space<vmem>>, vector<16xf32>,
          %parallel_loop3A_274 = arith.index_cast %parallel_loop3A_258 : i32 to index
          %parallel_loop3A_275 = arith.constant 80 : index
          %parallel_loop3A_276 = tpu.vector_load %arg16[%parallel_loop3A_274, %parallel_loop3A_275] {strides = array<i32>} : memref<64x128xf32, #tpu.memory_space<vmem>>, vector<16xf32>,
          tpu.vector_store %arg16[%parallel_loop3A_274, %parallel_loop3A_275], %gather3A_246 {strides = array<i32>} : memref<64x128xf32, #tpu.memory_space<vmem>>, vector<16xf32>,
          %parallel_loop3A_277 = arith.index_cast %parallel_loop3A_258 : i32 to index
          %parallel_loop3A_278 = arith.constant 96 : index
          %parallel_loop3A_279 = tpu.vector_load %arg16[%parallel_loop3A_277, %parallel_loop3A_278] {strides = array<i32>} : memref<64x128xf32, #tpu.memory_space<vmem>>, vector<16xf32>,
          tpu.vector_store %arg16[%parallel_loop3A_277, %parallel_loop3A_278], %gather3A_246 {strides = array<i32>} : memref<64x128xf32, #tpu.memory_space<vmem>>, vector<16xf32>,
          %parallel_loop3A_280 = arith.index_cast %parallel_loop3A_258 : i32 to index
          %parallel_loop3A_281 = arith.constant 112 : index
          %parallel_loop3A_282 = tpu.vector_load %arg16[%parallel_loop3A_280, %parallel_loop3A_281] {strides = array<i32>} : memref<64x128xf32, #tpu.memory_space<vmem>>, vector<16xf32>,
          tpu.vector_store %arg16[%parallel_loop3A_280, %parallel_loop3A_281], %gather3A_246 {strides = array<i32>} : memref<64x128xf32, #tpu.memory_space<vmem>>, vector<16xf32>,
        } {sc.loop_unroll_factor = 4 : i64, sc.parallel_access}
        %dma_start3A = arith.constant 0 : i32
        %dma_start3A_249 = arith.constant 0 : i32
        %dma_start3A_250 = arith.constant 0 : i32
        %dma_start3A_251 = arith.constant 0 : i32
        %dma_start3A_252 = tpu.memref_slice %arg7[%select_n3A, %add3A_223, %dma_start3A, %dma_start3A_249, %dma_start3A_250, %dma_start3A_251] : memref<8x200x1x1x64x128xf32, #tpu.memory_space<hbm>> -> memref<1x1x1x1x64x128xf32, #tpu.memory_space<hbm>>
        %dma_start3A_253 = tpu.memref_squeeze %dma_start3A_252 : memref<1x1x1x1x64x128xf32, #tpu.memory_space<hbm>> -> memref<64x128xf32, #tpu.memory_space<hbm>>
        %dma_start3A_254 = arith.constant 0 : i32
        %dma_start3A_255 = arith.constant 0 : i32
        %dma_start3A_256 = tpu.memref_slice %arg7[%select_n3A, %add3A_223, %dma_start3A, %dma_start3A_249, %dma_start3A_254, %dma_start3A_255] : memref<8x200x1x1x64x128xf32, #tpu.memory_space<hbm>> -> memref<1x1x1x1x64x128xf32, #tpu.memory_space<hbm>>
        %dma_start3A_257 = tpu.memref_squeeze %dma_start3A_256 : memref<1x1x1x1x64x128xf32, #tpu.memory_space<hbm>> -> memref<64x128xf32, #tpu.memory_space<hbm>>
        tpu.enqueue_dma source(%arg16 : memref<64x128xf32, #tpu.memory_space<vmem>>) target(%dma_start3A_257 : memref<64x128xf32, #tpu.memory_space<hbm>>) target_semaphore(%arg20 : memref<!tpu.dma_semaphore, #tpu.memory_space<semaphore_mem>>)
      } else {
      }
    }
    %scan3A_169 = arith.constant 15 : i32
    %scan3A_170 = arith.constant 0 : i32
    %scan3A_171 = arith.constant 0 : i32
    %scan3A_172 = arith.constant 4 : i32
    %scan3A_173 = arith.addi %scan3A_171, %scan3A_172 : i32
    %scan3A_174 = arith.constant 1 : i32
    scf.for %scan3A_215 = %scan3A_171 to %scan3A_173 step %scan3A_174  : i32 {
      %mul3A_216 = arith.constant 16 : i32
      %mul3A_217 = arith.muli %scan3A_215, %mul3A_216 : i32
      %mul3A_218 = arith.constant 16 : i32
      %mul3A_219 = arith.muli %scan3A_215, %mul3A_218 : i32
      %add3A_220 = arith.constant 8 : i32
      %add3A_221 = arith.addi %mul3A_219, %add3A_220 : i32
      %ge3A = arith.constant 1 : i32
      %ge3A_222 = arith.cmpi sge, %scan3A_215, %ge3A : i32
      %convert_element_type3A_223 = arith.extui %ge3A_222 : i1 to i32
      %cond3A = arith.constant 0 : i32
      %cond3A_224 = arith.cmpi ne, %convert_element_type3A_223, %cond3A : i32
      scf.if %cond3A_224 {
        %dma_wait3A_245 = arith.constant 0 : i32
        %dma_wait3A_246 = arith.constant 0 : i32
        %dma_wait3A_247 = arith.constant 0 : i32
        %dma_wait3A_248 = tpu.memref_slice %arg7[%select_n3A, %add3A_98, %dma_wait3A_245, %dma_wait3A_246, %mul3A_217, %dma_wait3A_247] : memref<8x200x1x1x64x128xf32, #tpu.memory_space<hbm>> -> memref<1x25x1x1x8x128xf32, #tpu.memory_space<hbm>>
        %dma_wait3A_249 = tpu.memref_squeeze %dma_wait3A_248 : memref<1x25x1x1x8x128xf32, #tpu.memory_space<hbm>> -> memref<25x8x128xf32, #tpu.memory_space<hbm>>
        %dma_wait3A_250 = arith.constant 0 : i32
        %dma_wait3A_251 = tpu.memref_slice %arg7[%select_n3A, %add3A_98, %dma_wait3A_245, %dma_wait3A_246, %mul3A_217, %dma_wait3A_250] : memref<8x200x1x1x64x128xf32, #tpu.memory_space<hbm>> -> memref<1x25x1x1x8x128xf32, #tpu.memory_space<hbm>>
        %dma_wait3A_252 = tpu.memref_squeeze %dma_wait3A_251 : memref<1x25x1x1x8x128xf32, #tpu.memory_space<hbm>> -> memref<25x8x128xf32, #tpu.memory_space<hbm>>
        tpu.wait_dma2 semaphore(%arg17 : memref<!tpu.dma_semaphore, #tpu.memory_space<semaphore_mem>>) src(%arg13 : memref<25x8x128xf32, #tpu.memory_space<vmem>>) dst(%dma_wait3A_252 : memref<25x8x128xf32, #tpu.memory_space<hbm>>)
        %dma_wait3A_253 = arith.constant 0 : i32
        %dma_wait3A_254 = arith.constant 0 : i32
        %dma_wait3A_255 = arith.constant 0 : i32
        %dma_wait3A_256 = tpu.memref_slice %arg7[%select_n3A, %add3A_98, %dma_wait3A_253, %dma_wait3A_254, %add3A_221, %dma_wait3A_255] : memref<8x200x1x1x64x128xf32, #tpu.memory_space<hbm>> -> memref<1x25x1x1x8x128xf32, #tpu.memory_space<hbm>>
        %dma_wait3A_257 = tpu.memref_squeeze %dma_wait3A_256 : memref<1x25x1x1x8x128xf32, #tpu.memory_space<hbm>> -> memref<25x8x128xf32, #tpu.memory_space<hbm>>
        %dma_wait3A_258 = arith.constant 0 : i32
        %dma_wait3A_259 = tpu.memref_slice %arg7[%select_n3A, %add3A_98, %dma_wait3A_253, %dma_wait3A_254, %add3A_221, %dma_wait3A_258] : memref<8x200x1x1x64x128xf32, #tpu.memory_space<hbm>> -> memref<1x25x1x1x8x128xf32, #tpu.memory_space<hbm>>
        %dma_wait3A_260 = tpu.memref_squeeze %dma_wait3A_259 : memref<1x25x1x1x8x128xf32, #tpu.memory_space<hbm>> -> memref<25x8x128xf32, #tpu.memory_space<hbm>>
        tpu.wait_dma2 semaphore(%arg18 : memref<!tpu.dma_semaphore, #tpu.memory_space<semaphore_mem>>) src(%arg14 : memref<25x8x128xf32, #tpu.memory_space<vmem>>) dst(%dma_wait3A_260 : memref<25x8x128xf32, #tpu.memory_space<hbm>>)
      } else {
      }
      %parallel_loop3A = arith.constant 0 : i32
      %parallel_loop3A_225 = arith.constant 8 : i32
      %parallel_loop3A_226 = arith.constant 1 : i32
      scf.for %parallel_loop3A_245 = %parallel_loop3A to %parallel_loop3A_225 step %parallel_loop3A_226  : i32 {
        %parallel_loop3A_246 = arith.addi %mul3A_217, %parallel_loop3A_245 : i32
        %parallel_loop3A_247 = vector.broadcast %parallel_loop3A_246 : i32 to vector<16xi32>
        %parallel_loop3A_248 = tpu.vector_load_idx %arg12[%parallel_loop3A_247] : memref<64xf32, #tpu.memory_space<vmem>>[vector<16xi32>], vector<16xf32>,
        %parallel_loop3A_249 = arith.constant 0 : i32
        %parallel_loop3A_250 = arith.constant 8 : i32
        %parallel_loop3A_251 = arith.constant 1 : i32
        scf.for %parallel_loop3A_252 = %parallel_loop3A_249 to %parallel_loop3A_250 step %parallel_loop3A_251  : i32 {
          %parallel_loop3A_253 = arith.constant 16 : i32
          %parallel_loop3A_254 = arith.muli %parallel_loop3A_252, %parallel_loop3A_253 : i32
          %parallel_loop3A_255 = arith.index_cast %parallel_loop3A_246 : i32 to index
          %parallel_loop3A_256 = arith.index_cast %parallel_loop3A_254 : i32 to index
          %parallel_loop3A_257 = tpu.vector_load %arg11[%parallel_loop3A_255, %parallel_loop3A_256] {strides = array<i32>} : memref<64x128xf32, #tpu.memory_space<vmem>>, vector<16xf32>,
          %parallel_loop3A_258 = arith.addf %parallel_loop3A_257, %parallel_loop3A_248 : vector<16xf32>
          %parallel_loop3A_259 = arith.addf %gather3A, %parallel_loop3A_258 : vector<16xf32>
          %parallel_loop3A_260 = arith.cmpf ole, %parallel_loop3A_259, %gather3A_128 : vector<16xf32>
          %parallel_loop3A_261 = arith.select %parallel_loop3A_260, %gather3A_136, %parallel_loop3A_259 : vector<16xi1>, vector<16xf32>
          %parallel_loop3A_262 = arith.cmpf oge, %parallel_loop3A_261, %gather3A_132 : vector<16xf32>
          %parallel_loop3A_263 = arith.select %parallel_loop3A_262, %gather3A_140, %parallel_loop3A_261 : vector<16xi1>, vector<16xf32>
          %parallel_loop3A_264 = arith.subf %parallel_loop3A_263, %gather3A_128 : vector<16xf32>
          %parallel_loop3A_265 = arith.subf %parallel_loop3A_263, %gather3A_132 : vector<16xf32>
          %parallel_loop3A_266 = arith.constant 1.000000e+02 : f32
          %parallel_loop3A_267 = vector.broadcast %parallel_loop3A_266 : f32 to vector<16xf32>
          %parallel_loop3A_268 = arith.mulf %parallel_loop3A_264, %parallel_loop3A_267 : vector<16xf32>
          %parallel_loop3A_269 = arith.constant 1.000000e+02 : f32
          %parallel_loop3A_270 = vector.broadcast %parallel_loop3A_269 : f32 to vector<16xf32>
          %parallel_loop3A_271 = arith.mulf %parallel_loop3A_265, %parallel_loop3A_270 : vector<16xf32>
          %parallel_loop3A_272 = arith.divf %gather3A_144, %parallel_loop3A_268 : vector<16xf32>
          %parallel_loop3A_273 = arith.divf %gather3A_148, %parallel_loop3A_271 : vector<16xf32>
          %parallel_loop3A_274 = arith.mulf %parallel_loop3A_268, %parallel_loop3A_273 : vector<16xf32>
          %parallel_loop3A_275 = arith.subf %gather3A_152, %parallel_loop3A_274 : vector<16xf32>
          %parallel_loop3A_276 = arith.addf %convert_element_type3A_164, %gather3A_156 : vector<16xf32>
          %parallel_loop3A_277 = arith.mulf %parallel_loop3A_272, %convert_element_type3A : vector<16xf32>
          %parallel_loop3A_278 = arith.addf %parallel_loop3A_276, %parallel_loop3A_277 : vector<16xf32>
          %parallel_loop3A_279 = arith.addf %convert_element_type3A_164, %parallel_loop3A_275 : vector<16xf32>
          %parallel_loop3A_280 = arith.mulf %parallel_loop3A_273, %convert_element_type3A : vector<16xf32>
          %parallel_loop3A_281 = arith.addf %parallel_loop3A_279, %parallel_loop3A_280 : vector<16xf32>
          %parallel_loop3A_282 = arith.subf %parallel_loop3A_264, %mul3A_160 : vector<16xf32>
          %parallel_loop3A_283 = arith.constant 0.000000e+00 : f32
          %parallel_loop3A_284 = vector.broadcast %parallel_loop3A_283 : f32 to vector<16xf32>
          %parallel_loop3A_285 = arith.cmpf olt, %parallel_loop3A_284, %parallel_loop3A_282 : vector<16xf32>
          %parallel_loop3A_286 = arith.constant 0.000000e+00 : f32
          %parallel_loop3A_287 = vector.broadcast %parallel_loop3A_286 : f32 to vector<16xf32>
          %parallel_loop3A_288 = arith.mulf %parallel_loop3A_272, %parallel_loop3A_287 : vector<16xf32>
          %parallel_loop3A_289 = arith.addf %parallel_loop3A_288, %parallel_loop3A_278 : vector<16xf32>
          %parallel_loop3A_290 = arith.constant 0.000000e+00 : f32
          %parallel_loop3A_291 = vector.broadcast %parallel_loop3A_290 : f32 to vector<16xf32>
          %parallel_loop3A_292 = arith.mulf %parallel_loop3A_273, %parallel_loop3A_291 : vector<16xf32>
          %parallel_loop3A_293 = arith.addf %parallel_loop3A_292, %parallel_loop3A_281 : vector<16xf32>
          %parallel_loop3A_294 = arith.select %parallel_loop3A_285, %parallel_loop3A_289, %parallel_loop3A_293 : vector<16xi1>, vector<16xf32>
          %parallel_loop3A_295 = arith.fptosi %parallel_loop3A_294 : vector<16xf32> to vector<16xi32>
          %parallel_loop3A_296 = arith.sitofp %parallel_loop3A_295 : vector<16xi32> to vector<16xf32>
          %parallel_loop3A_297 = arith.subf %parallel_loop3A_294, %parallel_loop3A_296 : vector<16xf32>
          %parallel_loop3A_298 = tpu.vector_load_idx %arg9[%parallel_loop3A_295] : memref<1600xi32, #tpu.memory_space<vmem>>[vector<16xi32>], vector<16xi32>,
          %parallel_loop3A_299 = arith.constant 0.00999999977 : f32
          %parallel_loop3A_300 = vector.broadcast %parallel_loop3A_299 : f32 to vector<16xf32>
          %parallel_loop3A_301 = arith.cmpf olt, %parallel_loop3A_300, %parallel_loop3A_282 : vector<16xf32>
          %parallel_loop3A_302 = arith.constant 1.000000e+00 : f32
          %parallel_loop3A_303 = vector.broadcast %parallel_loop3A_302 : f32 to vector<16xf32>
          %parallel_loop3A_304 = arith.mulf %parallel_loop3A_272, %parallel_loop3A_303 : vector<16xf32>
          %parallel_loop3A_305 = arith.addf %parallel_loop3A_304, %parallel_loop3A_278 : vector<16xf32>
          %parallel_loop3A_306 = arith.constant 1.000000e+00 : f32
          %parallel_loop3A_307 = vector.broadcast %parallel_loop3A_306 : f32 to vector<16xf32>
          %parallel_loop3A_308 = arith.mulf %parallel_loop3A_273, %parallel_loop3A_307 : vector<16xf32>
          %parallel_loop3A_309 = arith.addf %parallel_loop3A_308, %parallel_loop3A_281 : vector<16xf32>
          %parallel_loop3A_310 = arith.select %parallel_loop3A_301, %parallel_loop3A_305, %parallel_loop3A_309 : vector<16xi1>, vector<16xf32>
          %parallel_loop3A_311 = arith.fptosi %parallel_loop3A_310 : vector<16xf32> to vector<16xi32>
          %parallel_loop3A_312 = arith.sitofp %parallel_loop3A_311 : vector<16xi32> to vector<16xf32>
          %parallel_loop3A_313 = arith.subf %parallel_loop3A_310, %parallel_loop3A_312 : vector<16xf32>
          %parallel_loop3A_314 = tpu.vector_load_idx %arg9[%parallel_loop3A_311] : memref<1600xi32, #tpu.memory_space<vmem>>[vector<16xi32>], vector<16xi32>,
          %parallel_loop3A_315 = arith.constant 2.000000e-02 : f32
          %parallel_loop3A_316 = vector.broadcast %parallel_loop3A_315 : f32 to vector<16xf32>
          %parallel_loop3A_317 = arith.cmpf olt, %parallel_loop3A_316, %parallel_loop3A_282 : vector<16xf32>
          %parallel_loop3A_318 = arith.constant 2.000000e+00 : f32
          %parallel_loop3A_319 = vector.broadcast %parallel_loop3A_318 : f32 to vector<16xf32>
          %parallel_loop3A_320 = arith.mulf %parallel_loop3A_272, %parallel_loop3A_319 : vector<16xf32>
          %parallel_loop3A_321 = arith.addf %parallel_loop3A_320, %parallel_loop3A_278 : vector<16xf32>
          %parallel_loop3A_322 = arith.constant 2.000000e+00 : f32
          %parallel_loop3A_323 = vector.broadcast %parallel_loop3A_322 : f32 to vector<16xf32>
          %parallel_loop3A_324 = arith.mulf %parallel_loop3A_273, %parallel_loop3A_323 : vector<16xf32>
          %parallel_loop3A_325 = arith.addf %parallel_loop3A_324, %parallel_loop3A_281 : vector<16xf32>
          %parallel_loop3A_326 = arith.select %parallel_loop3A_317, %parallel_loop3A_321, %parallel_loop3A_325 : vector<16xi1>, vector<16xf32>
          %parallel_loop3A_327 = arith.fptosi %parallel_loop3A_326 : vector<16xf32> to vector<16xi32>
          %parallel_loop3A_328 = arith.sitofp %parallel_loop3A_327 : vector<16xi32> to vector<16xf32>
          %parallel_loop3A_329 = arith.subf %parallel_loop3A_326, %parallel_loop3A_328 : vector<16xf32>
          %parallel_loop3A_330 = tpu.vector_load_idx %arg9[%parallel_loop3A_327] : memref<1600xi32, #tpu.memory_space<vmem>>[vector<16xi32>], vector<16xi32>,
          %parallel_loop3A_331 = arith.constant 3.000000e-02 : f32
          %parallel_loop3A_332 = vector.broadcast %parallel_loop3A_331 : f32 to vector<16xf32>
          %parallel_loop3A_333 = arith.cmpf olt, %parallel_loop3A_332, %parallel_loop3A_282 : vector<16xf32>
          %parallel_loop3A_334 = arith.constant 3.000000e+00 : f32
          %parallel_loop3A_335 = vector.broadcast %parallel_loop3A_334 : f32 to vector<16xf32>
          %parallel_loop3A_336 = arith.mulf %parallel_loop3A_272, %parallel_loop3A_335 : vector<16xf32>
          %parallel_loop3A_337 = arith.addf %parallel_loop3A_336, %parallel_loop3A_278 : vector<16xf32>
          %parallel_loop3A_338 = arith.constant 3.000000e+00 : f32
          %parallel_loop3A_339 = vector.broadcast %parallel_loop3A_338 : f32 to vector<16xf32>
          %parallel_loop3A_340 = arith.mulf %parallel_loop3A_273, %parallel_loop3A_339 : vector<16xf32>
          %parallel_loop3A_341 = arith.addf %parallel_loop3A_340, %parallel_loop3A_281 : vector<16xf32>
          %parallel_loop3A_342 = arith.select %parallel_loop3A_333, %parallel_loop3A_337, %parallel_loop3A_341 : vector<16xi1>, vector<16xf32>
          %parallel_loop3A_343 = arith.fptosi %parallel_loop3A_342 : vector<16xf32> to vector<16xi32>
          %parallel_loop3A_344 = arith.sitofp %parallel_loop3A_343 : vector<16xi32> to vector<16xf32>
          %parallel_loop3A_345 = arith.subf %parallel_loop3A_342, %parallel_loop3A_344 : vector<16xf32>
          %parallel_loop3A_346 = tpu.vector_load_idx %arg9[%parallel_loop3A_343] : memref<1600xi32, #tpu.memory_space<vmem>>[vector<16xi32>], vector<16xi32>,
          %parallel_loop3A_347 = arith.constant 4.000000e-02 : f32
          %parallel_loop3A_348 = vector.broadcast %parallel_loop3A_347 : f32 to vector<16xf32>
          %parallel_loop3A_349 = arith.cmpf olt, %parallel_loop3A_348, %parallel_loop3A_282 : vector<16xf32>
          %parallel_loop3A_350 = arith.constant 4.000000e+00 : f32
          %parallel_loop3A_351 = vector.broadcast %parallel_loop3A_350 : f32 to vector<16xf32>
          %parallel_loop3A_352 = arith.mulf %parallel_loop3A_272, %parallel_loop3A_351 : vector<16xf32>
          %parallel_loop3A_353 = arith.addf %parallel_loop3A_352, %parallel_loop3A_278 : vector<16xf32>
          %parallel_loop3A_354 = arith.constant 4.000000e+00 : f32
          %parallel_loop3A_355 = vector.broadcast %parallel_loop3A_354 : f32 to vector<16xf32>
          %parallel_loop3A_356 = arith.mulf %parallel_loop3A_273, %parallel_loop3A_355 : vector<16xf32>
          %parallel_loop3A_357 = arith.addf %parallel_loop3A_356, %parallel_loop3A_281 : vector<16xf32>
          %parallel_loop3A_358 = arith.select %parallel_loop3A_349, %parallel_loop3A_353, %parallel_loop3A_357 : vector<16xi1>, vector<16xf32>
          %parallel_loop3A_359 = arith.fptosi %parallel_loop3A_358 : vector<16xf32> to vector<16xi32>
          %parallel_loop3A_360 = arith.sitofp %parallel_loop3A_359 : vector<16xi32> to vector<16xf32>
          %parallel_loop3A_361 = arith.subf %parallel_loop3A_358, %parallel_loop3A_360 : vector<16xf32>
          %parallel_loop3A_362 = tpu.vector_load_idx %arg9[%parallel_loop3A_359] : memref<1600xi32, #tpu.memory_space<vmem>>[vector<16xi32>], vector<16xi32>,
          %parallel_loop3A_363 = arith.constant 0.049999997 : f32
          %parallel_loop3A_364 = vector.broadcast %parallel_loop3A_363 : f32 to vector<16xf32>
          %parallel_loop3A_365 = arith.cmpf olt, %parallel_loop3A_364, %parallel_loop3A_282 : vector<16xf32>
          %parallel_loop3A_366 = arith.constant 5.000000e+00 : f32
          %parallel_loop3A_367 = vector.broadcast %parallel_loop3A_366 : f32 to vector<16xf32>
          %parallel_loop3A_368 = arith.mulf %parallel_loop3A_272, %parallel_loop3A_367 : vector<16xf32>
          %parallel_loop3A_369 = arith.addf %parallel_loop3A_368, %parallel_loop3A_278 : vector<16xf32>
          %parallel_loop3A_370 = arith.constant 5.000000e+00 : f32
          %parallel_loop3A_371 = vector.broadcast %parallel_loop3A_370 : f32 to vector<16xf32>
          %parallel_loop3A_372 = arith.mulf %parallel_loop3A_273, %parallel_loop3A_371 : vector<16xf32>
          %parallel_loop3A_373 = arith.addf %parallel_loop3A_372, %parallel_loop3A_281 : vector<16xf32>
          %parallel_loop3A_374 = arith.select %parallel_loop3A_365, %parallel_loop3A_369, %parallel_loop3A_373 : vector<16xi1>, vector<16xf32>
          %parallel_loop3A_375 = arith.fptosi %parallel_loop3A_374 : vector<16xf32> to vector<16xi32>
          %parallel_loop3A_376 = arith.sitofp %parallel_loop3A_375 : vector<16xi32> to vector<16xf32>
          %parallel_loop3A_377 = arith.subf %parallel_loop3A_374, %parallel_loop3A_376 : vector<16xf32>
          %parallel_loop3A_378 = tpu.vector_load_idx %arg9[%parallel_loop3A_375] : memref<1600xi32, #tpu.memory_space<vmem>>[vector<16xi32>], vector<16xi32>,
          %parallel_loop3A_379 = arith.constant 6.000000e-02 : f32
          %parallel_loop3A_380 = vector.broadcast %parallel_loop3A_379 : f32 to vector<16xf32>
          %parallel_loop3A_381 = arith.cmpf olt, %parallel_loop3A_380, %parallel_loop3A_282 : vector<16xf32>
          %parallel_loop3A_382 = arith.constant 6.000000e+00 : f32
          %parallel_loop3A_383 = vector.broadcast %parallel_loop3A_382 : f32 to vector<16xf32>
          %parallel_loop3A_384 = arith.mulf %parallel_loop3A_272, %parallel_loop3A_383 : vector<16xf32>
          %parallel_loop3A_385 = arith.addf %parallel_loop3A_384, %parallel_loop3A_278 : vector<16xf32>
          %parallel_loop3A_386 = arith.constant 6.000000e+00 : f32
          %parallel_loop3A_387 = vector.broadcast %parallel_loop3A_386 : f32 to vector<16xf32>
          %parallel_loop3A_388 = arith.mulf %parallel_loop3A_273, %parallel_loop3A_387 : vector<16xf32>
          %parallel_loop3A_389 = arith.addf %parallel_loop3A_388, %parallel_loop3A_281 : vector<16xf32>
          %parallel_loop3A_390 = arith.select %parallel_loop3A_381, %parallel_loop3A_385, %parallel_loop3A_389 : vector<16xi1>, vector<16xf32>
          %parallel_loop3A_391 = arith.fptosi %parallel_loop3A_390 : vector<16xf32> to vector<16xi32>
          %parallel_loop3A_392 = arith.sitofp %parallel_loop3A_391 : vector<16xi32> to vector<16xf32>
          %parallel_loop3A_393 = arith.subf %parallel_loop3A_390, %parallel_loop3A_392 : vector<16xf32>
          %parallel_loop3A_394 = tpu.vector_load_idx %arg9[%parallel_loop3A_391] : memref<1600xi32, #tpu.memory_space<vmem>>[vector<16xi32>], vector<16xi32>,
          %parallel_loop3A_395 = arith.constant 7.000000e-02 : f32
          %parallel_loop3A_396 = vector.broadcast %parallel_loop3A_395 : f32 to vector<16xf32>
          %parallel_loop3A_397 = arith.cmpf olt, %parallel_loop3A_396, %parallel_loop3A_282 : vector<16xf32>
          %parallel_loop3A_398 = arith.constant 7.000000e+00 : f32
          %parallel_loop3A_399 = vector.broadcast %parallel_loop3A_398 : f32 to vector<16xf32>
          %parallel_loop3A_400 = arith.mulf %parallel_loop3A_272, %parallel_loop3A_399 : vector<16xf32>
          %parallel_loop3A_401 = arith.addf %parallel_loop3A_400, %parallel_loop3A_278 : vector<16xf32>
          %parallel_loop3A_402 = arith.constant 7.000000e+00 : f32
          %parallel_loop3A_403 = vector.broadcast %parallel_loop3A_402 : f32 to vector<16xf32>
          %parallel_loop3A_404 = arith.mulf %parallel_loop3A_273, %parallel_loop3A_403 : vector<16xf32>
          %parallel_loop3A_405 = arith.addf %parallel_loop3A_404, %parallel_loop3A_281 : vector<16xf32>
          %parallel_loop3A_406 = arith.select %parallel_loop3A_397, %parallel_loop3A_401, %parallel_loop3A_405 : vector<16xi1>, vector<16xf32>
          %parallel_loop3A_407 = arith.fptosi %parallel_loop3A_406 : vector<16xf32> to vector<16xi32>
          %parallel_loop3A_408 = arith.sitofp %parallel_loop3A_407 : vector<16xi32> to vector<16xf32>
          %parallel_loop3A_409 = arith.subf %parallel_loop3A_406, %parallel_loop3A_408 : vector<16xf32>
          %parallel_loop3A_410 = tpu.vector_load_idx %arg9[%parallel_loop3A_407] : memref<1600xi32, #tpu.memory_space<vmem>>[vector<16xi32>], vector<16xi32>,
          %parallel_loop3A_411 = arith.constant 8.000000e-02 : f32
          %parallel_loop3A_412 = vector.broadcast %parallel_loop3A_411 : f32 to vector<16xf32>
          %parallel_loop3A_413 = arith.cmpf olt, %parallel_loop3A_412, %parallel_loop3A_282 : vector<16xf32>
          %parallel_loop3A_414 = arith.constant 8.000000e+00 : f32
          %parallel_loop3A_415 = vector.broadcast %parallel_loop3A_414 : f32 to vector<16xf32>
          %parallel_loop3A_416 = arith.mulf %parallel_loop3A_272, %parallel_loop3A_415 : vector<16xf32>
          %parallel_loop3A_417 = arith.addf %parallel_loop3A_416, %parallel_loop3A_278 : vector<16xf32>
          %parallel_loop3A_418 = arith.constant 8.000000e+00 : f32
          %parallel_loop3A_419 = vector.broadcast %parallel_loop3A_418 : f32 to vector<16xf32>
          %parallel_loop3A_420 = arith.mulf %parallel_loop3A_273, %parallel_loop3A_419 : vector<16xf32>
          %parallel_loop3A_421 = arith.addf %parallel_loop3A_420, %parallel_loop3A_281 : vector<16xf32>
          %parallel_loop3A_422 = arith.select %parallel_loop3A_413, %parallel_loop3A_417, %parallel_loop3A_421 : vector<16xi1>, vector<16xf32>
          %parallel_loop3A_423 = arith.fptosi %parallel_loop3A_422 : vector<16xf32> to vector<16xi32>
          %parallel_loop3A_424 = arith.sitofp %parallel_loop3A_423 : vector<16xi32> to vector<16xf32>
          %parallel_loop3A_425 = arith.subf %parallel_loop3A_422, %parallel_loop3A_424 : vector<16xf32>
          %parallel_loop3A_426 = tpu.vector_load_idx %arg9[%parallel_loop3A_423] : memref<1600xi32, #tpu.memory_space<vmem>>[vector<16xi32>], vector<16xi32>,
          %parallel_loop3A_427 = arith.constant 16 : i32
          %parallel_loop3A_428 = vector.broadcast %parallel_loop3A_427 : i32 to vector<16xi32>
          %parallel_loop3A_429 = arith.shli %parallel_loop3A_298, %parallel_loop3A_428 : vector<16xi32>
          %parallel_loop3A_430 = vector.bitcast %parallel_loop3A_429 : vector<16xi32> to vector<16xf32>
          %parallel_loop3A_431 = arith.constant -65536 : i32
          %parallel_loop3A_432 = vector.broadcast %parallel_loop3A_431 : i32 to vector<16xi32>
          %parallel_loop3A_433 = arith.andi %parallel_loop3A_298, %parallel_loop3A_432 : vector<16xi32>
          %parallel_loop3A_434 = vector.bitcast %parallel_loop3A_433 : vector<16xi32> to vector<16xf32>
          %parallel_loop3A_435 = arith.subf %parallel_loop3A_434, %parallel_loop3A_430 : vector<16xf32>
          %parallel_loop3A_436 = arith.mulf %parallel_loop3A_297, %parallel_loop3A_435 : vector<16xf32>
          %parallel_loop3A_437 = arith.addf %parallel_loop3A_430, %parallel_loop3A_436 : vector<16xf32>
          %parallel_loop3A_438 = arith.constant 16 : i32
          %parallel_loop3A_439 = arith.muli %parallel_loop3A_252, %parallel_loop3A_438 : i32
          %parallel_loop3A_440 = arith.constant 0 : i32
          %parallel_loop3A_441 = arith.index_cast %parallel_loop3A_440 : i32 to index
          %parallel_loop3A_442 = arith.index_cast %parallel_loop3A_245 : i32 to index
          %parallel_loop3A_443 = arith.index_cast %parallel_loop3A_439 : i32 to index
          %parallel_loop3A_444 = tpu.vector_load %arg13[%parallel_loop3A_441, %parallel_loop3A_442, %parallel_loop3A_443] {strides = array<i32>} : memref<25x8x128xf32, #tpu.memory_space<vmem>>, vector<16xf32>,
          tpu.vector_store %arg13[%parallel_loop3A_441, %parallel_loop3A_442, %parallel_loop3A_443], %parallel_loop3A_437 {strides = array<i32>} : memref<25x8x128xf32, #tpu.memory_space<vmem>>, vector<16xf32>,
          %parallel_loop3A_445 = arith.constant 16 : i32
          %parallel_loop3A_446 = vector.broadcast %parallel_loop3A_445 : i32 to vector<16xi32>
          %parallel_loop3A_447 = arith.shli %parallel_loop3A_314, %parallel_loop3A_446 : vector<16xi32>
          %parallel_loop3A_448 = vector.bitcast %parallel_loop3A_447 : vector<16xi32> to vector<16xf32>
          %parallel_loop3A_449 = arith.constant -65536 : i32
          %parallel_loop3A_450 = vector.broadcast %parallel_loop3A_449 : i32 to vector<16xi32>
          %parallel_loop3A_451 = arith.andi %parallel_loop3A_314, %parallel_loop3A_450 : vector<16xi32>
          %parallel_loop3A_452 = vector.bitcast %parallel_loop3A_451 : vector<16xi32> to vector<16xf32>
          %parallel_loop3A_453 = arith.subf %parallel_loop3A_452, %parallel_loop3A_448 : vector<16xf32>
          %parallel_loop3A_454 = arith.mulf %parallel_loop3A_313, %parallel_loop3A_453 : vector<16xf32>
          %parallel_loop3A_455 = arith.addf %parallel_loop3A_448, %parallel_loop3A_454 : vector<16xf32>
          %parallel_loop3A_456 = arith.constant 16 : i32
          %parallel_loop3A_457 = arith.muli %parallel_loop3A_252, %parallel_loop3A_456 : i32
          %parallel_loop3A_458 = arith.constant 1 : i32
          %parallel_loop3A_459 = arith.index_cast %parallel_loop3A_458 : i32 to index
          %parallel_loop3A_460 = arith.index_cast %parallel_loop3A_245 : i32 to index
          %parallel_loop3A_461 = arith.index_cast %parallel_loop3A_457 : i32 to index
          %parallel_loop3A_462 = tpu.vector_load %arg13[%parallel_loop3A_459, %parallel_loop3A_460, %parallel_loop3A_461] {strides = array<i32>} : memref<25x8x128xf32, #tpu.memory_space<vmem>>, vector<16xf32>,
          tpu.vector_store %arg13[%parallel_loop3A_459, %parallel_loop3A_460, %parallel_loop3A_461], %parallel_loop3A_455 {strides = array<i32>} : memref<25x8x128xf32, #tpu.memory_space<vmem>>, vector<16xf32>,
          %parallel_loop3A_463 = arith.constant 16 : i32
          %parallel_loop3A_464 = vector.broadcast %parallel_loop3A_463 : i32 to vector<16xi32>
          %parallel_loop3A_465 = arith.shli %parallel_loop3A_330, %parallel_loop3A_464 : vector<16xi32>
          %parallel_loop3A_466 = vector.bitcast %parallel_loop3A_465 : vector<16xi32> to vector<16xf32>
          %parallel_loop3A_467 = arith.constant -65536 : i32
          %parallel_loop3A_468 = vector.broadcast %parallel_loop3A_467 : i32 to vector<16xi32>
          %parallel_loop3A_469 = arith.andi %parallel_loop3A_330, %parallel_loop3A_468 : vector<16xi32>
          %parallel_loop3A_470 = vector.bitcast %parallel_loop3A_469 : vector<16xi32> to vector<16xf32>
          %parallel_loop3A_471 = arith.subf %parallel_loop3A_470, %parallel_loop3A_466 : vector<16xf32>
          %parallel_loop3A_472 = arith.mulf %parallel_loop3A_329, %parallel_loop3A_471 : vector<16xf32>
          %parallel_loop3A_473 = arith.addf %parallel_loop3A_466, %parallel_loop3A_472 : vector<16xf32>
          %parallel_loop3A_474 = arith.constant 16 : i32
          %parallel_loop3A_475 = arith.muli %parallel_loop3A_252, %parallel_loop3A_474 : i32
          %parallel_loop3A_476 = arith.constant 2 : i32
          %parallel_loop3A_477 = arith.index_cast %parallel_loop3A_476 : i32 to index
          %parallel_loop3A_478 = arith.index_cast %parallel_loop3A_245 : i32 to index
          %parallel_loop3A_479 = arith.index_cast %parallel_loop3A_475 : i32 to index
          %parallel_loop3A_480 = tpu.vector_load %arg13[%parallel_loop3A_477, %parallel_loop3A_478, %parallel_loop3A_479] {strides = array<i32>} : memref<25x8x128xf32, #tpu.memory_space<vmem>>, vector<16xf32>,
          tpu.vector_store %arg13[%parallel_loop3A_477, %parallel_loop3A_478, %parallel_loop3A_479], %parallel_loop3A_473 {strides = array<i32>} : memref<25x8x128xf32, #tpu.memory_space<vmem>>, vector<16xf32>,
          %parallel_loop3A_481 = arith.constant 16 : i32
          %parallel_loop3A_482 = vector.broadcast %parallel_loop3A_481 : i32 to vector<16xi32>
          %parallel_loop3A_483 = arith.shli %parallel_loop3A_346, %parallel_loop3A_482 : vector<16xi32>
          %parallel_loop3A_484 = vector.bitcast %parallel_loop3A_483 : vector<16xi32> to vector<16xf32>
          %parallel_loop3A_485 = arith.constant -65536 : i32
          %parallel_loop3A_486 = vector.broadcast %parallel_loop3A_485 : i32 to vector<16xi32>
          %parallel_loop3A_487 = arith.andi %parallel_loop3A_346, %parallel_loop3A_486 : vector<16xi32>
          %parallel_loop3A_488 = vector.bitcast %parallel_loop3A_487 : vector<16xi32> to vector<16xf32>
          %parallel_loop3A_489 = arith.subf %parallel_loop3A_488, %parallel_loop3A_484 : vector<16xf32>
          %parallel_loop3A_490 = arith.mulf %parallel_loop3A_345, %parallel_loop3A_489 : vector<16xf32>
          %parallel_loop3A_491 = arith.addf %parallel_loop3A_484, %parallel_loop3A_490 : vector<16xf32>
          %parallel_loop3A_492 = arith.constant 16 : i32
          %parallel_loop3A_493 = arith.muli %parallel_loop3A_252, %parallel_loop3A_492 : i32
          %parallel_loop3A_494 = arith.constant 3 : i32
          %parallel_loop3A_495 = arith.index_cast %parallel_loop3A_494 : i32 to index
          %parallel_loop3A_496 = arith.index_cast %parallel_loop3A_245 : i32 to index
          %parallel_loop3A_497 = arith.index_cast %parallel_loop3A_493 : i32 to index
          %parallel_loop3A_498 = tpu.vector_load %arg13[%parallel_loop3A_495, %parallel_loop3A_496, %parallel_loop3A_497] {strides = array<i32>} : memref<25x8x128xf32, #tpu.memory_space<vmem>>, vector<16xf32>,
          tpu.vector_store %arg13[%parallel_loop3A_495, %parallel_loop3A_496, %parallel_loop3A_497], %parallel_loop3A_491 {strides = array<i32>} : memref<25x8x128xf32, #tpu.memory_space<vmem>>, vector<16xf32>,
          %parallel_loop3A_499 = arith.constant 16 : i32
          %parallel_loop3A_500 = vector.broadcast %parallel_loop3A_499 : i32 to vector<16xi32>
          %parallel_loop3A_501 = arith.shli %parallel_loop3A_362, %parallel_loop3A_500 : vector<16xi32>
          %parallel_loop3A_502 = vector.bitcast %parallel_loop3A_501 : vector<16xi32> to vector<16xf32>
          %parallel_loop3A_503 = arith.constant -65536 : i32
          %parallel_loop3A_504 = vector.broadcast %parallel_loop3A_503 : i32 to vector<16xi32>
          %parallel_loop3A_505 = arith.andi %parallel_loop3A_362, %parallel_loop3A_504 : vector<16xi32>
          %parallel_loop3A_506 = vector.bitcast %parallel_loop3A_505 : vector<16xi32> to vector<16xf32>
          %parallel_loop3A_507 = arith.subf %parallel_loop3A_506, %parallel_loop3A_502 : vector<16xf32>
          %parallel_loop3A_508 = arith.mulf %parallel_loop3A_361, %parallel_loop3A_507 : vector<16xf32>
          %parallel_loop3A_509 = arith.addf %parallel_loop3A_502, %parallel_loop3A_508 : vector<16xf32>
          %parallel_loop3A_510 = arith.constant 16 : i32
          %parallel_loop3A_511 = arith.muli %parallel_loop3A_252, %parallel_loop3A_510 : i32
          %parallel_loop3A_512 = arith.constant 4 : i32
          %parallel_loop3A_513 = arith.index_cast %parallel_loop3A_512 : i32 to index
          %parallel_loop3A_514 = arith.index_cast %parallel_loop3A_245 : i32 to index
          %parallel_loop3A_515 = arith.index_cast %parallel_loop3A_511 : i32 to index
          %parallel_loop3A_516 = tpu.vector_load %arg13[%parallel_loop3A_513, %parallel_loop3A_514, %parallel_loop3A_515] {strides = array<i32>} : memref<25x8x128xf32, #tpu.memory_space<vmem>>, vector<16xf32>,
          tpu.vector_store %arg13[%parallel_loop3A_513, %parallel_loop3A_514, %parallel_loop3A_515], %parallel_loop3A_509 {strides = array<i32>} : memref<25x8x128xf32, #tpu.memory_space<vmem>>, vector<16xf32>,
          %parallel_loop3A_517 = arith.constant 16 : i32
          %parallel_loop3A_518 = vector.broadcast %parallel_loop3A_517 : i32 to vector<16xi32>
          %parallel_loop3A_519 = arith.shli %parallel_loop3A_378, %parallel_loop3A_518 : vector<16xi32>
          %parallel_loop3A_520 = vector.bitcast %parallel_loop3A_519 : vector<16xi32> to vector<16xf32>
          %parallel_loop3A_521 = arith.constant -65536 : i32
          %parallel_loop3A_522 = vector.broadcast %parallel_loop3A_521 : i32 to vector<16xi32>
          %parallel_loop3A_523 = arith.andi %parallel_loop3A_378, %parallel_loop3A_522 : vector<16xi32>
          %parallel_loop3A_524 = vector.bitcast %parallel_loop3A_523 : vector<16xi32> to vector<16xf32>
          %parallel_loop3A_525 = arith.subf %parallel_loop3A_524, %parallel_loop3A_520 : vector<16xf32>
          %parallel_loop3A_526 = arith.mulf %parallel_loop3A_377, %parallel_loop3A_525 : vector<16xf32>
          %parallel_loop3A_527 = arith.addf %parallel_loop3A_520, %parallel_loop3A_526 : vector<16xf32>
          %parallel_loop3A_528 = arith.constant 16 : i32
          %parallel_loop3A_529 = arith.muli %parallel_loop3A_252, %parallel_loop3A_528 : i32
          %parallel_loop3A_530 = arith.constant 5 : i32
          %parallel_loop3A_531 = arith.index_cast %parallel_loop3A_530 : i32 to index
          %parallel_loop3A_532 = arith.index_cast %parallel_loop3A_245 : i32 to index
          %parallel_loop3A_533 = arith.index_cast %parallel_loop3A_529 : i32 to index
          %parallel_loop3A_534 = tpu.vector_load %arg13[%parallel_loop3A_531, %parallel_loop3A_532, %parallel_loop3A_533] {strides = array<i32>} : memref<25x8x128xf32, #tpu.memory_space<vmem>>, vector<16xf32>,
          tpu.vector_store %arg13[%parallel_loop3A_531, %parallel_loop3A_532, %parallel_loop3A_533], %parallel_loop3A_527 {strides = array<i32>} : memref<25x8x128xf32, #tpu.memory_space<vmem>>, vector<16xf32>,
          %parallel_loop3A_535 = arith.constant 16 : i32
          %parallel_loop3A_536 = vector.broadcast %parallel_loop3A_535 : i32 to vector<16xi32>
          %parallel_loop3A_537 = arith.shli %parallel_loop3A_394, %parallel_loop3A_536 : vector<16xi32>
          %parallel_loop3A_538 = vector.bitcast %parallel_loop3A_537 : vector<16xi32> to vector<16xf32>
          %parallel_loop3A_539 = arith.constant -65536 : i32
          %parallel_loop3A_540 = vector.broadcast %parallel_loop3A_539 : i32 to vector<16xi32>
          %parallel_loop3A_541 = arith.andi %parallel_loop3A_394, %parallel_loop3A_540 : vector<16xi32>
          %parallel_loop3A_542 = vector.bitcast %parallel_loop3A_541 : vector<16xi32> to vector<16xf32>
          %parallel_loop3A_543 = arith.subf %parallel_loop3A_542, %parallel_loop3A_538 : vector<16xf32>
          %parallel_loop3A_544 = arith.mulf %parallel_loop3A_393, %parallel_loop3A_543 : vector<16xf32>
          %parallel_loop3A_545 = arith.addf %parallel_loop3A_538, %parallel_loop3A_544 : vector<16xf32>
          %parallel_loop3A_546 = arith.constant 16 : i32
          %parallel_loop3A_547 = arith.muli %parallel_loop3A_252, %parallel_loop3A_546 : i32
          %parallel_loop3A_548 = arith.constant 6 : i32
          %parallel_loop3A_549 = arith.index_cast %parallel_loop3A_548 : i32 to index
          %parallel_loop3A_550 = arith.index_cast %parallel_loop3A_245 : i32 to index
          %parallel_loop3A_551 = arith.index_cast %parallel_loop3A_547 : i32 to index
          %parallel_loop3A_552 = tpu.vector_load %arg13[%parallel_loop3A_549, %parallel_loop3A_550, %parallel_loop3A_551] {strides = array<i32>} : memref<25x8x128xf32, #tpu.memory_space<vmem>>, vector<16xf32>,
          tpu.vector_store %arg13[%parallel_loop3A_549, %parallel_loop3A_550, %parallel_loop3A_551], %parallel_loop3A_545 {strides = array<i32>} : memref<25x8x128xf32, #tpu.memory_space<vmem>>, vector<16xf32>,
          %parallel_loop3A_553 = arith.constant 16 : i32
          %parallel_loop3A_554 = vector.broadcast %parallel_loop3A_553 : i32 to vector<16xi32>
          %parallel_loop3A_555 = arith.shli %parallel_loop3A_410, %parallel_loop3A_554 : vector<16xi32>
          %parallel_loop3A_556 = vector.bitcast %parallel_loop3A_555 : vector<16xi32> to vector<16xf32>
          %parallel_loop3A_557 = arith.constant -65536 : i32
          %parallel_loop3A_558 = vector.broadcast %parallel_loop3A_557 : i32 to vector<16xi32>
          %parallel_loop3A_559 = arith.andi %parallel_loop3A_410, %parallel_loop3A_558 : vector<16xi32>
          %parallel_loop3A_560 = vector.bitcast %parallel_loop3A_559 : vector<16xi32> to vector<16xf32>
          %parallel_loop3A_561 = arith.subf %parallel_loop3A_560, %parallel_loop3A_556 : vector<16xf32>
          %parallel_loop3A_562 = arith.mulf %parallel_loop3A_409, %parallel_loop3A_561 : vector<16xf32>
          %parallel_loop3A_563 = arith.addf %parallel_loop3A_556, %parallel_loop3A_562 : vector<16xf32>
          %parallel_loop3A_564 = arith.constant 16 : i32
          %parallel_loop3A_565 = arith.muli %parallel_loop3A_252, %parallel_loop3A_564 : i32
          %parallel_loop3A_566 = arith.constant 7 : i32
          %parallel_loop3A_567 = arith.index_cast %parallel_loop3A_566 : i32 to index
          %parallel_loop3A_568 = arith.index_cast %parallel_loop3A_245 : i32 to index
          %parallel_loop3A_569 = arith.index_cast %parallel_loop3A_565 : i32 to index
          %parallel_loop3A_570 = tpu.vector_load %arg13[%parallel_loop3A_567, %parallel_loop3A_568, %parallel_loop3A_569] {strides = array<i32>} : memref<25x8x128xf32, #tpu.memory_space<vmem>>, vector<16xf32>,
          tpu.vector_store %arg13[%parallel_loop3A_567, %parallel_loop3A_568, %parallel_loop3A_569], %parallel_loop3A_563 {strides = array<i32>} : memref<25x8x128xf32, #tpu.memory_space<vmem>>, vector<16xf32>,
          %parallel_loop3A_571 = arith.constant 16 : i32
          %parallel_loop3A_572 = vector.broadcast %parallel_loop3A_571 : i32 to vector<16xi32>
          %parallel_loop3A_573 = arith.shli %parallel_loop3A_426, %parallel_loop3A_572 : vector<16xi32>
          %parallel_loop3A_574 = vector.bitcast %parallel_loop3A_573 : vector<16xi32> to vector<16xf32>
          %parallel_loop3A_575 = arith.constant -65536 : i32
          %parallel_loop3A_576 = vector.broadcast %parallel_loop3A_575 : i32 to vector<16xi32>
          %parallel_loop3A_577 = arith.andi %parallel_loop3A_426, %parallel_loop3A_576 : vector<16xi32>
          %parallel_loop3A_578 = vector.bitcast %parallel_loop3A_577 : vector<16xi32> to vector<16xf32>
          %parallel_loop3A_579 = arith.subf %parallel_loop3A_578, %parallel_loop3A_574 : vector<16xf32>
          %parallel_loop3A_580 = arith.mulf %parallel_loop3A_425, %parallel_loop3A_579 : vector<16xf32>
          %parallel_loop3A_581 = arith.addf %parallel_loop3A_574, %parallel_loop3A_580 : vector<16xf32>
          %parallel_loop3A_582 = arith.constant 16 : i32
          %parallel_loop3A_583 = arith.muli %parallel_loop3A_252, %parallel_loop3A_582 : i32
          %parallel_loop3A_584 = arith.constant 8 : i32
          %parallel_loop3A_585 = arith.index_cast %parallel_loop3A_584 : i32 to index
          %parallel_loop3A_586 = arith.index_cast %parallel_loop3A_245 : i32 to index
          %parallel_loop3A_587 = arith.index_cast %parallel_loop3A_583 : i32 to index
          %parallel_loop3A_588 = tpu.vector_load %arg13[%parallel_loop3A_585, %parallel_loop3A_586, %parallel_loop3A_587] {strides = array<i32>} : memref<25x8x128xf32, #tpu.memory_space<vmem>>, vector<16xf32>,
          tpu.vector_store %arg13[%parallel_loop3A_585, %parallel_loop3A_586, %parallel_loop3A_587], %parallel_loop3A_581 {strides = array<i32>} : memref<25x8x128xf32, #tpu.memory_space<vmem>>, vector<16xf32>,
          %parallel_loop3A_589 = arith.constant 0.0899999961 : f32
          %parallel_loop3A_590 = vector.broadcast %parallel_loop3A_589 : f32 to vector<16xf32>
          %parallel_loop3A_591 = arith.cmpf olt, %parallel_loop3A_590, %parallel_loop3A_282 : vector<16xf32>
          %parallel_loop3A_592 = arith.constant 9.000000e+00 : f32
          %parallel_loop3A_593 = vector.broadcast %parallel_loop3A_592 : f32 to vector<16xf32>
          %parallel_loop3A_594 = arith.mulf %parallel_loop3A_272, %parallel_loop3A_593 : vector<16xf32>
          %parallel_loop3A_595 = arith.addf %parallel_loop3A_594, %parallel_loop3A_278 : vector<16xf32>
          %parallel_loop3A_596 = arith.constant 9.000000e+00 : f32
          %parallel_loop3A_597 = vector.broadcast %parallel_loop3A_596 : f32 to vector<16xf32>
          %parallel_loop3A_598 = arith.mulf %parallel_loop3A_273, %parallel_loop3A_597 : vector<16xf32>
          %parallel_loop3A_599 = arith.addf %parallel_loop3A_598, %parallel_loop3A_281 : vector<16xf32>
          %parallel_loop3A_600 = arith.select %parallel_loop3A_591, %parallel_loop3A_595, %parallel_loop3A_599 : vector<16xi1>, vector<16xf32>
          %parallel_loop3A_601 = arith.fptosi %parallel_loop3A_600 : vector<16xf32> to vector<16xi32>
          %parallel_loop3A_602 = arith.sitofp %parallel_loop3A_601 : vector<16xi32> to vector<16xf32>
          %parallel_loop3A_603 = arith.subf %parallel_loop3A_600, %parallel_loop3A_602 : vector<16xf32>
          %parallel_loop3A_604 = tpu.vector_load_idx %arg9[%parallel_loop3A_601] : memref<1600xi32, #tpu.memory_space<vmem>>[vector<16xi32>], vector<16xi32>,
          %parallel_loop3A_605 = arith.constant 0.099999994 : f32
          %parallel_loop3A_606 = vector.broadcast %parallel_loop3A_605 : f32 to vector<16xf32>
          %parallel_loop3A_607 = arith.cmpf olt, %parallel_loop3A_606, %parallel_loop3A_282 : vector<16xf32>
          %parallel_loop3A_608 = arith.constant 1.000000e+01 : f32
          %parallel_loop3A_609 = vector.broadcast %parallel_loop3A_608 : f32 to vector<16xf32>
          %parallel_loop3A_610 = arith.mulf %parallel_loop3A_272, %parallel_loop3A_609 : vector<16xf32>
          %parallel_loop3A_611 = arith.addf %parallel_loop3A_610, %parallel_loop3A_278 : vector<16xf32>
          %parallel_loop3A_612 = arith.constant 1.000000e+01 : f32
          %parallel_loop3A_613 = vector.broadcast %parallel_loop3A_612 : f32 to vector<16xf32>
          %parallel_loop3A_614 = arith.mulf %parallel_loop3A_273, %parallel_loop3A_613 : vector<16xf32>
          %parallel_loop3A_615 = arith.addf %parallel_loop3A_614, %parallel_loop3A_281 : vector<16xf32>
          %parallel_loop3A_616 = arith.select %parallel_loop3A_607, %parallel_loop3A_611, %parallel_loop3A_615 : vector<16xi1>, vector<16xf32>
          %parallel_loop3A_617 = arith.fptosi %parallel_loop3A_616 : vector<16xf32> to vector<16xi32>
          %parallel_loop3A_618 = arith.sitofp %parallel_loop3A_617 : vector<16xi32> to vector<16xf32>
          %parallel_loop3A_619 = arith.subf %parallel_loop3A_616, %parallel_loop3A_618 : vector<16xf32>
          %parallel_loop3A_620 = tpu.vector_load_idx %arg9[%parallel_loop3A_617] : memref<1600xi32, #tpu.memory_space<vmem>>[vector<16xi32>], vector<16xi32>,
          %parallel_loop3A_621 = arith.constant 1.100000e-01 : f32
          %parallel_loop3A_622 = vector.broadcast %parallel_loop3A_621 : f32 to vector<16xf32>
          %parallel_loop3A_623 = arith.cmpf olt, %parallel_loop3A_622, %parallel_loop3A_282 : vector<16xf32>
          %parallel_loop3A_624 = arith.constant 1.100000e+01 : f32
          %parallel_loop3A_625 = vector.broadcast %parallel_loop3A_624 : f32 to vector<16xf32>
          %parallel_loop3A_626 = arith.mulf %parallel_loop3A_272, %parallel_loop3A_625 : vector<16xf32>
          %parallel_loop3A_627 = arith.addf %parallel_loop3A_626, %parallel_loop3A_278 : vector<16xf32>
          %parallel_loop3A_628 = arith.constant 1.100000e+01 : f32
          %parallel_loop3A_629 = vector.broadcast %parallel_loop3A_628 : f32 to vector<16xf32>
          %parallel_loop3A_630 = arith.mulf %parallel_loop3A_273, %parallel_loop3A_629 : vector<16xf32>
          %parallel_loop3A_631 = arith.addf %parallel_loop3A_630, %parallel_loop3A_281 : vector<16xf32>
          %parallel_loop3A_632 = arith.select %parallel_loop3A_623, %parallel_loop3A_627, %parallel_loop3A_631 : vector<16xi1>, vector<16xf32>
          %parallel_loop3A_633 = arith.fptosi %parallel_loop3A_632 : vector<16xf32> to vector<16xi32>
          %parallel_loop3A_634 = arith.sitofp %parallel_loop3A_633 : vector<16xi32> to vector<16xf32>
          %parallel_loop3A_635 = arith.subf %parallel_loop3A_632, %parallel_loop3A_634 : vector<16xf32>
          %parallel_loop3A_636 = tpu.vector_load_idx %arg9[%parallel_loop3A_633] : memref<1600xi32, #tpu.memory_space<vmem>>[vector<16xi32>], vector<16xi32>,
          %parallel_loop3A_637 = arith.constant 1.200000e-01 : f32
          %parallel_loop3A_638 = vector.broadcast %parallel_loop3A_637 : f32 to vector<16xf32>
          %parallel_loop3A_639 = arith.cmpf olt, %parallel_loop3A_638, %parallel_loop3A_282 : vector<16xf32>
          %parallel_loop3A_640 = arith.constant 1.200000e+01 : f32
          %parallel_loop3A_641 = vector.broadcast %parallel_loop3A_640 : f32 to vector<16xf32>
          %parallel_loop3A_642 = arith.mulf %parallel_loop3A_272, %parallel_loop3A_641 : vector<16xf32>
          %parallel_loop3A_643 = arith.addf %parallel_loop3A_642, %parallel_loop3A_278 : vector<16xf32>
          %parallel_loop3A_644 = arith.constant 1.200000e+01 : f32
          %parallel_loop3A_645 = vector.broadcast %parallel_loop3A_644 : f32 to vector<16xf32>
          %parallel_loop3A_646 = arith.mulf %parallel_loop3A_273, %parallel_loop3A_645 : vector<16xf32>
          %parallel_loop3A_647 = arith.addf %parallel_loop3A_646, %parallel_loop3A_281 : vector<16xf32>
          %parallel_loop3A_648 = arith.select %parallel_loop3A_639, %parallel_loop3A_643, %parallel_loop3A_647 : vector<16xi1>, vector<16xf32>
          %parallel_loop3A_649 = arith.fptosi %parallel_loop3A_648 : vector<16xf32> to vector<16xi32>
          %parallel_loop3A_650 = arith.sitofp %parallel_loop3A_649 : vector<16xi32> to vector<16xf32>
          %parallel_loop3A_651 = arith.subf %parallel_loop3A_648, %parallel_loop3A_650 : vector<16xf32>
          %parallel_loop3A_652 = tpu.vector_load_idx %arg9[%parallel_loop3A_649] : memref<1600xi32, #tpu.memory_space<vmem>>[vector<16xi32>], vector<16xi32>,
          %parallel_loop3A_653 = arith.constant 1.300000e-01 : f32
          %parallel_loop3A_654 = vector.broadcast %parallel_loop3A_653 : f32 to vector<16xf32>
          %parallel_loop3A_655 = arith.cmpf olt, %parallel_loop3A_654, %parallel_loop3A_282 : vector<16xf32>
          %parallel_loop3A_656 = arith.constant 1.300000e+01 : f32
          %parallel_loop3A_657 = vector.broadcast %parallel_loop3A_656 : f32 to vector<16xf32>
          %parallel_loop3A_658 = arith.mulf %parallel_loop3A_272, %parallel_loop3A_657 : vector<16xf32>
          %parallel_loop3A_659 = arith.addf %parallel_loop3A_658, %parallel_loop3A_278 : vector<16xf32>
          %parallel_loop3A_660 = arith.constant 1.300000e+01 : f32
          %parallel_loop3A_661 = vector.broadcast %parallel_loop3A_660 : f32 to vector<16xf32>
          %parallel_loop3A_662 = arith.mulf %parallel_loop3A_273, %parallel_loop3A_661 : vector<16xf32>
          %parallel_loop3A_663 = arith.addf %parallel_loop3A_662, %parallel_loop3A_281 : vector<16xf32>
          %parallel_loop3A_664 = arith.select %parallel_loop3A_655, %parallel_loop3A_659, %parallel_loop3A_663 : vector<16xi1>, vector<16xf32>
          %parallel_loop3A_665 = arith.fptosi %parallel_loop3A_664 : vector<16xf32> to vector<16xi32>
          %parallel_loop3A_666 = arith.sitofp %parallel_loop3A_665 : vector<16xi32> to vector<16xf32>
          %parallel_loop3A_667 = arith.subf %parallel_loop3A_664, %parallel_loop3A_666 : vector<16xf32>
          %parallel_loop3A_668 = tpu.vector_load_idx %arg9[%parallel_loop3A_665] : memref<1600xi32, #tpu.memory_space<vmem>>[vector<16xi32>], vector<16xi32>,
          %parallel_loop3A_669 = arith.constant 1.400000e-01 : f32
          %parallel_loop3A_670 = vector.broadcast %parallel_loop3A_669 : f32 to vector<16xf32>
          %parallel_loop3A_671 = arith.cmpf olt, %parallel_loop3A_670, %parallel_loop3A_282 : vector<16xf32>
          %parallel_loop3A_672 = arith.constant 1.400000e+01 : f32
          %parallel_loop3A_673 = vector.broadcast %parallel_loop3A_672 : f32 to vector<16xf32>
          %parallel_loop3A_674 = arith.mulf %parallel_loop3A_272, %parallel_loop3A_673 : vector<16xf32>
          %parallel_loop3A_675 = arith.addf %parallel_loop3A_674, %parallel_loop3A_278 : vector<16xf32>
          %parallel_loop3A_676 = arith.constant 1.400000e+01 : f32
          %parallel_loop3A_677 = vector.broadcast %parallel_loop3A_676 : f32 to vector<16xf32>
          %parallel_loop3A_678 = arith.mulf %parallel_loop3A_273, %parallel_loop3A_677 : vector<16xf32>
          %parallel_loop3A_679 = arith.addf %parallel_loop3A_678, %parallel_loop3A_281 : vector<16xf32>
          %parallel_loop3A_680 = arith.select %parallel_loop3A_671, %parallel_loop3A_675, %parallel_loop3A_679 : vector<16xi1>, vector<16xf32>
          %parallel_loop3A_681 = arith.fptosi %parallel_loop3A_680 : vector<16xf32> to vector<16xi32>
          %parallel_loop3A_682 = arith.sitofp %parallel_loop3A_681 : vector<16xi32> to vector<16xf32>
          %parallel_loop3A_683 = arith.subf %parallel_loop3A_680, %parallel_loop3A_682 : vector<16xf32>
          %parallel_loop3A_684 = tpu.vector_load_idx %arg9[%parallel_loop3A_681] : memref<1600xi32, #tpu.memory_space<vmem>>[vector<16xi32>], vector<16xi32>,
          %parallel_loop3A_685 = arith.constant 0.149999991 : f32
          %parallel_loop3A_686 = vector.broadcast %parallel_loop3A_685 : f32 to vector<16xf32>
          %parallel_loop3A_687 = arith.cmpf olt, %parallel_loop3A_686, %parallel_loop3A_282 : vector<16xf32>
          %parallel_loop3A_688 = arith.constant 1.500000e+01 : f32
          %parallel_loop3A_689 = vector.broadcast %parallel_loop3A_688 : f32 to vector<16xf32>
          %parallel_loop3A_690 = arith.mulf %parallel_loop3A_272, %parallel_loop3A_689 : vector<16xf32>
          %parallel_loop3A_691 = arith.addf %parallel_loop3A_690, %parallel_loop3A_278 : vector<16xf32>
          %parallel_loop3A_692 = arith.constant 1.500000e+01 : f32
          %parallel_loop3A_693 = vector.broadcast %parallel_loop3A_692 : f32 to vector<16xf32>
          %parallel_loop3A_694 = arith.mulf %parallel_loop3A_273, %parallel_loop3A_693 : vector<16xf32>
          %parallel_loop3A_695 = arith.addf %parallel_loop3A_694, %parallel_loop3A_281 : vector<16xf32>
          %parallel_loop3A_696 = arith.select %parallel_loop3A_687, %parallel_loop3A_691, %parallel_loop3A_695 : vector<16xi1>, vector<16xf32>
          %parallel_loop3A_697 = arith.fptosi %parallel_loop3A_696 : vector<16xf32> to vector<16xi32>
          %parallel_loop3A_698 = arith.sitofp %parallel_loop3A_697 : vector<16xi32> to vector<16xf32>
          %parallel_loop3A_699 = arith.subf %parallel_loop3A_696, %parallel_loop3A_698 : vector<16xf32>
          %parallel_loop3A_700 = tpu.vector_load_idx %arg9[%parallel_loop3A_697] : memref<1600xi32, #tpu.memory_space<vmem>>[vector<16xi32>], vector<16xi32>,
          %parallel_loop3A_701 = arith.constant 1.600000e-01 : f32
          %parallel_loop3A_702 = vector.broadcast %parallel_loop3A_701 : f32 to vector<16xf32>
          %parallel_loop3A_703 = arith.cmpf olt, %parallel_loop3A_702, %parallel_loop3A_282 : vector<16xf32>
          %parallel_loop3A_704 = arith.constant 1.600000e+01 : f32
          %parallel_loop3A_705 = vector.broadcast %parallel_loop3A_704 : f32 to vector<16xf32>
          %parallel_loop3A_706 = arith.mulf %parallel_loop3A_272, %parallel_loop3A_705 : vector<16xf32>
          %parallel_loop3A_707 = arith.addf %parallel_loop3A_706, %parallel_loop3A_278 : vector<16xf32>
          %parallel_loop3A_708 = arith.constant 1.600000e+01 : f32
          %parallel_loop3A_709 = vector.broadcast %parallel_loop3A_708 : f32 to vector<16xf32>
          %parallel_loop3A_710 = arith.mulf %parallel_loop3A_273, %parallel_loop3A_709 : vector<16xf32>
          %parallel_loop3A_711 = arith.addf %parallel_loop3A_710, %parallel_loop3A_281 : vector<16xf32>
          %parallel_loop3A_712 = arith.select %parallel_loop3A_703, %parallel_loop3A_707, %parallel_loop3A_711 : vector<16xi1>, vector<16xf32>
          %parallel_loop3A_713 = arith.fptosi %parallel_loop3A_712 : vector<16xf32> to vector<16xi32>
          %parallel_loop3A_714 = arith.sitofp %parallel_loop3A_713 : vector<16xi32> to vector<16xf32>
          %parallel_loop3A_715 = arith.subf %parallel_loop3A_712, %parallel_loop3A_714 : vector<16xf32>
          %parallel_loop3A_716 = tpu.vector_load_idx %arg9[%parallel_loop3A_713] : memref<1600xi32, #tpu.memory_space<vmem>>[vector<16xi32>], vector<16xi32>,
          %parallel_loop3A_717 = arith.constant 16 : i32
          %parallel_loop3A_718 = vector.broadcast %parallel_loop3A_717 : i32 to vector<16xi32>
          %parallel_loop3A_719 = arith.shli %parallel_loop3A_604, %parallel_loop3A_718 : vector<16xi32>
          %parallel_loop3A_720 = vector.bitcast %parallel_loop3A_719 : vector<16xi32> to vector<16xf32>
          %parallel_loop3A_721 = arith.constant -65536 : i32
          %parallel_loop3A_722 = vector.broadcast %parallel_loop3A_721 : i32 to vector<16xi32>
          %parallel_loop3A_723 = arith.andi %parallel_loop3A_604, %parallel_loop3A_722 : vector<16xi32>
          %parallel_loop3A_724 = vector.bitcast %parallel_loop3A_723 : vector<16xi32> to vector<16xf32>
          %parallel_loop3A_725 = arith.subf %parallel_loop3A_724, %parallel_loop3A_720 : vector<16xf32>
          %parallel_loop3A_726 = arith.mulf %parallel_loop3A_603, %parallel_loop3A_725 : vector<16xf32>
          %parallel_loop3A_727 = arith.addf %parallel_loop3A_720, %parallel_loop3A_726 : vector<16xf32>
          %parallel_loop3A_728 = arith.constant 16 : i32
          %parallel_loop3A_729 = arith.muli %parallel_loop3A_252, %parallel_loop3A_728 : i32
          %parallel_loop3A_730 = arith.constant 9 : i32
          %parallel_loop3A_731 = arith.index_cast %parallel_loop3A_730 : i32 to index
          %parallel_loop3A_732 = arith.index_cast %parallel_loop3A_245 : i32 to index
          %parallel_loop3A_733 = arith.index_cast %parallel_loop3A_729 : i32 to index
          %parallel_loop3A_734 = tpu.vector_load %arg13[%parallel_loop3A_731, %parallel_loop3A_732, %parallel_loop3A_733] {strides = array<i32>} : memref<25x8x128xf32, #tpu.memory_space<vmem>>, vector<16xf32>,
          tpu.vector_store %arg13[%parallel_loop3A_731, %parallel_loop3A_732, %parallel_loop3A_733], %parallel_loop3A_727 {strides = array<i32>} : memref<25x8x128xf32, #tpu.memory_space<vmem>>, vector<16xf32>,
          %parallel_loop3A_735 = arith.constant 16 : i32
          %parallel_loop3A_736 = vector.broadcast %parallel_loop3A_735 : i32 to vector<16xi32>
          %parallel_loop3A_737 = arith.shli %parallel_loop3A_620, %parallel_loop3A_736 : vector<16xi32>
          %parallel_loop3A_738 = vector.bitcast %parallel_loop3A_737 : vector<16xi32> to vector<16xf32>
          %parallel_loop3A_739 = arith.constant -65536 : i32
          %parallel_loop3A_740 = vector.broadcast %parallel_loop3A_739 : i32 to vector<16xi32>
          %parallel_loop3A_741 = arith.andi %parallel_loop3A_620, %parallel_loop3A_740 : vector<16xi32>
          %parallel_loop3A_742 = vector.bitcast %parallel_loop3A_741 : vector<16xi32> to vector<16xf32>
          %parallel_loop3A_743 = arith.subf %parallel_loop3A_742, %parallel_loop3A_738 : vector<16xf32>
          %parallel_loop3A_744 = arith.mulf %parallel_loop3A_619, %parallel_loop3A_743 : vector<16xf32>
          %parallel_loop3A_745 = arith.addf %parallel_loop3A_738, %parallel_loop3A_744 : vector<16xf32>
          %parallel_loop3A_746 = arith.constant 16 : i32
          %parallel_loop3A_747 = arith.muli %parallel_loop3A_252, %parallel_loop3A_746 : i32
          %parallel_loop3A_748 = arith.constant 10 : i32
          %parallel_loop3A_749 = arith.index_cast %parallel_loop3A_748 : i32 to index
          %parallel_loop3A_750 = arith.index_cast %parallel_loop3A_245 : i32 to index
          %parallel_loop3A_751 = arith.index_cast %parallel_loop3A_747 : i32 to index
          %parallel_loop3A_752 = tpu.vector_load %arg13[%parallel_loop3A_749, %parallel_loop3A_750, %parallel_loop3A_751] {strides = array<i32>} : memref<25x8x128xf32, #tpu.memory_space<vmem>>, vector<16xf32>,
          tpu.vector_store %arg13[%parallel_loop3A_749, %parallel_loop3A_750, %parallel_loop3A_751], %parallel_loop3A_745 {strides = array<i32>} : memref<25x8x128xf32, #tpu.memory_space<vmem>>, vector<16xf32>,
          %parallel_loop3A_753 = arith.constant 16 : i32
          %parallel_loop3A_754 = vector.broadcast %parallel_loop3A_753 : i32 to vector<16xi32>
          %parallel_loop3A_755 = arith.shli %parallel_loop3A_636, %parallel_loop3A_754 : vector<16xi32>
          %parallel_loop3A_756 = vector.bitcast %parallel_loop3A_755 : vector<16xi32> to vector<16xf32>
          %parallel_loop3A_757 = arith.constant -65536 : i32
          %parallel_loop3A_758 = vector.broadcast %parallel_loop3A_757 : i32 to vector<16xi32>
          %parallel_loop3A_759 = arith.andi %parallel_loop3A_636, %parallel_loop3A_758 : vector<16xi32>
          %parallel_loop3A_760 = vector.bitcast %parallel_loop3A_759 : vector<16xi32> to vector<16xf32>
          %parallel_loop3A_761 = arith.subf %parallel_loop3A_760, %parallel_loop3A_756 : vector<16xf32>
          %parallel_loop3A_762 = arith.mulf %parallel_loop3A_635, %parallel_loop3A_761 : vector<16xf32>
          %parallel_loop3A_763 = arith.addf %parallel_loop3A_756, %parallel_loop3A_762 : vector<16xf32>
          %parallel_loop3A_764 = arith.constant 16 : i32
          %parallel_loop3A_765 = arith.muli %parallel_loop3A_252, %parallel_loop3A_764 : i32
          %parallel_loop3A_766 = arith.constant 11 : i32
          %parallel_loop3A_767 = arith.index_cast %parallel_loop3A_766 : i32 to index
          %parallel_loop3A_768 = arith.index_cast %parallel_loop3A_245 : i32 to index
          %parallel_loop3A_769 = arith.index_cast %parallel_loop3A_765 : i32 to index
          %parallel_loop3A_770 = tpu.vector_load %arg13[%parallel_loop3A_767, %parallel_loop3A_768, %parallel_loop3A_769] {strides = array<i32>} : memref<25x8x128xf32, #tpu.memory_space<vmem>>, vector<16xf32>,
          tpu.vector_store %arg13[%parallel_loop3A_767, %parallel_loop3A_768, %parallel_loop3A_769], %parallel_loop3A_763 {strides = array<i32>} : memref<25x8x128xf32, #tpu.memory_space<vmem>>, vector<16xf32>,
          %parallel_loop3A_771 = arith.constant 16 : i32
          %parallel_loop3A_772 = vector.broadcast %parallel_loop3A_771 : i32 to vector<16xi32>
          %parallel_loop3A_773 = arith.shli %parallel_loop3A_652, %parallel_loop3A_772 : vector<16xi32>
          %parallel_loop3A_774 = vector.bitcast %parallel_loop3A_773 : vector<16xi32> to vector<16xf32>
          %parallel_loop3A_775 = arith.constant -65536 : i32
          %parallel_loop3A_776 = vector.broadcast %parallel_loop3A_775 : i32 to vector<16xi32>
          %parallel_loop3A_777 = arith.andi %parallel_loop3A_652, %parallel_loop3A_776 : vector<16xi32>
          %parallel_loop3A_778 = vector.bitcast %parallel_loop3A_777 : vector<16xi32> to vector<16xf32>
          %parallel_loop3A_779 = arith.subf %parallel_loop3A_778, %parallel_loop3A_774 : vector<16xf32>
          %parallel_loop3A_780 = arith.mulf %parallel_loop3A_651, %parallel_loop3A_779 : vector<16xf32>
          %parallel_loop3A_781 = arith.addf %parallel_loop3A_774, %parallel_loop3A_780 : vector<16xf32>
          %parallel_loop3A_782 = arith.constant 16 : i32
          %parallel_loop3A_783 = arith.muli %parallel_loop3A_252, %parallel_loop3A_782 : i32
          %parallel_loop3A_784 = arith.constant 12 : i32
          %parallel_loop3A_785 = arith.index_cast %parallel_loop3A_784 : i32 to index
          %parallel_loop3A_786 = arith.index_cast %parallel_loop3A_245 : i32 to index
          %parallel_loop3A_787 = arith.index_cast %parallel_loop3A_783 : i32 to index
          %parallel_loop3A_788 = tpu.vector_load %arg13[%parallel_loop3A_785, %parallel_loop3A_786, %parallel_loop3A_787] {strides = array<i32>} : memref<25x8x128xf32, #tpu.memory_space<vmem>>, vector<16xf32>,
          tpu.vector_store %arg13[%parallel_loop3A_785, %parallel_loop3A_786, %parallel_loop3A_787], %parallel_loop3A_781 {strides = array<i32>} : memref<25x8x128xf32, #tpu.memory_space<vmem>>, vector<16xf32>,
          %parallel_loop3A_789 = arith.constant 16 : i32
          %parallel_loop3A_790 = vector.broadcast %parallel_loop3A_789 : i32 to vector<16xi32>
          %parallel_loop3A_791 = arith.shli %parallel_loop3A_668, %parallel_loop3A_790 : vector<16xi32>
          %parallel_loop3A_792 = vector.bitcast %parallel_loop3A_791 : vector<16xi32> to vector<16xf32>
          %parallel_loop3A_793 = arith.constant -65536 : i32
          %parallel_loop3A_794 = vector.broadcast %parallel_loop3A_793 : i32 to vector<16xi32>
          %parallel_loop3A_795 = arith.andi %parallel_loop3A_668, %parallel_loop3A_794 : vector<16xi32>
          %parallel_loop3A_796 = vector.bitcast %parallel_loop3A_795 : vector<16xi32> to vector<16xf32>
          %parallel_loop3A_797 = arith.subf %parallel_loop3A_796, %parallel_loop3A_792 : vector<16xf32>
          %parallel_loop3A_798 = arith.mulf %parallel_loop3A_667, %parallel_loop3A_797 : vector<16xf32>
          %parallel_loop3A_799 = arith.addf %parallel_loop3A_792, %parallel_loop3A_798 : vector<16xf32>
          %parallel_loop3A_800 = arith.constant 16 : i32
          %parallel_loop3A_801 = arith.muli %parallel_loop3A_252, %parallel_loop3A_800 : i32
          %parallel_loop3A_802 = arith.constant 13 : i32
          %parallel_loop3A_803 = arith.index_cast %parallel_loop3A_802 : i32 to index
          %parallel_loop3A_804 = arith.index_cast %parallel_loop3A_245 : i32 to index
          %parallel_loop3A_805 = arith.index_cast %parallel_loop3A_801 : i32 to index
          %parallel_loop3A_806 = tpu.vector_load %arg13[%parallel_loop3A_803, %parallel_loop3A_804, %parallel_loop3A_805] {strides = array<i32>} : memref<25x8x128xf32, #tpu.memory_space<vmem>>, vector<16xf32>,
          tpu.vector_store %arg13[%parallel_loop3A_803, %parallel_loop3A_804, %parallel_loop3A_805], %parallel_loop3A_799 {strides = array<i32>} : memref<25x8x128xf32, #tpu.memory_space<vmem>>, vector<16xf32>,
          %parallel_loop3A_807 = arith.constant 16 : i32
          %parallel_loop3A_808 = vector.broadcast %parallel_loop3A_807 : i32 to vector<16xi32>
          %parallel_loop3A_809 = arith.shli %parallel_loop3A_684, %parallel_loop3A_808 : vector<16xi32>
          %parallel_loop3A_810 = vector.bitcast %parallel_loop3A_809 : vector<16xi32> to vector<16xf32>
          %parallel_loop3A_811 = arith.constant -65536 : i32
          %parallel_loop3A_812 = vector.broadcast %parallel_loop3A_811 : i32 to vector<16xi32>
          %parallel_loop3A_813 = arith.andi %parallel_loop3A_684, %parallel_loop3A_812 : vector<16xi32>
          %parallel_loop3A_814 = vector.bitcast %parallel_loop3A_813 : vector<16xi32> to vector<16xf32>
          %parallel_loop3A_815 = arith.subf %parallel_loop3A_814, %parallel_loop3A_810 : vector<16xf32>
          %parallel_loop3A_816 = arith.mulf %parallel_loop3A_683, %parallel_loop3A_815 : vector<16xf32>
          %parallel_loop3A_817 = arith.addf %parallel_loop3A_810, %parallel_loop3A_816 : vector<16xf32>
          %parallel_loop3A_818 = arith.constant 16 : i32
          %parallel_loop3A_819 = arith.muli %parallel_loop3A_252, %parallel_loop3A_818 : i32
          %parallel_loop3A_820 = arith.constant 14 : i32
          %parallel_loop3A_821 = arith.index_cast %parallel_loop3A_820 : i32 to index
          %parallel_loop3A_822 = arith.index_cast %parallel_loop3A_245 : i32 to index
          %parallel_loop3A_823 = arith.index_cast %parallel_loop3A_819 : i32 to index
          %parallel_loop3A_824 = tpu.vector_load %arg13[%parallel_loop3A_821, %parallel_loop3A_822, %parallel_loop3A_823] {strides = array<i32>} : memref<25x8x128xf32, #tpu.memory_space<vmem>>, vector<16xf32>,
          tpu.vector_store %arg13[%parallel_loop3A_821, %parallel_loop3A_822, %parallel_loop3A_823], %parallel_loop3A_817 {strides = array<i32>} : memref<25x8x128xf32, #tpu.memory_space<vmem>>, vector<16xf32>,
          %parallel_loop3A_825 = arith.constant 16 : i32
          %parallel_loop3A_826 = vector.broadcast %parallel_loop3A_825 : i32 to vector<16xi32>
          %parallel_loop3A_827 = arith.shli %parallel_loop3A_700, %parallel_loop3A_826 : vector<16xi32>
          %parallel_loop3A_828 = vector.bitcast %parallel_loop3A_827 : vector<16xi32> to vector<16xf32>
          %parallel_loop3A_829 = arith.constant -65536 : i32
          %parallel_loop3A_830 = vector.broadcast %parallel_loop3A_829 : i32 to vector<16xi32>
          %parallel_loop3A_831 = arith.andi %parallel_loop3A_700, %parallel_loop3A_830 : vector<16xi32>
          %parallel_loop3A_832 = vector.bitcast %parallel_loop3A_831 : vector<16xi32> to vector<16xf32>
          %parallel_loop3A_833 = arith.subf %parallel_loop3A_832, %parallel_loop3A_828 : vector<16xf32>
          %parallel_loop3A_834 = arith.mulf %parallel_loop3A_699, %parallel_loop3A_833 : vector<16xf32>
          %parallel_loop3A_835 = arith.addf %parallel_loop3A_828, %parallel_loop3A_834 : vector<16xf32>
          %parallel_loop3A_836 = arith.constant 16 : i32
          %parallel_loop3A_837 = arith.muli %parallel_loop3A_252, %parallel_loop3A_836 : i32
          %parallel_loop3A_838 = arith.constant 15 : i32
          %parallel_loop3A_839 = arith.index_cast %parallel_loop3A_838 : i32 to index
          %parallel_loop3A_840 = arith.index_cast %parallel_loop3A_245 : i32 to index
          %parallel_loop3A_841 = arith.index_cast %parallel_loop3A_837 : i32 to index
          %parallel_loop3A_842 = tpu.vector_load %arg13[%parallel_loop3A_839, %parallel_loop3A_840, %parallel_loop3A_841] {strides = array<i32>} : memref<25x8x128xf32, #tpu.memory_space<vmem>>, vector<16xf32>,
          tpu.vector_store %arg13[%parallel_loop3A_839, %parallel_loop3A_840, %parallel_loop3A_841], %parallel_loop3A_835 {strides = array<i32>} : memref<25x8x128xf32, #tpu.memory_space<vmem>>, vector<16xf32>,
          %parallel_loop3A_843 = arith.constant 16 : i32
          %parallel_loop3A_844 = vector.broadcast %parallel_loop3A_843 : i32 to vector<16xi32>
          %parallel_loop3A_845 = arith.shli %parallel_loop3A_716, %parallel_loop3A_844 : vector<16xi32>
          %parallel_loop3A_846 = vector.bitcast %parallel_loop3A_845 : vector<16xi32> to vector<16xf32>
          %parallel_loop3A_847 = arith.constant -65536 : i32
          %parallel_loop3A_848 = vector.broadcast %parallel_loop3A_847 : i32 to vector<16xi32>
          %parallel_loop3A_849 = arith.andi %parallel_loop3A_716, %parallel_loop3A_848 : vector<16xi32>
          %parallel_loop3A_850 = vector.bitcast %parallel_loop3A_849 : vector<16xi32> to vector<16xf32>
          %parallel_loop3A_851 = arith.subf %parallel_loop3A_850, %parallel_loop3A_846 : vector<16xf32>
          %parallel_loop3A_852 = arith.mulf %parallel_loop3A_715, %parallel_loop3A_851 : vector<16xf32>
          %parallel_loop3A_853 = arith.addf %parallel_loop3A_846, %parallel_loop3A_852 : vector<16xf32>
          %parallel_loop3A_854 = arith.constant 16 : i32
          %parallel_loop3A_855 = arith.muli %parallel_loop3A_252, %parallel_loop3A_854 : i32
          %parallel_loop3A_856 = arith.constant 16 : i32
          %parallel_loop3A_857 = arith.index_cast %parallel_loop3A_856 : i32 to index
          %parallel_loop3A_858 = arith.index_cast %parallel_loop3A_245 : i32 to index
          %parallel_loop3A_859 = arith.index_cast %parallel_loop3A_855 : i32 to index
          %parallel_loop3A_860 = tpu.vector_load %arg13[%parallel_loop3A_857, %parallel_loop3A_858, %parallel_loop3A_859] {strides = array<i32>} : memref<25x8x128xf32, #tpu.memory_space<vmem>>, vector<16xf32>,
          tpu.vector_store %arg13[%parallel_loop3A_857, %parallel_loop3A_858, %parallel_loop3A_859], %parallel_loop3A_853 {strides = array<i32>} : memref<25x8x128xf32, #tpu.memory_space<vmem>>, vector<16xf32>,
          %parallel_loop3A_861 = arith.constant 1.700000e-01 : f32
          %parallel_loop3A_862 = vector.broadcast %parallel_loop3A_861 : f32 to vector<16xf32>
          %parallel_loop3A_863 = arith.cmpf olt, %parallel_loop3A_862, %parallel_loop3A_282 : vector<16xf32>
          %parallel_loop3A_864 = arith.constant 1.700000e+01 : f32
          %parallel_loop3A_865 = vector.broadcast %parallel_loop3A_864 : f32 to vector<16xf32>
          %parallel_loop3A_866 = arith.mulf %parallel_loop3A_272, %parallel_loop3A_865 : vector<16xf32>
          %parallel_loop3A_867 = arith.addf %parallel_loop3A_866, %parallel_loop3A_278 : vector<16xf32>
          %parallel_loop3A_868 = arith.constant 1.700000e+01 : f32
          %parallel_loop3A_869 = vector.broadcast %parallel_loop3A_868 : f32 to vector<16xf32>
          %parallel_loop3A_870 = arith.mulf %parallel_loop3A_273, %parallel_loop3A_869 : vector<16xf32>
          %parallel_loop3A_871 = arith.addf %parallel_loop3A_870, %parallel_loop3A_281 : vector<16xf32>
          %parallel_loop3A_872 = arith.select %parallel_loop3A_863, %parallel_loop3A_867, %parallel_loop3A_871 : vector<16xi1>, vector<16xf32>
          %parallel_loop3A_873 = arith.fptosi %parallel_loop3A_872 : vector<16xf32> to vector<16xi32>
          %parallel_loop3A_874 = arith.sitofp %parallel_loop3A_873 : vector<16xi32> to vector<16xf32>
          %parallel_loop3A_875 = arith.subf %parallel_loop3A_872, %parallel_loop3A_874 : vector<16xf32>
          %parallel_loop3A_876 = tpu.vector_load_idx %arg9[%parallel_loop3A_873] : memref<1600xi32, #tpu.memory_space<vmem>>[vector<16xi32>], vector<16xi32>,
          %parallel_loop3A_877 = arith.constant 0.179999992 : f32
          %parallel_loop3A_878 = vector.broadcast %parallel_loop3A_877 : f32 to vector<16xf32>
          %parallel_loop3A_879 = arith.cmpf olt, %parallel_loop3A_878, %parallel_loop3A_282 : vector<16xf32>
          %parallel_loop3A_880 = arith.constant 1.800000e+01 : f32
          %parallel_loop3A_881 = vector.broadcast %parallel_loop3A_880 : f32 to vector<16xf32>
          %parallel_loop3A_882 = arith.mulf %parallel_loop3A_272, %parallel_loop3A_881 : vector<16xf32>
          %parallel_loop3A_883 = arith.addf %parallel_loop3A_882, %parallel_loop3A_278 : vector<16xf32>
          %parallel_loop3A_884 = arith.constant 1.800000e+01 : f32
          %parallel_loop3A_885 = vector.broadcast %parallel_loop3A_884 : f32 to vector<16xf32>
          %parallel_loop3A_886 = arith.mulf %parallel_loop3A_273, %parallel_loop3A_885 : vector<16xf32>
          %parallel_loop3A_887 = arith.addf %parallel_loop3A_886, %parallel_loop3A_281 : vector<16xf32>
          %parallel_loop3A_888 = arith.select %parallel_loop3A_879, %parallel_loop3A_883, %parallel_loop3A_887 : vector<16xi1>, vector<16xf32>
          %parallel_loop3A_889 = arith.fptosi %parallel_loop3A_888 : vector<16xf32> to vector<16xi32>
          %parallel_loop3A_890 = arith.sitofp %parallel_loop3A_889 : vector<16xi32> to vector<16xf32>
          %parallel_loop3A_891 = arith.subf %parallel_loop3A_888, %parallel_loop3A_890 : vector<16xf32>
          %parallel_loop3A_892 = tpu.vector_load_idx %arg9[%parallel_loop3A_889] : memref<1600xi32, #tpu.memory_space<vmem>>[vector<16xi32>], vector<16xi32>,
          %parallel_loop3A_893 = arith.constant 1.900000e-01 : f32
          %parallel_loop3A_894 = vector.broadcast %parallel_loop3A_893 : f32 to vector<16xf32>
          %parallel_loop3A_895 = arith.cmpf olt, %parallel_loop3A_894, %parallel_loop3A_282 : vector<16xf32>
          %parallel_loop3A_896 = arith.constant 1.900000e+01 : f32
          %parallel_loop3A_897 = vector.broadcast %parallel_loop3A_896 : f32 to vector<16xf32>
          %parallel_loop3A_898 = arith.mulf %parallel_loop3A_272, %parallel_loop3A_897 : vector<16xf32>
          %parallel_loop3A_899 = arith.addf %parallel_loop3A_898, %parallel_loop3A_278 : vector<16xf32>
          %parallel_loop3A_900 = arith.constant 1.900000e+01 : f32
          %parallel_loop3A_901 = vector.broadcast %parallel_loop3A_900 : f32 to vector<16xf32>
          %parallel_loop3A_902 = arith.mulf %parallel_loop3A_273, %parallel_loop3A_901 : vector<16xf32>
          %parallel_loop3A_903 = arith.addf %parallel_loop3A_902, %parallel_loop3A_281 : vector<16xf32>
          %parallel_loop3A_904 = arith.select %parallel_loop3A_895, %parallel_loop3A_899, %parallel_loop3A_903 : vector<16xi1>, vector<16xf32>
          %parallel_loop3A_905 = arith.fptosi %parallel_loop3A_904 : vector<16xf32> to vector<16xi32>
          %parallel_loop3A_906 = arith.sitofp %parallel_loop3A_905 : vector<16xi32> to vector<16xf32>
          %parallel_loop3A_907 = arith.subf %parallel_loop3A_904, %parallel_loop3A_906 : vector<16xf32>
          %parallel_loop3A_908 = tpu.vector_load_idx %arg9[%parallel_loop3A_905] : memref<1600xi32, #tpu.memory_space<vmem>>[vector<16xi32>], vector<16xi32>,
          %parallel_loop3A_909 = arith.constant 0.199999988 : f32
          %parallel_loop3A_910 = vector.broadcast %parallel_loop3A_909 : f32 to vector<16xf32>
          %parallel_loop3A_911 = arith.cmpf olt, %parallel_loop3A_910, %parallel_loop3A_282 : vector<16xf32>
          %parallel_loop3A_912 = arith.constant 2.000000e+01 : f32
          %parallel_loop3A_913 = vector.broadcast %parallel_loop3A_912 : f32 to vector<16xf32>
          %parallel_loop3A_914 = arith.mulf %parallel_loop3A_272, %parallel_loop3A_913 : vector<16xf32>
          %parallel_loop3A_915 = arith.addf %parallel_loop3A_914, %parallel_loop3A_278 : vector<16xf32>
          %parallel_loop3A_916 = arith.constant 2.000000e+01 : f32
          %parallel_loop3A_917 = vector.broadcast %parallel_loop3A_916 : f32 to vector<16xf32>
          %parallel_loop3A_918 = arith.mulf %parallel_loop3A_273, %parallel_loop3A_917 : vector<16xf32>
          %parallel_loop3A_919 = arith.addf %parallel_loop3A_918, %parallel_loop3A_281 : vector<16xf32>
          %parallel_loop3A_920 = arith.select %parallel_loop3A_911, %parallel_loop3A_915, %parallel_loop3A_919 : vector<16xi1>, vector<16xf32>
          %parallel_loop3A_921 = arith.fptosi %parallel_loop3A_920 : vector<16xf32> to vector<16xi32>
          %parallel_loop3A_922 = arith.sitofp %parallel_loop3A_921 : vector<16xi32> to vector<16xf32>
          %parallel_loop3A_923 = arith.subf %parallel_loop3A_920, %parallel_loop3A_922 : vector<16xf32>
          %parallel_loop3A_924 = tpu.vector_load_idx %arg9[%parallel_loop3A_921] : memref<1600xi32, #tpu.memory_space<vmem>>[vector<16xi32>], vector<16xi32>,
          %parallel_loop3A_925 = arith.constant 2.100000e-01 : f32
          %parallel_loop3A_926 = vector.broadcast %parallel_loop3A_925 : f32 to vector<16xf32>
          %parallel_loop3A_927 = arith.cmpf olt, %parallel_loop3A_926, %parallel_loop3A_282 : vector<16xf32>
          %parallel_loop3A_928 = arith.constant 2.100000e+01 : f32
          %parallel_loop3A_929 = vector.broadcast %parallel_loop3A_928 : f32 to vector<16xf32>
          %parallel_loop3A_930 = arith.mulf %parallel_loop3A_272, %parallel_loop3A_929 : vector<16xf32>
          %parallel_loop3A_931 = arith.addf %parallel_loop3A_930, %parallel_loop3A_278 : vector<16xf32>
          %parallel_loop3A_932 = arith.constant 2.100000e+01 : f32
          %parallel_loop3A_933 = vector.broadcast %parallel_loop3A_932 : f32 to vector<16xf32>
          %parallel_loop3A_934 = arith.mulf %parallel_loop3A_273, %parallel_loop3A_933 : vector<16xf32>
          %parallel_loop3A_935 = arith.addf %parallel_loop3A_934, %parallel_loop3A_281 : vector<16xf32>
          %parallel_loop3A_936 = arith.select %parallel_loop3A_927, %parallel_loop3A_931, %parallel_loop3A_935 : vector<16xi1>, vector<16xf32>
          %parallel_loop3A_937 = arith.fptosi %parallel_loop3A_936 : vector<16xf32> to vector<16xi32>
          %parallel_loop3A_938 = arith.sitofp %parallel_loop3A_937 : vector<16xi32> to vector<16xf32>
          %parallel_loop3A_939 = arith.subf %parallel_loop3A_936, %parallel_loop3A_938 : vector<16xf32>
          %parallel_loop3A_940 = tpu.vector_load_idx %arg9[%parallel_loop3A_937] : memref<1600xi32, #tpu.memory_space<vmem>>[vector<16xi32>], vector<16xi32>,
          %parallel_loop3A_941 = arith.constant 2.200000e-01 : f32
          %parallel_loop3A_942 = vector.broadcast %parallel_loop3A_941 : f32 to vector<16xf32>
          %parallel_loop3A_943 = arith.cmpf olt, %parallel_loop3A_942, %parallel_loop3A_282 : vector<16xf32>
          %parallel_loop3A_944 = arith.constant 2.200000e+01 : f32
          %parallel_loop3A_945 = vector.broadcast %parallel_loop3A_944 : f32 to vector<16xf32>
          %parallel_loop3A_946 = arith.mulf %parallel_loop3A_272, %parallel_loop3A_945 : vector<16xf32>
          %parallel_loop3A_947 = arith.addf %parallel_loop3A_946, %parallel_loop3A_278 : vector<16xf32>
          %parallel_loop3A_948 = arith.constant 2.200000e+01 : f32
          %parallel_loop3A_949 = vector.broadcast %parallel_loop3A_948 : f32 to vector<16xf32>
          %parallel_loop3A_950 = arith.mulf %parallel_loop3A_273, %parallel_loop3A_949 : vector<16xf32>
          %parallel_loop3A_951 = arith.addf %parallel_loop3A_950, %parallel_loop3A_281 : vector<16xf32>
          %parallel_loop3A_952 = arith.select %parallel_loop3A_943, %parallel_loop3A_947, %parallel_loop3A_951 : vector<16xi1>, vector<16xf32>
          %parallel_loop3A_953 = arith.fptosi %parallel_loop3A_952 : vector<16xf32> to vector<16xi32>
          %parallel_loop3A_954 = arith.sitofp %parallel_loop3A_953 : vector<16xi32> to vector<16xf32>
          %parallel_loop3A_955 = arith.subf %parallel_loop3A_952, %parallel_loop3A_954 : vector<16xf32>
          %parallel_loop3A_956 = tpu.vector_load_idx %arg9[%parallel_loop3A_953] : memref<1600xi32, #tpu.memory_space<vmem>>[vector<16xi32>], vector<16xi32>,
          %parallel_loop3A_957 = arith.constant 0.229999989 : f32
          %parallel_loop3A_958 = vector.broadcast %parallel_loop3A_957 : f32 to vector<16xf32>
          %parallel_loop3A_959 = arith.cmpf olt, %parallel_loop3A_958, %parallel_loop3A_282 : vector<16xf32>
          %parallel_loop3A_960 = arith.constant 2.300000e+01 : f32
          %parallel_loop3A_961 = vector.broadcast %parallel_loop3A_960 : f32 to vector<16xf32>
          %parallel_loop3A_962 = arith.mulf %parallel_loop3A_272, %parallel_loop3A_961 : vector<16xf32>
          %parallel_loop3A_963 = arith.addf %parallel_loop3A_962, %parallel_loop3A_278 : vector<16xf32>
          %parallel_loop3A_964 = arith.constant 2.300000e+01 : f32
          %parallel_loop3A_965 = vector.broadcast %parallel_loop3A_964 : f32 to vector<16xf32>
          %parallel_loop3A_966 = arith.mulf %parallel_loop3A_273, %parallel_loop3A_965 : vector<16xf32>
          %parallel_loop3A_967 = arith.addf %parallel_loop3A_966, %parallel_loop3A_281 : vector<16xf32>
          %parallel_loop3A_968 = arith.select %parallel_loop3A_959, %parallel_loop3A_963, %parallel_loop3A_967 : vector<16xi1>, vector<16xf32>
          %parallel_loop3A_969 = arith.fptosi %parallel_loop3A_968 : vector<16xf32> to vector<16xi32>
          %parallel_loop3A_970 = arith.sitofp %parallel_loop3A_969 : vector<16xi32> to vector<16xf32>
          %parallel_loop3A_971 = arith.subf %parallel_loop3A_968, %parallel_loop3A_970 : vector<16xf32>
          %parallel_loop3A_972 = tpu.vector_load_idx %arg9[%parallel_loop3A_969] : memref<1600xi32, #tpu.memory_space<vmem>>[vector<16xi32>], vector<16xi32>,
          %parallel_loop3A_973 = arith.constant 2.400000e-01 : f32
          %parallel_loop3A_974 = vector.broadcast %parallel_loop3A_973 : f32 to vector<16xf32>
          %parallel_loop3A_975 = arith.cmpf olt, %parallel_loop3A_974, %parallel_loop3A_282 : vector<16xf32>
          %parallel_loop3A_976 = arith.constant 2.400000e+01 : f32
          %parallel_loop3A_977 = vector.broadcast %parallel_loop3A_976 : f32 to vector<16xf32>
          %parallel_loop3A_978 = arith.mulf %parallel_loop3A_272, %parallel_loop3A_977 : vector<16xf32>
          %parallel_loop3A_979 = arith.addf %parallel_loop3A_978, %parallel_loop3A_278 : vector<16xf32>
          %parallel_loop3A_980 = arith.constant 2.400000e+01 : f32
          %parallel_loop3A_981 = vector.broadcast %parallel_loop3A_980 : f32 to vector<16xf32>
          %parallel_loop3A_982 = arith.mulf %parallel_loop3A_273, %parallel_loop3A_981 : vector<16xf32>
          %parallel_loop3A_983 = arith.addf %parallel_loop3A_982, %parallel_loop3A_281 : vector<16xf32>
          %parallel_loop3A_984 = arith.select %parallel_loop3A_975, %parallel_loop3A_979, %parallel_loop3A_983 : vector<16xi1>, vector<16xf32>
          %parallel_loop3A_985 = arith.fptosi %parallel_loop3A_984 : vector<16xf32> to vector<16xi32>
          %parallel_loop3A_986 = arith.sitofp %parallel_loop3A_985 : vector<16xi32> to vector<16xf32>
          %parallel_loop3A_987 = arith.subf %parallel_loop3A_984, %parallel_loop3A_986 : vector<16xf32>
          %parallel_loop3A_988 = tpu.vector_load_idx %arg9[%parallel_loop3A_985] : memref<1600xi32, #tpu.memory_space<vmem>>[vector<16xi32>], vector<16xi32>,
          %parallel_loop3A_989 = arith.constant 16 : i32
          %parallel_loop3A_990 = vector.broadcast %parallel_loop3A_989 : i32 to vector<16xi32>
          %parallel_loop3A_991 = arith.shli %parallel_loop3A_876, %parallel_loop3A_990 : vector<16xi32>
          %parallel_loop3A_992 = vector.bitcast %parallel_loop3A_991 : vector<16xi32> to vector<16xf32>
          %parallel_loop3A_993 = arith.constant -65536 : i32
          %parallel_loop3A_994 = vector.broadcast %parallel_loop3A_993 : i32 to vector<16xi32>
          %parallel_loop3A_995 = arith.andi %parallel_loop3A_876, %parallel_loop3A_994 : vector<16xi32>
          %parallel_loop3A_996 = vector.bitcast %parallel_loop3A_995 : vector<16xi32> to vector<16xf32>
          %parallel_loop3A_997 = arith.subf %parallel_loop3A_996, %parallel_loop3A_992 : vector<16xf32>
          %parallel_loop3A_998 = arith.mulf %parallel_loop3A_875, %parallel_loop3A_997 : vector<16xf32>
          %parallel_loop3A_999 = arith.addf %parallel_loop3A_992, %parallel_loop3A_998 : vector<16xf32>
          %parallel_loop3A_1000 = arith.constant 16 : i32
          %parallel_loop3A_1001 = arith.muli %parallel_loop3A_252, %parallel_loop3A_1000 : i32
          %parallel_loop3A_1002 = arith.constant 17 : i32
          %parallel_loop3A_1003 = arith.index_cast %parallel_loop3A_1002 : i32 to index
          %parallel_loop3A_1004 = arith.index_cast %parallel_loop3A_245 : i32 to index
          %parallel_loop3A_1005 = arith.index_cast %parallel_loop3A_1001 : i32 to index
          %parallel_loop3A_1006 = tpu.vector_load %arg13[%parallel_loop3A_1003, %parallel_loop3A_1004, %parallel_loop3A_1005] {strides = array<i32>} : memref<25x8x128xf32, #tpu.memory_space<vmem>>, vector<16xf32>,
          tpu.vector_store %arg13[%parallel_loop3A_1003, %parallel_loop3A_1004, %parallel_loop3A_1005], %parallel_loop3A_999 {strides = array<i32>} : memref<25x8x128xf32, #tpu.memory_space<vmem>>, vector<16xf32>,
          %parallel_loop3A_1007 = arith.constant 16 : i32
          %parallel_loop3A_1008 = vector.broadcast %parallel_loop3A_1007 : i32 to vector<16xi32>
          %parallel_loop3A_1009 = arith.shli %parallel_loop3A_892, %parallel_loop3A_1008 : vector<16xi32>
          %parallel_loop3A_1010 = vector.bitcast %parallel_loop3A_1009 : vector<16xi32> to vector<16xf32>
          %parallel_loop3A_1011 = arith.constant -65536 : i32
          %parallel_loop3A_1012 = vector.broadcast %parallel_loop3A_1011 : i32 to vector<16xi32>
          %parallel_loop3A_1013 = arith.andi %parallel_loop3A_892, %parallel_loop3A_1012 : vector<16xi32>
          %parallel_loop3A_1014 = vector.bitcast %parallel_loop3A_1013 : vector<16xi32> to vector<16xf32>
          %parallel_loop3A_1015 = arith.subf %parallel_loop3A_1014, %parallel_loop3A_1010 : vector<16xf32>
          %parallel_loop3A_1016 = arith.mulf %parallel_loop3A_891, %parallel_loop3A_1015 : vector<16xf32>
          %parallel_loop3A_1017 = arith.addf %parallel_loop3A_1010, %parallel_loop3A_1016 : vector<16xf32>
          %parallel_loop3A_1018 = arith.constant 16 : i32
          %parallel_loop3A_1019 = arith.muli %parallel_loop3A_252, %parallel_loop3A_1018 : i32
          %parallel_loop3A_1020 = arith.constant 18 : i32
          %parallel_loop3A_1021 = arith.index_cast %parallel_loop3A_1020 : i32 to index
          %parallel_loop3A_1022 = arith.index_cast %parallel_loop3A_245 : i32 to index
          %parallel_loop3A_1023 = arith.index_cast %parallel_loop3A_1019 : i32 to index
          %parallel_loop3A_1024 = tpu.vector_load %arg13[%parallel_loop3A_1021, %parallel_loop3A_1022, %parallel_loop3A_1023] {strides = array<i32>} : memref<25x8x128xf32, #tpu.memory_space<vmem>>, vector<16xf32>,
          tpu.vector_store %arg13[%parallel_loop3A_1021, %parallel_loop3A_1022, %parallel_loop3A_1023], %parallel_loop3A_1017 {strides = array<i32>} : memref<25x8x128xf32, #tpu.memory_space<vmem>>, vector<16xf32>,
          %parallel_loop3A_1025 = arith.constant 16 : i32
          %parallel_loop3A_1026 = vector.broadcast %parallel_loop3A_1025 : i32 to vector<16xi32>
          %parallel_loop3A_1027 = arith.shli %parallel_loop3A_908, %parallel_loop3A_1026 : vector<16xi32>
          %parallel_loop3A_1028 = vector.bitcast %parallel_loop3A_1027 : vector<16xi32> to vector<16xf32>
          %parallel_loop3A_1029 = arith.constant -65536 : i32
          %parallel_loop3A_1030 = vector.broadcast %parallel_loop3A_1029 : i32 to vector<16xi32>
          %parallel_loop3A_1031 = arith.andi %parallel_loop3A_908, %parallel_loop3A_1030 : vector<16xi32>
          %parallel_loop3A_1032 = vector.bitcast %parallel_loop3A_1031 : vector<16xi32> to vector<16xf32>
          %parallel_loop3A_1033 = arith.subf %parallel_loop3A_1032, %parallel_loop3A_1028 : vector<16xf32>
          %parallel_loop3A_1034 = arith.mulf %parallel_loop3A_907, %parallel_loop3A_1033 : vector<16xf32>
          %parallel_loop3A_1035 = arith.addf %parallel_loop3A_1028, %parallel_loop3A_1034 : vector<16xf32>
          %parallel_loop3A_1036 = arith.constant 16 : i32
          %parallel_loop3A_1037 = arith.muli %parallel_loop3A_252, %parallel_loop3A_1036 : i32
          %parallel_loop3A_1038 = arith.constant 19 : i32
          %parallel_loop3A_1039 = arith.index_cast %parallel_loop3A_1038 : i32 to index
          %parallel_loop3A_1040 = arith.index_cast %parallel_loop3A_245 : i32 to index
          %parallel_loop3A_1041 = arith.index_cast %parallel_loop3A_1037 : i32 to index
          %parallel_loop3A_1042 = tpu.vector_load %arg13[%parallel_loop3A_1039, %parallel_loop3A_1040, %parallel_loop3A_1041] {strides = array<i32>} : memref<25x8x128xf32, #tpu.memory_space<vmem>>, vector<16xf32>,
          tpu.vector_store %arg13[%parallel_loop3A_1039, %parallel_loop3A_1040, %parallel_loop3A_1041], %parallel_loop3A_1035 {strides = array<i32>} : memref<25x8x128xf32, #tpu.memory_space<vmem>>, vector<16xf32>,
          %parallel_loop3A_1043 = arith.constant 16 : i32
          %parallel_loop3A_1044 = vector.broadcast %parallel_loop3A_1043 : i32 to vector<16xi32>
          %parallel_loop3A_1045 = arith.shli %parallel_loop3A_924, %parallel_loop3A_1044 : vector<16xi32>
          %parallel_loop3A_1046 = vector.bitcast %parallel_loop3A_1045 : vector<16xi32> to vector<16xf32>
          %parallel_loop3A_1047 = arith.constant -65536 : i32
          %parallel_loop3A_1048 = vector.broadcast %parallel_loop3A_1047 : i32 to vector<16xi32>
          %parallel_loop3A_1049 = arith.andi %parallel_loop3A_924, %parallel_loop3A_1048 : vector<16xi32>
          %parallel_loop3A_1050 = vector.bitcast %parallel_loop3A_1049 : vector<16xi32> to vector<16xf32>
          %parallel_loop3A_1051 = arith.subf %parallel_loop3A_1050, %parallel_loop3A_1046 : vector<16xf32>
          %parallel_loop3A_1052 = arith.mulf %parallel_loop3A_923, %parallel_loop3A_1051 : vector<16xf32>
          %parallel_loop3A_1053 = arith.addf %parallel_loop3A_1046, %parallel_loop3A_1052 : vector<16xf32>
          %parallel_loop3A_1054 = arith.constant 16 : i32
          %parallel_loop3A_1055 = arith.muli %parallel_loop3A_252, %parallel_loop3A_1054 : i32
          %parallel_loop3A_1056 = arith.constant 20 : i32
          %parallel_loop3A_1057 = arith.index_cast %parallel_loop3A_1056 : i32 to index
          %parallel_loop3A_1058 = arith.index_cast %parallel_loop3A_245 : i32 to index
          %parallel_loop3A_1059 = arith.index_cast %parallel_loop3A_1055 : i32 to index
          %parallel_loop3A_1060 = tpu.vector_load %arg13[%parallel_loop3A_1057, %parallel_loop3A_1058, %parallel_loop3A_1059] {strides = array<i32>} : memref<25x8x128xf32, #tpu.memory_space<vmem>>, vector<16xf32>,
          tpu.vector_store %arg13[%parallel_loop3A_1057, %parallel_loop3A_1058, %parallel_loop3A_1059], %parallel_loop3A_1053 {strides = array<i32>} : memref<25x8x128xf32, #tpu.memory_space<vmem>>, vector<16xf32>,
          %parallel_loop3A_1061 = arith.constant 16 : i32
          %parallel_loop3A_1062 = vector.broadcast %parallel_loop3A_1061 : i32 to vector<16xi32>
          %parallel_loop3A_1063 = arith.shli %parallel_loop3A_940, %parallel_loop3A_1062 : vector<16xi32>
          %parallel_loop3A_1064 = vector.bitcast %parallel_loop3A_1063 : vector<16xi32> to vector<16xf32>
          %parallel_loop3A_1065 = arith.constant -65536 : i32
          %parallel_loop3A_1066 = vector.broadcast %parallel_loop3A_1065 : i32 to vector<16xi32>
          %parallel_loop3A_1067 = arith.andi %parallel_loop3A_940, %parallel_loop3A_1066 : vector<16xi32>
          %parallel_loop3A_1068 = vector.bitcast %parallel_loop3A_1067 : vector<16xi32> to vector<16xf32>
          %parallel_loop3A_1069 = arith.subf %parallel_loop3A_1068, %parallel_loop3A_1064 : vector<16xf32>
          %parallel_loop3A_1070 = arith.mulf %parallel_loop3A_939, %parallel_loop3A_1069 : vector<16xf32>
          %parallel_loop3A_1071 = arith.addf %parallel_loop3A_1064, %parallel_loop3A_1070 : vector<16xf32>
          %parallel_loop3A_1072 = arith.constant 16 : i32
          %parallel_loop3A_1073 = arith.muli %parallel_loop3A_252, %parallel_loop3A_1072 : i32
          %parallel_loop3A_1074 = arith.constant 21 : i32
          %parallel_loop3A_1075 = arith.index_cast %parallel_loop3A_1074 : i32 to index
          %parallel_loop3A_1076 = arith.index_cast %parallel_loop3A_245 : i32 to index
          %parallel_loop3A_1077 = arith.index_cast %parallel_loop3A_1073 : i32 to index
          %parallel_loop3A_1078 = tpu.vector_load %arg13[%parallel_loop3A_1075, %parallel_loop3A_1076, %parallel_loop3A_1077] {strides = array<i32>} : memref<25x8x128xf32, #tpu.memory_space<vmem>>, vector<16xf32>,
          tpu.vector_store %arg13[%parallel_loop3A_1075, %parallel_loop3A_1076, %parallel_loop3A_1077], %parallel_loop3A_1071 {strides = array<i32>} : memref<25x8x128xf32, #tpu.memory_space<vmem>>, vector<16xf32>,
          %parallel_loop3A_1079 = arith.constant 16 : i32
          %parallel_loop3A_1080 = vector.broadcast %parallel_loop3A_1079 : i32 to vector<16xi32>
          %parallel_loop3A_1081 = arith.shli %parallel_loop3A_956, %parallel_loop3A_1080 : vector<16xi32>
          %parallel_loop3A_1082 = vector.bitcast %parallel_loop3A_1081 : vector<16xi32> to vector<16xf32>
          %parallel_loop3A_1083 = arith.constant -65536 : i32
          %parallel_loop3A_1084 = vector.broadcast %parallel_loop3A_1083 : i32 to vector<16xi32>
          %parallel_loop3A_1085 = arith.andi %parallel_loop3A_956, %parallel_loop3A_1084 : vector<16xi32>
          %parallel_loop3A_1086 = vector.bitcast %parallel_loop3A_1085 : vector<16xi32> to vector<16xf32>
          %parallel_loop3A_1087 = arith.subf %parallel_loop3A_1086, %parallel_loop3A_1082 : vector<16xf32>
          %parallel_loop3A_1088 = arith.mulf %parallel_loop3A_955, %parallel_loop3A_1087 : vector<16xf32>
          %parallel_loop3A_1089 = arith.addf %parallel_loop3A_1082, %parallel_loop3A_1088 : vector<16xf32>
          %parallel_loop3A_1090 = arith.constant 16 : i32
          %parallel_loop3A_1091 = arith.muli %parallel_loop3A_252, %parallel_loop3A_1090 : i32
          %parallel_loop3A_1092 = arith.constant 22 : i32
          %parallel_loop3A_1093 = arith.index_cast %parallel_loop3A_1092 : i32 to index
          %parallel_loop3A_1094 = arith.index_cast %parallel_loop3A_245 : i32 to index
          %parallel_loop3A_1095 = arith.index_cast %parallel_loop3A_1091 : i32 to index
          %parallel_loop3A_1096 = tpu.vector_load %arg13[%parallel_loop3A_1093, %parallel_loop3A_1094, %parallel_loop3A_1095] {strides = array<i32>} : memref<25x8x128xf32, #tpu.memory_space<vmem>>, vector<16xf32>,
          tpu.vector_store %arg13[%parallel_loop3A_1093, %parallel_loop3A_1094, %parallel_loop3A_1095], %parallel_loop3A_1089 {strides = array<i32>} : memref<25x8x128xf32, #tpu.memory_space<vmem>>, vector<16xf32>,
          %parallel_loop3A_1097 = arith.constant 16 : i32
          %parallel_loop3A_1098 = vector.broadcast %parallel_loop3A_1097 : i32 to vector<16xi32>
          %parallel_loop3A_1099 = arith.shli %parallel_loop3A_972, %parallel_loop3A_1098 : vector<16xi32>
          %parallel_loop3A_1100 = vector.bitcast %parallel_loop3A_1099 : vector<16xi32> to vector<16xf32>
          %parallel_loop3A_1101 = arith.constant -65536 : i32
          %parallel_loop3A_1102 = vector.broadcast %parallel_loop3A_1101 : i32 to vector<16xi32>
          %parallel_loop3A_1103 = arith.andi %parallel_loop3A_972, %parallel_loop3A_1102 : vector<16xi32>
          %parallel_loop3A_1104 = vector.bitcast %parallel_loop3A_1103 : vector<16xi32> to vector<16xf32>
          %parallel_loop3A_1105 = arith.subf %parallel_loop3A_1104, %parallel_loop3A_1100 : vector<16xf32>
          %parallel_loop3A_1106 = arith.mulf %parallel_loop3A_971, %parallel_loop3A_1105 : vector<16xf32>
          %parallel_loop3A_1107 = arith.addf %parallel_loop3A_1100, %parallel_loop3A_1106 : vector<16xf32>
          %parallel_loop3A_1108 = arith.constant 16 : i32
          %parallel_loop3A_1109 = arith.muli %parallel_loop3A_252, %parallel_loop3A_1108 : i32
          %parallel_loop3A_1110 = arith.constant 23 : i32
          %parallel_loop3A_1111 = arith.index_cast %parallel_loop3A_1110 : i32 to index
          %parallel_loop3A_1112 = arith.index_cast %parallel_loop3A_245 : i32 to index
          %parallel_loop3A_1113 = arith.index_cast %parallel_loop3A_1109 : i32 to index
          %parallel_loop3A_1114 = tpu.vector_load %arg13[%parallel_loop3A_1111, %parallel_loop3A_1112, %parallel_loop3A_1113] {strides = array<i32>} : memref<25x8x128xf32, #tpu.memory_space<vmem>>, vector<16xf32>,
          tpu.vector_store %arg13[%parallel_loop3A_1111, %parallel_loop3A_1112, %parallel_loop3A_1113], %parallel_loop3A_1107 {strides = array<i32>} : memref<25x8x128xf32, #tpu.memory_space<vmem>>, vector<16xf32>,
          %parallel_loop3A_1115 = arith.constant 16 : i32
          %parallel_loop3A_1116 = vector.broadcast %parallel_loop3A_1115 : i32 to vector<16xi32>
          %parallel_loop3A_1117 = arith.shli %parallel_loop3A_988, %parallel_loop3A_1116 : vector<16xi32>
          %parallel_loop3A_1118 = vector.bitcast %parallel_loop3A_1117 : vector<16xi32> to vector<16xf32>
          %parallel_loop3A_1119 = arith.constant -65536 : i32
          %parallel_loop3A_1120 = vector.broadcast %parallel_loop3A_1119 : i32 to vector<16xi32>
          %parallel_loop3A_1121 = arith.andi %parallel_loop3A_988, %parallel_loop3A_1120 : vector<16xi32>
          %parallel_loop3A_1122 = vector.bitcast %parallel_loop3A_1121 : vector<16xi32> to vector<16xf32>
          %parallel_loop3A_1123 = arith.subf %parallel_loop3A_1122, %parallel_loop3A_1118 : vector<16xf32>
          %parallel_loop3A_1124 = arith.mulf %parallel_loop3A_987, %parallel_loop3A_1123 : vector<16xf32>
          %parallel_loop3A_1125 = arith.addf %parallel_loop3A_1118, %parallel_loop3A_1124 : vector<16xf32>
          %parallel_loop3A_1126 = arith.constant 16 : i32
          %parallel_loop3A_1127 = arith.muli %parallel_loop3A_252, %parallel_loop3A_1126 : i32
          %parallel_loop3A_1128 = arith.constant 24 : i32
          %parallel_loop3A_1129 = arith.index_cast %parallel_loop3A_1128 : i32 to index
          %parallel_loop3A_1130 = arith.index_cast %parallel_loop3A_245 : i32 to index
          %parallel_loop3A_1131 = arith.index_cast %parallel_loop3A_1127 : i32 to index
          %parallel_loop3A_1132 = tpu.vector_load %arg13[%parallel_loop3A_1129, %parallel_loop3A_1130, %parallel_loop3A_1131] {strides = array<i32>} : memref<25x8x128xf32, #tpu.memory_space<vmem>>, vector<16xf32>,
          tpu.vector_store %arg13[%parallel_loop3A_1129, %parallel_loop3A_1130, %parallel_loop3A_1131], %parallel_loop3A_1125 {strides = array<i32>} : memref<25x8x128xf32, #tpu.memory_space<vmem>>, vector<16xf32>,
        } {sc.loop_unroll_factor = 1 : i64, sc.parallel_access}
      } {sc.loop_unroll_factor = 1 : i64, sc.parallel_access}
      %dma_start3A = arith.constant 0 : i32
      %dma_start3A_227 = arith.constant 0 : i32
      %dma_start3A_228 = arith.constant 0 : i32
      %dma_start3A_229 = tpu.memref_slice %arg7[%select_n3A, %add3A_98, %dma_start3A, %dma_start3A_227, %mul3A_217, %dma_start3A_228] : memref<8x200x1x1x64x128xf32, #tpu.memory_space<hbm>> -> memref<1x25x1x1x8x128xf32, #tpu.memory_space<hbm>>
      %dma_start3A_230 = tpu.memref_squeeze %dma_start3A_229 : memref<1x25x1x1x8x128xf32, #tpu.memory_space<hbm>> -> memref<25x8x128xf32, #tpu.memory_space<hbm>>
      %dma_start3A_231 = arith.constant 0 : i32
      %dma_start3A_232 = tpu.memref_slice %arg7[%select_n3A, %add3A_98, %dma_start3A, %dma_start3A_227, %mul3A_217, %dma_start3A_231] : memref<8x200x1x1x64x128xf32, #tpu.memory_space<hbm>> -> memref<1x25x1x1x8x128xf32, #tpu.memory_space<hbm>>
      %dma_start3A_233 = tpu.memref_squeeze %dma_start3A_232 : memref<1x25x1x1x8x128xf32, #tpu.memory_space<hbm>> -> memref<25x8x128xf32, #tpu.memory_space<hbm>>
      tpu.enqueue_dma source(%arg13 : memref<25x8x128xf32, #tpu.memory_space<vmem>>) target(%dma_start3A_233 : memref<25x8x128xf32, #tpu.memory_space<hbm>>) target_semaphore(%arg17 : memref<!tpu.dma_semaphore, #tpu.memory_space<semaphore_mem>>)
      %parallel_loop3A_234 = arith.constant 0 : i32
      %parallel_loop3A_235 = arith.constant 8 : i32
      %parallel_loop3A_236 = arith.constant 1 : i32
      scf.for %parallel_loop3A_245 = %parallel_loop3A_234 to %parallel_loop3A_235 step %parallel_loop3A_236  : i32 {
        %parallel_loop3A_246 = arith.addi %add3A_221, %parallel_loop3A_245 : i32
        %parallel_loop3A_247 = vector.broadcast %parallel_loop3A_246 : i32 to vector<16xi32>
        %parallel_loop3A_248 = tpu.vector_load_idx %arg12[%parallel_loop3A_247] : memref<64xf32, #tpu.memory_space<vmem>>[vector<16xi32>], vector<16xf32>,
        %parallel_loop3A_249 = arith.constant 0 : i32
        %parallel_loop3A_250 = arith.constant 8 : i32
        %parallel_loop3A_251 = arith.constant 1 : i32
        scf.for %parallel_loop3A_252 = %parallel_loop3A_249 to %parallel_loop3A_250 step %parallel_loop3A_251  : i32 {
          %parallel_loop3A_253 = arith.constant 16 : i32
          %parallel_loop3A_254 = arith.muli %parallel_loop3A_252, %parallel_loop3A_253 : i32
          %parallel_loop3A_255 = arith.index_cast %parallel_loop3A_246 : i32 to index
          %parallel_loop3A_256 = arith.index_cast %parallel_loop3A_254 : i32 to index
          %parallel_loop3A_257 = tpu.vector_load %arg11[%parallel_loop3A_255, %parallel_loop3A_256] {strides = array<i32>} : memref<64x128xf32, #tpu.memory_space<vmem>>, vector<16xf32>,
          %parallel_loop3A_258 = arith.addf %parallel_loop3A_257, %parallel_loop3A_248 : vector<16xf32>
          %parallel_loop3A_259 = arith.addf %gather3A, %parallel_loop3A_258 : vector<16xf32>
          %parallel_loop3A_260 = arith.cmpf ole, %parallel_loop3A_259, %gather3A_128 : vector<16xf32>
          %parallel_loop3A_261 = arith.select %parallel_loop3A_260, %gather3A_136, %parallel_loop3A_259 : vector<16xi1>, vector<16xf32>
          %parallel_loop3A_262 = arith.cmpf oge, %parallel_loop3A_261, %gather3A_132 : vector<16xf32>
          %parallel_loop3A_263 = arith.select %parallel_loop3A_262, %gather3A_140, %parallel_loop3A_261 : vector<16xi1>, vector<16xf32>
          %parallel_loop3A_264 = arith.subf %parallel_loop3A_263, %gather3A_128 : vector<16xf32>
          %parallel_loop3A_265 = arith.subf %parallel_loop3A_263, %gather3A_132 : vector<16xf32>
          %parallel_loop3A_266 = arith.constant 1.000000e+02 : f32
          %parallel_loop3A_267 = vector.broadcast %parallel_loop3A_266 : f32 to vector<16xf32>
          %parallel_loop3A_268 = arith.mulf %parallel_loop3A_264, %parallel_loop3A_267 : vector<16xf32>
          %parallel_loop3A_269 = arith.constant 1.000000e+02 : f32
          %parallel_loop3A_270 = vector.broadcast %parallel_loop3A_269 : f32 to vector<16xf32>
          %parallel_loop3A_271 = arith.mulf %parallel_loop3A_265, %parallel_loop3A_270 : vector<16xf32>
          %parallel_loop3A_272 = arith.divf %gather3A_144, %parallel_loop3A_268 : vector<16xf32>
          %parallel_loop3A_273 = arith.divf %gather3A_148, %parallel_loop3A_271 : vector<16xf32>
          %parallel_loop3A_274 = arith.mulf %parallel_loop3A_268, %parallel_loop3A_273 : vector<16xf32>
          %parallel_loop3A_275 = arith.subf %gather3A_152, %parallel_loop3A_274 : vector<16xf32>
          %parallel_loop3A_276 = arith.addf %convert_element_type3A_164, %gather3A_156 : vector<16xf32>
          %parallel_loop3A_277 = arith.mulf %parallel_loop3A_272, %convert_element_type3A : vector<16xf32>
          %parallel_loop3A_278 = arith.addf %parallel_loop3A_276, %parallel_loop3A_277 : vector<16xf32>
          %parallel_loop3A_279 = arith.addf %convert_element_type3A_164, %parallel_loop3A_275 : vector<16xf32>
          %parallel_loop3A_280 = arith.mulf %parallel_loop3A_273, %convert_element_type3A : vector<16xf32>
          %parallel_loop3A_281 = arith.addf %parallel_loop3A_279, %parallel_loop3A_280 : vector<16xf32>
          %parallel_loop3A_282 = arith.subf %parallel_loop3A_264, %mul3A_160 : vector<16xf32>
          %parallel_loop3A_283 = arith.constant 0.000000e+00 : f32
          %parallel_loop3A_284 = vector.broadcast %parallel_loop3A_283 : f32 to vector<16xf32>
          %parallel_loop3A_285 = arith.cmpf olt, %parallel_loop3A_284, %parallel_loop3A_282 : vector<16xf32>
          %parallel_loop3A_286 = arith.constant 0.000000e+00 : f32
          %parallel_loop3A_287 = vector.broadcast %parallel_loop3A_286 : f32 to vector<16xf32>
          %parallel_loop3A_288 = arith.mulf %parallel_loop3A_272, %parallel_loop3A_287 : vector<16xf32>
          %parallel_loop3A_289 = arith.addf %parallel_loop3A_288, %parallel_loop3A_278 : vector<16xf32>
          %parallel_loop3A_290 = arith.constant 0.000000e+00 : f32
          %parallel_loop3A_291 = vector.broadcast %parallel_loop3A_290 : f32 to vector<16xf32>
          %parallel_loop3A_292 = arith.mulf %parallel_loop3A_273, %parallel_loop3A_291 : vector<16xf32>
          %parallel_loop3A_293 = arith.addf %parallel_loop3A_292, %parallel_loop3A_281 : vector<16xf32>
          %parallel_loop3A_294 = arith.select %parallel_loop3A_285, %parallel_loop3A_289, %parallel_loop3A_293 : vector<16xi1>, vector<16xf32>
          %parallel_loop3A_295 = arith.fptosi %parallel_loop3A_294 : vector<16xf32> to vector<16xi32>
          %parallel_loop3A_296 = arith.sitofp %parallel_loop3A_295 : vector<16xi32> to vector<16xf32>
          %parallel_loop3A_297 = arith.subf %parallel_loop3A_294, %parallel_loop3A_296 : vector<16xf32>
          %parallel_loop3A_298 = tpu.vector_load_idx %arg9[%parallel_loop3A_295] : memref<1600xi32, #tpu.memory_space<vmem>>[vector<16xi32>], vector<16xi32>,
          %parallel_loop3A_299 = arith.constant 0.00999999977 : f32
          %parallel_loop3A_300 = vector.broadcast %parallel_loop3A_299 : f32 to vector<16xf32>
          %parallel_loop3A_301 = arith.cmpf olt, %parallel_loop3A_300, %parallel_loop3A_282 : vector<16xf32>
          %parallel_loop3A_302 = arith.constant 1.000000e+00 : f32
          %parallel_loop3A_303 = vector.broadcast %parallel_loop3A_302 : f32 to vector<16xf32>
          %parallel_loop3A_304 = arith.mulf %parallel_loop3A_272, %parallel_loop3A_303 : vector<16xf32>
          %parallel_loop3A_305 = arith.addf %parallel_loop3A_304, %parallel_loop3A_278 : vector<16xf32>
          %parallel_loop3A_306 = arith.constant 1.000000e+00 : f32
          %parallel_loop3A_307 = vector.broadcast %parallel_loop3A_306 : f32 to vector<16xf32>
          %parallel_loop3A_308 = arith.mulf %parallel_loop3A_273, %parallel_loop3A_307 : vector<16xf32>
          %parallel_loop3A_309 = arith.addf %parallel_loop3A_308, %parallel_loop3A_281 : vector<16xf32>
          %parallel_loop3A_310 = arith.select %parallel_loop3A_301, %parallel_loop3A_305, %parallel_loop3A_309 : vector<16xi1>, vector<16xf32>
          %parallel_loop3A_311 = arith.fptosi %parallel_loop3A_310 : vector<16xf32> to vector<16xi32>
          %parallel_loop3A_312 = arith.sitofp %parallel_loop3A_311 : vector<16xi32> to vector<16xf32>
          %parallel_loop3A_313 = arith.subf %parallel_loop3A_310, %parallel_loop3A_312 : vector<16xf32>
          %parallel_loop3A_314 = tpu.vector_load_idx %arg9[%parallel_loop3A_311] : memref<1600xi32, #tpu.memory_space<vmem>>[vector<16xi32>], vector<16xi32>,
          %parallel_loop3A_315 = arith.constant 2.000000e-02 : f32
          %parallel_loop3A_316 = vector.broadcast %parallel_loop3A_315 : f32 to vector<16xf32>
          %parallel_loop3A_317 = arith.cmpf olt, %parallel_loop3A_316, %parallel_loop3A_282 : vector<16xf32>
          %parallel_loop3A_318 = arith.constant 2.000000e+00 : f32
          %parallel_loop3A_319 = vector.broadcast %parallel_loop3A_318 : f32 to vector<16xf32>
          %parallel_loop3A_320 = arith.mulf %parallel_loop3A_272, %parallel_loop3A_319 : vector<16xf32>
          %parallel_loop3A_321 = arith.addf %parallel_loop3A_320, %parallel_loop3A_278 : vector<16xf32>
          %parallel_loop3A_322 = arith.constant 2.000000e+00 : f32
          %parallel_loop3A_323 = vector.broadcast %parallel_loop3A_322 : f32 to vector<16xf32>
          %parallel_loop3A_324 = arith.mulf %parallel_loop3A_273, %parallel_loop3A_323 : vector<16xf32>
          %parallel_loop3A_325 = arith.addf %parallel_loop3A_324, %parallel_loop3A_281 : vector<16xf32>
          %parallel_loop3A_326 = arith.select %parallel_loop3A_317, %parallel_loop3A_321, %parallel_loop3A_325 : vector<16xi1>, vector<16xf32>
          %parallel_loop3A_327 = arith.fptosi %parallel_loop3A_326 : vector<16xf32> to vector<16xi32>
          %parallel_loop3A_328 = arith.sitofp %parallel_loop3A_327 : vector<16xi32> to vector<16xf32>
          %parallel_loop3A_329 = arith.subf %parallel_loop3A_326, %parallel_loop3A_328 : vector<16xf32>
          %parallel_loop3A_330 = tpu.vector_load_idx %arg9[%parallel_loop3A_327] : memref<1600xi32, #tpu.memory_space<vmem>>[vector<16xi32>], vector<16xi32>,
          %parallel_loop3A_331 = arith.constant 3.000000e-02 : f32
          %parallel_loop3A_332 = vector.broadcast %parallel_loop3A_331 : f32 to vector<16xf32>
          %parallel_loop3A_333 = arith.cmpf olt, %parallel_loop3A_332, %parallel_loop3A_282 : vector<16xf32>
          %parallel_loop3A_334 = arith.constant 3.000000e+00 : f32
          %parallel_loop3A_335 = vector.broadcast %parallel_loop3A_334 : f32 to vector<16xf32>
          %parallel_loop3A_336 = arith.mulf %parallel_loop3A_272, %parallel_loop3A_335 : vector<16xf32>
          %parallel_loop3A_337 = arith.addf %parallel_loop3A_336, %parallel_loop3A_278 : vector<16xf32>
          %parallel_loop3A_338 = arith.constant 3.000000e+00 : f32
          %parallel_loop3A_339 = vector.broadcast %parallel_loop3A_338 : f32 to vector<16xf32>
          %parallel_loop3A_340 = arith.mulf %parallel_loop3A_273, %parallel_loop3A_339 : vector<16xf32>
          %parallel_loop3A_341 = arith.addf %parallel_loop3A_340, %parallel_loop3A_281 : vector<16xf32>
          %parallel_loop3A_342 = arith.select %parallel_loop3A_333, %parallel_loop3A_337, %parallel_loop3A_341 : vector<16xi1>, vector<16xf32>
          %parallel_loop3A_343 = arith.fptosi %parallel_loop3A_342 : vector<16xf32> to vector<16xi32>
          %parallel_loop3A_344 = arith.sitofp %parallel_loop3A_343 : vector<16xi32> to vector<16xf32>
          %parallel_loop3A_345 = arith.subf %parallel_loop3A_342, %parallel_loop3A_344 : vector<16xf32>
          %parallel_loop3A_346 = tpu.vector_load_idx %arg9[%parallel_loop3A_343] : memref<1600xi32, #tpu.memory_space<vmem>>[vector<16xi32>], vector<16xi32>,
          %parallel_loop3A_347 = arith.constant 4.000000e-02 : f32
          %parallel_loop3A_348 = vector.broadcast %parallel_loop3A_347 : f32 to vector<16xf32>
          %parallel_loop3A_349 = arith.cmpf olt, %parallel_loop3A_348, %parallel_loop3A_282 : vector<16xf32>
          %parallel_loop3A_350 = arith.constant 4.000000e+00 : f32
          %parallel_loop3A_351 = vector.broadcast %parallel_loop3A_350 : f32 to vector<16xf32>
          %parallel_loop3A_352 = arith.mulf %parallel_loop3A_272, %parallel_loop3A_351 : vector<16xf32>
          %parallel_loop3A_353 = arith.addf %parallel_loop3A_352, %parallel_loop3A_278 : vector<16xf32>
          %parallel_loop3A_354 = arith.constant 4.000000e+00 : f32
          %parallel_loop3A_355 = vector.broadcast %parallel_loop3A_354 : f32 to vector<16xf32>
          %parallel_loop3A_356 = arith.mulf %parallel_loop3A_273, %parallel_loop3A_355 : vector<16xf32>
          %parallel_loop3A_357 = arith.addf %parallel_loop3A_356, %parallel_loop3A_281 : vector<16xf32>
          %parallel_loop3A_358 = arith.select %parallel_loop3A_349, %parallel_loop3A_353, %parallel_loop3A_357 : vector<16xi1>, vector<16xf32>
          %parallel_loop3A_359 = arith.fptosi %parallel_loop3A_358 : vector<16xf32> to vector<16xi32>
          %parallel_loop3A_360 = arith.sitofp %parallel_loop3A_359 : vector<16xi32> to vector<16xf32>
          %parallel_loop3A_361 = arith.subf %parallel_loop3A_358, %parallel_loop3A_360 : vector<16xf32>
          %parallel_loop3A_362 = tpu.vector_load_idx %arg9[%parallel_loop3A_359] : memref<1600xi32, #tpu.memory_space<vmem>>[vector<16xi32>], vector<16xi32>,
          %parallel_loop3A_363 = arith.constant 0.049999997 : f32
          %parallel_loop3A_364 = vector.broadcast %parallel_loop3A_363 : f32 to vector<16xf32>
          %parallel_loop3A_365 = arith.cmpf olt, %parallel_loop3A_364, %parallel_loop3A_282 : vector<16xf32>
          %parallel_loop3A_366 = arith.constant 5.000000e+00 : f32
          %parallel_loop3A_367 = vector.broadcast %parallel_loop3A_366 : f32 to vector<16xf32>
          %parallel_loop3A_368 = arith.mulf %parallel_loop3A_272, %parallel_loop3A_367 : vector<16xf32>
          %parallel_loop3A_369 = arith.addf %parallel_loop3A_368, %parallel_loop3A_278 : vector<16xf32>
          %parallel_loop3A_370 = arith.constant 5.000000e+00 : f32
          %parallel_loop3A_371 = vector.broadcast %parallel_loop3A_370 : f32 to vector<16xf32>
          %parallel_loop3A_372 = arith.mulf %parallel_loop3A_273, %parallel_loop3A_371 : vector<16xf32>
          %parallel_loop3A_373 = arith.addf %parallel_loop3A_372, %parallel_loop3A_281 : vector<16xf32>
          %parallel_loop3A_374 = arith.select %parallel_loop3A_365, %parallel_loop3A_369, %parallel_loop3A_373 : vector<16xi1>, vector<16xf32>
          %parallel_loop3A_375 = arith.fptosi %parallel_loop3A_374 : vector<16xf32> to vector<16xi32>
          %parallel_loop3A_376 = arith.sitofp %parallel_loop3A_375 : vector<16xi32> to vector<16xf32>
          %parallel_loop3A_377 = arith.subf %parallel_loop3A_374, %parallel_loop3A_376 : vector<16xf32>
          %parallel_loop3A_378 = tpu.vector_load_idx %arg9[%parallel_loop3A_375] : memref<1600xi32, #tpu.memory_space<vmem>>[vector<16xi32>], vector<16xi32>,
          %parallel_loop3A_379 = arith.constant 6.000000e-02 : f32
          %parallel_loop3A_380 = vector.broadcast %parallel_loop3A_379 : f32 to vector<16xf32>
          %parallel_loop3A_381 = arith.cmpf olt, %parallel_loop3A_380, %parallel_loop3A_282 : vector<16xf32>
          %parallel_loop3A_382 = arith.constant 6.000000e+00 : f32
          %parallel_loop3A_383 = vector.broadcast %parallel_loop3A_382 : f32 to vector<16xf32>
          %parallel_loop3A_384 = arith.mulf %parallel_loop3A_272, %parallel_loop3A_383 : vector<16xf32>
          %parallel_loop3A_385 = arith.addf %parallel_loop3A_384, %parallel_loop3A_278 : vector<16xf32>
          %parallel_loop3A_386 = arith.constant 6.000000e+00 : f32
          %parallel_loop3A_387 = vector.broadcast %parallel_loop3A_386 : f32 to vector<16xf32>
          %parallel_loop3A_388 = arith.mulf %parallel_loop3A_273, %parallel_loop3A_387 : vector<16xf32>
          %parallel_loop3A_389 = arith.addf %parallel_loop3A_388, %parallel_loop3A_281 : vector<16xf32>
          %parallel_loop3A_390 = arith.select %parallel_loop3A_381, %parallel_loop3A_385, %parallel_loop3A_389 : vector<16xi1>, vector<16xf32>
          %parallel_loop3A_391 = arith.fptosi %parallel_loop3A_390 : vector<16xf32> to vector<16xi32>
          %parallel_loop3A_392 = arith.sitofp %parallel_loop3A_391 : vector<16xi32> to vector<16xf32>
          %parallel_loop3A_393 = arith.subf %parallel_loop3A_390, %parallel_loop3A_392 : vector<16xf32>
          %parallel_loop3A_394 = tpu.vector_load_idx %arg9[%parallel_loop3A_391] : memref<1600xi32, #tpu.memory_space<vmem>>[vector<16xi32>], vector<16xi32>,
          %parallel_loop3A_395 = arith.constant 7.000000e-02 : f32
          %parallel_loop3A_396 = vector.broadcast %parallel_loop3A_395 : f32 to vector<16xf32>
          %parallel_loop3A_397 = arith.cmpf olt, %parallel_loop3A_396, %parallel_loop3A_282 : vector<16xf32>
          %parallel_loop3A_398 = arith.constant 7.000000e+00 : f32
          %parallel_loop3A_399 = vector.broadcast %parallel_loop3A_398 : f32 to vector<16xf32>
          %parallel_loop3A_400 = arith.mulf %parallel_loop3A_272, %parallel_loop3A_399 : vector<16xf32>
          %parallel_loop3A_401 = arith.addf %parallel_loop3A_400, %parallel_loop3A_278 : vector<16xf32>
          %parallel_loop3A_402 = arith.constant 7.000000e+00 : f32
          %parallel_loop3A_403 = vector.broadcast %parallel_loop3A_402 : f32 to vector<16xf32>
          %parallel_loop3A_404 = arith.mulf %parallel_loop3A_273, %parallel_loop3A_403 : vector<16xf32>
          %parallel_loop3A_405 = arith.addf %parallel_loop3A_404, %parallel_loop3A_281 : vector<16xf32>
          %parallel_loop3A_406 = arith.select %parallel_loop3A_397, %parallel_loop3A_401, %parallel_loop3A_405 : vector<16xi1>, vector<16xf32>
          %parallel_loop3A_407 = arith.fptosi %parallel_loop3A_406 : vector<16xf32> to vector<16xi32>
          %parallel_loop3A_408 = arith.sitofp %parallel_loop3A_407 : vector<16xi32> to vector<16xf32>
          %parallel_loop3A_409 = arith.subf %parallel_loop3A_406, %parallel_loop3A_408 : vector<16xf32>
          %parallel_loop3A_410 = tpu.vector_load_idx %arg9[%parallel_loop3A_407] : memref<1600xi32, #tpu.memory_space<vmem>>[vector<16xi32>], vector<16xi32>,
          %parallel_loop3A_411 = arith.constant 8.000000e-02 : f32
          %parallel_loop3A_412 = vector.broadcast %parallel_loop3A_411 : f32 to vector<16xf32>
          %parallel_loop3A_413 = arith.cmpf olt, %parallel_loop3A_412, %parallel_loop3A_282 : vector<16xf32>
          %parallel_loop3A_414 = arith.constant 8.000000e+00 : f32
          %parallel_loop3A_415 = vector.broadcast %parallel_loop3A_414 : f32 to vector<16xf32>
          %parallel_loop3A_416 = arith.mulf %parallel_loop3A_272, %parallel_loop3A_415 : vector<16xf32>
          %parallel_loop3A_417 = arith.addf %parallel_loop3A_416, %parallel_loop3A_278 : vector<16xf32>
          %parallel_loop3A_418 = arith.constant 8.000000e+00 : f32
          %parallel_loop3A_419 = vector.broadcast %parallel_loop3A_418 : f32 to vector<16xf32>
          %parallel_loop3A_420 = arith.mulf %parallel_loop3A_273, %parallel_loop3A_419 : vector<16xf32>
          %parallel_loop3A_421 = arith.addf %parallel_loop3A_420, %parallel_loop3A_281 : vector<16xf32>
          %parallel_loop3A_422 = arith.select %parallel_loop3A_413, %parallel_loop3A_417, %parallel_loop3A_421 : vector<16xi1>, vector<16xf32>
          %parallel_loop3A_423 = arith.fptosi %parallel_loop3A_422 : vector<16xf32> to vector<16xi32>
          %parallel_loop3A_424 = arith.sitofp %parallel_loop3A_423 : vector<16xi32> to vector<16xf32>
          %parallel_loop3A_425 = arith.subf %parallel_loop3A_422, %parallel_loop3A_424 : vector<16xf32>
          %parallel_loop3A_426 = tpu.vector_load_idx %arg9[%parallel_loop3A_423] : memref<1600xi32, #tpu.memory_space<vmem>>[vector<16xi32>], vector<16xi32>,
          %parallel_loop3A_427 = arith.constant 16 : i32
          %parallel_loop3A_428 = vector.broadcast %parallel_loop3A_427 : i32 to vector<16xi32>
          %parallel_loop3A_429 = arith.shli %parallel_loop3A_298, %parallel_loop3A_428 : vector<16xi32>
          %parallel_loop3A_430 = vector.bitcast %parallel_loop3A_429 : vector<16xi32> to vector<16xf32>
          %parallel_loop3A_431 = arith.constant -65536 : i32
          %parallel_loop3A_432 = vector.broadcast %parallel_loop3A_431 : i32 to vector<16xi32>
          %parallel_loop3A_433 = arith.andi %parallel_loop3A_298, %parallel_loop3A_432 : vector<16xi32>
          %parallel_loop3A_434 = vector.bitcast %parallel_loop3A_433 : vector<16xi32> to vector<16xf32>
          %parallel_loop3A_435 = arith.subf %parallel_loop3A_434, %parallel_loop3A_430 : vector<16xf32>
          %parallel_loop3A_436 = arith.mulf %parallel_loop3A_297, %parallel_loop3A_435 : vector<16xf32>
          %parallel_loop3A_437 = arith.addf %parallel_loop3A_430, %parallel_loop3A_436 : vector<16xf32>
          %parallel_loop3A_438 = arith.constant 16 : i32
          %parallel_loop3A_439 = arith.muli %parallel_loop3A_252, %parallel_loop3A_438 : i32
          %parallel_loop3A_440 = arith.constant 0 : i32
          %parallel_loop3A_441 = arith.index_cast %parallel_loop3A_440 : i32 to index
          %parallel_loop3A_442 = arith.index_cast %parallel_loop3A_245 : i32 to index
          %parallel_loop3A_443 = arith.index_cast %parallel_loop3A_439 : i32 to index
          %parallel_loop3A_444 = tpu.vector_load %arg14[%parallel_loop3A_441, %parallel_loop3A_442, %parallel_loop3A_443] {strides = array<i32>} : memref<25x8x128xf32, #tpu.memory_space<vmem>>, vector<16xf32>,
          tpu.vector_store %arg14[%parallel_loop3A_441, %parallel_loop3A_442, %parallel_loop3A_443], %parallel_loop3A_437 {strides = array<i32>} : memref<25x8x128xf32, #tpu.memory_space<vmem>>, vector<16xf32>,
          %parallel_loop3A_445 = arith.constant 16 : i32
          %parallel_loop3A_446 = vector.broadcast %parallel_loop3A_445 : i32 to vector<16xi32>
          %parallel_loop3A_447 = arith.shli %parallel_loop3A_314, %parallel_loop3A_446 : vector<16xi32>
          %parallel_loop3A_448 = vector.bitcast %parallel_loop3A_447 : vector<16xi32> to vector<16xf32>
          %parallel_loop3A_449 = arith.constant -65536 : i32
          %parallel_loop3A_450 = vector.broadcast %parallel_loop3A_449 : i32 to vector<16xi32>
          %parallel_loop3A_451 = arith.andi %parallel_loop3A_314, %parallel_loop3A_450 : vector<16xi32>
          %parallel_loop3A_452 = vector.bitcast %parallel_loop3A_451 : vector<16xi32> to vector<16xf32>
          %parallel_loop3A_453 = arith.subf %parallel_loop3A_452, %parallel_loop3A_448 : vector<16xf32>
          %parallel_loop3A_454 = arith.mulf %parallel_loop3A_313, %parallel_loop3A_453 : vector<16xf32>
          %parallel_loop3A_455 = arith.addf %parallel_loop3A_448, %parallel_loop3A_454 : vector<16xf32>
          %parallel_loop3A_456 = arith.constant 16 : i32
          %parallel_loop3A_457 = arith.muli %parallel_loop3A_252, %parallel_loop3A_456 : i32
          %parallel_loop3A_458 = arith.constant 1 : i32
          %parallel_loop3A_459 = arith.index_cast %parallel_loop3A_458 : i32 to index
          %parallel_loop3A_460 = arith.index_cast %parallel_loop3A_245 : i32 to index
          %parallel_loop3A_461 = arith.index_cast %parallel_loop3A_457 : i32 to index
          %parallel_loop3A_462 = tpu.vector_load %arg14[%parallel_loop3A_459, %parallel_loop3A_460, %parallel_loop3A_461] {strides = array<i32>} : memref<25x8x128xf32, #tpu.memory_space<vmem>>, vector<16xf32>,
          tpu.vector_store %arg14[%parallel_loop3A_459, %parallel_loop3A_460, %parallel_loop3A_461], %parallel_loop3A_455 {strides = array<i32>} : memref<25x8x128xf32, #tpu.memory_space<vmem>>, vector<16xf32>,
          %parallel_loop3A_463 = arith.constant 16 : i32
          %parallel_loop3A_464 = vector.broadcast %parallel_loop3A_463 : i32 to vector<16xi32>
          %parallel_loop3A_465 = arith.shli %parallel_loop3A_330, %parallel_loop3A_464 : vector<16xi32>
          %parallel_loop3A_466 = vector.bitcast %parallel_loop3A_465 : vector<16xi32> to vector<16xf32>
          %parallel_loop3A_467 = arith.constant -65536 : i32
          %parallel_loop3A_468 = vector.broadcast %parallel_loop3A_467 : i32 to vector<16xi32>
          %parallel_loop3A_469 = arith.andi %parallel_loop3A_330, %parallel_loop3A_468 : vector<16xi32>
          %parallel_loop3A_470 = vector.bitcast %parallel_loop3A_469 : vector<16xi32> to vector<16xf32>
          %parallel_loop3A_471 = arith.subf %parallel_loop3A_470, %parallel_loop3A_466 : vector<16xf32>
          %parallel_loop3A_472 = arith.mulf %parallel_loop3A_329, %parallel_loop3A_471 : vector<16xf32>
          %parallel_loop3A_473 = arith.addf %parallel_loop3A_466, %parallel_loop3A_472 : vector<16xf32>
          %parallel_loop3A_474 = arith.constant 16 : i32
          %parallel_loop3A_475 = arith.muli %parallel_loop3A_252, %parallel_loop3A_474 : i32
          %parallel_loop3A_476 = arith.constant 2 : i32
          %parallel_loop3A_477 = arith.index_cast %parallel_loop3A_476 : i32 to index
          %parallel_loop3A_478 = arith.index_cast %parallel_loop3A_245 : i32 to index
          %parallel_loop3A_479 = arith.index_cast %parallel_loop3A_475 : i32 to index
          %parallel_loop3A_480 = tpu.vector_load %arg14[%parallel_loop3A_477, %parallel_loop3A_478, %parallel_loop3A_479] {strides = array<i32>} : memref<25x8x128xf32, #tpu.memory_space<vmem>>, vector<16xf32>,
          tpu.vector_store %arg14[%parallel_loop3A_477, %parallel_loop3A_478, %parallel_loop3A_479], %parallel_loop3A_473 {strides = array<i32>} : memref<25x8x128xf32, #tpu.memory_space<vmem>>, vector<16xf32>,
          %parallel_loop3A_481 = arith.constant 16 : i32
          %parallel_loop3A_482 = vector.broadcast %parallel_loop3A_481 : i32 to vector<16xi32>
          %parallel_loop3A_483 = arith.shli %parallel_loop3A_346, %parallel_loop3A_482 : vector<16xi32>
          %parallel_loop3A_484 = vector.bitcast %parallel_loop3A_483 : vector<16xi32> to vector<16xf32>
          %parallel_loop3A_485 = arith.constant -65536 : i32
          %parallel_loop3A_486 = vector.broadcast %parallel_loop3A_485 : i32 to vector<16xi32>
          %parallel_loop3A_487 = arith.andi %parallel_loop3A_346, %parallel_loop3A_486 : vector<16xi32>
          %parallel_loop3A_488 = vector.bitcast %parallel_loop3A_487 : vector<16xi32> to vector<16xf32>
          %parallel_loop3A_489 = arith.subf %parallel_loop3A_488, %parallel_loop3A_484 : vector<16xf32>
          %parallel_loop3A_490 = arith.mulf %parallel_loop3A_345, %parallel_loop3A_489 : vector<16xf32>
          %parallel_loop3A_491 = arith.addf %parallel_loop3A_484, %parallel_loop3A_490 : vector<16xf32>
          %parallel_loop3A_492 = arith.constant 16 : i32
          %parallel_loop3A_493 = arith.muli %parallel_loop3A_252, %parallel_loop3A_492 : i32
          %parallel_loop3A_494 = arith.constant 3 : i32
          %parallel_loop3A_495 = arith.index_cast %parallel_loop3A_494 : i32 to index
          %parallel_loop3A_496 = arith.index_cast %parallel_loop3A_245 : i32 to index
          %parallel_loop3A_497 = arith.index_cast %parallel_loop3A_493 : i32 to index
          %parallel_loop3A_498 = tpu.vector_load %arg14[%parallel_loop3A_495, %parallel_loop3A_496, %parallel_loop3A_497] {strides = array<i32>} : memref<25x8x128xf32, #tpu.memory_space<vmem>>, vector<16xf32>,
          tpu.vector_store %arg14[%parallel_loop3A_495, %parallel_loop3A_496, %parallel_loop3A_497], %parallel_loop3A_491 {strides = array<i32>} : memref<25x8x128xf32, #tpu.memory_space<vmem>>, vector<16xf32>,
          %parallel_loop3A_499 = arith.constant 16 : i32
          %parallel_loop3A_500 = vector.broadcast %parallel_loop3A_499 : i32 to vector<16xi32>
          %parallel_loop3A_501 = arith.shli %parallel_loop3A_362, %parallel_loop3A_500 : vector<16xi32>
          %parallel_loop3A_502 = vector.bitcast %parallel_loop3A_501 : vector<16xi32> to vector<16xf32>
          %parallel_loop3A_503 = arith.constant -65536 : i32
          %parallel_loop3A_504 = vector.broadcast %parallel_loop3A_503 : i32 to vector<16xi32>
          %parallel_loop3A_505 = arith.andi %parallel_loop3A_362, %parallel_loop3A_504 : vector<16xi32>
          %parallel_loop3A_506 = vector.bitcast %parallel_loop3A_505 : vector<16xi32> to vector<16xf32>
          %parallel_loop3A_507 = arith.subf %parallel_loop3A_506, %parallel_loop3A_502 : vector<16xf32>
          %parallel_loop3A_508 = arith.mulf %parallel_loop3A_361, %parallel_loop3A_507 : vector<16xf32>
          %parallel_loop3A_509 = arith.addf %parallel_loop3A_502, %parallel_loop3A_508 : vector<16xf32>
          %parallel_loop3A_510 = arith.constant 16 : i32
          %parallel_loop3A_511 = arith.muli %parallel_loop3A_252, %parallel_loop3A_510 : i32
          %parallel_loop3A_512 = arith.constant 4 : i32
          %parallel_loop3A_513 = arith.index_cast %parallel_loop3A_512 : i32 to index
          %parallel_loop3A_514 = arith.index_cast %parallel_loop3A_245 : i32 to index
          %parallel_loop3A_515 = arith.index_cast %parallel_loop3A_511 : i32 to index
          %parallel_loop3A_516 = tpu.vector_load %arg14[%parallel_loop3A_513, %parallel_loop3A_514, %parallel_loop3A_515] {strides = array<i32>} : memref<25x8x128xf32, #tpu.memory_space<vmem>>, vector<16xf32>,
          tpu.vector_store %arg14[%parallel_loop3A_513, %parallel_loop3A_514, %parallel_loop3A_515], %parallel_loop3A_509 {strides = array<i32>} : memref<25x8x128xf32, #tpu.memory_space<vmem>>, vector<16xf32>,
          %parallel_loop3A_517 = arith.constant 16 : i32
          %parallel_loop3A_518 = vector.broadcast %parallel_loop3A_517 : i32 to vector<16xi32>
          %parallel_loop3A_519 = arith.shli %parallel_loop3A_378, %parallel_loop3A_518 : vector<16xi32>
          %parallel_loop3A_520 = vector.bitcast %parallel_loop3A_519 : vector<16xi32> to vector<16xf32>
          %parallel_loop3A_521 = arith.constant -65536 : i32
          %parallel_loop3A_522 = vector.broadcast %parallel_loop3A_521 : i32 to vector<16xi32>
          %parallel_loop3A_523 = arith.andi %parallel_loop3A_378, %parallel_loop3A_522 : vector<16xi32>
          %parallel_loop3A_524 = vector.bitcast %parallel_loop3A_523 : vector<16xi32> to vector<16xf32>
          %parallel_loop3A_525 = arith.subf %parallel_loop3A_524, %parallel_loop3A_520 : vector<16xf32>
          %parallel_loop3A_526 = arith.mulf %parallel_loop3A_377, %parallel_loop3A_525 : vector<16xf32>
          %parallel_loop3A_527 = arith.addf %parallel_loop3A_520, %parallel_loop3A_526 : vector<16xf32>
          %parallel_loop3A_528 = arith.constant 16 : i32
          %parallel_loop3A_529 = arith.muli %parallel_loop3A_252, %parallel_loop3A_528 : i32
          %parallel_loop3A_530 = arith.constant 5 : i32
          %parallel_loop3A_531 = arith.index_cast %parallel_loop3A_530 : i32 to index
          %parallel_loop3A_532 = arith.index_cast %parallel_loop3A_245 : i32 to index
          %parallel_loop3A_533 = arith.index_cast %parallel_loop3A_529 : i32 to index
          %parallel_loop3A_534 = tpu.vector_load %arg14[%parallel_loop3A_531, %parallel_loop3A_532, %parallel_loop3A_533] {strides = array<i32>} : memref<25x8x128xf32, #tpu.memory_space<vmem>>, vector<16xf32>,
          tpu.vector_store %arg14[%parallel_loop3A_531, %parallel_loop3A_532, %parallel_loop3A_533], %parallel_loop3A_527 {strides = array<i32>} : memref<25x8x128xf32, #tpu.memory_space<vmem>>, vector<16xf32>,
          %parallel_loop3A_535 = arith.constant 16 : i32
          %parallel_loop3A_536 = vector.broadcast %parallel_loop3A_535 : i32 to vector<16xi32>
          %parallel_loop3A_537 = arith.shli %parallel_loop3A_394, %parallel_loop3A_536 : vector<16xi32>
          %parallel_loop3A_538 = vector.bitcast %parallel_loop3A_537 : vector<16xi32> to vector<16xf32>
          %parallel_loop3A_539 = arith.constant -65536 : i32
          %parallel_loop3A_540 = vector.broadcast %parallel_loop3A_539 : i32 to vector<16xi32>
          %parallel_loop3A_541 = arith.andi %parallel_loop3A_394, %parallel_loop3A_540 : vector<16xi32>
          %parallel_loop3A_542 = vector.bitcast %parallel_loop3A_541 : vector<16xi32> to vector<16xf32>
          %parallel_loop3A_543 = arith.subf %parallel_loop3A_542, %parallel_loop3A_538 : vector<16xf32>
          %parallel_loop3A_544 = arith.mulf %parallel_loop3A_393, %parallel_loop3A_543 : vector<16xf32>
          %parallel_loop3A_545 = arith.addf %parallel_loop3A_538, %parallel_loop3A_544 : vector<16xf32>
          %parallel_loop3A_546 = arith.constant 16 : i32
          %parallel_loop3A_547 = arith.muli %parallel_loop3A_252, %parallel_loop3A_546 : i32
          %parallel_loop3A_548 = arith.constant 6 : i32
          %parallel_loop3A_549 = arith.index_cast %parallel_loop3A_548 : i32 to index
          %parallel_loop3A_550 = arith.index_cast %parallel_loop3A_245 : i32 to index
          %parallel_loop3A_551 = arith.index_cast %parallel_loop3A_547 : i32 to index
          %parallel_loop3A_552 = tpu.vector_load %arg14[%parallel_loop3A_549, %parallel_loop3A_550, %parallel_loop3A_551] {strides = array<i32>} : memref<25x8x128xf32, #tpu.memory_space<vmem>>, vector<16xf32>,
          tpu.vector_store %arg14[%parallel_loop3A_549, %parallel_loop3A_550, %parallel_loop3A_551], %parallel_loop3A_545 {strides = array<i32>} : memref<25x8x128xf32, #tpu.memory_space<vmem>>, vector<16xf32>,
          %parallel_loop3A_553 = arith.constant 16 : i32
          %parallel_loop3A_554 = vector.broadcast %parallel_loop3A_553 : i32 to vector<16xi32>
          %parallel_loop3A_555 = arith.shli %parallel_loop3A_410, %parallel_loop3A_554 : vector<16xi32>
          %parallel_loop3A_556 = vector.bitcast %parallel_loop3A_555 : vector<16xi32> to vector<16xf32>
          %parallel_loop3A_557 = arith.constant -65536 : i32
          %parallel_loop3A_558 = vector.broadcast %parallel_loop3A_557 : i32 to vector<16xi32>
          %parallel_loop3A_559 = arith.andi %parallel_loop3A_410, %parallel_loop3A_558 : vector<16xi32>
          %parallel_loop3A_560 = vector.bitcast %parallel_loop3A_559 : vector<16xi32> to vector<16xf32>
          %parallel_loop3A_561 = arith.subf %parallel_loop3A_560, %parallel_loop3A_556 : vector<16xf32>
          %parallel_loop3A_562 = arith.mulf %parallel_loop3A_409, %parallel_loop3A_561 : vector<16xf32>
          %parallel_loop3A_563 = arith.addf %parallel_loop3A_556, %parallel_loop3A_562 : vector<16xf32>
          %parallel_loop3A_564 = arith.constant 16 : i32
          %parallel_loop3A_565 = arith.muli %parallel_loop3A_252, %parallel_loop3A_564 : i32
          %parallel_loop3A_566 = arith.constant 7 : i32
          %parallel_loop3A_567 = arith.index_cast %parallel_loop3A_566 : i32 to index
          %parallel_loop3A_568 = arith.index_cast %parallel_loop3A_245 : i32 to index
          %parallel_loop3A_569 = arith.index_cast %parallel_loop3A_565 : i32 to index
          %parallel_loop3A_570 = tpu.vector_load %arg14[%parallel_loop3A_567, %parallel_loop3A_568, %parallel_loop3A_569] {strides = array<i32>} : memref<25x8x128xf32, #tpu.memory_space<vmem>>, vector<16xf32>,
          tpu.vector_store %arg14[%parallel_loop3A_567, %parallel_loop3A_568, %parallel_loop3A_569], %parallel_loop3A_563 {strides = array<i32>} : memref<25x8x128xf32, #tpu.memory_space<vmem>>, vector<16xf32>,
          %parallel_loop3A_571 = arith.constant 16 : i32
          %parallel_loop3A_572 = vector.broadcast %parallel_loop3A_571 : i32 to vector<16xi32>
          %parallel_loop3A_573 = arith.shli %parallel_loop3A_426, %parallel_loop3A_572 : vector<16xi32>
          %parallel_loop3A_574 = vector.bitcast %parallel_loop3A_573 : vector<16xi32> to vector<16xf32>
          %parallel_loop3A_575 = arith.constant -65536 : i32
          %parallel_loop3A_576 = vector.broadcast %parallel_loop3A_575 : i32 to vector<16xi32>
          %parallel_loop3A_577 = arith.andi %parallel_loop3A_426, %parallel_loop3A_576 : vector<16xi32>
          %parallel_loop3A_578 = vector.bitcast %parallel_loop3A_577 : vector<16xi32> to vector<16xf32>
          %parallel_loop3A_579 = arith.subf %parallel_loop3A_578, %parallel_loop3A_574 : vector<16xf32>
          %parallel_loop3A_580 = arith.mulf %parallel_loop3A_425, %parallel_loop3A_579 : vector<16xf32>
          %parallel_loop3A_581 = arith.addf %parallel_loop3A_574, %parallel_loop3A_580 : vector<16xf32>
          %parallel_loop3A_582 = arith.constant 16 : i32
          %parallel_loop3A_583 = arith.muli %parallel_loop3A_252, %parallel_loop3A_582 : i32
          %parallel_loop3A_584 = arith.constant 8 : i32
          %parallel_loop3A_585 = arith.index_cast %parallel_loop3A_584 : i32 to index
          %parallel_loop3A_586 = arith.index_cast %parallel_loop3A_245 : i32 to index
          %parallel_loop3A_587 = arith.index_cast %parallel_loop3A_583 : i32 to index
          %parallel_loop3A_588 = tpu.vector_load %arg14[%parallel_loop3A_585, %parallel_loop3A_586, %parallel_loop3A_587] {strides = array<i32>} : memref<25x8x128xf32, #tpu.memory_space<vmem>>, vector<16xf32>,
          tpu.vector_store %arg14[%parallel_loop3A_585, %parallel_loop3A_586, %parallel_loop3A_587], %parallel_loop3A_581 {strides = array<i32>} : memref<25x8x128xf32, #tpu.memory_space<vmem>>, vector<16xf32>,
          %parallel_loop3A_589 = arith.constant 0.0899999961 : f32
          %parallel_loop3A_590 = vector.broadcast %parallel_loop3A_589 : f32 to vector<16xf32>
          %parallel_loop3A_591 = arith.cmpf olt, %parallel_loop3A_590, %parallel_loop3A_282 : vector<16xf32>
          %parallel_loop3A_592 = arith.constant 9.000000e+00 : f32
          %parallel_loop3A_593 = vector.broadcast %parallel_loop3A_592 : f32 to vector<16xf32>
          %parallel_loop3A_594 = arith.mulf %parallel_loop3A_272, %parallel_loop3A_593 : vector<16xf32>
          %parallel_loop3A_595 = arith.addf %parallel_loop3A_594, %parallel_loop3A_278 : vector<16xf32>
          %parallel_loop3A_596 = arith.constant 9.000000e+00 : f32
          %parallel_loop3A_597 = vector.broadcast %parallel_loop3A_596 : f32 to vector<16xf32>
          %parallel_loop3A_598 = arith.mulf %parallel_loop3A_273, %parallel_loop3A_597 : vector<16xf32>
          %parallel_loop3A_599 = arith.addf %parallel_loop3A_598, %parallel_loop3A_281 : vector<16xf32>
          %parallel_loop3A_600 = arith.select %parallel_loop3A_591, %parallel_loop3A_595, %parallel_loop3A_599 : vector<16xi1>, vector<16xf32>
          %parallel_loop3A_601 = arith.fptosi %parallel_loop3A_600 : vector<16xf32> to vector<16xi32>
          %parallel_loop3A_602 = arith.sitofp %parallel_loop3A_601 : vector<16xi32> to vector<16xf32>
          %parallel_loop3A_603 = arith.subf %parallel_loop3A_600, %parallel_loop3A_602 : vector<16xf32>
          %parallel_loop3A_604 = tpu.vector_load_idx %arg9[%parallel_loop3A_601] : memref<1600xi32, #tpu.memory_space<vmem>>[vector<16xi32>], vector<16xi32>,
          %parallel_loop3A_605 = arith.constant 0.099999994 : f32
          %parallel_loop3A_606 = vector.broadcast %parallel_loop3A_605 : f32 to vector<16xf32>
          %parallel_loop3A_607 = arith.cmpf olt, %parallel_loop3A_606, %parallel_loop3A_282 : vector<16xf32>
          %parallel_loop3A_608 = arith.constant 1.000000e+01 : f32
          %parallel_loop3A_609 = vector.broadcast %parallel_loop3A_608 : f32 to vector<16xf32>
          %parallel_loop3A_610 = arith.mulf %parallel_loop3A_272, %parallel_loop3A_609 : vector<16xf32>
          %parallel_loop3A_611 = arith.addf %parallel_loop3A_610, %parallel_loop3A_278 : vector<16xf32>
          %parallel_loop3A_612 = arith.constant 1.000000e+01 : f32
          %parallel_loop3A_613 = vector.broadcast %parallel_loop3A_612 : f32 to vector<16xf32>
          %parallel_loop3A_614 = arith.mulf %parallel_loop3A_273, %parallel_loop3A_613 : vector<16xf32>
          %parallel_loop3A_615 = arith.addf %parallel_loop3A_614, %parallel_loop3A_281 : vector<16xf32>
          %parallel_loop3A_616 = arith.select %parallel_loop3A_607, %parallel_loop3A_611, %parallel_loop3A_615 : vector<16xi1>, vector<16xf32>
          %parallel_loop3A_617 = arith.fptosi %parallel_loop3A_616 : vector<16xf32> to vector<16xi32>
          %parallel_loop3A_618 = arith.sitofp %parallel_loop3A_617 : vector<16xi32> to vector<16xf32>
          %parallel_loop3A_619 = arith.subf %parallel_loop3A_616, %parallel_loop3A_618 : vector<16xf32>
          %parallel_loop3A_620 = tpu.vector_load_idx %arg9[%parallel_loop3A_617] : memref<1600xi32, #tpu.memory_space<vmem>>[vector<16xi32>], vector<16xi32>,
          %parallel_loop3A_621 = arith.constant 1.100000e-01 : f32
          %parallel_loop3A_622 = vector.broadcast %parallel_loop3A_621 : f32 to vector<16xf32>
          %parallel_loop3A_623 = arith.cmpf olt, %parallel_loop3A_622, %parallel_loop3A_282 : vector<16xf32>
          %parallel_loop3A_624 = arith.constant 1.100000e+01 : f32
          %parallel_loop3A_625 = vector.broadcast %parallel_loop3A_624 : f32 to vector<16xf32>
          %parallel_loop3A_626 = arith.mulf %parallel_loop3A_272, %parallel_loop3A_625 : vector<16xf32>
          %parallel_loop3A_627 = arith.addf %parallel_loop3A_626, %parallel_loop3A_278 : vector<16xf32>
          %parallel_loop3A_628 = arith.constant 1.100000e+01 : f32
          %parallel_loop3A_629 = vector.broadcast %parallel_loop3A_628 : f32 to vector<16xf32>
          %parallel_loop3A_630 = arith.mulf %parallel_loop3A_273, %parallel_loop3A_629 : vector<16xf32>
          %parallel_loop3A_631 = arith.addf %parallel_loop3A_630, %parallel_loop3A_281 : vector<16xf32>
          %parallel_loop3A_632 = arith.select %parallel_loop3A_623, %parallel_loop3A_627, %parallel_loop3A_631 : vector<16xi1>, vector<16xf32>
          %parallel_loop3A_633 = arith.fptosi %parallel_loop3A_632 : vector<16xf32> to vector<16xi32>
          %parallel_loop3A_634 = arith.sitofp %parallel_loop3A_633 : vector<16xi32> to vector<16xf32>
          %parallel_loop3A_635 = arith.subf %parallel_loop3A_632, %parallel_loop3A_634 : vector<16xf32>
          %parallel_loop3A_636 = tpu.vector_load_idx %arg9[%parallel_loop3A_633] : memref<1600xi32, #tpu.memory_space<vmem>>[vector<16xi32>], vector<16xi32>,
          %parallel_loop3A_637 = arith.constant 1.200000e-01 : f32
          %parallel_loop3A_638 = vector.broadcast %parallel_loop3A_637 : f32 to vector<16xf32>
          %parallel_loop3A_639 = arith.cmpf olt, %parallel_loop3A_638, %parallel_loop3A_282 : vector<16xf32>
          %parallel_loop3A_640 = arith.constant 1.200000e+01 : f32
          %parallel_loop3A_641 = vector.broadcast %parallel_loop3A_640 : f32 to vector<16xf32>
          %parallel_loop3A_642 = arith.mulf %parallel_loop3A_272, %parallel_loop3A_641 : vector<16xf32>
          %parallel_loop3A_643 = arith.addf %parallel_loop3A_642, %parallel_loop3A_278 : vector<16xf32>
          %parallel_loop3A_644 = arith.constant 1.200000e+01 : f32
          %parallel_loop3A_645 = vector.broadcast %parallel_loop3A_644 : f32 to vector<16xf32>
          %parallel_loop3A_646 = arith.mulf %parallel_loop3A_273, %parallel_loop3A_645 : vector<16xf32>
          %parallel_loop3A_647 = arith.addf %parallel_loop3A_646, %parallel_loop3A_281 : vector<16xf32>
          %parallel_loop3A_648 = arith.select %parallel_loop3A_639, %parallel_loop3A_643, %parallel_loop3A_647 : vector<16xi1>, vector<16xf32>
          %parallel_loop3A_649 = arith.fptosi %parallel_loop3A_648 : vector<16xf32> to vector<16xi32>
          %parallel_loop3A_650 = arith.sitofp %parallel_loop3A_649 : vector<16xi32> to vector<16xf32>
          %parallel_loop3A_651 = arith.subf %parallel_loop3A_648, %parallel_loop3A_650 : vector<16xf32>
          %parallel_loop3A_652 = tpu.vector_load_idx %arg9[%parallel_loop3A_649] : memref<1600xi32, #tpu.memory_space<vmem>>[vector<16xi32>], vector<16xi32>,
          %parallel_loop3A_653 = arith.constant 1.300000e-01 : f32
          %parallel_loop3A_654 = vector.broadcast %parallel_loop3A_653 : f32 to vector<16xf32>
          %parallel_loop3A_655 = arith.cmpf olt, %parallel_loop3A_654, %parallel_loop3A_282 : vector<16xf32>
          %parallel_loop3A_656 = arith.constant 1.300000e+01 : f32
          %parallel_loop3A_657 = vector.broadcast %parallel_loop3A_656 : f32 to vector<16xf32>
          %parallel_loop3A_658 = arith.mulf %parallel_loop3A_272, %parallel_loop3A_657 : vector<16xf32>
          %parallel_loop3A_659 = arith.addf %parallel_loop3A_658, %parallel_loop3A_278 : vector<16xf32>
          %parallel_loop3A_660 = arith.constant 1.300000e+01 : f32
          %parallel_loop3A_661 = vector.broadcast %parallel_loop3A_660 : f32 to vector<16xf32>
          %parallel_loop3A_662 = arith.mulf %parallel_loop3A_273, %parallel_loop3A_661 : vector<16xf32>
          %parallel_loop3A_663 = arith.addf %parallel_loop3A_662, %parallel_loop3A_281 : vector<16xf32>
          %parallel_loop3A_664 = arith.select %parallel_loop3A_655, %parallel_loop3A_659, %parallel_loop3A_663 : vector<16xi1>, vector<16xf32>
          %parallel_loop3A_665 = arith.fptosi %parallel_loop3A_664 : vector<16xf32> to vector<16xi32>
          %parallel_loop3A_666 = arith.sitofp %parallel_loop3A_665 : vector<16xi32> to vector<16xf32>
          %parallel_loop3A_667 = arith.subf %parallel_loop3A_664, %parallel_loop3A_666 : vector<16xf32>
          %parallel_loop3A_668 = tpu.vector_load_idx %arg9[%parallel_loop3A_665] : memref<1600xi32, #tpu.memory_space<vmem>>[vector<16xi32>], vector<16xi32>,
          %parallel_loop3A_669 = arith.constant 1.400000e-01 : f32
          %parallel_loop3A_670 = vector.broadcast %parallel_loop3A_669 : f32 to vector<16xf32>
          %parallel_loop3A_671 = arith.cmpf olt, %parallel_loop3A_670, %parallel_loop3A_282 : vector<16xf32>
          %parallel_loop3A_672 = arith.constant 1.400000e+01 : f32
          %parallel_loop3A_673 = vector.broadcast %parallel_loop3A_672 : f32 to vector<16xf32>
          %parallel_loop3A_674 = arith.mulf %parallel_loop3A_272, %parallel_loop3A_673 : vector<16xf32>
          %parallel_loop3A_675 = arith.addf %parallel_loop3A_674, %parallel_loop3A_278 : vector<16xf32>
          %parallel_loop3A_676 = arith.constant 1.400000e+01 : f32
          %parallel_loop3A_677 = vector.broadcast %parallel_loop3A_676 : f32 to vector<16xf32>
          %parallel_loop3A_678 = arith.mulf %parallel_loop3A_273, %parallel_loop3A_677 : vector<16xf32>
          %parallel_loop3A_679 = arith.addf %parallel_loop3A_678, %parallel_loop3A_281 : vector<16xf32>
          %parallel_loop3A_680 = arith.select %parallel_loop3A_671, %parallel_loop3A_675, %parallel_loop3A_679 : vector<16xi1>, vector<16xf32>
          %parallel_loop3A_681 = arith.fptosi %parallel_loop3A_680 : vector<16xf32> to vector<16xi32>
          %parallel_loop3A_682 = arith.sitofp %parallel_loop3A_681 : vector<16xi32> to vector<16xf32>
          %parallel_loop3A_683 = arith.subf %parallel_loop3A_680, %parallel_loop3A_682 : vector<16xf32>
          %parallel_loop3A_684 = tpu.vector_load_idx %arg9[%parallel_loop3A_681] : memref<1600xi32, #tpu.memory_space<vmem>>[vector<16xi32>], vector<16xi32>,
          %parallel_loop3A_685 = arith.constant 0.149999991 : f32
          %parallel_loop3A_686 = vector.broadcast %parallel_loop3A_685 : f32 to vector<16xf32>
          %parallel_loop3A_687 = arith.cmpf olt, %parallel_loop3A_686, %parallel_loop3A_282 : vector<16xf32>
          %parallel_loop3A_688 = arith.constant 1.500000e+01 : f32
          %parallel_loop3A_689 = vector.broadcast %parallel_loop3A_688 : f32 to vector<16xf32>
          %parallel_loop3A_690 = arith.mulf %parallel_loop3A_272, %parallel_loop3A_689 : vector<16xf32>
          %parallel_loop3A_691 = arith.addf %parallel_loop3A_690, %parallel_loop3A_278 : vector<16xf32>
          %parallel_loop3A_692 = arith.constant 1.500000e+01 : f32
          %parallel_loop3A_693 = vector.broadcast %parallel_loop3A_692 : f32 to vector<16xf32>
          %parallel_loop3A_694 = arith.mulf %parallel_loop3A_273, %parallel_loop3A_693 : vector<16xf32>
          %parallel_loop3A_695 = arith.addf %parallel_loop3A_694, %parallel_loop3A_281 : vector<16xf32>
          %parallel_loop3A_696 = arith.select %parallel_loop3A_687, %parallel_loop3A_691, %parallel_loop3A_695 : vector<16xi1>, vector<16xf32>
          %parallel_loop3A_697 = arith.fptosi %parallel_loop3A_696 : vector<16xf32> to vector<16xi32>
          %parallel_loop3A_698 = arith.sitofp %parallel_loop3A_697 : vector<16xi32> to vector<16xf32>
          %parallel_loop3A_699 = arith.subf %parallel_loop3A_696, %parallel_loop3A_698 : vector<16xf32>
          %parallel_loop3A_700 = tpu.vector_load_idx %arg9[%parallel_loop3A_697] : memref<1600xi32, #tpu.memory_space<vmem>>[vector<16xi32>], vector<16xi32>,
          %parallel_loop3A_701 = arith.constant 1.600000e-01 : f32
          %parallel_loop3A_702 = vector.broadcast %parallel_loop3A_701 : f32 to vector<16xf32>
          %parallel_loop3A_703 = arith.cmpf olt, %parallel_loop3A_702, %parallel_loop3A_282 : vector<16xf32>
          %parallel_loop3A_704 = arith.constant 1.600000e+01 : f32
          %parallel_loop3A_705 = vector.broadcast %parallel_loop3A_704 : f32 to vector<16xf32>
          %parallel_loop3A_706 = arith.mulf %parallel_loop3A_272, %parallel_loop3A_705 : vector<16xf32>
          %parallel_loop3A_707 = arith.addf %parallel_loop3A_706, %parallel_loop3A_278 : vector<16xf32>
          %parallel_loop3A_708 = arith.constant 1.600000e+01 : f32
          %parallel_loop3A_709 = vector.broadcast %parallel_loop3A_708 : f32 to vector<16xf32>
          %parallel_loop3A_710 = arith.mulf %parallel_loop3A_273, %parallel_loop3A_709 : vector<16xf32>
          %parallel_loop3A_711 = arith.addf %parallel_loop3A_710, %parallel_loop3A_281 : vector<16xf32>
          %parallel_loop3A_712 = arith.select %parallel_loop3A_703, %parallel_loop3A_707, %parallel_loop3A_711 : vector<16xi1>, vector<16xf32>
          %parallel_loop3A_713 = arith.fptosi %parallel_loop3A_712 : vector<16xf32> to vector<16xi32>
          %parallel_loop3A_714 = arith.sitofp %parallel_loop3A_713 : vector<16xi32> to vector<16xf32>
          %parallel_loop3A_715 = arith.subf %parallel_loop3A_712, %parallel_loop3A_714 : vector<16xf32>
          %parallel_loop3A_716 = tpu.vector_load_idx %arg9[%parallel_loop3A_713] : memref<1600xi32, #tpu.memory_space<vmem>>[vector<16xi32>], vector<16xi32>,
          %parallel_loop3A_717 = arith.constant 16 : i32
          %parallel_loop3A_718 = vector.broadcast %parallel_loop3A_717 : i32 to vector<16xi32>
          %parallel_loop3A_719 = arith.shli %parallel_loop3A_604, %parallel_loop3A_718 : vector<16xi32>
          %parallel_loop3A_720 = vector.bitcast %parallel_loop3A_719 : vector<16xi32> to vector<16xf32>
          %parallel_loop3A_721 = arith.constant -65536 : i32
          %parallel_loop3A_722 = vector.broadcast %parallel_loop3A_721 : i32 to vector<16xi32>
          %parallel_loop3A_723 = arith.andi %parallel_loop3A_604, %parallel_loop3A_722 : vector<16xi32>
          %parallel_loop3A_724 = vector.bitcast %parallel_loop3A_723 : vector<16xi32> to vector<16xf32>
          %parallel_loop3A_725 = arith.subf %parallel_loop3A_724, %parallel_loop3A_720 : vector<16xf32>
          %parallel_loop3A_726 = arith.mulf %parallel_loop3A_603, %parallel_loop3A_725 : vector<16xf32>
          %parallel_loop3A_727 = arith.addf %parallel_loop3A_720, %parallel_loop3A_726 : vector<16xf32>
          %parallel_loop3A_728 = arith.constant 16 : i32
          %parallel_loop3A_729 = arith.muli %parallel_loop3A_252, %parallel_loop3A_728 : i32
          %parallel_loop3A_730 = arith.constant 9 : i32
          %parallel_loop3A_731 = arith.index_cast %parallel_loop3A_730 : i32 to index
          %parallel_loop3A_732 = arith.index_cast %parallel_loop3A_245 : i32 to index
          %parallel_loop3A_733 = arith.index_cast %parallel_loop3A_729 : i32 to index
          %parallel_loop3A_734 = tpu.vector_load %arg14[%parallel_loop3A_731, %parallel_loop3A_732, %parallel_loop3A_733] {strides = array<i32>} : memref<25x8x128xf32, #tpu.memory_space<vmem>>, vector<16xf32>,
          tpu.vector_store %arg14[%parallel_loop3A_731, %parallel_loop3A_732, %parallel_loop3A_733], %parallel_loop3A_727 {strides = array<i32>} : memref<25x8x128xf32, #tpu.memory_space<vmem>>, vector<16xf32>,
          %parallel_loop3A_735 = arith.constant 16 : i32
          %parallel_loop3A_736 = vector.broadcast %parallel_loop3A_735 : i32 to vector<16xi32>
          %parallel_loop3A_737 = arith.shli %parallel_loop3A_620, %parallel_loop3A_736 : vector<16xi32>
          %parallel_loop3A_738 = vector.bitcast %parallel_loop3A_737 : vector<16xi32> to vector<16xf32>
          %parallel_loop3A_739 = arith.constant -65536 : i32
          %parallel_loop3A_740 = vector.broadcast %parallel_loop3A_739 : i32 to vector<16xi32>
          %parallel_loop3A_741 = arith.andi %parallel_loop3A_620, %parallel_loop3A_740 : vector<16xi32>
          %parallel_loop3A_742 = vector.bitcast %parallel_loop3A_741 : vector<16xi32> to vector<16xf32>
          %parallel_loop3A_743 = arith.subf %parallel_loop3A_742, %parallel_loop3A_738 : vector<16xf32>
          %parallel_loop3A_744 = arith.mulf %parallel_loop3A_619, %parallel_loop3A_743 : vector<16xf32>
          %parallel_loop3A_745 = arith.addf %parallel_loop3A_738, %parallel_loop3A_744 : vector<16xf32>
          %parallel_loop3A_746 = arith.constant 16 : i32
          %parallel_loop3A_747 = arith.muli %parallel_loop3A_252, %parallel_loop3A_746 : i32
          %parallel_loop3A_748 = arith.constant 10 : i32
          %parallel_loop3A_749 = arith.index_cast %parallel_loop3A_748 : i32 to index
          %parallel_loop3A_750 = arith.index_cast %parallel_loop3A_245 : i32 to index
          %parallel_loop3A_751 = arith.index_cast %parallel_loop3A_747 : i32 to index
          %parallel_loop3A_752 = tpu.vector_load %arg14[%parallel_loop3A_749, %parallel_loop3A_750, %parallel_loop3A_751] {strides = array<i32>} : memref<25x8x128xf32, #tpu.memory_space<vmem>>, vector<16xf32>,
          tpu.vector_store %arg14[%parallel_loop3A_749, %parallel_loop3A_750, %parallel_loop3A_751], %parallel_loop3A_745 {strides = array<i32>} : memref<25x8x128xf32, #tpu.memory_space<vmem>>, vector<16xf32>,
          %parallel_loop3A_753 = arith.constant 16 : i32
          %parallel_loop3A_754 = vector.broadcast %parallel_loop3A_753 : i32 to vector<16xi32>
          %parallel_loop3A_755 = arith.shli %parallel_loop3A_636, %parallel_loop3A_754 : vector<16xi32>
          %parallel_loop3A_756 = vector.bitcast %parallel_loop3A_755 : vector<16xi32> to vector<16xf32>
          %parallel_loop3A_757 = arith.constant -65536 : i32
          %parallel_loop3A_758 = vector.broadcast %parallel_loop3A_757 : i32 to vector<16xi32>
          %parallel_loop3A_759 = arith.andi %parallel_loop3A_636, %parallel_loop3A_758 : vector<16xi32>
          %parallel_loop3A_760 = vector.bitcast %parallel_loop3A_759 : vector<16xi32> to vector<16xf32>
          %parallel_loop3A_761 = arith.subf %parallel_loop3A_760, %parallel_loop3A_756 : vector<16xf32>
          %parallel_loop3A_762 = arith.mulf %parallel_loop3A_635, %parallel_loop3A_761 : vector<16xf32>
          %parallel_loop3A_763 = arith.addf %parallel_loop3A_756, %parallel_loop3A_762 : vector<16xf32>
          %parallel_loop3A_764 = arith.constant 16 : i32
          %parallel_loop3A_765 = arith.muli %parallel_loop3A_252, %parallel_loop3A_764 : i32
          %parallel_loop3A_766 = arith.constant 11 : i32
          %parallel_loop3A_767 = arith.index_cast %parallel_loop3A_766 : i32 to index
          %parallel_loop3A_768 = arith.index_cast %parallel_loop3A_245 : i32 to index
          %parallel_loop3A_769 = arith.index_cast %parallel_loop3A_765 : i32 to index
          %parallel_loop3A_770 = tpu.vector_load %arg14[%parallel_loop3A_767, %parallel_loop3A_768, %parallel_loop3A_769] {strides = array<i32>} : memref<25x8x128xf32, #tpu.memory_space<vmem>>, vector<16xf32>,
          tpu.vector_store %arg14[%parallel_loop3A_767, %parallel_loop3A_768, %parallel_loop3A_769], %parallel_loop3A_763 {strides = array<i32>} : memref<25x8x128xf32, #tpu.memory_space<vmem>>, vector<16xf32>,
          %parallel_loop3A_771 = arith.constant 16 : i32
          %parallel_loop3A_772 = vector.broadcast %parallel_loop3A_771 : i32 to vector<16xi32>
          %parallel_loop3A_773 = arith.shli %parallel_loop3A_652, %parallel_loop3A_772 : vector<16xi32>
          %parallel_loop3A_774 = vector.bitcast %parallel_loop3A_773 : vector<16xi32> to vector<16xf32>
          %parallel_loop3A_775 = arith.constant -65536 : i32
          %parallel_loop3A_776 = vector.broadcast %parallel_loop3A_775 : i32 to vector<16xi32>
          %parallel_loop3A_777 = arith.andi %parallel_loop3A_652, %parallel_loop3A_776 : vector<16xi32>
          %parallel_loop3A_778 = vector.bitcast %parallel_loop3A_777 : vector<16xi32> to vector<16xf32>
          %parallel_loop3A_779 = arith.subf %parallel_loop3A_778, %parallel_loop3A_774 : vector<16xf32>
          %parallel_loop3A_780 = arith.mulf %parallel_loop3A_651, %parallel_loop3A_779 : vector<16xf32>
          %parallel_loop3A_781 = arith.addf %parallel_loop3A_774, %parallel_loop3A_780 : vector<16xf32>
          %parallel_loop3A_782 = arith.constant 16 : i32
          %parallel_loop3A_783 = arith.muli %parallel_loop3A_252, %parallel_loop3A_782 : i32
          %parallel_loop3A_784 = arith.constant 12 : i32
          %parallel_loop3A_785 = arith.index_cast %parallel_loop3A_784 : i32 to index
          %parallel_loop3A_786 = arith.index_cast %parallel_loop3A_245 : i32 to index
          %parallel_loop3A_787 = arith.index_cast %parallel_loop3A_783 : i32 to index
          %parallel_loop3A_788 = tpu.vector_load %arg14[%parallel_loop3A_785, %parallel_loop3A_786, %parallel_loop3A_787] {strides = array<i32>} : memref<25x8x128xf32, #tpu.memory_space<vmem>>, vector<16xf32>,
          tpu.vector_store %arg14[%parallel_loop3A_785, %parallel_loop3A_786, %parallel_loop3A_787], %parallel_loop3A_781 {strides = array<i32>} : memref<25x8x128xf32, #tpu.memory_space<vmem>>, vector<16xf32>,
          %parallel_loop3A_789 = arith.constant 16 : i32
          %parallel_loop3A_790 = vector.broadcast %parallel_loop3A_789 : i32 to vector<16xi32>
          %parallel_loop3A_791 = arith.shli %parallel_loop3A_668, %parallel_loop3A_790 : vector<16xi32>
          %parallel_loop3A_792 = vector.bitcast %parallel_loop3A_791 : vector<16xi32> to vector<16xf32>
          %parallel_loop3A_793 = arith.constant -65536 : i32
          %parallel_loop3A_794 = vector.broadcast %parallel_loop3A_793 : i32 to vector<16xi32>
          %parallel_loop3A_795 = arith.andi %parallel_loop3A_668, %parallel_loop3A_794 : vector<16xi32>
          %parallel_loop3A_796 = vector.bitcast %parallel_loop3A_795 : vector<16xi32> to vector<16xf32>
          %parallel_loop3A_797 = arith.subf %parallel_loop3A_796, %parallel_loop3A_792 : vector<16xf32>
          %parallel_loop3A_798 = arith.mulf %parallel_loop3A_667, %parallel_loop3A_797 : vector<16xf32>
          %parallel_loop3A_799 = arith.addf %parallel_loop3A_792, %parallel_loop3A_798 : vector<16xf32>
          %parallel_loop3A_800 = arith.constant 16 : i32
          %parallel_loop3A_801 = arith.muli %parallel_loop3A_252, %parallel_loop3A_800 : i32
          %parallel_loop3A_802 = arith.constant 13 : i32
          %parallel_loop3A_803 = arith.index_cast %parallel_loop3A_802 : i32 to index
          %parallel_loop3A_804 = arith.index_cast %parallel_loop3A_245 : i32 to index
          %parallel_loop3A_805 = arith.index_cast %parallel_loop3A_801 : i32 to index
          %parallel_loop3A_806 = tpu.vector_load %arg14[%parallel_loop3A_803, %parallel_loop3A_804, %parallel_loop3A_805] {strides = array<i32>} : memref<25x8x128xf32, #tpu.memory_space<vmem>>, vector<16xf32>,
          tpu.vector_store %arg14[%parallel_loop3A_803, %parallel_loop3A_804, %parallel_loop3A_805], %parallel_loop3A_799 {strides = array<i32>} : memref<25x8x128xf32, #tpu.memory_space<vmem>>, vector<16xf32>,
          %parallel_loop3A_807 = arith.constant 16 : i32
          %parallel_loop3A_808 = vector.broadcast %parallel_loop3A_807 : i32 to vector<16xi32>
          %parallel_loop3A_809 = arith.shli %parallel_loop3A_684, %parallel_loop3A_808 : vector<16xi32>
          %parallel_loop3A_810 = vector.bitcast %parallel_loop3A_809 : vector<16xi32> to vector<16xf32>
          %parallel_loop3A_811 = arith.constant -65536 : i32
          %parallel_loop3A_812 = vector.broadcast %parallel_loop3A_811 : i32 to vector<16xi32>
          %parallel_loop3A_813 = arith.andi %parallel_loop3A_684, %parallel_loop3A_812 : vector<16xi32>
          %parallel_loop3A_814 = vector.bitcast %parallel_loop3A_813 : vector<16xi32> to vector<16xf32>
          %parallel_loop3A_815 = arith.subf %parallel_loop3A_814, %parallel_loop3A_810 : vector<16xf32>
          %parallel_loop3A_816 = arith.mulf %parallel_loop3A_683, %parallel_loop3A_815 : vector<16xf32>
          %parallel_loop3A_817 = arith.addf %parallel_loop3A_810, %parallel_loop3A_816 : vector<16xf32>
          %parallel_loop3A_818 = arith.constant 16 : i32
          %parallel_loop3A_819 = arith.muli %parallel_loop3A_252, %parallel_loop3A_818 : i32
          %parallel_loop3A_820 = arith.constant 14 : i32
          %parallel_loop3A_821 = arith.index_cast %parallel_loop3A_820 : i32 to index
          %parallel_loop3A_822 = arith.index_cast %parallel_loop3A_245 : i32 to index
          %parallel_loop3A_823 = arith.index_cast %parallel_loop3A_819 : i32 to index
          %parallel_loop3A_824 = tpu.vector_load %arg14[%parallel_loop3A_821, %parallel_loop3A_822, %parallel_loop3A_823] {strides = array<i32>} : memref<25x8x128xf32, #tpu.memory_space<vmem>>, vector<16xf32>,
          tpu.vector_store %arg14[%parallel_loop3A_821, %parallel_loop3A_822, %parallel_loop3A_823], %parallel_loop3A_817 {strides = array<i32>} : memref<25x8x128xf32, #tpu.memory_space<vmem>>, vector<16xf32>,
          %parallel_loop3A_825 = arith.constant 16 : i32
          %parallel_loop3A_826 = vector.broadcast %parallel_loop3A_825 : i32 to vector<16xi32>
          %parallel_loop3A_827 = arith.shli %parallel_loop3A_700, %parallel_loop3A_826 : vector<16xi32>
          %parallel_loop3A_828 = vector.bitcast %parallel_loop3A_827 : vector<16xi32> to vector<16xf32>
          %parallel_loop3A_829 = arith.constant -65536 : i32
          %parallel_loop3A_830 = vector.broadcast %parallel_loop3A_829 : i32 to vector<16xi32>
          %parallel_loop3A_831 = arith.andi %parallel_loop3A_700, %parallel_loop3A_830 : vector<16xi32>
          %parallel_loop3A_832 = vector.bitcast %parallel_loop3A_831 : vector<16xi32> to vector<16xf32>
          %parallel_loop3A_833 = arith.subf %parallel_loop3A_832, %parallel_loop3A_828 : vector<16xf32>
          %parallel_loop3A_834 = arith.mulf %parallel_loop3A_699, %parallel_loop3A_833 : vector<16xf32>
          %parallel_loop3A_835 = arith.addf %parallel_loop3A_828, %parallel_loop3A_834 : vector<16xf32>
          %parallel_loop3A_836 = arith.constant 16 : i32
          %parallel_loop3A_837 = arith.muli %parallel_loop3A_252, %parallel_loop3A_836 : i32
          %parallel_loop3A_838 = arith.constant 15 : i32
          %parallel_loop3A_839 = arith.index_cast %parallel_loop3A_838 : i32 to index
          %parallel_loop3A_840 = arith.index_cast %parallel_loop3A_245 : i32 to index
          %parallel_loop3A_841 = arith.index_cast %parallel_loop3A_837 : i32 to index
          %parallel_loop3A_842 = tpu.vector_load %arg14[%parallel_loop3A_839, %parallel_loop3A_840, %parallel_loop3A_841] {strides = array<i32>} : memref<25x8x128xf32, #tpu.memory_space<vmem>>, vector<16xf32>,
          tpu.vector_store %arg14[%parallel_loop3A_839, %parallel_loop3A_840, %parallel_loop3A_841], %parallel_loop3A_835 {strides = array<i32>} : memref<25x8x128xf32, #tpu.memory_space<vmem>>, vector<16xf32>,
          %parallel_loop3A_843 = arith.constant 16 : i32
          %parallel_loop3A_844 = vector.broadcast %parallel_loop3A_843 : i32 to vector<16xi32>
          %parallel_loop3A_845 = arith.shli %parallel_loop3A_716, %parallel_loop3A_844 : vector<16xi32>
          %parallel_loop3A_846 = vector.bitcast %parallel_loop3A_845 : vector<16xi32> to vector<16xf32>
          %parallel_loop3A_847 = arith.constant -65536 : i32
          %parallel_loop3A_848 = vector.broadcast %parallel_loop3A_847 : i32 to vector<16xi32>
          %parallel_loop3A_849 = arith.andi %parallel_loop3A_716, %parallel_loop3A_848 : vector<16xi32>
          %parallel_loop3A_850 = vector.bitcast %parallel_loop3A_849 : vector<16xi32> to vector<16xf32>
          %parallel_loop3A_851 = arith.subf %parallel_loop3A_850, %parallel_loop3A_846 : vector<16xf32>
          %parallel_loop3A_852 = arith.mulf %parallel_loop3A_715, %parallel_loop3A_851 : vector<16xf32>
          %parallel_loop3A_853 = arith.addf %parallel_loop3A_846, %parallel_loop3A_852 : vector<16xf32>
          %parallel_loop3A_854 = arith.constant 16 : i32
          %parallel_loop3A_855 = arith.muli %parallel_loop3A_252, %parallel_loop3A_854 : i32
          %parallel_loop3A_856 = arith.constant 16 : i32
          %parallel_loop3A_857 = arith.index_cast %parallel_loop3A_856 : i32 to index
          %parallel_loop3A_858 = arith.index_cast %parallel_loop3A_245 : i32 to index
          %parallel_loop3A_859 = arith.index_cast %parallel_loop3A_855 : i32 to index
          %parallel_loop3A_860 = tpu.vector_load %arg14[%parallel_loop3A_857, %parallel_loop3A_858, %parallel_loop3A_859] {strides = array<i32>} : memref<25x8x128xf32, #tpu.memory_space<vmem>>, vector<16xf32>,
          tpu.vector_store %arg14[%parallel_loop3A_857, %parallel_loop3A_858, %parallel_loop3A_859], %parallel_loop3A_853 {strides = array<i32>} : memref<25x8x128xf32, #tpu.memory_space<vmem>>, vector<16xf32>,
          %parallel_loop3A_861 = arith.constant 1.700000e-01 : f32
          %parallel_loop3A_862 = vector.broadcast %parallel_loop3A_861 : f32 to vector<16xf32>
          %parallel_loop3A_863 = arith.cmpf olt, %parallel_loop3A_862, %parallel_loop3A_282 : vector<16xf32>
          %parallel_loop3A_864 = arith.constant 1.700000e+01 : f32
          %parallel_loop3A_865 = vector.broadcast %parallel_loop3A_864 : f32 to vector<16xf32>
          %parallel_loop3A_866 = arith.mulf %parallel_loop3A_272, %parallel_loop3A_865 : vector<16xf32>
          %parallel_loop3A_867 = arith.addf %parallel_loop3A_866, %parallel_loop3A_278 : vector<16xf32>
          %parallel_loop3A_868 = arith.constant 1.700000e+01 : f32
          %parallel_loop3A_869 = vector.broadcast %parallel_loop3A_868 : f32 to vector<16xf32>
          %parallel_loop3A_870 = arith.mulf %parallel_loop3A_273, %parallel_loop3A_869 : vector<16xf32>
          %parallel_loop3A_871 = arith.addf %parallel_loop3A_870, %parallel_loop3A_281 : vector<16xf32>
          %parallel_loop3A_872 = arith.select %parallel_loop3A_863, %parallel_loop3A_867, %parallel_loop3A_871 : vector<16xi1>, vector<16xf32>
          %parallel_loop3A_873 = arith.fptosi %parallel_loop3A_872 : vector<16xf32> to vector<16xi32>
          %parallel_loop3A_874 = arith.sitofp %parallel_loop3A_873 : vector<16xi32> to vector<16xf32>
          %parallel_loop3A_875 = arith.subf %parallel_loop3A_872, %parallel_loop3A_874 : vector<16xf32>
          %parallel_loop3A_876 = tpu.vector_load_idx %arg9[%parallel_loop3A_873] : memref<1600xi32, #tpu.memory_space<vmem>>[vector<16xi32>], vector<16xi32>,
          %parallel_loop3A_877 = arith.constant 0.179999992 : f32
          %parallel_loop3A_878 = vector.broadcast %parallel_loop3A_877 : f32 to vector<16xf32>
          %parallel_loop3A_879 = arith.cmpf olt, %parallel_loop3A_878, %parallel_loop3A_282 : vector<16xf32>
          %parallel_loop3A_880 = arith.constant 1.800000e+01 : f32
          %parallel_loop3A_881 = vector.broadcast %parallel_loop3A_880 : f32 to vector<16xf32>
          %parallel_loop3A_882 = arith.mulf %parallel_loop3A_272, %parallel_loop3A_881 : vector<16xf32>
          %parallel_loop3A_883 = arith.addf %parallel_loop3A_882, %parallel_loop3A_278 : vector<16xf32>
          %parallel_loop3A_884 = arith.constant 1.800000e+01 : f32
          %parallel_loop3A_885 = vector.broadcast %parallel_loop3A_884 : f32 to vector<16xf32>
          %parallel_loop3A_886 = arith.mulf %parallel_loop3A_273, %parallel_loop3A_885 : vector<16xf32>
          %parallel_loop3A_887 = arith.addf %parallel_loop3A_886, %parallel_loop3A_281 : vector<16xf32>
          %parallel_loop3A_888 = arith.select %parallel_loop3A_879, %parallel_loop3A_883, %parallel_loop3A_887 : vector<16xi1>, vector<16xf32>
          %parallel_loop3A_889 = arith.fptosi %parallel_loop3A_888 : vector<16xf32> to vector<16xi32>
          %parallel_loop3A_890 = arith.sitofp %parallel_loop3A_889 : vector<16xi32> to vector<16xf32>
          %parallel_loop3A_891 = arith.subf %parallel_loop3A_888, %parallel_loop3A_890 : vector<16xf32>
          %parallel_loop3A_892 = tpu.vector_load_idx %arg9[%parallel_loop3A_889] : memref<1600xi32, #tpu.memory_space<vmem>>[vector<16xi32>], vector<16xi32>,
          %parallel_loop3A_893 = arith.constant 1.900000e-01 : f32
          %parallel_loop3A_894 = vector.broadcast %parallel_loop3A_893 : f32 to vector<16xf32>
          %parallel_loop3A_895 = arith.cmpf olt, %parallel_loop3A_894, %parallel_loop3A_282 : vector<16xf32>
          %parallel_loop3A_896 = arith.constant 1.900000e+01 : f32
          %parallel_loop3A_897 = vector.broadcast %parallel_loop3A_896 : f32 to vector<16xf32>
          %parallel_loop3A_898 = arith.mulf %parallel_loop3A_272, %parallel_loop3A_897 : vector<16xf32>
          %parallel_loop3A_899 = arith.addf %parallel_loop3A_898, %parallel_loop3A_278 : vector<16xf32>
          %parallel_loop3A_900 = arith.constant 1.900000e+01 : f32
          %parallel_loop3A_901 = vector.broadcast %parallel_loop3A_900 : f32 to vector<16xf32>
          %parallel_loop3A_902 = arith.mulf %parallel_loop3A_273, %parallel_loop3A_901 : vector<16xf32>
          %parallel_loop3A_903 = arith.addf %parallel_loop3A_902, %parallel_loop3A_281 : vector<16xf32>
          %parallel_loop3A_904 = arith.select %parallel_loop3A_895, %parallel_loop3A_899, %parallel_loop3A_903 : vector<16xi1>, vector<16xf32>
          %parallel_loop3A_905 = arith.fptosi %parallel_loop3A_904 : vector<16xf32> to vector<16xi32>
          %parallel_loop3A_906 = arith.sitofp %parallel_loop3A_905 : vector<16xi32> to vector<16xf32>
          %parallel_loop3A_907 = arith.subf %parallel_loop3A_904, %parallel_loop3A_906 : vector<16xf32>
          %parallel_loop3A_908 = tpu.vector_load_idx %arg9[%parallel_loop3A_905] : memref<1600xi32, #tpu.memory_space<vmem>>[vector<16xi32>], vector<16xi32>,
          %parallel_loop3A_909 = arith.constant 0.199999988 : f32
          %parallel_loop3A_910 = vector.broadcast %parallel_loop3A_909 : f32 to vector<16xf32>
          %parallel_loop3A_911 = arith.cmpf olt, %parallel_loop3A_910, %parallel_loop3A_282 : vector<16xf32>
          %parallel_loop3A_912 = arith.constant 2.000000e+01 : f32
          %parallel_loop3A_913 = vector.broadcast %parallel_loop3A_912 : f32 to vector<16xf32>
          %parallel_loop3A_914 = arith.mulf %parallel_loop3A_272, %parallel_loop3A_913 : vector<16xf32>
          %parallel_loop3A_915 = arith.addf %parallel_loop3A_914, %parallel_loop3A_278 : vector<16xf32>
          %parallel_loop3A_916 = arith.constant 2.000000e+01 : f32
          %parallel_loop3A_917 = vector.broadcast %parallel_loop3A_916 : f32 to vector<16xf32>
          %parallel_loop3A_918 = arith.mulf %parallel_loop3A_273, %parallel_loop3A_917 : vector<16xf32>
          %parallel_loop3A_919 = arith.addf %parallel_loop3A_918, %parallel_loop3A_281 : vector<16xf32>
          %parallel_loop3A_920 = arith.select %parallel_loop3A_911, %parallel_loop3A_915, %parallel_loop3A_919 : vector<16xi1>, vector<16xf32>
          %parallel_loop3A_921 = arith.fptosi %parallel_loop3A_920 : vector<16xf32> to vector<16xi32>
          %parallel_loop3A_922 = arith.sitofp %parallel_loop3A_921 : vector<16xi32> to vector<16xf32>
          %parallel_loop3A_923 = arith.subf %parallel_loop3A_920, %parallel_loop3A_922 : vector<16xf32>
          %parallel_loop3A_924 = tpu.vector_load_idx %arg9[%parallel_loop3A_921] : memref<1600xi32, #tpu.memory_space<vmem>>[vector<16xi32>], vector<16xi32>,
          %parallel_loop3A_925 = arith.constant 2.100000e-01 : f32
          %parallel_loop3A_926 = vector.broadcast %parallel_loop3A_925 : f32 to vector<16xf32>
          %parallel_loop3A_927 = arith.cmpf olt, %parallel_loop3A_926, %parallel_loop3A_282 : vector<16xf32>
          %parallel_loop3A_928 = arith.constant 2.100000e+01 : f32
          %parallel_loop3A_929 = vector.broadcast %parallel_loop3A_928 : f32 to vector<16xf32>
          %parallel_loop3A_930 = arith.mulf %parallel_loop3A_272, %parallel_loop3A_929 : vector<16xf32>
          %parallel_loop3A_931 = arith.addf %parallel_loop3A_930, %parallel_loop3A_278 : vector<16xf32>
          %parallel_loop3A_932 = arith.constant 2.100000e+01 : f32
          %parallel_loop3A_933 = vector.broadcast %parallel_loop3A_932 : f32 to vector<16xf32>
          %parallel_loop3A_934 = arith.mulf %parallel_loop3A_273, %parallel_loop3A_933 : vector<16xf32>
          %parallel_loop3A_935 = arith.addf %parallel_loop3A_934, %parallel_loop3A_281 : vector<16xf32>
          %parallel_loop3A_936 = arith.select %parallel_loop3A_927, %parallel_loop3A_931, %parallel_loop3A_935 : vector<16xi1>, vector<16xf32>
          %parallel_loop3A_937 = arith.fptosi %parallel_loop3A_936 : vector<16xf32> to vector<16xi32>
          %parallel_loop3A_938 = arith.sitofp %parallel_loop3A_937 : vector<16xi32> to vector<16xf32>
          %parallel_loop3A_939 = arith.subf %parallel_loop3A_936, %parallel_loop3A_938 : vector<16xf32>
          %parallel_loop3A_940 = tpu.vector_load_idx %arg9[%parallel_loop3A_937] : memref<1600xi32, #tpu.memory_space<vmem>>[vector<16xi32>], vector<16xi32>,
          %parallel_loop3A_941 = arith.constant 2.200000e-01 : f32
          %parallel_loop3A_942 = vector.broadcast %parallel_loop3A_941 : f32 to vector<16xf32>
          %parallel_loop3A_943 = arith.cmpf olt, %parallel_loop3A_942, %parallel_loop3A_282 : vector<16xf32>
          %parallel_loop3A_944 = arith.constant 2.200000e+01 : f32
          %parallel_loop3A_945 = vector.broadcast %parallel_loop3A_944 : f32 to vector<16xf32>
          %parallel_loop3A_946 = arith.mulf %parallel_loop3A_272, %parallel_loop3A_945 : vector<16xf32>
          %parallel_loop3A_947 = arith.addf %parallel_loop3A_946, %parallel_loop3A_278 : vector<16xf32>
          %parallel_loop3A_948 = arith.constant 2.200000e+01 : f32
          %parallel_loop3A_949 = vector.broadcast %parallel_loop3A_948 : f32 to vector<16xf32>
          %parallel_loop3A_950 = arith.mulf %parallel_loop3A_273, %parallel_loop3A_949 : vector<16xf32>
          %parallel_loop3A_951 = arith.addf %parallel_loop3A_950, %parallel_loop3A_281 : vector<16xf32>
          %parallel_loop3A_952 = arith.select %parallel_loop3A_943, %parallel_loop3A_947, %parallel_loop3A_951 : vector<16xi1>, vector<16xf32>
          %parallel_loop3A_953 = arith.fptosi %parallel_loop3A_952 : vector<16xf32> to vector<16xi32>
          %parallel_loop3A_954 = arith.sitofp %parallel_loop3A_953 : vector<16xi32> to vector<16xf32>
          %parallel_loop3A_955 = arith.subf %parallel_loop3A_952, %parallel_loop3A_954 : vector<16xf32>
          %parallel_loop3A_956 = tpu.vector_load_idx %arg9[%parallel_loop3A_953] : memref<1600xi32, #tpu.memory_space<vmem>>[vector<16xi32>], vector<16xi32>,
          %parallel_loop3A_957 = arith.constant 0.229999989 : f32
          %parallel_loop3A_958 = vector.broadcast %parallel_loop3A_957 : f32 to vector<16xf32>
          %parallel_loop3A_959 = arith.cmpf olt, %parallel_loop3A_958, %parallel_loop3A_282 : vector<16xf32>
          %parallel_loop3A_960 = arith.constant 2.300000e+01 : f32
          %parallel_loop3A_961 = vector.broadcast %parallel_loop3A_960 : f32 to vector<16xf32>
          %parallel_loop3A_962 = arith.mulf %parallel_loop3A_272, %parallel_loop3A_961 : vector<16xf32>
          %parallel_loop3A_963 = arith.addf %parallel_loop3A_962, %parallel_loop3A_278 : vector<16xf32>
          %parallel_loop3A_964 = arith.constant 2.300000e+01 : f32
          %parallel_loop3A_965 = vector.broadcast %parallel_loop3A_964 : f32 to vector<16xf32>
          %parallel_loop3A_966 = arith.mulf %parallel_loop3A_273, %parallel_loop3A_965 : vector<16xf32>
          %parallel_loop3A_967 = arith.addf %parallel_loop3A_966, %parallel_loop3A_281 : vector<16xf32>
          %parallel_loop3A_968 = arith.select %parallel_loop3A_959, %parallel_loop3A_963, %parallel_loop3A_967 : vector<16xi1>, vector<16xf32>
          %parallel_loop3A_969 = arith.fptosi %parallel_loop3A_968 : vector<16xf32> to vector<16xi32>
          %parallel_loop3A_970 = arith.sitofp %parallel_loop3A_969 : vector<16xi32> to vector<16xf32>
          %parallel_loop3A_971 = arith.subf %parallel_loop3A_968, %parallel_loop3A_970 : vector<16xf32>
          %parallel_loop3A_972 = tpu.vector_load_idx %arg9[%parallel_loop3A_969] : memref<1600xi32, #tpu.memory_space<vmem>>[vector<16xi32>], vector<16xi32>,
          %parallel_loop3A_973 = arith.constant 2.400000e-01 : f32
          %parallel_loop3A_974 = vector.broadcast %parallel_loop3A_973 : f32 to vector<16xf32>
          %parallel_loop3A_975 = arith.cmpf olt, %parallel_loop3A_974, %parallel_loop3A_282 : vector<16xf32>
          %parallel_loop3A_976 = arith.constant 2.400000e+01 : f32
          %parallel_loop3A_977 = vector.broadcast %parallel_loop3A_976 : f32 to vector<16xf32>
          %parallel_loop3A_978 = arith.mulf %parallel_loop3A_272, %parallel_loop3A_977 : vector<16xf32>
          %parallel_loop3A_979 = arith.addf %parallel_loop3A_978, %parallel_loop3A_278 : vector<16xf32>
          %parallel_loop3A_980 = arith.constant 2.400000e+01 : f32
          %parallel_loop3A_981 = vector.broadcast %parallel_loop3A_980 : f32 to vector<16xf32>
          %parallel_loop3A_982 = arith.mulf %parallel_loop3A_273, %parallel_loop3A_981 : vector<16xf32>
          %parallel_loop3A_983 = arith.addf %parallel_loop3A_982, %parallel_loop3A_281 : vector<16xf32>
          %parallel_loop3A_984 = arith.select %parallel_loop3A_975, %parallel_loop3A_979, %parallel_loop3A_983 : vector<16xi1>, vector<16xf32>
          %parallel_loop3A_985 = arith.fptosi %parallel_loop3A_984 : vector<16xf32> to vector<16xi32>
          %parallel_loop3A_986 = arith.sitofp %parallel_loop3A_985 : vector<16xi32> to vector<16xf32>
          %parallel_loop3A_987 = arith.subf %parallel_loop3A_984, %parallel_loop3A_986 : vector<16xf32>
          %parallel_loop3A_988 = tpu.vector_load_idx %arg9[%parallel_loop3A_985] : memref<1600xi32, #tpu.memory_space<vmem>>[vector<16xi32>], vector<16xi32>,
          %parallel_loop3A_989 = arith.constant 16 : i32
          %parallel_loop3A_990 = vector.broadcast %parallel_loop3A_989 : i32 to vector<16xi32>
          %parallel_loop3A_991 = arith.shli %parallel_loop3A_876, %parallel_loop3A_990 : vector<16xi32>
          %parallel_loop3A_992 = vector.bitcast %parallel_loop3A_991 : vector<16xi32> to vector<16xf32>
          %parallel_loop3A_993 = arith.constant -65536 : i32
          %parallel_loop3A_994 = vector.broadcast %parallel_loop3A_993 : i32 to vector<16xi32>
          %parallel_loop3A_995 = arith.andi %parallel_loop3A_876, %parallel_loop3A_994 : vector<16xi32>
          %parallel_loop3A_996 = vector.bitcast %parallel_loop3A_995 : vector<16xi32> to vector<16xf32>
          %parallel_loop3A_997 = arith.subf %parallel_loop3A_996, %parallel_loop3A_992 : vector<16xf32>
          %parallel_loop3A_998 = arith.mulf %parallel_loop3A_875, %parallel_loop3A_997 : vector<16xf32>
          %parallel_loop3A_999 = arith.addf %parallel_loop3A_992, %parallel_loop3A_998 : vector<16xf32>
          %parallel_loop3A_1000 = arith.constant 16 : i32
          %parallel_loop3A_1001 = arith.muli %parallel_loop3A_252, %parallel_loop3A_1000 : i32
          %parallel_loop3A_1002 = arith.constant 17 : i32
          %parallel_loop3A_1003 = arith.index_cast %parallel_loop3A_1002 : i32 to index
          %parallel_loop3A_1004 = arith.index_cast %parallel_loop3A_245 : i32 to index
          %parallel_loop3A_1005 = arith.index_cast %parallel_loop3A_1001 : i32 to index
          %parallel_loop3A_1006 = tpu.vector_load %arg14[%parallel_loop3A_1003, %parallel_loop3A_1004, %parallel_loop3A_1005] {strides = array<i32>} : memref<25x8x128xf32, #tpu.memory_space<vmem>>, vector<16xf32>,
          tpu.vector_store %arg14[%parallel_loop3A_1003, %parallel_loop3A_1004, %parallel_loop3A_1005], %parallel_loop3A_999 {strides = array<i32>} : memref<25x8x128xf32, #tpu.memory_space<vmem>>, vector<16xf32>,
          %parallel_loop3A_1007 = arith.constant 16 : i32
          %parallel_loop3A_1008 = vector.broadcast %parallel_loop3A_1007 : i32 to vector<16xi32>
          %parallel_loop3A_1009 = arith.shli %parallel_loop3A_892, %parallel_loop3A_1008 : vector<16xi32>
          %parallel_loop3A_1010 = vector.bitcast %parallel_loop3A_1009 : vector<16xi32> to vector<16xf32>
          %parallel_loop3A_1011 = arith.constant -65536 : i32
          %parallel_loop3A_1012 = vector.broadcast %parallel_loop3A_1011 : i32 to vector<16xi32>
          %parallel_loop3A_1013 = arith.andi %parallel_loop3A_892, %parallel_loop3A_1012 : vector<16xi32>
          %parallel_loop3A_1014 = vector.bitcast %parallel_loop3A_1013 : vector<16xi32> to vector<16xf32>
          %parallel_loop3A_1015 = arith.subf %parallel_loop3A_1014, %parallel_loop3A_1010 : vector<16xf32>
          %parallel_loop3A_1016 = arith.mulf %parallel_loop3A_891, %parallel_loop3A_1015 : vector<16xf32>
          %parallel_loop3A_1017 = arith.addf %parallel_loop3A_1010, %parallel_loop3A_1016 : vector<16xf32>
          %parallel_loop3A_1018 = arith.constant 16 : i32
          %parallel_loop3A_1019 = arith.muli %parallel_loop3A_252, %parallel_loop3A_1018 : i32
          %parallel_loop3A_1020 = arith.constant 18 : i32
          %parallel_loop3A_1021 = arith.index_cast %parallel_loop3A_1020 : i32 to index
          %parallel_loop3A_1022 = arith.index_cast %parallel_loop3A_245 : i32 to index
          %parallel_loop3A_1023 = arith.index_cast %parallel_loop3A_1019 : i32 to index
          %parallel_loop3A_1024 = tpu.vector_load %arg14[%parallel_loop3A_1021, %parallel_loop3A_1022, %parallel_loop3A_1023] {strides = array<i32>} : memref<25x8x128xf32, #tpu.memory_space<vmem>>, vector<16xf32>,
          tpu.vector_store %arg14[%parallel_loop3A_1021, %parallel_loop3A_1022, %parallel_loop3A_1023], %parallel_loop3A_1017 {strides = array<i32>} : memref<25x8x128xf32, #tpu.memory_space<vmem>>, vector<16xf32>,
          %parallel_loop3A_1025 = arith.constant 16 : i32
          %parallel_loop3A_1026 = vector.broadcast %parallel_loop3A_1025 : i32 to vector<16xi32>
          %parallel_loop3A_1027 = arith.shli %parallel_loop3A_908, %parallel_loop3A_1026 : vector<16xi32>
          %parallel_loop3A_1028 = vector.bitcast %parallel_loop3A_1027 : vector<16xi32> to vector<16xf32>
          %parallel_loop3A_1029 = arith.constant -65536 : i32
          %parallel_loop3A_1030 = vector.broadcast %parallel_loop3A_1029 : i32 to vector<16xi32>
          %parallel_loop3A_1031 = arith.andi %parallel_loop3A_908, %parallel_loop3A_1030 : vector<16xi32>
          %parallel_loop3A_1032 = vector.bitcast %parallel_loop3A_1031 : vector<16xi32> to vector<16xf32>
          %parallel_loop3A_1033 = arith.subf %parallel_loop3A_1032, %parallel_loop3A_1028 : vector<16xf32>
          %parallel_loop3A_1034 = arith.mulf %parallel_loop3A_907, %parallel_loop3A_1033 : vector<16xf32>
          %parallel_loop3A_1035 = arith.addf %parallel_loop3A_1028, %parallel_loop3A_1034 : vector<16xf32>
          %parallel_loop3A_1036 = arith.constant 16 : i32
          %parallel_loop3A_1037 = arith.muli %parallel_loop3A_252, %parallel_loop3A_1036 : i32
          %parallel_loop3A_1038 = arith.constant 19 : i32
          %parallel_loop3A_1039 = arith.index_cast %parallel_loop3A_1038 : i32 to index
          %parallel_loop3A_1040 = arith.index_cast %parallel_loop3A_245 : i32 to index
          %parallel_loop3A_1041 = arith.index_cast %parallel_loop3A_1037 : i32 to index
          %parallel_loop3A_1042 = tpu.vector_load %arg14[%parallel_loop3A_1039, %parallel_loop3A_1040, %parallel_loop3A_1041] {strides = array<i32>} : memref<25x8x128xf32, #tpu.memory_space<vmem>>, vector<16xf32>,
          tpu.vector_store %arg14[%parallel_loop3A_1039, %parallel_loop3A_1040, %parallel_loop3A_1041], %parallel_loop3A_1035 {strides = array<i32>} : memref<25x8x128xf32, #tpu.memory_space<vmem>>, vector<16xf32>,
          %parallel_loop3A_1043 = arith.constant 16 : i32
          %parallel_loop3A_1044 = vector.broadcast %parallel_loop3A_1043 : i32 to vector<16xi32>
          %parallel_loop3A_1045 = arith.shli %parallel_loop3A_924, %parallel_loop3A_1044 : vector<16xi32>
          %parallel_loop3A_1046 = vector.bitcast %parallel_loop3A_1045 : vector<16xi32> to vector<16xf32>
          %parallel_loop3A_1047 = arith.constant -65536 : i32
          %parallel_loop3A_1048 = vector.broadcast %parallel_loop3A_1047 : i32 to vector<16xi32>
          %parallel_loop3A_1049 = arith.andi %parallel_loop3A_924, %parallel_loop3A_1048 : vector<16xi32>
          %parallel_loop3A_1050 = vector.bitcast %parallel_loop3A_1049 : vector<16xi32> to vector<16xf32>
          %parallel_loop3A_1051 = arith.subf %parallel_loop3A_1050, %parallel_loop3A_1046 : vector<16xf32>
          %parallel_loop3A_1052 = arith.mulf %parallel_loop3A_923, %parallel_loop3A_1051 : vector<16xf32>
          %parallel_loop3A_1053 = arith.addf %parallel_loop3A_1046, %parallel_loop3A_1052 : vector<16xf32>
          %parallel_loop3A_1054 = arith.constant 16 : i32
          %parallel_loop3A_1055 = arith.muli %parallel_loop3A_252, %parallel_loop3A_1054 : i32
          %parallel_loop3A_1056 = arith.constant 20 : i32
          %parallel_loop3A_1057 = arith.index_cast %parallel_loop3A_1056 : i32 to index
          %parallel_loop3A_1058 = arith.index_cast %parallel_loop3A_245 : i32 to index
          %parallel_loop3A_1059 = arith.index_cast %parallel_loop3A_1055 : i32 to index
          %parallel_loop3A_1060 = tpu.vector_load %arg14[%parallel_loop3A_1057, %parallel_loop3A_1058, %parallel_loop3A_1059] {strides = array<i32>} : memref<25x8x128xf32, #tpu.memory_space<vmem>>, vector<16xf32>,
          tpu.vector_store %arg14[%parallel_loop3A_1057, %parallel_loop3A_1058, %parallel_loop3A_1059], %parallel_loop3A_1053 {strides = array<i32>} : memref<25x8x128xf32, #tpu.memory_space<vmem>>, vector<16xf32>,
          %parallel_loop3A_1061 = arith.constant 16 : i32
          %parallel_loop3A_1062 = vector.broadcast %parallel_loop3A_1061 : i32 to vector<16xi32>
          %parallel_loop3A_1063 = arith.shli %parallel_loop3A_940, %parallel_loop3A_1062 : vector<16xi32>
          %parallel_loop3A_1064 = vector.bitcast %parallel_loop3A_1063 : vector<16xi32> to vector<16xf32>
          %parallel_loop3A_1065 = arith.constant -65536 : i32
          %parallel_loop3A_1066 = vector.broadcast %parallel_loop3A_1065 : i32 to vector<16xi32>
          %parallel_loop3A_1067 = arith.andi %parallel_loop3A_940, %parallel_loop3A_1066 : vector<16xi32>
          %parallel_loop3A_1068 = vector.bitcast %parallel_loop3A_1067 : vector<16xi32> to vector<16xf32>
          %parallel_loop3A_1069 = arith.subf %parallel_loop3A_1068, %parallel_loop3A_1064 : vector<16xf32>
          %parallel_loop3A_1070 = arith.mulf %parallel_loop3A_939, %parallel_loop3A_1069 : vector<16xf32>
          %parallel_loop3A_1071 = arith.addf %parallel_loop3A_1064, %parallel_loop3A_1070 : vector<16xf32>
          %parallel_loop3A_1072 = arith.constant 16 : i32
          %parallel_loop3A_1073 = arith.muli %parallel_loop3A_252, %parallel_loop3A_1072 : i32
          %parallel_loop3A_1074 = arith.constant 21 : i32
          %parallel_loop3A_1075 = arith.index_cast %parallel_loop3A_1074 : i32 to index
          %parallel_loop3A_1076 = arith.index_cast %parallel_loop3A_245 : i32 to index
          %parallel_loop3A_1077 = arith.index_cast %parallel_loop3A_1073 : i32 to index
          %parallel_loop3A_1078 = tpu.vector_load %arg14[%parallel_loop3A_1075, %parallel_loop3A_1076, %parallel_loop3A_1077] {strides = array<i32>} : memref<25x8x128xf32, #tpu.memory_space<vmem>>, vector<16xf32>,
          tpu.vector_store %arg14[%parallel_loop3A_1075, %parallel_loop3A_1076, %parallel_loop3A_1077], %parallel_loop3A_1071 {strides = array<i32>} : memref<25x8x128xf32, #tpu.memory_space<vmem>>, vector<16xf32>,
          %parallel_loop3A_1079 = arith.constant 16 : i32
          %parallel_loop3A_1080 = vector.broadcast %parallel_loop3A_1079 : i32 to vector<16xi32>
          %parallel_loop3A_1081 = arith.shli %parallel_loop3A_956, %parallel_loop3A_1080 : vector<16xi32>
          %parallel_loop3A_1082 = vector.bitcast %parallel_loop3A_1081 : vector<16xi32> to vector<16xf32>
          %parallel_loop3A_1083 = arith.constant -65536 : i32
          %parallel_loop3A_1084 = vector.broadcast %parallel_loop3A_1083 : i32 to vector<16xi32>
          %parallel_loop3A_1085 = arith.andi %parallel_loop3A_956, %parallel_loop3A_1084 : vector<16xi32>
          %parallel_loop3A_1086 = vector.bitcast %parallel_loop3A_1085 : vector<16xi32> to vector<16xf32>
          %parallel_loop3A_1087 = arith.subf %parallel_loop3A_1086, %parallel_loop3A_1082 : vector<16xf32>
          %parallel_loop3A_1088 = arith.mulf %parallel_loop3A_955, %parallel_loop3A_1087 : vector<16xf32>
          %parallel_loop3A_1089 = arith.addf %parallel_loop3A_1082, %parallel_loop3A_1088 : vector<16xf32>
          %parallel_loop3A_1090 = arith.constant 16 : i32
          %parallel_loop3A_1091 = arith.muli %parallel_loop3A_252, %parallel_loop3A_1090 : i32
          %parallel_loop3A_1092 = arith.constant 22 : i32
          %parallel_loop3A_1093 = arith.index_cast %parallel_loop3A_1092 : i32 to index
          %parallel_loop3A_1094 = arith.index_cast %parallel_loop3A_245 : i32 to index
          %parallel_loop3A_1095 = arith.index_cast %parallel_loop3A_1091 : i32 to index
          %parallel_loop3A_1096 = tpu.vector_load %arg14[%parallel_loop3A_1093, %parallel_loop3A_1094, %parallel_loop3A_1095] {strides = array<i32>} : memref<25x8x128xf32, #tpu.memory_space<vmem>>, vector<16xf32>,
          tpu.vector_store %arg14[%parallel_loop3A_1093, %parallel_loop3A_1094, %parallel_loop3A_1095], %parallel_loop3A_1089 {strides = array<i32>} : memref<25x8x128xf32, #tpu.memory_space<vmem>>, vector<16xf32>,
          %parallel_loop3A_1097 = arith.constant 16 : i32
          %parallel_loop3A_1098 = vector.broadcast %parallel_loop3A_1097 : i32 to vector<16xi32>
          %parallel_loop3A_1099 = arith.shli %parallel_loop3A_972, %parallel_loop3A_1098 : vector<16xi32>
          %parallel_loop3A_1100 = vector.bitcast %parallel_loop3A_1099 : vector<16xi32> to vector<16xf32>
          %parallel_loop3A_1101 = arith.constant -65536 : i32
          %parallel_loop3A_1102 = vector.broadcast %parallel_loop3A_1101 : i32 to vector<16xi32>
          %parallel_loop3A_1103 = arith.andi %parallel_loop3A_972, %parallel_loop3A_1102 : vector<16xi32>
          %parallel_loop3A_1104 = vector.bitcast %parallel_loop3A_1103 : vector<16xi32> to vector<16xf32>
          %parallel_loop3A_1105 = arith.subf %parallel_loop3A_1104, %parallel_loop3A_1100 : vector<16xf32>
          %parallel_loop3A_1106 = arith.mulf %parallel_loop3A_971, %parallel_loop3A_1105 : vector<16xf32>
          %parallel_loop3A_1107 = arith.addf %parallel_loop3A_1100, %parallel_loop3A_1106 : vector<16xf32>
          %parallel_loop3A_1108 = arith.constant 16 : i32
          %parallel_loop3A_1109 = arith.muli %parallel_loop3A_252, %parallel_loop3A_1108 : i32
          %parallel_loop3A_1110 = arith.constant 23 : i32
          %parallel_loop3A_1111 = arith.index_cast %parallel_loop3A_1110 : i32 to index
          %parallel_loop3A_1112 = arith.index_cast %parallel_loop3A_245 : i32 to index
          %parallel_loop3A_1113 = arith.index_cast %parallel_loop3A_1109 : i32 to index
          %parallel_loop3A_1114 = tpu.vector_load %arg14[%parallel_loop3A_1111, %parallel_loop3A_1112, %parallel_loop3A_1113] {strides = array<i32>} : memref<25x8x128xf32, #tpu.memory_space<vmem>>, vector<16xf32>,
          tpu.vector_store %arg14[%parallel_loop3A_1111, %parallel_loop3A_1112, %parallel_loop3A_1113], %parallel_loop3A_1107 {strides = array<i32>} : memref<25x8x128xf32, #tpu.memory_space<vmem>>, vector<16xf32>,
          %parallel_loop3A_1115 = arith.constant 16 : i32
          %parallel_loop3A_1116 = vector.broadcast %parallel_loop3A_1115 : i32 to vector<16xi32>
          %parallel_loop3A_1117 = arith.shli %parallel_loop3A_988, %parallel_loop3A_1116 : vector<16xi32>
          %parallel_loop3A_1118 = vector.bitcast %parallel_loop3A_1117 : vector<16xi32> to vector<16xf32>
          %parallel_loop3A_1119 = arith.constant -65536 : i32
          %parallel_loop3A_1120 = vector.broadcast %parallel_loop3A_1119 : i32 to vector<16xi32>
          %parallel_loop3A_1121 = arith.andi %parallel_loop3A_988, %parallel_loop3A_1120 : vector<16xi32>
          %parallel_loop3A_1122 = vector.bitcast %parallel_loop3A_1121 : vector<16xi32> to vector<16xf32>
          %parallel_loop3A_1123 = arith.subf %parallel_loop3A_1122, %parallel_loop3A_1118 : vector<16xf32>
          %parallel_loop3A_1124 = arith.mulf %parallel_loop3A_987, %parallel_loop3A_1123 : vector<16xf32>
          %parallel_loop3A_1125 = arith.addf %parallel_loop3A_1118, %parallel_loop3A_1124 : vector<16xf32>
          %parallel_loop3A_1126 = arith.constant 16 : i32
          %parallel_loop3A_1127 = arith.muli %parallel_loop3A_252, %parallel_loop3A_1126 : i32
          %parallel_loop3A_1128 = arith.constant 24 : i32
          %parallel_loop3A_1129 = arith.index_cast %parallel_loop3A_1128 : i32 to index
          %parallel_loop3A_1130 = arith.index_cast %parallel_loop3A_245 : i32 to index
          %parallel_loop3A_1131 = arith.index_cast %parallel_loop3A_1127 : i32 to index
          %parallel_loop3A_1132 = tpu.vector_load %arg14[%parallel_loop3A_1129, %parallel_loop3A_1130, %parallel_loop3A_1131] {strides = array<i32>} : memref<25x8x128xf32, #tpu.memory_space<vmem>>, vector<16xf32>,
          tpu.vector_store %arg14[%parallel_loop3A_1129, %parallel_loop3A_1130, %parallel_loop3A_1131], %parallel_loop3A_1125 {strides = array<i32>} : memref<25x8x128xf32, #tpu.memory_space<vmem>>, vector<16xf32>,
        } {sc.loop_unroll_factor = 1 : i64, sc.parallel_access}
      } {sc.loop_unroll_factor = 1 : i64, sc.parallel_access}
      %dma_start3A_237 = arith.constant 0 : i32
      %dma_start3A_238 = arith.constant 0 : i32
      %dma_start3A_239 = arith.constant 0 : i32
      %dma_start3A_240 = tpu.memref_slice %arg7[%select_n3A, %add3A_98, %dma_start3A_237, %dma_start3A_238, %add3A_221, %dma_start3A_239] : memref<8x200x1x1x64x128xf32, #tpu.memory_space<hbm>> -> memref<1x25x1x1x8x128xf32, #tpu.memory_space<hbm>>
      %dma_start3A_241 = tpu.memref_squeeze %dma_start3A_240 : memref<1x25x1x1x8x128xf32, #tpu.memory_space<hbm>> -> memref<25x8x128xf32, #tpu.memory_space<hbm>>
      %dma_start3A_242 = arith.constant 0 : i32
      %dma_start3A_243 = tpu.memref_slice %arg7[%select_n3A, %add3A_98, %dma_start3A_237, %dma_start3A_238, %add3A_221, %dma_start3A_242] : memref<8x200x1x1x64x128xf32, #tpu.memory_space<hbm>> -> memref<1x25x1x1x8x128xf32, #tpu.memory_space<hbm>>
      %dma_start3A_244 = tpu.memref_squeeze %dma_start3A_243 : memref<1x25x1x1x8x128xf32, #tpu.memory_space<hbm>> -> memref<25x8x128xf32, #tpu.memory_space<hbm>>
      tpu.enqueue_dma source(%arg14 : memref<25x8x128xf32, #tpu.memory_space<vmem>>) target(%dma_start3A_244 : memref<25x8x128xf32, #tpu.memory_space<hbm>>) target_semaphore(%arg18 : memref<!tpu.dma_semaphore, #tpu.memory_space<semaphore_mem>>)
    }
    %scan3A_175 = arith.constant 4 : i32
    %dma_wait3A = arith.constant 0 : i32
    %dma_wait3A_176 = arith.constant 0 : i32
    %dma_wait3A_177 = arith.constant 48 : i32
    %dma_wait3A_178 = arith.constant 0 : i32
    %dma_wait3A_179 = tpu.memref_slice %arg7[%select_n3A, %add3A_98, %dma_wait3A, %dma_wait3A_176, %dma_wait3A_177, %dma_wait3A_178] : memref<8x200x1x1x64x128xf32, #tpu.memory_space<hbm>> -> memref<1x25x1x1x8x128xf32, #tpu.memory_space<hbm>>
    %dma_wait3A_180 = tpu.memref_squeeze %dma_wait3A_179 : memref<1x25x1x1x8x128xf32, #tpu.memory_space<hbm>> -> memref<25x8x128xf32, #tpu.memory_space<hbm>>
    %dma_wait3A_181 = arith.constant 48 : i32
    %dma_wait3A_182 = arith.constant 0 : i32
    %dma_wait3A_183 = tpu.memref_slice %arg7[%select_n3A, %add3A_98, %dma_wait3A, %dma_wait3A_176, %dma_wait3A_181, %dma_wait3A_182] : memref<8x200x1x1x64x128xf32, #tpu.memory_space<hbm>> -> memref<1x25x1x1x8x128xf32, #tpu.memory_space<hbm>>
    %dma_wait3A_184 = tpu.memref_squeeze %dma_wait3A_183 : memref<1x25x1x1x8x128xf32, #tpu.memory_space<hbm>> -> memref<25x8x128xf32, #tpu.memory_space<hbm>>
    tpu.wait_dma2 semaphore(%arg17 : memref<!tpu.dma_semaphore, #tpu.memory_space<semaphore_mem>>) src(%arg13 : memref<25x8x128xf32, #tpu.memory_space<vmem>>) dst(%dma_wait3A_184 : memref<25x8x128xf32, #tpu.memory_space<hbm>>)
    %dma_wait3A_185 = arith.constant 0 : i32
    %dma_wait3A_186 = arith.constant 0 : i32
    %dma_wait3A_187 = arith.constant 56 : i32
    %dma_wait3A_188 = arith.constant 0 : i32
    %dma_wait3A_189 = tpu.memref_slice %arg7[%select_n3A, %add3A_98, %dma_wait3A_185, %dma_wait3A_186, %dma_wait3A_187, %dma_wait3A_188] : memref<8x200x1x1x64x128xf32, #tpu.memory_space<hbm>> -> memref<1x25x1x1x8x128xf32, #tpu.memory_space<hbm>>
    %dma_wait3A_190 = tpu.memref_squeeze %dma_wait3A_189 : memref<1x25x1x1x8x128xf32, #tpu.memory_space<hbm>> -> memref<25x8x128xf32, #tpu.memory_space<hbm>>
    %dma_wait3A_191 = arith.constant 56 : i32
    %dma_wait3A_192 = arith.constant 0 : i32
    %dma_wait3A_193 = tpu.memref_slice %arg7[%select_n3A, %add3A_98, %dma_wait3A_185, %dma_wait3A_186, %dma_wait3A_191, %dma_wait3A_192] : memref<8x200x1x1x64x128xf32, #tpu.memory_space<hbm>> -> memref<1x25x1x1x8x128xf32, #tpu.memory_space<hbm>>
    %dma_wait3A_194 = tpu.memref_squeeze %dma_wait3A_193 : memref<1x25x1x1x8x128xf32, #tpu.memory_space<hbm>> -> memref<25x8x128xf32, #tpu.memory_space<hbm>>
    tpu.wait_dma2 semaphore(%arg18 : memref<!tpu.dma_semaphore, #tpu.memory_space<semaphore_mem>>) src(%arg14 : memref<25x8x128xf32, #tpu.memory_space<vmem>>) dst(%dma_wait3A_194 : memref<25x8x128xf32, #tpu.memory_space<hbm>>)
    %dma_wait3A_195 = arith.constant 0 : i32
    %dma_wait3A_196 = arith.constant 0 : i32
    %dma_wait3A_197 = arith.constant 0 : i32
    %dma_wait3A_198 = arith.constant 0 : i32
    %dma_wait3A_199 = tpu.memref_slice %arg7[%select_n3A, %select_n3A_111, %dma_wait3A_195, %dma_wait3A_196, %dma_wait3A_197, %dma_wait3A_198] : memref<8x200x1x1x64x128xf32, #tpu.memory_space<hbm>> -> memref<1x1x1x1x64x128xf32, #tpu.memory_space<hbm>>
    %dma_wait3A_200 = tpu.memref_squeeze %dma_wait3A_199 : memref<1x1x1x1x64x128xf32, #tpu.memory_space<hbm>> -> memref<64x128xf32, #tpu.memory_space<hbm>>
    %dma_wait3A_201 = arith.constant 0 : i32
    %dma_wait3A_202 = arith.constant 0 : i32
    %dma_wait3A_203 = tpu.memref_slice %arg7[%select_n3A, %select_n3A_111, %dma_wait3A_195, %dma_wait3A_196, %dma_wait3A_201, %dma_wait3A_202] : memref<8x200x1x1x64x128xf32, #tpu.memory_space<hbm>> -> memref<1x1x1x1x64x128xf32, #tpu.memory_space<hbm>>
    %dma_wait3A_204 = tpu.memref_squeeze %dma_wait3A_203 : memref<1x1x1x1x64x128xf32, #tpu.memory_space<hbm>> -> memref<64x128xf32, #tpu.memory_space<hbm>>
    tpu.wait_dma2 semaphore(%arg19 : memref<!tpu.dma_semaphore, #tpu.memory_space<semaphore_mem>>) src(%arg15 : memref<64x128xf32, #tpu.memory_space<vmem>>) dst(%dma_wait3A_204 : memref<64x128xf32, #tpu.memory_space<hbm>>)
    %dma_wait3A_205 = arith.constant 0 : i32
    %dma_wait3A_206 = arith.constant 0 : i32
    %dma_wait3A_207 = arith.constant 0 : i32
    %dma_wait3A_208 = arith.constant 0 : i32
    %dma_wait3A_209 = tpu.memref_slice %arg7[%select_n3A, %select_n3A_111, %dma_wait3A_205, %dma_wait3A_206, %dma_wait3A_207, %dma_wait3A_208] : memref<8x200x1x1x64x128xf32, #tpu.memory_space<hbm>> -> memref<1x1x1x1x64x128xf32, #tpu.memory_space<hbm>>
    %dma_wait3A_210 = tpu.memref_squeeze %dma_wait3A_209 : memref<1x1x1x1x64x128xf32, #tpu.memory_space<hbm>> -> memref<64x128xf32, #tpu.memory_space<hbm>>
    %dma_wait3A_211 = arith.constant 0 : i32
    %dma_wait3A_212 = arith.constant 0 : i32
    %dma_wait3A_213 = tpu.memref_slice %arg7[%select_n3A, %select_n3A_111, %dma_wait3A_205, %dma_wait3A_206, %dma_wait3A_211, %dma_wait3A_212] : memref<8x200x1x1x64x128xf32, #tpu.memory_space<hbm>> -> memref<1x1x1x1x64x128xf32, #tpu.memory_space<hbm>>
    %dma_wait3A_214 = tpu.memref_squeeze %dma_wait3A_213 : memref<1x1x1x1x64x128xf32, #tpu.memory_space<hbm>> -> memref<64x128xf32, #tpu.memory_space<hbm>>
    tpu.wait_dma2 semaphore(%arg20 : memref<!tpu.dma_semaphore, #tpu.memory_space<semaphore_mem>>) src(%arg16 : memref<64x128xf32, #tpu.memory_space<vmem>>) dst(%dma_wait3A_214 : memref<64x128xf32, #tpu.memory_space<hbm>>)
    return
  }
}

module attributes {stable_mosaic.version = 14 : i64} {
  func.func @_prep_body(%arg0: memref<8x200xf32, #tpu.memory_space<vmem>>, %arg1: memref<8x200xf32, #tpu.memory_space<vmem>>, %arg2: memref<16x16xf32, #tpu.memory_space<vmem>>, %arg3: memref<8x200xi32, #tpu.memory_space<vmem>>) attributes {dimension_semantics = [], scalar_prefetch = 0 : i64, scratch_operands = 0 : i64, tpu.core_type = #tpu.core_type<tc>} {
    %get3A = arith.constant 0 : index
    %get3A_0 = arith.constant 0 : index
    %get3A_1 = vector.load %arg0[%get3A, %get3A_0] : memref<8x200xf32, #tpu.memory_space<vmem>>, vector<8x200xf32>
    %custom_jvp_call3A = arith.constant 0.000000e+00 : f32
    %max3A = vector.broadcast %custom_jvp_call3A : f32 to vector<8x200xf32>
    %max3A_2 = arith.maximumf %get3A_1, %max3A : vector<8x200xf32>
    %sub3A = vector.broadcast %custom_jvp_call3A : f32 to vector<8x200xf32>
    %sub3A_3 = arith.subf %get3A_1, %sub3A : vector<8x200xf32>
    %ne3A = arith.cmpf one, %sub3A_3, %sub3A_3 : vector<8x200xf32>
    %add3A = vector.broadcast %custom_jvp_call3A : f32 to vector<8x200xf32>
    %add3A_4 = arith.addf %get3A_1, %add3A : vector<8x200xf32>
    %abs3A = math.absf %sub3A_3 : vector<8x200xf32>
    %neg3A = arith.constant 0.000000e+00 : f32
    %neg3A_5 = vector.broadcast %neg3A : f32 to vector<8x200xf32>
    %neg3A_6 = arith.subf %neg3A_5, %abs3A : vector<8x200xf32>
    %exp3A = math.exp %neg3A_6 : vector<8x200xf32>
    %log1p3A = math.log1p %exp3A : vector<8x200xf32>
    %add3A_7 = arith.addf %max3A_2, %log1p3A : vector<8x200xf32>
    %select_n3A = arith.select %ne3A, %add3A_4, %add3A_7 : vector<8x200xi1>, vector<8x200xf32>
    %swap3A = arith.constant 0 : index
    %swap3A_8 = arith.constant 0 : index
    %swap3A_9 = vector.load %arg1[%swap3A, %swap3A_8] : memref<8x200xf32, #tpu.memory_space<vmem>>, vector<8x200xf32>
    tpu.vector_store %arg1[%swap3A, %swap3A_8], %select_n3A {strides = array<i32>} : memref<8x200xf32, #tpu.memory_space<vmem>>, vector<8x200xf32>,
    %iota3A = tpu.iota {dimensions = array<i32: 1>} : vector<8x50xi32>
    %bitcast_convert_type3A = tpu.bitcast %select_n3A : vector<8x200xf32> -> vector<8x200xi32>
    %add3A_10 = arith.constant 32768 : i32
    %add3A_11 = vector.broadcast %add3A_10 : i32 to vector<8x200xi32>
    %add3A_12 = arith.addi %bitcast_convert_type3A, %add3A_11 : vector<8x200xi32>
    %shift_right_logical3A = arith.constant 16 : i32
    %shift_right_logical3A_13 = vector.broadcast %shift_right_logical3A : i32 to vector<8x200xi32>
    %shift_right_logical3A_14 = arith.shrui %add3A_12, %shift_right_logical3A_13 : vector<8x200xi32>
    %slice3A = vector.extract_strided_slice %shift_right_logical3A_14 {offsets = [0, 1], sizes = [8, 199], strides = [1, 1]} : vector<8x200xi32> to vector<8x199xi32>
    %broadcast_in_dim3A = arith.constant 0 : i32
    %broadcast_in_dim3A_15 = vector.broadcast %broadcast_in_dim3A : i32 to vector<8x1xi32>
    %concatenate3A = tpu.concatenate %slice3A, %broadcast_in_dim3A_15 in 1 : vector<8x199xi32>, vector<8x1xi32> -> vector<8x200xi32>
    %shift_left3A = arith.constant 16 : i32
    %shift_left3A_16 = vector.broadcast %shift_left3A : i32 to vector<8x200xi32>
    %shift_left3A_17 = arith.shli %concatenate3A, %shift_left3A_16 : vector<8x200xi32>
    %or3A = arith.ori %shift_right_logical3A_14, %shift_left3A_17 : vector<8x200xi32>
    %swap3A_18 = arith.constant 0 : index
    %swap3A_19 = arith.constant 0 : index
    %swap3A_20 = vector.load %arg3[%swap3A_18, %swap3A_19] : memref<8x200xi32, #tpu.memory_space<vmem>>, vector<8x200xi32>
    tpu.vector_store %arg3[%swap3A_18, %swap3A_19], %or3A {strides = array<i32>} : memref<8x200xi32, #tpu.memory_space<vmem>>, vector<8x200xi32>,
    %slice3A_21 = vector.extract_strided_slice %select_n3A {offsets = [0, 20], sizes = [8, 50], strides = [1, 1]} : vector<8x200xf32> to vector<8x50xf32>
    %reduce_max3A = arith.constant dense<0xFF800000> : vector<8xf32>
    %reduce_max3A_22 = vector.multi_reduction <maximumf>, %slice3A_21, %reduce_max3A [1] : vector<8x50xf32> to vector<8xf32>
    %broadcast_in_dim3A_23 = vector.shape_cast %reduce_max3A_22 : vector<8xf32> to vector<8x1xf32>
    %eq3A = vector.broadcast %broadcast_in_dim3A_23 : vector<8x1xf32> to vector<8x50xf32>
    %eq3A_24 = arith.cmpf oeq, %slice3A_21, %eq3A : vector<8x50xf32>
    %jit3A = arith.constant 1073741824 : i32
    %broadcast_in_dim3A_25 = vector.broadcast %jit3A : i32 to vector<8x50xi32>
    %select_n3A_26 = arith.select %eq3A_24, %iota3A, %broadcast_in_dim3A_25 : vector<8x50xi1>, vector<8x50xi32>
    %reduce_min3A = arith.constant dense<2147483647> : vector<8xi32>
    %reduce_min3A_27 = vector.multi_reduction <minsi>, %select_n3A_26, %reduce_min3A [1] : vector<8x50xi32> to vector<8xi32>
    %broadcast_in_dim3A_28 = vector.shape_cast %reduce_min3A_27 : vector<8xi32> to vector<8x1xi32>
    %add3A_29 = arith.constant 20 : i32
    %add3A_30 = vector.broadcast %add3A_29 : i32 to vector<8x1xi32>
    %add3A_31 = arith.addi %broadcast_in_dim3A_28, %add3A_30 : vector<8x1xi32>
    %slice3A_32 = vector.extract_strided_slice %select_n3A {offsets = [0, 120], sizes = [8, 50], strides = [1, 1]} : vector<8x200xf32> to vector<8x50xf32>
    %reduce_max3A_33 = arith.constant dense<0xFF800000> : vector<8xf32>
    %reduce_max3A_34 = vector.multi_reduction <maximumf>, %slice3A_32, %reduce_max3A_33 [1] : vector<8x50xf32> to vector<8xf32>
    %broadcast_in_dim3A_35 = vector.shape_cast %reduce_max3A_34 : vector<8xf32> to vector<8x1xf32>
    %eq3A_36 = vector.broadcast %broadcast_in_dim3A_35 : vector<8x1xf32> to vector<8x50xf32>
    %eq3A_37 = arith.cmpf oeq, %slice3A_32, %eq3A_36 : vector<8x50xf32>
    %jit3A_38 = arith.constant 1073741824 : i32
    %broadcast_in_dim3A_39 = vector.broadcast %jit3A_38 : i32 to vector<8x50xi32>
    %select_n3A_40 = arith.select %eq3A_37, %iota3A, %broadcast_in_dim3A_39 : vector<8x50xi1>, vector<8x50xi32>
    %reduce_min3A_41 = arith.constant dense<2147483647> : vector<8xi32>
    %reduce_min3A_42 = vector.multi_reduction <minsi>, %select_n3A_40, %reduce_min3A_41 [1] : vector<8x50xi32> to vector<8xi32>
    %broadcast_in_dim3A_43 = vector.shape_cast %reduce_min3A_42 : vector<8xi32> to vector<8x1xi32>
    %add3A_44 = arith.constant 120 : i32
    %add3A_45 = vector.broadcast %add3A_44 : i32 to vector<8x1xi32>
    %add3A_46 = arith.addi %broadcast_in_dim3A_43, %add3A_45 : vector<8x1xi32>
    %concatenate3A_47 = tpu.concatenate %add3A_31, %add3A_46 in 0 : vector<8x1xi32>, vector<8x1xi32> -> vector<16x1xi32>
    %convert_element_type3A = arith.sitofp %concatenate3A_47 : vector<16x1xi32> to vector<16x1xf32>
    %mul3A = arith.constant 0.00999999977 : f32
    %mul3A_48 = vector.broadcast %mul3A : f32 to vector<16x1xf32>
    %mul3A_49 = arith.mulf %convert_element_type3A, %mul3A_48 : vector<16x1xf32>
    %iota3A_50 = tpu.iota {dimensions = array<i32: 0>} : vector<16x1xi32>
    %lt3A = arith.constant 8 : i32
    %lt3A_51 = vector.broadcast %lt3A : i32 to vector<16x1xi32>
    %lt3A_52 = arith.cmpi slt, %iota3A_50, %lt3A_51 : vector<16x1xi32>
    %jit3A_53 = arith.constant 0.199999988 : f32
    %jit3A_54 = arith.constant 1.19999993 : f32
    %broadcast_in_dim3A_55 = vector.broadcast %jit3A_53 : f32 to vector<16x1xf32>
    %broadcast_in_dim3A_56 = vector.broadcast %jit3A_54 : f32 to vector<16x1xf32>
    %select_n3A_57 = arith.select %lt3A_52, %broadcast_in_dim3A_55, %broadcast_in_dim3A_56 : vector<16x1xi1>, vector<16x1xf32>
    %jit3A_58 = arith.constant 0.699999988 : f32
    %jit3A_59 = arith.constant 1.69999993 : f32
    %broadcast_in_dim3A_60 = vector.broadcast %jit3A_58 : f32 to vector<16x1xf32>
    %broadcast_in_dim3A_61 = vector.broadcast %jit3A_59 : f32 to vector<16x1xf32>
    %select_n3A_62 = arith.select %lt3A_52, %broadcast_in_dim3A_60, %broadcast_in_dim3A_61 : vector<16x1xi1>, vector<16x1xf32>
    %add3A_63 = arith.constant 0.00999999977 : f32
    %add3A_64 = vector.broadcast %add3A_63 : f32 to vector<16x1xf32>
    %add3A_65 = arith.addf %select_n3A_57, %add3A_64 : vector<16x1xf32>
    %sub3A_66 = arith.constant 0.00999999977 : f32
    %sub3A_67 = vector.broadcast %sub3A_66 : f32 to vector<16x1xf32>
    %sub3A_68 = arith.subf %select_n3A_62, %sub3A_67 : vector<16x1xf32>
    %sub3A_69 = arith.subf %mul3A_49, %select_n3A_57 : vector<16x1xf32>
    %div3A = arith.constant 0.00999999977 : f32
    %div3A_70 = vector.broadcast %div3A : f32 to vector<16x1xf32>
    %div3A_71 = arith.divf %sub3A_69, %div3A_70 : vector<16x1xf32>
    %sub3A_72 = arith.subf %mul3A_49, %select_n3A_62 : vector<16x1xf32>
    %div3A_73 = arith.constant 0.00999999977 : f32
    %div3A_74 = vector.broadcast %div3A_73 : f32 to vector<16x1xf32>
    %div3A_75 = arith.divf %sub3A_72, %div3A_74 : vector<16x1xf32>
    %div3A_76 = arith.constant 0.00999999977 : f32
    %div3A_77 = vector.broadcast %div3A_76 : f32 to vector<16x1xf32>
    %div3A_78 = arith.divf %mul3A_49, %div3A_77 : vector<16x1xf32>
    %div3A_79 = arith.constant 0.00999999977 : f32
    %div3A_80 = vector.broadcast %div3A_79 : f32 to vector<16x1xf32>
    %div3A_81 = arith.divf %select_n3A_57, %div3A_80 : vector<16x1xf32>
    %broadcast_in_dim3A_82 = arith.constant 0.000000e+00 : f32
    %broadcast_in_dim3A_83 = vector.broadcast %broadcast_in_dim3A_82 : f32 to vector<16x7xf32>
    %concatenate3A_84 = tpu.concatenate %mul3A_49, %select_n3A_57, %select_n3A_62, %add3A_65, %sub3A_68, %div3A_71, %div3A_75, %div3A_78, %div3A_81, %broadcast_in_dim3A_83 in 1 : vector<16x1xf32>, vector<16x1xf32>, vector<16x1xf32>, vector<16x1xf32>, vector<16x1xf32>, vector<16x1xf32>, vector<16x1xf32>, vector<16x1xf32>, vector<16x1xf32>, vector<16x7xf32> -> vector<16x16xf32>
    %swap3A_85 = arith.constant 0 : index
    %swap3A_86 = arith.constant 0 : index
    %swap3A_87 = vector.load %arg2[%swap3A_85, %swap3A_86] : memref<16x16xf32, #tpu.memory_space<vmem>>, vector<16x16xf32>
    tpu.vector_store %arg2[%swap3A_85, %swap3A_86], %concatenate3A_84 {strides = array<i32>} : memref<16x16xf32, #tpu.memory_space<vmem>>, vector<16x16xf32>,
    return
  }
}

</mosaic_0001>

<sc_bundles>
// kernel: kernel.4.cloned.1.call-start
scs
__scs_entry_jumppad:
0x0: {  	(pc) =	sbr.rel $0x88, $3  }
0x1: {  	(tag) =	ssettag $0x0;
	lr =	simm.s32 $0x1  }
0x2: {  	[smem:$0x3F9E] =	sst lr;
	_ =	strace $0xD0000000  }
0x3: {  	_ = 	snop  }
0x4: {  	_ = 	snop  }
0x5: {  	_ = 	snop  }
0x6: {  	_ = 	snop  }
0x7: {  	_ = 	snop  }
__scs_overlays_trampoline_lowered:
0x8: {  	[smem:$0x3FAD] =	sst s0  }
0x9: {  	[smem:$0x3FAE] =	sst s1  }
0xa: {  	[smem:$0x3FAF] =	sst s2  }
0xb: {  	[smem:$0x3FB0] =	sst s3  }
0xc: {  	[smem:$0x3FB1] =	sst s4  }
0xd: {  	[smem:$0x3FB2] =	sst s5  }
0xe: {  	[smem:$0x3FB3] =	sst s6  }
0xf: {  	[smem:$0x3FB4] =	sst s7  }
0x10: {  	[smem:$0x3FB5] =	sst s8  }
0x11: {  	[smem:$0x3FB6] =	sst s9;
	s0 =	simm.s32 @!p0 $0x0  }
0x12: {  	s1 =	sld [smem:$0x3F9C];
	s0 =	simm.s32 @p0 $0x1  }
0x13: {  	[smem:$0x3FB7] =	sst s0;
	s0 =	simm.s32 @!p1 $0x0  }
0x14: {  	s2 =	sld [smem:$0x3F9B];
	s0 =	simm.s32 @p1 $0x1  }
0x15: {  	[smem:$0x3FB8] =	sst s0;
	s0 =	simm.s32 @!p2 $0x0  }
0x16: {  	s3 =	sld [smem:$0x3FDB];
	s0 =	simm.s32 @p2 $0x1  }
0x17: {  	s4 =	simm.s32 $0x1BF5;
	[smem:$0x3FBA] =	sst s0  }
0x18: {  	s0 =	sld [smem:$0x3F9D];
	_ =	swait.ge [sflag:s4], $0x0  }
0x19: {  	s7 =	sld [smem:$0x3F9E]  }
0x1a: {  	s8 =	sadd.s32 $0xFFFFE003, lr  }
0x1b: {  	s9 =	sadd.s32 $0xFFFFFEF7, lr;
	s5 =	simm.s32 $0xFFFFFFFF;
	p2 =	slt.u32 s8, $0xFFFFF086  }
0x1c: {  	p1 =	slt.u32 s9, $0xF7A;
	s5 =	simm.s32 @!p2 $0x0  }
0x1d: {  	s5 =	simm.s32 @p1 $0x1;
	p0 =	seq.s32 s7, s2  }
0x1e: {  	s7 =	smul.u32 @!p0 $0xF7A, s2;
	p2 =	seq.s32 @!p0 s5, $0x0  }
0x1f: {  	s9 =	smul.u32 $0xF7A, s1;
	s8 =	simm.s32 @!p0 $0x1BF5;
	p2 =	por !p2, p0  }
0x20: {  	[sflag:s8] =	ssyncset.s32 @!p0 $0xFFFFF086;
	s6 =	sadd.s32 @!p0 s3, s7;
	s7 =	simm.s32 @!p0 $0x108  }
0x21: {  	s3 =	sadd.s32 s3, s9;
	s6 =	sadd.s32 @!p0 $0x88, s6;
	s7 =	simm.s32 @p2 $0x1082  }
0x22: {  	[simem:s7], [sflag:s8] =	dma.local @!p0 [hbm:s6], $0xF7A  }
0x23: {  	s9 =	sor.u32 $0xD0000000, s2;
	s6 =	simm.s32 $0x108;
	_ =	swait.ge @!p0 [sflag:s8], $0x0  }
0x24: {  	s3 =	sadd.s32 $0x88, s3;
	s6 =	simm.s32 @!p1 $0x1082;
	[sflag:s4] =	ssyncset.s32 $0xFFFFF086  }
0x25: {  	[simem:s6], [sflag:s4] =	dma.local [hbm:s3], $0xF7A  }
0x26: {  	[smem:$0x3F9E] =	sst s1;
	(tag) =	ssettag s2;
	_ =	strace s9  }
0x27: {  	s1 =	sld [smem:$0x3FAE]  }
0x28: {  	s2 =	sld [smem:$0x3FAF]  }
0x29: {  	s4 =	sld [smem:$0x3FB1]  }
0x2a: {  	p0 =	seq.s32 s5, $0x0;
	s5 =	sld [smem:$0x3FB2]  }
0x2b: {  	s6 =	sld [smem:$0x3FB3]  }
0x2c: {  	s7 =	sld [smem:$0x3FB4]  }
0x2d: {  	s3 =	simm.s32 $0x108;
	s8 =	sld [smem:$0x3FB5]  }
0x2e: {  	s3 =	simm.s32 @!p0 $0x1082;
	s9 =	sld [smem:$0x3FB6]  }
0x2f: {  	lr =	sadd.s32 s0, s3;
	s0 =	sld [smem:$0x3FAD]  }
0x30: {  	s3 =	sld [smem:$0x3FB0]  }
0x31: {  	[smem:$0x3FB9] =	sst s10  }
0x32: {  	s10 =	sld [smem:$0x3FB7];
	_ =	sdelay $0x3  }
0x33: {  	p0 =	seq.s32 s10, $0x1;
	s10 =	sld [smem:$0x3FB9];
	_ =	sdelay $0x3  }
0x34: {  	[smem:$0x3FB9] =	sst s10  }
0x35: {  	s10 =	sld [smem:$0x3FB8];
	_ =	sdelay $0x3  }
0x36: {  	p1 =	seq.s32 s10, $0x1;
	s10 =	sld [smem:$0x3FB9];
	_ =	sdelay $0x3  }
0x37: {  	[smem:$0x3FB9] =	sst s10  }
0x38: {  	s10 =	sld [smem:$0x3FBA]  }
0x39: {  	_ = 	snop;
	(pc) =	sbr.ind lr, $3  }
0x3a: {  	_ = 	snop  }
0x3b: {  	_ = 	snop  }
0x3c: {  	p2 =	seq.s32 s10, $0x1;
	s10 =	sld [smem:$0x3FB9]  }
0x3d: {  	_ =	shalt  }
0x3e: {  	_ =	shalt  }
0x3f: {  	_ =	shalt  }
0x40: {  	_ =	shalt  }
0x41: {  	_ =	shalt  }
0x42: {  	_ =	shalt  }
0x43: {  	_ =	shalt  }
0x44: {  	_ =	shalt  }
0x45: {  	_ =	shalt  }
0x46: {  	_ =	shalt  }
0x47: {  	_ =	shalt  }
0x48: {  	_ =	shalt  }
0x49: {  	_ =	shalt  }
0x4a: {  	_ =	shalt  }
0x4b: {  	_ =	shalt  }
0x4c: {  	_ =	shalt  }
0x4d: {  	_ =	shalt  }
0x4e: {  	_ =	shalt  }
0x4f: {  	_ =	shalt  }
0x50: {  	_ =	shalt  }
0x51: {  	_ =	shalt  }
0x52: {  	_ =	shalt  }
0x53: {  	_ =	shalt  }
0x54: {  	_ =	shalt  }
0x55: {  	_ =	shalt  }
0x56: {  	_ =	shalt  }
0x57: {  	_ =	shalt  }
0x58: {  	_ =	shalt  }
0x59: {  	_ =	shalt  }
0x5a: {  	_ =	shalt  }
0x5b: {  	_ =	shalt  }
0x5c: {  	_ =	shalt  }
0x5d: {  	_ =	shalt  }
0x5e: {  	_ =	shalt  }
0x5f: {  	_ =	shalt  }
0x60: {  	_ =	shalt  }
0x61: {  	_ =	shalt  }
0x62: {  	_ =	shalt  }
0x63: {  	_ =	shalt  }
0x64: {  	_ =	shalt  }
0x65: {  	_ =	shalt  }
0x66: {  	_ =	shalt  }
0x67: {  	_ =	shalt  }
0x68: {  	_ =	shalt  }
0x69: {  	_ =	shalt  }
0x6a: {  	_ =	shalt  }
0x6b: {  	_ =	shalt  }
0x6c: {  	_ =	shalt  }
0x6d: {  	_ =	shalt  }
0x6e: {  	_ =	shalt  }
0x6f: {  	_ =	shalt  }
0x70: {  	_ =	shalt  }
0x71: {  	_ =	shalt  }
0x72: {  	_ =	shalt  }
0x73: {  	_ =	shalt  }
0x74: {  	_ =	shalt  }
0x75: {  	_ =	shalt  }
0x76: {  	_ =	shalt  }
0x77: {  	_ =	shalt  }
0x78: {  	_ =	shalt  }
0x79: {  	_ =	shalt  }
0x7a: {  	_ =	shalt  }
0x7b: {  	_ =	shalt  }
0x7c: {  	_ =	shalt  }
0x7d: {  	_ =	shalt  }
0x7e: {  	_ =	shalt  }
0x7f: {  	_ =	shalt  }
0x80: {  	_ =	shalt  }
0x81: {  	_ =	shalt  }
0x82: {  	_ =	shalt  }
0x83: {  	_ =	shalt  }
0x84: {  	_ =	shalt  }
0x85: {  	_ =	shalt  }
0x86: {  	_ =	shalt  }
0x87: {  	_ =	shalt  }
.Lfunc_end0:
.L_simem_size_0:
called_computation_lowered:
.L_overlay_start_0:
0x88: {  	s2 =	sld [smem:$0x3FD9]  }
0x89: {  	s3 =	sld [smem:$0x3FFE];
	_ =	sdelay $0x1  }
0x8a: {  	s1 =	srdreg.scid  }
0x8b: {  	s0 =	sand.u32 $0x1, s1  }
0x8c: {  	s17 =	sshll.u32 s0, $0xA;
	s2 =	sadd.s32 s3, s2  }
0x8d: {  	s2 =	sadd.s32 s2, s17  }
0x8e: {  	[smem:$0x3FC5] =	sst s2  }
0x8f: {  	_ = 	snop  }
0x90: {  	s2 =	sld [smem:$0x3FC7]  }
0x91: {  	s18 =	sld [smem:$0x3FD0];
	(tm) =	ssettm $0x1  }
0x92: {  	s4 =	sld [smem:$0x3FFB];
	_ =	sdelay $0x3  }
0x93: {  	_ =	strace s4  }
0x94: {  	s4 =	sld [smem:$0x3FFC];
	_ =	sdelay $0x3  }
0x95: {  	_ =	strace s4  }
0x96: {  	s4 =	sld [smem:$0x3FFD];
	_ =	sdelay $0x3  }
0x97: {  	_ =	strace s4  }
0x98: {  	_ =	strace $0x8FFFFFFF  }
0x99: {  	s19 =	sld [smem:$0x3FDB];
	_ =	sdelay $0x1  }
0x9a: {  	s5 =	simm.s32 $_scs_section_size  }
0x9b: {  	s6 =	simm.s32 $_size__tile_overlayer_lowered;
	s7 =	simm.s32 $_tile_overlayer_lowered  }
0x9c: {  	s22 =	simm.s32 $0x1BFF;
	s21 =	sshll.u32 s7, $0x1;
	s4 =	sadd.s32 s5, s19  }
0x9d: {  	s8 =	simm.s32 $0x0;
	s20 =	sshll.u32 s6, $0x1;
	s6 =	sadd.s32 s21, s4  }
0x9e: {  	[timem:s8], [sflag:s22] =	dma.local [hbm:s6], s20  }
0x9f: {  	_ =	swait.ge [sflag:s22], s20  }
0xa0: {  	s5 =	ssub.s32 $0x0, s20;
	[sflag:s22] =	ssyncset.done $0x0  }
0xa1: {  	[sflag:s22] =	ssyncadd.s32 s5;
	_ =	sdelay $0x1  }
0xa2: {  	s23 =	simm.s32 $0x1B8B  }
0xa3: {  	_ =	swait.ge [sflag:s23], $0x1  }
0xa4: {  	[sflag:s23] =	ssyncset.done $0x0  }
0xa5: {  	s25 =	simm.s32 $0x1B8E;
	s24 =	sld [smem:$0x3FFE];
	[sflag:s23] =	ssyncadd.s32 $0xFFFFFFFF  }
0xa6: {  	s26 =	simm.s32 $execute0_lowered;
	[smem:$0x3FD2] =	sst s25  }
0xa7: {  	s6 =	sshll.u32 s26, $0x1;
	_ =	strace $0x80000046;
	[dreg:$0x1] =	wrdreg $0xFFFFFFFF  }
0xa8: {  	s28 =	simm.s32 $_size_execute0_lowered;
	s4 =	sadd.s32 s4, s6;
	[dreg:$0x0] =	wrdreg $0x0  }
0xa9: {  	s6 =	sshll.u32 s28, $0x1;
	[dreg:$0x2] =	wrdreg s4  }
0xaa: {  	[dreg:$0x3] =	wrdreg s6  }
0xab: {  	[dreg:$0x4] =	wrdreg $0xC0  }
0xac: {  	_ =	task [dreg:s8], $0x5FFFF  }
0xad: {  	[dreg:$0x1] =	wrdreg $0xFFFFFFFF  }
0xae: {  	[dreg:$0x0] =	wrdreg $0x60  }
0xaf: {  	[dreg:$0x2] =	wrdreg s24  }
0xb0: {  	[dreg:$0x3] =	wrdreg s2  }
0xb1: {  	[dreg:$0x4] =	wrdreg s18  }
0xb2: {  	[dreg:$0x5] =	wrdreg $0x9  }
0xb3: {  	_ =	task.clear_ibuf [dreg:s8], $0x6FFFF;
	_ =	strace $0x90000046  }
0xb4: {  	s29 =	simm.s32 $0x9;
	_ =	strace $0x80000048  }
0xb5: {  	_ =	swait.ge [sflag:s29], $0x1  }
0xb6: {  	[sflag:s29] =	ssyncadd.s32 $0xFFFFFFFF  }
0xb7: {  	_ =	strace $0x90000048  }
0xb8: {  	_ =	sfence  }
0xb9: {  	s30 =	sld [smem:$0x0];
	_ =	sdelay $0x2  }
0xba: {  	s31 =	sshll.u32 s1, $0xD;
	s1 =	sshrl.u32 s1, $0x2  }
0xbb: {  	s3 =	sand.u32 $0x4000, s31;
	s1 =	sadd.s32 s1, s30  }
0xbc: {  	s0 =	sor.u32 s3, s0;
	s1 =	sshll.u32 s1, $0x11  }
0xbd: {  	s0 =	sor.u32 s1, s0  }
0xbe: {  	s0 =	sadd.s32 $0x8F2B, s0  }
0xbf: {  	[sflag:s0] =	ssyncadd.remote.s32 $0x1  }
0xc0: {  	_ =	sfence.sel $0xFFFF  }
0xc1: {  	[dreg:$0x0] =	wrdreg $0xFFFFFFFF;
	(pc) =	sbr.abs _section_cstart, $3  }
0xc2: {  	[dreg:$0x1] =	wrdreg $0xFFFFFFFF  }
0xc3: {  	_ =	task.clear_ibuf [dreg:s8], $0x2FFFF;
	_ =	strace $0x9FFFFFFF  }
0xc4: {  	(tm) =	ssettm $0x7FFFFFFF  }
0xc5: {  	_ =	shalt  }
tec
execute0_lowered:
.L_overlay_start_1:
0x0: {  	(tag) =	ssettag $0x1  }
0x1: {  	s0 =	rddreg [dreg:$0x0]  }
0x2: {  	s1 =	rddreg [dreg:$0x1]  }
0x3: {  	s2 =	rddreg [dreg:$0x2];
	s3 =	simm.s32 $0x0  }
0x4: {  	s5 =	stileid.u32;
	s7 =	srdreg.scid;
	s13 =	simm.s32 $0x19  }
0x5: {  	s15 =	simm.s32 $0x5;
	s29 =	simm.s32 $0x3;
	s30 =	simm.s32 $0x4  }
0x6: {  	s31 =	simm.s32 $0x0;
	[smem:$0x7FF] =	sst s3;
	s4 =	sshll.u32 s5, $0x1  }
0x7: {  	s6 =	sadd.s32 $0x800, s0;
	s5 =	sshrl.u32 s5, $0x1;
	s8 =	sadd.s32 $0xC00, s0  }
0x8: {  	_ =	strace $0x80000047;
	[dreg:$0x4] =	wrdreg s6;
	s4 =	sand.u32 $0x2, s4  }
0x9: {  	s17 =	sadd.s32 $0xA00, s0;
	[dreg:$0x5] =	wrdreg s8;
	s16 =	sshll.u32 s4, $0x2  }
0xa: {  	s7 =	sand.u32 $0x1, s7;
	[dreg:$0x6] =	wrdreg s17;
	s6 =	sor.u32 s5, s16  }
0xb: {  	s9 =	ssub.s32 $0x2, s7;
	s11 =	smul.u32 $0x190000, s5;
	s21 =	sshll.u32 s6, $0x4  }
0xc: {  	p0 =	seq.s32 s7, $0x1;
	s8 =	simm.s32 $0x1E;
	s12 =	smul.u32 $0xC8, s5;
	v0 =	vmov s21  }
0xd: {  	s17 =	simm.s32 $0xD00;
	s19 =	sshrl.u32 s9, $0x1;
	s22 =	sor.u32 $0x1, s21;
	v0 =	vbroadcast v0, $0x0  }
0xe: {  	s10 =	sshrl.u32 s4, $0x1;
	s4 =	sor.u32 s7, s4;
	s13 =	simm.s32 @!p0 $0x0;
	v53 =	vmov s22  }
0xf: {  	s7 =	simm.s32 $0x5F;
	v2 =	vmov s12;
	s18 =	sshll.u32 s6, $0xA;
	s6 =	sor.u32 $0x2, s21;
	[tilespmem:$0x1FF50] =	vst v0;
	v0 =	vbroadcast v53, $0x0  }
0x10: {  	s10 =	smul.u32 $0x64, s10;
	s9 =	ssub.s32 s9, s19;
	p0 =	seq.s32 s4, $0x2;
	v61 =	vcvt.s32.f32 v2;
	v54 =	vmov s6  }
0x11: {  	p1 =	seq.s32 s4, $0x0;
	p2 =	seq.s32 s4, $0x1;
	s24 =	sor.u32 $0x4, s21;
	[tilespmem:$0x1FF60] =	vst v0;
	v0 =	vbroadcast v54, $0x0  }
0x12: {  	s16 =	simm.s32 $0x680;
	s0 =	sadd.s32 s18, s0;
	s23 =	sor.u32 $0x3, s21;
	v56 =	vmov s24;
	v18 =	vbroadcast v61, $0x0  }
0x13: {  	v58 =	vmov s13;
	s19 =	simm.s32 $0x2E00;
	s25 =	sor.u32 $0x5, s21;
	s0 =	sadd.s32 $0xE00, s0;
	v1 =	vmov s23;
	[tilespmem:$0x1FF70] =	vst v0;
	v0 =	vbroadcast v56, $0x0  }
0x14: {  	s7 =	simm.s32 @!p0 $0xAA;
	v57 =	vmov s25;
	[dreg:$0x7] =	wrdreg s0;
	v55 =	vbroadcast v1, $0x0;
	s0 =	sor.u32 $0x8, s21;
	v1 =	vcvt.s32.f32 v58;
	[tilespmem:$0x1FFF0] =	vst v18  }
0x15: {  	p0 =	seq.s32 s4, $0x3;
	s28 =	smax.u32 s9, $0x1;
	s26 =	sor.u32 $0x6, s21;
	v3 =	vmov s0;
	[tilespmem:$0x1FF90] =	vst v0;
	v0 =	vbroadcast v57, $0x0  }
0x16: {  	s10 =	sadd.s32 s10, s13;
	s7 =	simm.s32 @p2 $0x46;
	s8 =	simm.s32 @!p0 $0x19;
	v59 =	vmov s26;
	[tilespmem:$0x1FF80] =	vst v55;
	v7 =	vbroadcast v1, $0x0;
	v62 =	vbroadcast v3, $0x0  }
0x17: {  	s1 =	sadd.s32 s1, s21;
	s14 =	sor.u32 $0x7, s21;
	[dreg:$0x9] =	wrdreg s28;
	[tilespmem:$0x1FFA0] =	vst v0;
	v0 =	vbroadcast v59, $0x0  }
0x18: {  	s20 =	sshll.u32 s10, $0xD;
	s7 =	simm.s32 @p1 $0x0;
	s8 =	simm.s32 @p1 $0x14;
	v60 =	vmov s14;
	[tilespmem:$0x1FFD0] =	vst v62;
	v63 =	vmul.f32 $9.999999770e-03, v7  }
0x19: {  	[dreg:$0x8] =	wrdreg s1;
	s22 =	simm.s32 $0x400;
	s23 =	simm.s32 $0x2000;
	[tilespmem:$0x1FFB0] =	vst v0;
	v0 =	vbroadcast v60, $0x0  }
0x1a: {  	s24 =	simm.s32 $0x2E80;
	s25 =	simm.s32 $0x9280;
	s4 =	sadd.s32 s11, s20;
	[tilespmem:$0x1FFE0] =	vst v63  }
0x1b: {  	s20 =	simm.s32 $0xF680;
	s21 =	simm.s32 $0x11680;
	s13 =	sadd.s32 $0x28000, s4;
	[tilespmem:$0x1FFC0] =	vst v0  }
.LBB2_1:
0x1c: {  	s0 =	rddreg [dreg:$0x4]  }
0x1d: {  	[tilespmem:s3], [sflag:$0x5] =	stream.linear.gather [hbm4b:s0+s3], $0x680, $0x38;
	[tilespmem:$0x13680] =	vst v63  }
0x1e: {  	_ =	swait.ge [sflag:s15], $0x680  }
0x1f: {  	[sflag:s15] =	ssyncset.done $0x0  }
0x20: {  	s14 =	rddreg [dreg:$0x5];
	[sflag:s15] =	ssyncadd.s32 $0xFFFFF980  }
0x21: {  	[tilespmem:s16], [sflag:$0x5] =	stream.linear.gather [hbm4b:s14+s3], $0x680, $0x38;
	[tilespmem:$0x13680] =	vst v63  }
0x22: {  	_ =	swait.ge [sflag:s15], $0x680  }
0x23: {  	[sflag:s15] =	ssyncset.done $0x0  }
0x24: {  	s18 =	rddreg [dreg:$0x6];
	[sflag:s15] =	ssyncadd.s32 $0xFFFFF980  }
0x25: {  	[tilespmem:s17], [sflag:$0x5] =	stream.linear.gather [hbm4b:s18+s3], $0x100, $0x38;
	[tilespmem:$0x13680] =	vst v63  }
0x26: {  	_ =	swait.ge [sflag:s15], $0x100  }
0x27: {  	[sflag:s15] =	ssyncset.done $0x0  }
0x28: {  	s1 =	simm.s32 $0xE00;
	s26 =	rddreg [dreg:$0x7];
	[sflag:s15] =	ssyncadd.s32 $0xFFFFFF00  }
0x29: {  	[tilespmem:s1], [sflag:$0x5] =	stream.linear.gather [hbm4b:s26+s3], $0x2000, $0x38;
	[tilespmem:$0x13680] =	vst v63  }
0x2a: {  	_ =	swait.ge [sflag:s15], $0x2000  }
0x2b: {  	[sflag:s15] =	ssyncset.done $0x0  }
0x2c: {  	s28 =	rddreg [dreg:$0x8];
	[sflag:s15] =	ssyncadd.s32 $0xFFFFE000  }
0x2d: {  	[tilespmem:s19], [sflag:$0x5] =	stream.linear.gather [hbm4b:s28+s3], $0x80, $0x38;
	[tilespmem:$0x13680] =	vst v63  }
0x2e: {  	_ =	swait.ge [sflag:s15], $0x80  }
0x2f: {  	v0 =	vld [tilespmem:$0x1FF50];
	_ =	sdelay $0x5  }
0x30: {  	[sflag:s15] =	ssyncset.done $0x0  }
0x31: {  	[sflag:s15] =	ssyncadd.s32 $0xFFFFFF80  }
0x32: {  	v1 =	vld.idx.msk [tilespmem:v0+s17+$0x0], $0xffff  }
0x33: {  	v0 =	vld [tilespmem:$0x1FF60];
	_ =	sdelay $0x7  }
0x34: {  	v13 =	vld.idx.msk [tilespmem:v0+s17+$0x0], $0xffff  }
0x35: {  	v0 =	vld [tilespmem:$0x1FF70];
	_ =	sdelay $0x7  }
0x36: {  	v14 =	vld.idx.msk [tilespmem:v0+s17+$0x0], $0xffff  }
0x37: {  	v0 =	vld [tilespmem:$0x1FF80];
	_ =	sdelay $0x7  }
0x38: {  	v2 =	vld.idx.msk [tilespmem:v0+s17+$0x0], $0xffff  }
0x39: {  	v0 =	vld [tilespmem:$0x1FF90];
	_ =	sdelay $0x7  }
0x3a: {  	v5 =	vld.idx.msk [tilespmem:v0+s17+$0x0], $0xffff  }
0x3b: {  	v0 =	vld [tilespmem:$0x1FFA0];
	_ =	sdelay $0x7  }
0x3c: {  	v3 =	vld.idx.msk [tilespmem:v0+s17+$0x0], $0xffff  }
0x3d: {  	v0 =	vld [tilespmem:$0x1FFB0];
	_ =	sdelay $0x7  }
0x3e: {  	v4 =	vld.idx.msk [tilespmem:v0+s17+$0x0], $0xffff  }
0x3f: {  	v0 =	vld [tilespmem:$0x1FFC0];
	_ =	sdelay $0x7  }
0x40: {  	v29 =	vld.idx.msk [tilespmem:v0+s17+$0x0], $0xffff  }
0x41: {  	v0 =	vld [tilespmem:$0x1FFD0];
	_ =	sdelay $0x3  }
.Ltmp0:
0x42: {  	_ = 	snop;
	(pc) =	sbr.rel .LBB2_2-.Ltmp0, $2  }
0x43: {  	_ =	sdelay $0x2  }
0x44: {  	s0 =	simm.s32 $0x0;
	v20 =	vld.idx.msk [tilespmem:v0+s17+$0x0], $0xffff  }
.LBB2_10:
0x45: {  	s0 =	sadd.s32 $0x1, s0  }
0x46: {  	p0 =	seq.s32 s0, $0xF  }
.Ltmp1:
0x47: {  	_ = 	snop;
	(pc) =	sbr.rel @p0 .LBB2_11-.Ltmp1, $1  }
0x48: {  	_ =	sdelay $0x3  }
.LBB2_2:
0x49: {  	s4 =	sshll.u32 s0, $0x1;
	p0 =	seq.s32 s0, $0x0  }
0x4a: {  	p1 =	sge.u32 @!p0 s4, s8  }
0x4b: {  	p1 =	por p1, p0  }
0x4c: {  	s5 =	simm.s32 @!p1 $0x3  }
0x4d: {  	_ =	swait.ge @!p1 [sflag:s5], $0x2000  }
0x4e: {  	s1 =	sshllo.u32 s0, $0x1;
	[sflag:s5] =	ssyncset.done @!p1 $0x0  }
0x4f: {  	p2 =	sge.u32 @!p0 s1, s8;
	[sflag:s5] =	ssyncadd.s32 @!p1 $0xFFFFE000;
	p1 =	sge.u32 s4, s8  }
.Ltmp2:
0x50: {  	p0 =	por p2, p0;
	(pc) =	sbr.rel @p1 .LBB2_6-.Ltmp2, $4  }
0x51: {  	s5 =	simm.s32 @!p0 $0x4  }
0x52: {  	_ =	swait.ge @!p0 [sflag:s5], $0x2000  }
0x53: {  	[sflag:s5] =	ssyncset.done @!p0 $0x0  }
0x54: {  	[sflag:s5] =	ssyncadd.s32 @!p0 $0xFFFFE000  }
0x55: {  	s4 =	sadd.s32 s7, s4  }
0x56: {  	s5 =	sadd.s32 s12, s4  }
0x57: {  	v0 =	vmov s5;
	_ =	sdelay $0x4  }
0x58: {  	v21 =	vld.idx.msk [tilespmem:v0+s3+$0x0], $0xffff;
	_ =	sdelay $0x3  }
0x59: {  	s5 =	simm.s32 $0xF780  }
0x5a: {  	[tilespmem:s5+$0xFFFFFF00] =	vst v21  }
0x5b: {  	[tilespmem:s5+$0xF0] =	vst v21  }
0x5c: {  	[tilespmem:s5+$0xE0] =	vst v21  }
0x5d: {  	[tilespmem:s5+$0xD0] =	vst v21  }
0x5e: {  	[tilespmem:s5+$0xC0] =	vst v21  }
0x5f: {  	[tilespmem:s5+$0xB0] =	vst v21  }
0x60: {  	[tilespmem:s5+$0xA0] =	vst v21  }
0x61: {  	[tilespmem:s5+$0x90] =	vst v21  }
0x62: {  	[tilespmem:s5+$0x80] =	vst v21  }
0x63: {  	[tilespmem:s5+$0x70] =	vst v21  }
0x64: {  	[tilespmem:s5+$0x60] =	vst v21  }
0x65: {  	[tilespmem:s5+$0x50] =	vst v21  }
0x66: {  	[tilespmem:s5+$0x40] =	vst v21  }
0x67: {  	[tilespmem:s5+$0x30] =	vst v21  }
0x68: {  	[tilespmem:s5+$0x20] =	vst v21  }
0x69: {  	[tilespmem:s5+$0x10] =	vst v21  }
0x6a: {  	[tilespmem:s5+$0x0] =	vst v21  }
0x6b: {  	[tilespmem:s5+$0xFFFFFFF0] =	vst v21  }
0x6c: {  	[tilespmem:s5+$0xFFFFFFE0] =	vst v21  }
0x6d: {  	[tilespmem:s5+$0xFFFFFFD0] =	vst v21  }
0x6e: {  	[tilespmem:s5+$0xFFFFFFC0] =	vst v21  }
0x6f: {  	[tilespmem:s5+$0xFFFFFFB0] =	vst v21  }
0x70: {  	[tilespmem:s5+$0xFFFFFFA0] =	vst v21  }
0x71: {  	[tilespmem:s5+$0xFFFFFF90] =	vst v21  }
0x72: {  	[tilespmem:s5+$0xFFFFFF80] =	vst v21  }
0x73: {  	[tilespmem:s5+$0xFFFFFF70] =	vst v21  }
0x74: {  	[tilespmem:s5+$0xFFFFFF60] =	vst v21  }
0x75: {  	[tilespmem:s5+$0xFFFFFF50] =	vst v21  }
0x76: {  	[tilespmem:s5+$0xFFFFFF40] =	vst v21  }
0x77: {  	[tilespmem:s5+$0xFFFFFF30] =	vst v21  }
0x78: {  	s6 =	simm.s32 $0x0;
	[tilespmem:s5+$0xFFFFFF20] =	vst v21  }
.LBB2_4:
0x79: {  	s6 =	sadd.s32 $0x4, s6;
	[tilespmem:s5+$0xFFFFFF10] =	vst v21;
	s5 =	sadd.s32 $0x200, s5  }
0x7a: {  	[tilespmem:s5+$0xFFFFFF00] =	vst v21;
	p0 =	slt.u32 s6, $0x3C  }
0x7b: {  	[tilespmem:s5+$0xF0] =	vst v21  }
0x7c: {  	[tilespmem:s5+$0xE0] =	vst v21  }
0x7d: {  	[tilespmem:s5+$0xD0] =	vst v21  }
0x7e: {  	[tilespmem:s5+$0xC0] =	vst v21  }
0x7f: {  	[tilespmem:s5+$0xB0] =	vst v21  }
0x80: {  	[tilespmem:s5+$0xA0] =	vst v21  }
0x81: {  	[tilespmem:s5+$0x90] =	vst v21  }
0x82: {  	[tilespmem:s5+$0x80] =	vst v21  }
0x83: {  	[tilespmem:s5+$0x70] =	vst v21  }
0x84: {  	[tilespmem:s5+$0x60] =	vst v21  }
0x85: {  	[tilespmem:s5+$0x50] =	vst v21  }
0x86: {  	[tilespmem:s5+$0x40] =	vst v21  }
0x87: {  	[tilespmem:s5+$0x30] =	vst v21  }
0x88: {  	[tilespmem:s5+$0x20] =	vst v21  }
0x89: {  	[tilespmem:s5+$0x10] =	vst v21  }
0x8a: {  	[tilespmem:s5+$0x0] =	vst v21  }
0x8b: {  	[tilespmem:s5+$0xFFFFFFF0] =	vst v21  }
0x8c: {  	[tilespmem:s5+$0xFFFFFFE0] =	vst v21  }
0x8d: {  	[tilespmem:s5+$0xFFFFFFD0] =	vst v21  }
0x8e: {  	[tilespmem:s5+$0xFFFFFFC0] =	vst v21  }
0x8f: {  	[tilespmem:s5+$0xFFFFFFB0] =	vst v21  }
0x90: {  	[tilespmem:s5+$0xFFFFFFA0] =	vst v21  }
0x91: {  	[tilespmem:s5+$0xFFFFFF90] =	vst v21  }
0x92: {  	[tilespmem:s5+$0xFFFFFF80] =	vst v21  }
0x93: {  	[tilespmem:s5+$0xFFFFFF70] =	vst v21  }
.Ltmp3:
0x94: {  	[tilespmem:s5+$0xFFFFFF60] =	vst v21;
	(pc) =	sbr.rel @p0 .LBB2_4-.Ltmp3, $4  }
0x95: {  	[tilespmem:s5+$0xFFFFFF50] =	vst v21  }
0x96: {  	[tilespmem:s5+$0xFFFFFF40] =	vst v21  }
0x97: {  	[tilespmem:s5+$0xFFFFFF30] =	vst v21  }
0x98: {  	[tilespmem:s5+$0xFFFFFF20] =	vst v21  }
0x99: {  	s4 =	sshll.u32 s4, $0xD  }
0x9a: {  	s4 =	sadd.s32 s11, s4  }
0x9b: {  	s4 =	sshrl.u32 s4, $0x3  }
0x9c: {  	[tilespmem:s5+$0xFFFFFF10] =	vst v21;
	s4 =	sadd.s32 s2, s4  }
0x9d: {  	[hbm4b:s4+s3] =	stream.linear.scatter [tilespmem:s20], [sflag:$0x3], $0x2000, $0x38;
	[tilespmem:$0x13680] =	vst v63  }
.LBB2_6:
0x9e: {  	p0 =	sge.u32 s1, s8  }
.Ltmp4:
0x9f: {  	_ = 	snop;
	(pc) =	sbr.rel @p0 .LBB2_10-.Ltmp4, $1  }
0xa0: {  	_ =	sdelay $0x3  }
0xa1: {  	s1 =	sadd.s32 s7, s1  }
0xa2: {  	s4 =	sadd.s32 s12, s1  }
0xa3: {  	v0 =	vmov s4;
	_ =	sdelay $0x4  }
0xa4: {  	v21 =	vld.idx.msk [tilespmem:v0+s3+$0x0], $0xffff;
	_ =	sdelay $0x3  }
0xa5: {  	s4 =	simm.s32 $0x11780  }
0xa6: {  	[tilespmem:s4+$0xFFFFFF00] =	vst v21  }
0xa7: {  	[tilespmem:s4+$0xF0] =	vst v21  }
0xa8: {  	[tilespmem:s4+$0xE0] =	vst v21  }
0xa9: {  	[tilespmem:s4+$0xD0] =	vst v21  }
0xaa: {  	[tilespmem:s4+$0xC0] =	vst v21  }
0xab: {  	[tilespmem:s4+$0xB0] =	vst v21  }
0xac: {  	[tilespmem:s4+$0xA0] =	vst v21  }
0xad: {  	[tilespmem:s4+$0x90] =	vst v21  }
0xae: {  	[tilespmem:s4+$0x80] =	vst v21  }
0xaf: {  	[tilespmem:s4+$0x70] =	vst v21  }
0xb0: {  	[tilespmem:s4+$0x60] =	vst v21  }
0xb1: {  	[tilespmem:s4+$0x50] =	vst v21  }
0xb2: {  	[tilespmem:s4+$0x40] =	vst v21  }
0xb3: {  	[tilespmem:s4+$0x30] =	vst v21  }
0xb4: {  	[tilespmem:s4+$0x20] =	vst v21  }
0xb5: {  	[tilespmem:s4+$0x10] =	vst v21  }
0xb6: {  	[tilespmem:s4+$0x0] =	vst v21  }
0xb7: {  	[tilespmem:s4+$0xFFFFFFF0] =	vst v21  }
0xb8: {  	[tilespmem:s4+$0xFFFFFFE0] =	vst v21  }
0xb9: {  	[tilespmem:s4+$0xFFFFFFD0] =	vst v21  }
0xba: {  	[tilespmem:s4+$0xFFFFFFC0] =	vst v21  }
0xbb: {  	[tilespmem:s4+$0xFFFFFFB0] =	vst v21  }
0xbc: {  	[tilespmem:s4+$0xFFFFFFA0] =	vst v21  }
0xbd: {  	[tilespmem:s4+$0xFFFFFF90] =	vst v21  }
0xbe: {  	[tilespmem:s4+$0xFFFFFF80] =	vst v21  }
0xbf: {  	[tilespmem:s4+$0xFFFFFF70] =	vst v21  }
0xc0: {  	[tilespmem:s4+$0xFFFFFF60] =	vst v21  }
0xc1: {  	[tilespmem:s4+$0xFFFFFF50] =	vst v21  }
0xc2: {  	[tilespmem:s4+$0xFFFFFF40] =	vst v21  }
0xc3: {  	[tilespmem:s4+$0xFFFFFF30] =	vst v21  }
0xc4: {  	s5 =	simm.s32 $0x0;
	[tilespmem:s4+$0xFFFFFF20] =	vst v21  }
.LBB2_8:
0xc5: {  	s5 =	sadd.s32 $0x4, s5;
	[tilespmem:s4+$0xFFFFFF10] =	vst v21;
	s4 =	sadd.s32 $0x200, s4  }
0xc6: {  	[tilespmem:s4+$0xFFFFFF00] =	vst v21;
	p0 =	slt.u32 s5, $0x3C  }
0xc7: {  	[tilespmem:s4+$0xF0] =	vst v21  }
0xc8: {  	[tilespmem:s4+$0xE0] =	vst v21  }
0xc9: {  	[tilespmem:s4+$0xD0] =	vst v21  }
0xca: {  	[tilespmem:s4+$0xC0] =	vst v21  }
0xcb: {  	[tilespmem:s4+$0xB0] =	vst v21  }
0xcc: {  	[tilespmem:s4+$0xA0] =	vst v21  }
0xcd: {  	[tilespmem:s4+$0x90] =	vst v21  }
0xce: {  	[tilespmem:s4+$0x80] =	vst v21  }
0xcf: {  	[tilespmem:s4+$0x70] =	vst v21  }
0xd0: {  	[tilespmem:s4+$0x60] =	vst v21  }
0xd1: {  	[tilespmem:s4+$0x50] =	vst v21  }
0xd2: {  	[tilespmem:s4+$0x40] =	vst v21  }
0xd3: {  	[tilespmem:s4+$0x30] =	vst v21  }
0xd4: {  	[tilespmem:s4+$0x20] =	vst v21  }
0xd5: {  	[tilespmem:s4+$0x10] =	vst v21  }
0xd6: {  	[tilespmem:s4+$0x0] =	vst v21  }
0xd7: {  	[tilespmem:s4+$0xFFFFFFF0] =	vst v21  }
0xd8: {  	[tilespmem:s4+$0xFFFFFFE0] =	vst v21  }
0xd9: {  	[tilespmem:s4+$0xFFFFFFD0] =	vst v21  }
0xda: {  	[tilespmem:s4+$0xFFFFFFC0] =	vst v21  }
0xdb: {  	[tilespmem:s4+$0xFFFFFFB0] =	vst v21  }
0xdc: {  	[tilespmem:s4+$0xFFFFFFA0] =	vst v21  }
0xdd: {  	[tilespmem:s4+$0xFFFFFF90] =	vst v21  }
0xde: {  	[tilespmem:s4+$0xFFFFFF80] =	vst v21  }
0xdf: {  	[tilespmem:s4+$0xFFFFFF70] =	vst v21  }
.Ltmp5:
0xe0: {  	[tilespmem:s4+$0xFFFFFF60] =	vst v21;
	(pc) =	sbr.rel @p0 .LBB2_8-.Ltmp5, $4  }
0xe1: {  	[tilespmem:s4+$0xFFFFFF50] =	vst v21  }
0xe2: {  	[tilespmem:s4+$0xFFFFFF40] =	vst v21  }
0xe3: {  	[tilespmem:s4+$0xFFFFFF30] =	vst v21  }
0xe4: {  	[tilespmem:s4+$0xFFFFFF20] =	vst v21  }
.Ltmp6:
0xe5: {  	s1 =	sshll.u32 s1, $0xD;
	(pc) =	sbr.rel .LBB2_10-.Ltmp6, $4  }
0xe6: {  	s1 =	sadd.s32 s11, s1  }
0xe7: {  	s1 =	sshrl.u32 s1, $0x3  }
0xe8: {  	[tilespmem:s4+$0xFFFFFF10] =	vst v21;
	s1 =	sadd.s32 s2, s1  }
0xe9: {  	[hbm4b:s1+s3] =	stream.linear.scatter [tilespmem:s21], [sflag:$0x4], $0x2000, $0x38;
	[tilespmem:$0x13680] =	vst v63  }
.LBB2_11:
0xea: {  	[tilespmem:$0x1FEE0] =	vst v1  }
0xeb: {  	[tilespmem:$0x1FEF0] =	vst v5  }
0xec: {  	[tilespmem:$0x1FF00] =	vst v2  }
0xed: {  	[tilespmem:$0x1FF10] =	vst v3  }
0xee: {  	v19 =	vadd.f32 v20, v18;
	[tilespmem:$0x1FF20] =	vst v4  }
0xef: {  	[tilespmem:$0x1FF40] =	vst v29  }
0xf0: {  	s0 =	simm.s32 $0x0;
	s9 =	simm.s32 $0xE00;
	s18 =	simm.s32 $0x1200;
	[tilespmem:$0x1FF30] =	vst v19  }
.LBB2_12:
0xf1: {  	p0 =	seq.s32 s0, $0x0  }
0xf2: {  	s1 =	simm.s32 @!p0 $0x1  }
0xf3: {  	_ =	swait.ge @!p0 [sflag:s1], $0x6400  }
0xf4: {  	[sflag:s1] =	ssyncset.done @!p0 $0x0  }
0xf5: {  	[sflag:s1] =	ssyncadd.s32 @!p0 $0xFFFF9C00;
	s1 =	simm.s32 @!p0 $0x2  }
0xf6: {  	s5 =	sshll.u32 s0, $0x4;
	_ =	swait.ge @!p0 [sflag:s1], $0x6400  }
0xf7: {  	s6 =	simm.s32 $0x2E80;
	s10 =	simm.s32 $0x0;
	[sflag:s1] =	ssyncset.done @!p0 $0x0  }
0xf8: {  	s4 =	sor.u32 $0x8, s5;
	[sflag:s1] =	ssyncadd.s32 @!p0 $0xFFFF9C00;
	s1 =	smov.u32 s9  }
.LBB2_13:
0xf9: {  	s14 =	sor.u32 s5, s10  }
0xfa: {  	v0 =	vmov s14  }
0xfb: {  	v22 =	vmov s1;
	_ =	sdelay $0x3  }
0xfc: {  	s14 =	simm.s32 $0x0;
	v23 =	vld.idx.msk [tilespmem:v0+s19+$0x0], $0xffff  }
0xfd: {  	v0 =	vld.idx.msk [tilespmem:v22+s14+$0x0 ss:$0x1], $0xffff;
	_ =	sdelay $0x4  }
0xfe: {  	v0 =	vadd.f32 v0, v23;
	_ =	sdelay $0x1  }
0xff: {  	v0 =	vadd.f32 v0, v1;
	_ =	sdelay $0x1  }
0x100: {  	vm0 =	vle.f32 v0, v13  }
0x101: {  	v0 =	vsel vm0, v2, v0  }
0x102: {  	vm0 =	vge.f32 v0, v14  }
0x103: {  	v0 =	vsel vm0, v5, v0  }
0x104: {  	v1 =	vsub.f32 v0, v13;
	_ =	sdelay $0x1  }
0x105: {  	v0 =	vsub.f32 v0, v14;
	v2 =	vmul.f32 $1.000000000e+02, v1;
	_ =	sdelay $0x1  }
0x106: {  	v0 =	vmul.f32 $1.000000000e+02, v0;
	(erf) = vrcp.f32 v2;
	_ =	sdelay $0x1  }
0x107: {  	(erf) = vrcp.f32 v0;
	_ =	sdelay $0x6  }
0x108: {  	v0 =	vpop (erf)  }
0x109: {  	v0 =	vmul.f32 v0, v3  }
0x10a: {  	v3 =	vpop (erf)  }
0x10b: {  	v20 =	vld [tilespmem:$0x1FFE0];
	v3 =	vmul.f32 v3, v4;
	v4 =	vmul.f32 $1.700000000e+01, v0  }
0x10c: {  	v6 =	vmul.f32 $1.800000000e+01, v0;
	v9 =	vmul.f32 $1.900000000e+01, v0  }
0x10d: {  	v24 =	vmul.f32 $2.000000000e+01, v0;
	v26 =	vmul.f32 $2.100000000e+01, v0  }
0x10e: {  	v27 =	vmul.f32 $2.200000000e+01, v0;
	v34 =	vmul.f32 $2.300000000e+01, v0  }
0x10f: {  	v35 =	vmul.f32 $2.400000000e+01, v0;
	v36 =	vmul.f32 $9.000000000e+00, v0  }
0x110: {  	v10 =	vsub.f32 v1, v20;
	v28 =	vmul.f32 v0, v7;
	v1 =	vmul.f32 $1.000000000e+01, v0  }
0x111: {  	v37 =	vmul.f32 $1.100000000e+01, v0;
	v39 =	vmul.f32 $1.200000000e+01, v0  }
0x112: {  	v63 =	vmul.f32 $3.000000000e+00, v0;
	v5 =	vmul.f32 $1.700000000e+01, v3  }
0x113: {  	v8 =	vmul.f32 $1.800000000e+01, v3;
	v62 =	vmul.f32 $1.900000000e+01, v3  }
0x114: {  	v49 =	vadd.f32 v0, v0;
	v61 =	vmul.f32 $2.000000000e+01, v3;
	v32 =	vmul.f32 $2.100000000e+01, v3  }
0x115: {  	v33 =	vmul.f32 $2.200000000e+01, v3;
	v2 =	vmul.f32 v3, v2;
	v48 =	vadd.f32 v28, v19  }
0x116: {  	v40 =	vmul.f32 $2.300000000e+01, v3;
	v46 =	vmul.f32 $2.400000000e+01, v3;
	v59 =	vadd.f32 v3, v3  }
0x117: {  	v54 =	vmul.f32 $9.000000000e+00, v3;
	v2 =	vsub.f32 v29, v2;
	v11 =	vadd.f32 v48, v4  }
0x118: {  	v58 =	vmul.f32 $1.000000000e+01, v3;
	v38 =	vadd.f32 v48, v6;
	v31 =	vadd.f32 v48, v9  }
0x119: {  	v60 =	vmul.f32 $1.100000000e+01, v3;
	v30 =	vadd.f32 v48, v24;
	v29 =	vadd.f32 v48, v26  }
0x11a: {  	v4 =	vmul.f32 $1.300000000e+01, v0;
	v28 =	vadd.f32 v48, v27;
	v27 =	vadd.f32 v48, v34  }
0x11b: {  	v6 =	vmul.f32 $1.400000000e+01, v0;
	v24 =	vadd.f32 v48, v35;
	v47 =	vadd.f32 v48, v36  }
0x11c: {  	v9 =	vmul.f32 $1.500000000e+01, v0;
	v45 =	vadd.f32 v48, v1;
	v44 =	vadd.f32 v48, v37  }
0x11d: {  	v26 =	vmul.f32 $1.600000000e+01, v0;
	v43 =	vadd.f32 v48, v39;
	v52 =	vadd.f32 v48, v0  }
0x11e: {  	v1 =	vmul.f32 $0.0e+00, v0;
	v57 =	vadd.f32 v48, v49;
	v55 =	vadd.f32 v48, v63  }
0x11f: {  	v42 =	vadd.f32 v48, v4;
	v41 =	vadd.f32 v48, v6;
	v4 =	vmul.f32 $4.000000000e+00, v0  }
0x120: {  	v39 =	vadd.f32 v48, v9;
	v37 =	vadd.f32 v48, v26;
	v6 =	vmul.f32 $5.000000000e+00, v0  }
0x121: {  	v56 =	vadd.f32 v48, v1;
	v1 =	vadd.f32 v2, v18;
	v2 =	vmul.f32 v3, v7  }
0x122: {  	v9 =	vmul.f32 $6.000000000e+00, v0;
	v51 =	vadd.f32 v48, v4;
	v4 =	vmul.f32 $7.000000000e+00, v0  }
0x123: {  	v21 =	vadd.f32 v1, v2;
	v0 =	vmul.f32 $8.000000000e+00, v0;
	v53 =	vadd.f32 v48, v6  }
0x124: {  	v25 =	vmul.f32 $1.300000000e+01, v3;
	v50 =	vadd.f32 v48, v9;
	v49 =	vadd.f32 v48, v4  }
0x125: {  	v2 =	vmul.f32 $1.200000000e+01, v3;
	v48 =	vadd.f32 v48, v0;
	v12 =	vadd.f32 v21, v5  }
0x126: {  	v1 =	vmul.f32 $1.400000000e+01, v3;
	v63 =	vadd.f32 v21, v8;
	v36 =	vadd.f32 v21, v62  }
0x127: {  	v6 =	vmul.f32 $1.500000000e+01, v3;
	v35 =	vadd.f32 v21, v61;
	v34 =	vadd.f32 v21, v32  }
0x128: {  	v9 =	vmul.f32 $0.0e+00, v3;
	v32 =	vadd.f32 v21, v40;
	v0 =	vadd.f32 v21, v54  }
0x129: {  	v8 =	vmul.f32 $1.600000000e+01, v3;
	v26 =	vadd.f32 v21, v46;
	v62 =	vadd.f32 v21, v58  }
0x12a: {  	v5 =	vmul.f32 $3.000000000e+00, v3;
	v61 =	vadd.f32 v21, v60;
	v60 =	vadd.f32 v21, v2  }
0x12b: {  	v4 =	vmul.f32 $4.000000000e+00, v3;
	v58 =	vadd.f32 v21, v25;
	v54 =	vadd.f32 v21, v1  }
0x12c: {  	v2 =	vmul.f32 $5.000000000e+00, v3;
	v46 =	vadd.f32 v21, v6;
	v1 =	vmul.f32 $6.000000000e+00, v3  }
0x12d: {  	v6 =	vadd.f32 v21, v3;
	v25 =	vmul.f32 $7.000000000e+00, v3;
	v40 =	vadd.f32 v21, v8  }
0x12e: {  	v8 =	vadd.f32 v21, v59;
	v59 =	vmul.f32 $8.000000000e+00, v3;
	v3 =	vadd.f32 v21, v2  }
0x12f: {  	vm0 =	vgt.f32 v10, $1.700000020e-01;
	v2 =	vadd.f32 v21, v1;
	v1 =	vadd.f32 v21, v25  }
0x130: {  	v25 =	vsel vm0, v11, v12;
	vm0 =	vgt.f32 v10, $1.899999980e-01;
	v11 =	vimm.s32 $0x0  }
0x131: {  	v11 =	vsel vm0, $0xFFFFFFFF, v11  }
0x132: {  	vm0 =	vgt.f32 v10, $1.999999880e-01;
	[tilespmem:$0x1FE60] =	vst v11;
	v11 =	vimm.s32 $0x0  }
0x133: {  	vm13 =	vgt.f32 v10, $1.799999920e-01;
	v11 =	vsel vm0, $0xFFFFFFFF, v11  }
0x134: {  	vm14 =	vgt.f32 v10, $8.999999610e-02;
	vm0 =	vgt.f32 v10, $2.099999930e-01;
	[tilespmem:$0x1FE70] =	vst v11;
	v11 =	vimm.s32 $0x0  }
0x135: {  	vm12 =	vgt.f32 v10, $9.999999400e-02;
	vm11 =	vgt.f32 v10, $1.099999990e-01;
	v11 =	vsel vm0, $0xFFFFFFFF, v11  }
0x136: {  	vm10 =	vgt.f32 v10, $1.199999970e-01;
	vm0 =	vgt.f32 v10, $2.199999990e-01;
	[tilespmem:$0x1FE80] =	vst v11;
	v11 =	vimm.s32 $0x0  }
0x137: {  	vm9 =	vgt.f32 v10, $1.299999950e-01;
	vm8 =	vgt.f32 v10, $1.400000010e-01;
	v11 =	vsel vm0, $0xFFFFFFFF, v11  }
0x138: {  	vm6 =	vgt.f32 v10, $0.0e+00;
	vm0 =	vgt.f32 v10, $2.299999890e-01;
	[tilespmem:$0x1FE90] =	vst v11;
	v11 =	vimm.s32 $0x0  }
0x139: {  	vm3 =	vgt.f32 v10, $9.999999770e-03;
	vm15 =	vgt.f32 v10, $1.999999960e-02;
	v11 =	vsel vm0, $0xFFFFFFFF, v11  }
0x13a: {  	vm5 =	vgt.f32 v10, $2.999999930e-02;
	vm0 =	vgt.f32 v10, $2.399999950e-01;
	[tilespmem:$0x1FEA0] =	vst v11;
	v11 =	vimm.s32 $0x0  }
0x13b: {  	vm4 =	vgt.f32 v10, $3.999999910e-02;
	vm1 =	vgt.f32 v10, $4.999999700e-02;
	v11 =	vsel vm0, $0xFFFFFFFF, v11  }
0x13c: {  	vm2 =	vgt.f32 v10, $5.999999870e-02;
	vm0 =	vgt.f32 v10, $1.499999910e-01;
	[tilespmem:$0x1FEB0] =	vst v11;
	v11 =	vimm.s32 $0x0  }
0x13d: {  	vm7 =	vgt.f32 v10, $7.999999820e-02;
	v33 =	vadd.f32 v21, v33;
	v11 =	vsel vm0, $0xFFFFFFFF, v11  }
0x13e: {  	v9 =	vadd.f32 v21, v9;
	vm0 =	vgt.f32 v10, $1.599999960e-01;
	[tilespmem:$0x1FEC0] =	vst v11;
	v11 =	vimm.s32 $0x0  }
0x13f: {  	v5 =	vadd.f32 v21, v5;
	v4 =	vadd.f32 v21, v4;
	v11 =	vsel vm0, $0xFFFFFFFF, v11  }
0x140: {  	s26 =	simm.s32 $0x40;
	v59 =	vadd.f32 v21, v59;
	v21 =	vmov s6;
	vm0 =	vgt.f32 v10, $7.000000030e-02;
	[tilespmem:$0x1FED0] =	vst v11  }
.LBB2_14:
0x141: {  	v9 =	vsel vm6, v56, v9  }
0x142: {  	v38 =	vsel vm13, v38, v63;
	v6 =	vsel vm3, v52, v6;
	v8 =	vsel vm15, v57, v8  }
0x143: {  	v5 =	vsel vm5, v55, v5;
	v47 =	vsel vm14, v47, v0;
	v0 =	vtrunc.f32 v9  }
0x144: {  	v45 =	vsel vm12, v45, v62;
	v52 =	vtrunc.f32 v6;
	v56 =	vtrunc.f32 v8  }
0x145: {  	v55 =	vtrunc.f32 v5;
	v4 =	vsel vm4, v51, v4;
	v0 =	vcvt.f32.s32 v0  }
0x146: {  	v3 =	vsel vm1, v53, v3;
	v51 =	vcvt.f32.s32 v52;
	v63 =	vtrunc.f32 v4  }
0x147: {  	v2 =	vsel vm2, v50, v2;
	v53 =	vcvt.f32.s32 v56;
	v56 =	vtrunc.f32 v3  }
0x148: {  	v48 =	vsel vm7, v48, v59;
	v50 =	vcvt.f32.s32 v55;
	v55 =	vtrunc.f32 v2  }
0x149: {  	v10 =	vld [tilespmem:$0x1FEC0];
	v1 =	vsel vm0, v49, v1;
	v57 =	vtrunc.f32 v48;
	v49 =	vcvt.f32.s32 v63  }
0x14a: {  	v44 =	vsel vm11, v44, v61;
	v63 =	vtrunc.f32 v1;
	v55 =	vcvt.f32.s32 v55  }
0x14b: {  	v43 =	vsel vm10, v43, v60;
	v56 =	vcvt.f32.s32 v56;
	v57 =	vcvt.f32.s32 v57  }
0x14c: {  	v42 =	vsel vm9, v42, v58;
	v52 =	vcvt.f32.s32 v63;
	v60 =	vcvt.s32.f32 v53;
	v59 =	vld.idx.msk [tilespmem:v0+s16+$0x0], $0xffff  }
0x14d: {  	v41 =	vsel vm8, v41, v54;
	v58 =	vcvt.s32.f32 v50;
	v62 =	vcvt.s32.f32 v49;
	v61 =	vld.idx.msk [tilespmem:v51+s16+$0x0], $0xffff  }
0x14e: {  	v54 =	vcvt.s32.f32 v55;
	v63 =	vcvt.s32.f32 v57;
	vm0 =	vnez.u8 v10;
	v53 =	vld.idx.msk [tilespmem:v53+s16+$0x0], $0xffff  }
0x14f: {  	v8 =	vsub.f32 v8, v60;
	v5 =	vsub.f32 v5, v58;
	v0 =	vcvt.s32.f32 v0;
	v50 =	vld.idx.msk [tilespmem:v50+s16+$0x0], $0xffff  }
0x150: {  	v60 =	vcvt.s32.f32 v52;
	v4 =	vsub.f32 v4, v62;
	v2 =	vsub.f32 v2, v54;
	v55 =	vld.idx.msk [tilespmem:v55+s16+$0x0], $0xffff  }
0x151: {  	v51 =	vcvt.s32.f32 v51;
	v0 =	vsub.f32 v9, v0;
	v9 =	vld.idx.msk [tilespmem:v49+s16+$0x0], $0xffff;
	v49 =	vcvt.s32.f32 v56  }
0x152: {  	v39 =	vsel vm0, v39, v46;
	v46 =	vsub.f32 v48, v63;
	v1 =	vsub.f32 v1, v60;
	v48 =	vld.idx.msk [tilespmem:v57+s16+$0x0], $0xffff  }
0x153: {  	v6 =	vsub.f32 v6, v51;
	v3 =	vsub.f32 v3, v49  }
0x154: {  	v51 =	vld.idx.msk [tilespmem:v56+s16+$0x0], $0xffff;
	v54 =	vshll.u32 v59, $0x10;
	v56 =	vand.u32 $0xFFFF0000, v59;
	v57 =	vshll.u32 v61, $0x10  }
0x155: {  	v58 =	vand.u32 $0xFFFF0000, v61;
	v59 =	vshll.u32 v53, $0x10;
	v53 =	vand.u32 $0xFFFF0000, v53  }
0x156: {  	v60 =	vshll.u32 v50, $0x10;
	v50 =	vand.u32 $0xFFFF0000, v50;
	v63 =	vshll.u32 v55, $0x10  }
0x157: {  	v55 =	vand.u32 $0xFFFF0000, v55;
	v56 =	vsub.f32 v56, v54;
	v11 =	vshll.u32 v48, $0x10  }
0x158: {  	v49 =	vld.idx.msk [tilespmem:v52+s16+$0x0], $0xffff;
	v58 =	vsub.f32 v58, v57;
	v53 =	vsub.f32 v53, v59;
	v48 =	vand.u32 $0xFFFF0000, v48  }
0x159: {  	v50 =	vsub.f32 v50, v60;
	v61 =	vshll.u32 v9, $0x10;
	v9 =	vand.u32 $0xFFFF0000, v9  }
0x15a: {  	v62 =	vshll.u32 v51, $0x10;
	v51 =	vand.u32 $0xFFFF0000, v51;
	v55 =	vsub.f32 v55, v63  }
0x15b: {  	v48 =	vsub.f32 v48, v11;
	v0 =	vmul.f32 v0, v56;
	v9 =	vsub.f32 v9, v61  }
0x15c: {  	v6 =	vmul.f32 v6, v58;
	v51 =	vsub.f32 v51, v62;
	v8 =	vmul.f32 v8, v53  }
0x15d: {  	v5 =	vmul.f32 v5, v50;
	v10 =	vshll.u32 v49, $0x10;
	v49 =	vand.u32 $0xFFFF0000, v49  }
0x15e: {  	v2 =	vmul.f32 v2, v55;
	v0 =	vadd.f32 v54, v0;
	v49 =	vsub.f32 v49, v10  }
0x15f: {  	v6 =	vadd.f32 v57, v6;
	v4 =	vmul.f32 v4, v9;
	v3 =	vmul.f32 v3, v51  }
0x160: {  	v52 =	vtrunc.f32 v47;
	v5 =	vadd.f32 v60, v5;
	[tilespmem:v21+s14+$0x0 ss:$0x1] =	vst.idx.msk $0xffff, v0;
	v0 =	vadd.f32 v59, v8  }
0x161: {  	v8 =	vtrunc.f32 v45;
	v3 =	vadd.f32 v62, v3;
	v1 =	vmul.f32 v1, v49;
	[tilespmem:v21+s14+$0x400 ss:$0x1] =	vst.idx.msk $0xffff, v6  }
0x162: {  	v9 =	vld [tilespmem:$0x1FED0];
	v6 =	vtrunc.f32 v44;
	v8 =	vcvt.f32.s32 v8;
	[tilespmem:v21+s14+$0x800 ss:$0x1] =	vst.idx.msk $0xffff, v0;
	v0 =	vadd.f32 v61, v4  }
0x163: {  	v4 =	vtrunc.f32 v43;
	v1 =	vadd.f32 v10, v1;
	[tilespmem:v21+s14+$0xC00 ss:$0x1] =	vst.idx.msk $0xffff, v5;
	v5 =	vcvt.f32.s32 v52  }
0x164: {  	v10 =	vld [tilespmem:$0x1FE60];
	[tilespmem:v21+s14+$0x1000 ss:$0x1] =	vst.idx.msk $0xffff, v0;
	v0 =	vadd.f32 v63, v2;
	v2 =	vmul.f32 v46, v48;
	v63 =	vtrunc.f32 v25  }
0x165: {  	v48 =	vtrunc.f32 v38;
	[tilespmem:v21+s14+$0x1400 ss:$0x1] =	vst.idx.msk $0xffff, v3;
	v3 =	vcvt.f32.s32 v6  }
0x166: {  	v6 =	vtrunc.f32 v42;
	[tilespmem:v21+s14+$0x1800 ss:$0x1] =	vst.idx.msk $0xffff, v0;
	v0 =	vadd.f32 v11, v2;
	v2 =	vcvt.f32.s32 v4;
	v11 =	vld [tilespmem:$0x1FE70]  }
0x167: {  	vm0 =	vnez.u8 v9;
	v4 =	vtrunc.f32 v41;
	[tilespmem:v21+s14+$0x1C00 ss:$0x1] =	vst.idx.msk $0xffff, v1;
	v1 =	vcvt.f32.s32 v6  }
0x168: {  	v12 =	vld [tilespmem:$0x1FE80];
	v9 =	vsel vm0, v37, v40;
	v6 =	vtrunc.f32 v39;
	v57 =	vcvt.s32.f32 v3  }
0x169: {  	vm0 =	vnez.u8 v10;
	[tilespmem:v21+s14+$0x2000 ss:$0x1] =	vst.idx.msk $0xffff, v0;
	v0 =	vcvt.f32.s32 v4;
	v4 =	vtrunc.f32 v9  }
0x16a: {  	v31 =	vsel vm0, v31, v36;
	v6 =	vcvt.f32.s32 v6;
	v58 =	vcvt.s32.f32 v2;
	v10 =	vld.idx.msk [tilespmem:v5+s16+$0x0], $0xffff  }
0x16b: {  	v4 =	vcvt.f32.s32 v4;
	vm0 =	vnez.u8 v11;
	v11 =	vcvt.s32.f32 v8;
	v8 =	vld.idx.msk [tilespmem:v8+s16+$0x0], $0xffff  }
0x16c: {  	v5 =	vcvt.s32.f32 v5;
	v59 =	vcvt.s32.f32 v1;
	v3 =	vld.idx.msk [tilespmem:v3+s16+$0x0], $0xffff  }
0x16d: {  	v60 =	vcvt.s32.f32 v0;
	v30 =	vsel vm0, v30, v35;
	vm0 =	vnez.u8 v12;
	v12 =	vld [tilespmem:$0x1FE90]  }
0x16e: {  	v5 =	vsub.f32 v47, v5;
	v62 =	vcvt.s32.f32 v4;
	v2 =	vld.idx.msk [tilespmem:v2+s16+$0x0], $0xffff;
	v35 =	vsub.f32 v43, v58  }
0x16f: {  	v36 =	vsub.f32 v41, v60;
	v29 =	vsel vm0, v29, v34;
	v11 =	vsub.f32 v45, v11  }
0x170: {  	v1 =	vld.idx.msk [tilespmem:v1+s16+$0x0], $0xffff;
	v34 =	vsub.f32 v44, v57;
	v49 =	vshll.u32 v10, $0x10;
	v10 =	vand.u32 $0xFFFF0000, v10  }
0x171: {  	v61 =	vcvt.s32.f32 v6;
	v9 =	vsub.f32 v9, v62;
	v0 =	vld.idx.msk [tilespmem:v0+s16+$0x0], $0xffff;
	v10 =	vsub.f32 v10, v49  }
0x172: {  	v6 =	vld.idx.msk [tilespmem:v6+s16+$0x0], $0xffff;
	v50 =	vshll.u32 v8, $0x10;
	v8 =	vand.u32 $0xFFFF0000, v8;
	v51 =	vshll.u32 v3, $0x10  }
0x173: {  	v3 =	vand.u32 $0xFFFF0000, v3;
	vm0 =	vnez.u8 v12;
	v52 =	vshll.u32 v2, $0x10  }
0x174: {  	v4 =	vld.idx.msk [tilespmem:v4+s16+$0x0], $0xffff;
	v2 =	vand.u32 $0xFFFF0000, v2;
	v8 =	vsub.f32 v8, v50;
	v5 =	vmul.f32 v10, v5  }
0x175: {  	v3 =	vsub.f32 v3, v51;
	v28 =	vsel vm0, v28, v33;
	v33 =	vsub.f32 v42, v59  }
0x176: {  	v53 =	vshll.u32 v1, $0x10;
	v1 =	vand.u32 $0xFFFF0000, v1;
	v2 =	vsub.f32 v2, v52  }
0x177: {  	v12 =	vld [tilespmem:$0x1FEA0];
	v54 =	vshll.u32 v0, $0x10;
	v0 =	vand.u32 $0xFFFF0000, v0;
	v55 =	vshll.u32 v6, $0x10  }
0x178: {  	s28 =	sshra.s32 s26, $0x2;
	v6 =	vand.u32 $0xFFFF0000, v6;
	v8 =	vmul.f32 v8, v11;
	v1 =	vsub.f32 v1, v53  }
0x179: {  	v10 =	vld.idx.msk [tilespmem:v22+s28+$0x0 ss:$0x1], $0xffff;
	v5 =	vadd.f32 v49, v5;
	v3 =	vmul.f32 v3, v34;
	v56 =	vshll.u32 v4, $0x10  }
0x17a: {  	v4 =	vand.u32 $0xFFFF0000, v4;
	v0 =	vsub.f32 v0, v54;
	v6 =	vsub.f32 v6, v55  }
0x17b: {  	v2 =	vmul.f32 v2, v35;
	v8 =	vadd.f32 v50, v8;
	v4 =	vsub.f32 v4, v56  }
0x17c: {  	[tilespmem:v21+s14+$0x2400 ss:$0x1] =	vst.idx.msk $0xffff, v5;
	v3 =	vadd.f32 v51, v3;
	v1 =	vmul.f32 v1, v33;
	vm0 =	vnez.u8 v12  }
0x17d: {  	v2 =	vadd.f32 v52, v2;
	v27 =	vsel vm0, v27, v32;
	v32 =	vsub.f32 v39, v61  }
0x17e: {  	v5 =	vtrunc.f32 v31;
	v0 =	vmul.f32 v0, v36;
	v10 =	vadd.f32 v10, v23;
	[tilespmem:v21+s14+$0x2800 ss:$0x1] =	vst.idx.msk $0xffff, v8  }
0x17f: {  	v12 =	vld [tilespmem:$0x1FEE0];
	v8 =	vtrunc.f32 v30;
	v1 =	vadd.f32 v53, v1;
	[tilespmem:v21+s14+$0x2C00 ss:$0x1] =	vst.idx.msk $0xffff, v3;
	v3 =	vmul.f32 v6, v32  }
0x180: {  	v0 =	vadd.f32 v54, v0;
	v6 =	vcvt.f32.s32 v63;
	[tilespmem:v21+s14+$0x3000 ss:$0x1] =	vst.idx.msk $0xffff, v2;
	v2 =	vmul.f32 v4, v9;
	v9 =	vld [tilespmem:$0x1FEB0]  }
0x181: {  	v4 =	vcvt.f32.s32 v48;
	[tilespmem:v21+s14+$0x3400 ss:$0x1] =	vst.idx.msk $0xffff, v1;
	v1 =	vadd.f32 v55, v3;
	v3 =	vcvt.f32.s32 v5  }
0x182: {  	v5 =	vtrunc.f32 v29;
	[tilespmem:v21+s14+$0x3800 ss:$0x1] =	vst.idx.msk $0xffff, v0;
	v0 =	vadd.f32 v56, v2;
	v2 =	vcvt.f32.s32 v8  }
0x183: {  	v8 =	vtrunc.f32 v28;
	[tilespmem:v21+s14+$0x3C00 ss:$0x1] =	vst.idx.msk $0xffff, v1;
	v1 =	vcvt.f32.s32 v5  }
0x184: {  	v10 =	vadd.f32 v10, v12;
	v5 =	vtrunc.f32 v27;
	v57 =	vcvt.s32.f32 v2  }
0x185: {  	v12 =	vld [tilespmem:$0x1FF00];
	vm0 =	vnez.u8 v9;
	[tilespmem:v21+s14+$0x4000 ss:$0x1] =	vst.idx.msk $0xffff, v0;
	v0 =	vcvt.f32.s32 v8;
	v5 =	vcvt.f32.s32 v5  }
0x186: {  	v9 =	vsel vm0, v24, v26;
	v11 =	vld.idx.msk [tilespmem:v6+s16+$0x0], $0xffff;
	v6 =	vcvt.s32.f32 v6;
	v24 =	vcvt.s32.f32 v4  }
0x187: {  	v26 =	vcvt.s32.f32 v3;
	v8 =	vtrunc.f32 v9  }
0x188: {  	v4 =	vld.idx.msk [tilespmem:v4+s16+$0x0], $0xffff;
	vm0 =	vle.f32 v10, v13;
	v58 =	vcvt.s32.f32 v1;
	v8 =	vcvt.f32.s32 v8  }
0x189: {  	v30 =	vsub.f32 v30, v57;
	v6 =	vsub.f32 v25, v6;
	v25 =	vcvt.s32.f32 v5  }
0x18a: {  	v59 =	vcvt.s32.f32 v0;
	v3 =	vld.idx.msk [tilespmem:v3+s16+$0x0], $0xffff;
	v26 =	vsub.f32 v31, v26;
	v31 =	vcvt.s32.f32 v8  }
0x18b: {  	v10 =	vsel vm0, v12, v10;
	v2 =	vld.idx.msk [tilespmem:v2+s16+$0x0], $0xffff;
	v24 =	vsub.f32 v38, v24;
	v25 =	vsub.f32 v27, v25  }
0x18c: {  	v27 =	vshll.u32 v11, $0x10;
	v11 =	vand.u32 $0xFFFF0000, v11;
	v9 =	vsub.f32 v9, v31  }
0x18d: {  	v1 =	vld.idx.msk [tilespmem:v1+s16+$0x0], $0xffff;
	v31 =	vshll.u32 v4, $0x10;
	v4 =	vand.u32 $0xFFFF0000, v4;
	v11 =	vsub.f32 v11, v27  }
0x18e: {  	v29 =	vsub.f32 v29, v58;
	vm0 =	vge.f32 v10, v14;
	v0 =	vld.idx.msk [tilespmem:v0+s16+$0x0], $0xffff;
	v4 =	vsub.f32 v4, v31  }
0x18f: {  	v28 =	vsub.f32 v28, v59;
	v5 =	vld.idx.msk [tilespmem:v5+s16+$0x0], $0xffff;
	v60 =	vshll.u32 v3, $0x10;
	v6 =	vmul.f32 v11, v6  }
0x190: {  	v3 =	vand.u32 $0xFFFF0000, v3;
	v61 =	vshll.u32 v2, $0x10;
	v4 =	vmul.f32 v4, v24  }
0x191: {  	v2 =	vand.u32 $0xFFFF0000, v2;
	v3 =	vsub.f32 v3, v60;
	v6 =	vadd.f32 v27, v6  }
0x192: {  	v8 =	vld.idx.msk [tilespmem:v8+s16+$0x0], $0xffff;
	v2 =	vsub.f32 v2, v61;
	v62 =	vshll.u32 v1, $0x10;
	v4 =	vadd.f32 v31, v4  }
0x193: {  	v1 =	vand.u32 $0xFFFF0000, v1;
	v63 =	vshll.u32 v0, $0x10;
	v0 =	vand.u32 $0xFFFF0000, v0;
	[tilespmem:v21+s14+$0x4400 ss:$0x1] =	vst.idx.msk $0xffff, v6  }
0x194: {  	v40 =	vshll.u32 v5, $0x10;
	v1 =	vsub.f32 v1, v62;
	v3 =	vmul.f32 v3, v26;
	[tilespmem:v21+s14+$0x4800 ss:$0x1] =	vst.idx.msk $0xffff, v4;
	v4 =	vld [tilespmem:$0x1FEF0]  }
0x195: {  	v5 =	vand.u32 $0xFFFF0000, v5;
	v2 =	vmul.f32 v2, v30;
	v0 =	vsub.f32 v0, v63  }
0x196: {  	v5 =	vsub.f32 v5, v40;
	v3 =	vadd.f32 v60, v3;
	v1 =	vmul.f32 v1, v29  }
0x197: {  	v2 =	vadd.f32 v61, v2;
	v41 =	vshll.u32 v8, $0x10;
	v0 =	vmul.f32 v0, v28  }
0x198: {  	v8 =	vand.u32 $0xFFFF0000, v8;
	[tilespmem:v21+s14+$0x4C00 ss:$0x1] =	vst.idx.msk $0xffff, v3;
	v1 =	vadd.f32 v62, v1;
	v3 =	vmul.f32 v5, v25  }
0x199: {  	v8 =	vsub.f32 v8, v41;
	[tilespmem:v21+s14+$0x5000 ss:$0x1] =	vst.idx.msk $0xffff, v2;
	v4 =	vsel vm0, v4, v10  }
0x19a: {  	[tilespmem:v21+s14+$0x5400 ss:$0x1] =	vst.idx.msk $0xffff, v1;
	v1 =	vadd.f32 v40, v3;
	v3 =	vsub.f32 v4, v13  }
0x19b: {  	v0 =	vadd.f32 v63, v0;
	v2 =	vmul.f32 v8, v9  }
0x19c: {  	v16 =	vimm.s32 $0x0;
	v12 =	vimm.s32 $0x0;
	v25 =	vsub.f32 v3, v20  }
0x19d: {  	v8 =	vimm.s32 $0x0;
	[tilespmem:v21+s14+$0x5800 ss:$0x1] =	vst.idx.msk $0xffff, v0;
	v0 =	vadd.f32 v41, v2;
	v2 =	vsub.f32 v4, v14  }
0x19e: {  	[tilespmem:v21+s14+$0x5C00 ss:$0x1] =	vst.idx.msk $0xffff, v1;
	v10 =	vimm.s32 $0x0;
	v1 =	vmul.f32 $1.000000000e+02, v3;
	vm0 =	vgt.f32 v25, $1.700000020e-01  }
0x19f: {  	[tilespmem:v21+s14+$0x6000 ss:$0x1] =	vst.idx.msk $0xffff, v0;
	v0 =	vmul.f32 $1.000000000e+02, v2;
	v15 =	vsel vm0, $0xFFFFFFFF, v16;
	vm0 =	vgt.f32 v25, $1.899999980e-01  }
0x1a0: {  	(erf) = vrcp.f32 v1;
	v11 =	vsel vm0, $0xFFFFFFFF, v12;
	vm0 =	vgt.f32 v25, $1.999999880e-01  }
0x1a1: {  	(erf) = vrcp.f32 v0;
	v9 =	vsel vm0, $0xFFFFFFFF, v10;
	vm0 =	vgt.f32 v25, $2.099999930e-01  }
0x1a2: {  	v5 =	vimm.s32 $0x0;
	v6 =	vsel vm0, $0xFFFFFFFF, v8;
	vm0 =	vgt.f32 v25, $2.199999990e-01  }
0x1a3: {  	v3 =	vimm.s32 $0x0;
	v4 =	vsel vm0, $0xFFFFFFFF, v5;
	vm0 =	vgt.f32 v25, $2.299999890e-01  }
0x1a4: {  	[tilespmem:$0x1FE90] =	vst v4;
	v2 =	vsel vm0, $0xFFFFFFFF, v3;
	vm0 =	vgt.f32 v25, $2.399999950e-01;
	v4 =	vimm.s32 $0x0  }
0x1a5: {  	[tilespmem:$0x1FEA0] =	vst v2;
	v2 =	vld [tilespmem:$0x1FF10];
	v3 =	vsel vm0, $0xFFFFFFFF, v4  }
0x1a6: {  	[tilespmem:$0x1FEB0] =	vst v3;
	v3 =	vld [tilespmem:$0x1FF20];
	_ =	sdelay $0x2  }
0x1a7: {  	v0 =	vpop (erf)  }
0x1a8: {  	v0 =	vmul.f32 v0, v2;
	v2 =	vpop (erf)  }
0x1a9: {  	v59 =	vmul.f32 v2, v3  }
0x1aa: {  	vm13 =	vgt.f32 v25, $1.799999920e-01;
	[tilespmem:$0x1FE70] =	vst v9;
	v2 =	vmul.f32 $1.700000000e+01, v0;
	v4 =	vmul.f32 $1.800000000e+01, v0  }
0x1ab: {  	vm14 =	vgt.f32 v25, $8.999999610e-02;
	[tilespmem:$0x1FE80] =	vst v6;
	v6 =	vmul.f32 $1.900000000e+01, v0;
	v9 =	vmul.f32 $2.000000000e+01, v0  }
0x1ac: {  	[tilespmem:$0x1FE60] =	vst v11;
	v8 =	vimm.s32 $0x0;
	v11 =	vmul.f32 $2.100000000e+01, v0;
	v24 =	vmul.f32 $2.200000000e+01, v0  }
0x1ad: {  	v5 =	vimm.s32 $0x0;
	v42 =	vmul.f32 $2.400000000e+01, v0;
	v43 =	vmul.f32 $9.000000000e+00, v0  }
0x1ae: {  	vm0 =	vgt.f32 v25, $1.400000010e-01;
	v55 =	vmul.f32 $1.000000000e+01, v0;
	v28 =	vmul.f32 v0, v7  }
0x1af: {  	v3 =	vimm.s32 $0x0;
	v57 =	vmul.f32 $1.100000000e+01, v0;
	v61 =	vmul.f32 $1.200000000e+01, v0  }
0x1b0: {  	v3 =	vsel vm0, $0xFFFFFFFF, v3;
	v62 =	vmul.f32 $1.300000000e+01, v0;
	v63 =	vmul.f32 $4.000000000e+00, v0  }
0x1b1: {  	v12 =	vld [tilespmem:$0x1FF40];
	vm0 =	vgt.f32 v25, $1.499999910e-01;
	[tilespmem:$0x1FE50] =	vst v3;
	v3 =	vmul.f32 $1.700000000e+01, v59;
	v10 =	vmul.f32 $2.000000000e+01, v59  }
0x1b2: {  	v49 =	vadd.f32 v0, v0;
	v26 =	vmul.f32 $2.100000000e+01, v59;
	v32 =	vmul.f32 $2.200000000e+01, v59  }
0x1b3: {  	v5 =	vsel vm0, $0xFFFFFFFF, v5;
	v40 =	vmul.f32 $2.300000000e+01, v59;
	v46 =	vmul.f32 $2.400000000e+01, v59  }
0x1b4: {  	vm0 =	vgt.f32 v25, $1.599999960e-01;
	v54 =	vmul.f32 $9.000000000e+00, v59;
	v1 =	vmul.f32 v59, v1  }
0x1b5: {  	v58 =	vmul.f32 $1.000000000e+01, v59;
	v60 =	vmul.f32 $1.100000000e+01, v59;
	v48 =	vadd.f32 v28, v19  }
0x1b6: {  	[tilespmem:$0x1FE40] =	vst v15;
	v17 =	vmul.f32 $4.000000000e+00, v59;
	v1 =	vsub.f32 v12, v1;
	v12 =	vadd.f32 v59, v59  }
0x1b7: {  	[tilespmem:$0x1FEC0] =	vst v5;
	v5 =	vmul.f32 $1.800000000e+01, v59;
	v15 =	vadd.f32 v48, v2;
	v38 =	vadd.f32 v48, v4  }
0x1b8: {  	v8 =	vsel vm0, $0xFFFFFFFF, v8;
	v31 =	vadd.f32 v48, v6;
	v30 =	vadd.f32 v48, v9  }
0x1b9: {  	[tilespmem:$0x1FED0] =	vst v8;
	v8 =	vmul.f32 $1.900000000e+01, v59;
	v29 =	vadd.f32 v48, v11;
	v28 =	vadd.f32 v48, v24  }
0x1ba: {  	v2 =	vmul.f32 $1.400000000e+01, v0;
	v24 =	vadd.f32 v48, v42;
	v47 =	vadd.f32 v48, v43  }
0x1bb: {  	v4 =	vmul.f32 $1.500000000e+01, v0;
	v45 =	vadd.f32 v48, v55;
	v44 =	vadd.f32 v48, v57  }
0x1bc: {  	v6 =	vmul.f32 $1.600000000e+01, v0;
	v43 =	vadd.f32 v48, v61;
	v42 =	vadd.f32 v48, v62  }
0x1bd: {  	v9 =	vmul.f32 $0.0e+00, v0;
	v57 =	vadd.f32 v48, v49;
	v51 =	vadd.f32 v48, v63  }
0x1be: {  	v11 =	vmul.f32 $3.000000000e+00, v0;
	v1 =	vadd.f32 v1, v18;
	v41 =	vadd.f32 v48, v2  }
0x1bf: {  	v2 =	vmul.f32 $5.000000000e+00, v0;
	v37 =	vadd.f32 v48, v6;
	v6 =	vmul.f32 v59, v7  }
0x1c0: {  	v39 =	vadd.f32 v48, v4;
	v56 =	vadd.f32 v48, v9;
	v4 =	vmul.f32 $6.000000000e+00, v0  }
0x1c1: {  	v55 =	vadd.f32 v48, v11;
	v9 =	vmul.f32 $7.000000000e+00, v0;
	v11 =	vadd.f32 v1, v6  }
0x1c2: {  	v53 =	vadd.f32 v48, v2;
	v50 =	vadd.f32 v48, v4;
	v1 =	vmul.f32 $1.200000000e+01, v59  }
0x1c3: {  	v49 =	vadd.f32 v48, v9;
	v2 =	vmul.f32 $1.300000000e+01, v59;
	v4 =	vmul.f32 $1.500000000e+01, v59  }
0x1c4: {  	v6 =	vmul.f32 $0.0e+00, v59;
	v16 =	vadd.f32 v11, v3;
	v63 =	vadd.f32 v11, v5  }
0x1c5: {  	v3 =	vmul.f32 $1.400000000e+01, v59;
	v36 =	vadd.f32 v11, v8;
	v35 =	vadd.f32 v11, v10  }
0x1c6: {  	v5 =	vmul.f32 $1.600000000e+01, v59;
	v33 =	vadd.f32 v11, v32;
	v32 =	vadd.f32 v11, v40  }
0x1c7: {  	v10 =	vmul.f32 $3.000000000e+00, v59;
	v62 =	vadd.f32 v11, v58;
	v61 =	vadd.f32 v11, v60  }
0x1c8: {  	v60 =	vadd.f32 v11, v1;
	v58 =	vadd.f32 v11, v2;
	v1 =	vmul.f32 $5.000000000e+00, v59  }
0x1c9: {  	v40 =	vadd.f32 v11, v5;
	v5 =	vadd.f32 v11, v10;
	v10 =	vmul.f32 $8.000000000e+00, v59  }
0x1ca: {  	v9 =	vadd.f32 v11, v6;
	v2 =	vmul.f32 $6.000000000e+00, v59;
	v6 =	vadd.f32 v11, v59  }
0x1cb: {  	v8 =	vadd.f32 v11, v12;
	v12 =	vmul.f32 $7.000000000e+00, v59;
	v59 =	vadd.f32 v11, v10;
	v10 =	vld [tilespmem:$0x1FE40]  }
0x1cc: {  	vm12 =	vgt.f32 v25, $9.999999400e-02;
	vm11 =	vgt.f32 v25, $1.099999990e-01;
	vm10 =	vgt.f32 v25, $1.199999970e-01  }
0x1cd: {  	vm9 =	vgt.f32 v25, $1.299999950e-01;
	vm6 =	vgt.f32 v25, $0.0e+00;
	vm3 =	vgt.f32 v25, $9.999999770e-03  }
0x1ce: {  	v27 =	vmul.f32 $2.300000000e+01, v0;
	v52 =	vadd.f32 v48, v0;
	v0 =	vmul.f32 $8.000000000e+00, v0  }
0x1cf: {  	vm15 =	vgt.f32 v25, $1.999999960e-02;
	vm5 =	vgt.f32 v25, $2.999999930e-02;
	vm4 =	vgt.f32 v25, $3.999999910e-02  }
0x1d0: {  	p0 =	sne.s32 s26, $0x1C0;
	v27 =	vadd.f32 v48, v27;
	v48 =	vadd.f32 v48, v0;
	vm8 =	vnez.u8 v10;
	v10 =	vld [tilespmem:$0x1FE50]  }
.Ltmp7:
0x1d1: {  	vm1 =	vgt.f32 v25, $4.999999700e-02;
	v34 =	vadd.f32 v11, v26;
	v0 =	vadd.f32 v11, v54;
	(pc) =	sbr.rel @p0 .LBB2_14-.Ltmp7, $4  }
0x1d2: {  	vm2 =	vgt.f32 v25, $5.999999870e-02;
	v26 =	vadd.f32 v11, v46;
	v46 =	vadd.f32 v11, v4  }
0x1d3: {  	vm7 =	vgt.f32 v25, $7.999999820e-02;
	v4 =	vadd.f32 v11, v17;
	v54 =	vadd.f32 v11, v3  }
0x1d4: {  	vm0 =	vgt.f32 v25, $7.000000030e-02;
	v3 =	vadd.f32 v11, v1;
	v2 =	vadd.f32 v11, v2  }
0x1d5: {  	s26 =	sadd.s32 $0x40, s26;
	s14 =	smov.u32 s28;
	v1 =	vadd.f32 v11, v12;
	v25 =	vsel vm8, v15, v16;
	vm8 =	vnez.u8 v10  }
0x1d6: {  	v9 =	vsel vm6, v56, v9;
	v23 =	vsel vm14, v47, v0;
	v22 =	vsel vm13, v38, v63  }
0x1d7: {  	v0 =	vsel vm3, v52, v6;
	v6 =	vsel vm15, v57, v8;
	v5 =	vsel vm5, v55, v5  }
0x1d8: {  	v4 =	vsel vm4, v51, v4;
	v8 =	vtrunc.f32 v9;
	v10 =	vtrunc.f32 v0  }
0x1d9: {  	v3 =	vsel vm1, v53, v3;
	v11 =	vtrunc.f32 v6;
	v12 =	vtrunc.f32 v5  }
0x1da: {  	v2 =	vsel vm2, v50, v2;
	v15 =	vtrunc.f32 v4;
	v16 =	vtrunc.f32 v3  }
0x1db: {  	v38 =	vsel vm7, v48, v59;
	v20 =	vld [tilespmem:$0x1FEC0];
	v17 =	vtrunc.f32 v2;
	v8 =	vcvt.f32.s32 v8  }
0x1dc: {  	v45 =	vsel vm12, v45, v62;
	v48 =	vtrunc.f32 v38;
	v10 =	vcvt.f32.s32 v10  }
0x1dd: {  	v1 =	vsel vm0, v49, v1;
	v11 =	vcvt.f32.s32 v11;
	v12 =	vcvt.f32.s32 v12  }
0x1de: {  	v44 =	vsel vm11, v44, v61;
	v15 =	vcvt.f32.s32 v15;
	v56 =	vtrunc.f32 v1  }
0x1df: {  	v41 =	vsel vm8, v41, v54;
	v16 =	vcvt.f32.s32 v16;
	v17 =	vcvt.f32.s32 v17  }
0x1e0: {  	v48 =	vcvt.f32.s32 v48;
	v47 =	vcvt.f32.s32 v56;
	vm8 =	vnez.u8 v20;
	v20 =	vld [tilespmem:$0x1FED0]  }
0x1e1: {  	v43 =	vsel vm10, v43, v60;
	v57 =	vcvt.s32.f32 v8;
	v59 =	vcvt.s32.f32 v10;
	v8 =	vld.idx.msk [tilespmem:v8+s16+$0x0], $0xffff  }
0x1e2: {  	v42 =	vsel vm9, v42, v58;
	v60 =	vcvt.s32.f32 v11;
	v61 =	vcvt.s32.f32 v12;
	v10 =	vld.idx.msk [tilespmem:v10+s16+$0x0], $0xffff  }
0x1e3: {  	v62 =	vcvt.s32.f32 v15;
	v63 =	vcvt.s32.f32 v16;
	v9 =	vsub.f32 v9, v57;
	v11 =	vld.idx.msk [tilespmem:v11+s16+$0x0], $0xffff  }
0x1e4: {  	v58 =	vcvt.s32.f32 v47;
	v0 =	vsub.f32 v0, v59;
	v6 =	vsub.f32 v6, v60;
	v12 =	vld.idx.msk [tilespmem:v12+s16+$0x0], $0xffff  }
0x1e5: {  	v57 =	vcvt.s32.f32 v17;
	v5 =	vsub.f32 v5, v61;
	v4 =	vsub.f32 v4, v62;
	v15 =	vld.idx.msk [tilespmem:v15+s16+$0x0], $0xffff  }
0x1e6: {  	v59 =	vcvt.s32.f32 v48;
	v39 =	vsel vm8, v39, v46;
	v3 =	vsub.f32 v3, v63;
	v16 =	vld.idx.msk [tilespmem:v16+s16+$0x0], $0xffff  }
0x1e7: {  	v1 =	vsub.f32 v1, v58;
	v2 =	vsub.f32 v2, v57;
	v17 =	vld.idx.msk [tilespmem:v17+s16+$0x0], $0xffff;
	vm9 =	vnez.u8 v20  }
0x1e8: {  	v38 =	vsub.f32 v38, v59;
	v60 =	vld.idx.msk [tilespmem:v47+s16+$0x0], $0xffff;
	v37 =	vsel vm9, v37, v40;
	v61 =	vshll.u32 v8, $0x10  }
0x1e9: {  	v8 =	vand.u32 $0xFFFF0000, v8;
	v62 =	vshll.u32 v10, $0x10;
	v10 =	vand.u32 $0xFFFF0000, v10  }
0x1ea: {  	v50 =	vshll.u32 v11, $0x10;
	v11 =	vand.u32 $0xFFFF0000, v11;
	v51 =	vshll.u32 v12, $0x10  }
0x1eb: {  	v12 =	vand.u32 $0xFFFF0000, v12;
	v52 =	vshll.u32 v15, $0x10;
	v15 =	vand.u32 $0xFFFF0000, v15  }
0x1ec: {  	v63 =	vshll.u32 v16, $0x10;
	v16 =	vand.u32 $0xFFFF0000, v16;
	v54 =	vshll.u32 v17, $0x10  }
0x1ed: {  	v17 =	vand.u32 $0xFFFF0000, v17;
	v55 =	vshll.u32 v60, $0x10;
	v8 =	vsub.f32 v8, v61  }
0x1ee: {  	v48 =	vld.idx.msk [tilespmem:v48+s16+$0x0], $0xffff;
	v40 =	vand.u32 $0xFFFF0000, v60;
	v10 =	vsub.f32 v10, v62;
	v11 =	vsub.f32 v11, v50  }
0x1ef: {  	v59 =	vsub.f32 v12, v51;
	v12 =	vsub.f32 v15, v52;
	v8 =	vmul.f32 v9, v8  }
0x1f0: {  	v60 =	vsub.f32 v16, v63;
	v15 =	vsub.f32 v17, v54;
	v0 =	vmul.f32 v0, v10  }
0x1f1: {  	v6 =	vmul.f32 v6, v11;
	v5 =	vmul.f32 v5, v59;
	v8 =	vadd.f32 v61, v8  }
0x1f2: {  	v4 =	vmul.f32 v4, v12;
	v3 =	vmul.f32 v3, v60;
	v0 =	vadd.f32 v62, v0  }
0x1f3: {  	v56 =	vshll.u32 v48, $0x10;
	v2 =	vmul.f32 v2, v15;
	v6 =	vadd.f32 v50, v6;
	[tilespmem:v21+s14+$0x0 ss:$0x1] =	vst.idx.msk $0xffff, v8  }
0x1f4: {  	v48 =	vand.u32 $0xFFFF0000, v48;
	v61 =	vsub.f32 v40, v55;
	[tilespmem:v21+s14+$0x400 ss:$0x1] =	vst.idx.msk $0xffff, v0;
	v0 =	vadd.f32 v51, v5  }
0x1f5: {  	v46 =	vtrunc.f32 v23;
	v62 =	vsub.f32 v48, v56;
	v4 =	vadd.f32 v52, v4;
	[tilespmem:v21+s14+$0x800 ss:$0x1] =	vst.idx.msk $0xffff, v6  }
0x1f6: {  	v12 =	vtrunc.f32 v45;
	v1 =	vmul.f32 v1, v61;
	[tilespmem:v21+s14+$0xC00 ss:$0x1] =	vst.idx.msk $0xffff, v0;
	v0 =	vadd.f32 v63, v3  }
0x1f7: {  	v2 =	vadd.f32 v54, v2;
	v6 =	vcvt.f32.s32 v46;
	v3 =	vmul.f32 v38, v62;
	[tilespmem:v21+s14+$0x1000 ss:$0x1] =	vst.idx.msk $0xffff, v4  }
0x1f8: {  	v8 =	vtrunc.f32 v44;
	v5 =	vtrunc.f32 v43;
	[tilespmem:v21+s14+$0x1400 ss:$0x1] =	vst.idx.msk $0xffff, v0;
	v0 =	vadd.f32 v55, v1  }
0x1f9: {  	v63 =	vcvt.f32.s32 v12;
	v4 =	vcvt.f32.s32 v8;
	[tilespmem:v21+s14+$0x1800 ss:$0x1] =	vst.idx.msk $0xffff, v2;
	v2 =	vadd.f32 v56, v3  }
0x1fa: {  	v8 =	vtrunc.f32 v42;
	v1 =	vcvt.f32.s32 v5;
	v38 =	vld [tilespmem:$0x1FE60];
	[tilespmem:v21+s14+$0x1C00 ss:$0x1] =	vst.idx.msk $0xffff, v0  }
0x1fb: {  	v3 =	vcvt.f32.s32 v8;
	v8 =	vtrunc.f32 v39;
	v40 =	vld [tilespmem:$0x1FE70];
	[tilespmem:v21+s14+$0x2000 ss:$0x1] =	vst.idx.msk $0xffff, v2  }
0x1fc: {  	v5 =	vtrunc.f32 v41;
	v2 =	vcvt.f32.s32 v8;
	v8 =	vld [tilespmem:$0x1FE80]  }
0x1fd: {  	v15 =	vcvt.s32.f32 v63;
	v17 =	vcvt.s32.f32 v4;
	v12 =	vld.idx.msk [tilespmem:v6+s16+$0x0], $0xffff  }
0x1fe: {  	v0 =	vcvt.f32.s32 v5;
	v5 =	vtrunc.f32 v37;
	v16 =	vld [tilespmem:$0x1FE90]  }
0x1ff: {  	v15 =	vsub.f32 v45, v15;
	v6 =	vcvt.s32.f32 v6;
	v20 =	vld [tilespmem:$0x1FEA0];
	v45 =	vcvt.s32.f32 v2  }
0x200: {  	v47 =	vtrunc.f32 v22;
	v5 =	vcvt.f32.s32 v5;
	v17 =	vsub.f32 v44, v17;
	v9 =	vld.idx.msk [tilespmem:v63+s16+$0x0], $0xffff  }
0x201: {  	v6 =	vsub.f32 v23, v6;
	vm10 =	vnez.u8 v38;
	v23 =	vsub.f32 v39, v45  }
0x202: {  	v4 =	vld.idx.msk [tilespmem:v4+s16+$0x0], $0xffff;
	v10 =	vsel vm10, v31, v36;
	vm11 =	vnez.u8 v40;
	v31 =	vcvt.s32.f32 v5  }
0x203: {  	v11 =	vsel vm11, v30, v35;
	vm12 =	vnez.u8 v8;
	vm13 =	vnez.u8 v16  }
0x204: {  	vm14 =	vnez.u8 v20;
	v30 =	vcvt.s32.f32 v0;
	v48 =	vshll.u32 v12, $0x10  }
0x205: {  	v12 =	vand.u32 $0xFFFF0000, v12;
	v49 =	vshll.u32 v9, $0x10;
	v9 =	vand.u32 $0xFFFF0000, v9  }
0x206: {  	v0 =	vld.idx.msk [tilespmem:v0+s16+$0x0], $0xffff;
	v8 =	vsel vm12, v29, v34;
	v16 =	vsel vm13, v28, v33;
	v28 =	vcvt.s32.f32 v1  }
0x207: {  	v2 =	vld.idx.msk [tilespmem:v2+s16+$0x0], $0xffff;
	v29 =	vcvt.s32.f32 v3;
	v31 =	vsub.f32 v37, v31;
	v50 =	vshll.u32 v4, $0x10  }
0x208: {  	v5 =	vld.idx.msk [tilespmem:v5+s16+$0x0], $0xffff;
	v4 =	vand.u32 $0xFFFF0000, v4;
	v12 =	vsub.f32 v12, v48;
	v9 =	vsub.f32 v9, v49  }
0x209: {  	v27 =	vsel vm14, v27, v32;
	v1 =	vld.idx.msk [tilespmem:v1+s16+$0x0], $0xffff;
	v4 =	vsub.f32 v4, v50;
	v46 =	vsub.f32 v42, v29  }
0x20a: {  	v3 =	vld.idx.msk [tilespmem:v3+s16+$0x0], $0xffff;
	v29 =	vsub.f32 v41, v30;
	v30 =	vtrunc.f32 v25;
	v6 =	vmul.f32 v12, v6  }
0x20b: {  	v28 =	vsub.f32 v43, v28;
	v9 =	vmul.f32 v9, v15;
	v4 =	vmul.f32 v4, v17  }
0x20c: {  	v53 =	vshll.u32 v0, $0x10;
	v0 =	vand.u32 $0xFFFF0000, v0;
	v54 =	vshll.u32 v2, $0x10  }
0x20d: {  	v2 =	vand.u32 $0xFFFF0000, v2;
	v55 =	vshll.u32 v5, $0x10;
	v5 =	vand.u32 $0xFFFF0000, v5  }
0x20e: {  	v6 =	vadd.f32 v48, v6;
	v9 =	vadd.f32 v49, v9;
	v51 =	vshll.u32 v1, $0x10  }
0x20f: {  	v1 =	vand.u32 $0xFFFF0000, v1;
	v52 =	vshll.u32 v3, $0x10;
	v0 =	vsub.f32 v0, v53  }
0x210: {  	v3 =	vand.u32 $0xFFFF0000, v3;
	v2 =	vsub.f32 v2, v54;
	v1 =	vsub.f32 v1, v51  }
0x211: {  	v12 =	vtrunc.f32 v10;
	v5 =	vsub.f32 v5, v55;
	v3 =	vsub.f32 v3, v52  }
0x212: {  	v20 =	vld [tilespmem:$0x1FEB0];
	v56 =	vcvt.f32.s32 v30;
	v4 =	vadd.f32 v50, v4;
	[tilespmem:v21+s14+$0x2400 ss:$0x1] =	vst.idx.msk $0xffff, v6;
	v1 =	vmul.f32 v1, v28  }
0x213: {  	v0 =	vmul.f32 v0, v29;
	[tilespmem:v21+s14+$0x2800 ss:$0x1] =	vst.idx.msk $0xffff, v9;
	v3 =	vmul.f32 v3, v46  }
0x214: {  	[tilespmem:v21+s14+$0x2C00 ss:$0x1] =	vst.idx.msk $0xffff, v4;
	v4 =	vmul.f32 v5, v31;
	v5 =	vcvt.f32.s32 v47;
	v1 =	vadd.f32 v51, v1  }
0x215: {  	v6 =	vtrunc.f32 v11;
	v2 =	vmul.f32 v2, v23;
	v3 =	vadd.f32 v52, v3  }
0x216: {  	v9 =	vcvt.s32.f32 v56;
	v0 =	vadd.f32 v53, v0;
	v15 =	vcvt.s32.f32 v5;
	[tilespmem:v21+s14+$0x3000 ss:$0x1] =	vst.idx.msk $0xffff, v1  }
0x217: {  	v2 =	vadd.f32 v54, v2;
	v1 =	vcvt.f32.s32 v12;
	v12 =	vtrunc.f32 v8;
	[tilespmem:v21+s14+$0x3400 ss:$0x1] =	vst.idx.msk $0xffff, v3  }
0x218: {  	v3 =	vcvt.f32.s32 v6;
	v6 =	vtrunc.f32 v16;
	[tilespmem:v21+s14+$0x3800 ss:$0x1] =	vst.idx.msk $0xffff, v0;
	v0 =	vadd.f32 v55, v4  }
0x219: {  	vm15 =	vnez.u8 v20;
	v4 =	vcvt.f32.s32 v12;
	v12 =	vtrunc.f32 v27;
	[tilespmem:v21+s14+$0x3C00 ss:$0x1] =	vst.idx.msk $0xffff, v2  }
0x21a: {  	v24 =	vsel vm15, v24, v26;
	v17 =	vcvt.s32.f32 v1;
	v2 =	vcvt.f32.s32 v6;
	[tilespmem:v21+s14+$0x4000 ss:$0x1] =	vst.idx.msk $0xffff, v0  }
0x21b: {  	v9 =	vsub.f32 v25, v9;
	v6 =	vtrunc.f32 v24;
	v0 =	vcvt.f32.s32 v12;
	v12 =	vld.idx.msk [tilespmem:v56+s16+$0x0], $0xffff  }
0x21c: {  	v15 =	vsub.f32 v22, v15;
	v57 =	vcvt.s32.f32 v3;
	v6 =	vcvt.f32.s32 v6;
	v5 =	vld.idx.msk [tilespmem:v5+s16+$0x0], $0xffff  }
0x21d: {  	v58 =	vcvt.s32.f32 v4;
	v10 =	vsub.f32 v10, v17;
	v28 =	vcvt.s32.f32 v2;
	v1 =	vld.idx.msk [tilespmem:v1+s16+$0x0], $0xffff  }
0x21e: {  	v11 =	vsub.f32 v11, v57;
	v59 =	vcvt.s32.f32 v0;
	v17 =	vcvt.s32.f32 v6;
	v3 =	vld.idx.msk [tilespmem:v3+s16+$0x0], $0xffff  }
0x21f: {  	v8 =	vsub.f32 v8, v58;
	v16 =	vsub.f32 v16, v28;
	v4 =	vld.idx.msk [tilespmem:v4+s16+$0x0], $0xffff  }
0x220: {  	v22 =	vsub.f32 v27, v59;
	v17 =	vsub.f32 v24, v17  }
0x221: {  	v2 =	vld.idx.msk [tilespmem:v2+s16+$0x0], $0xffff;
	v60 =	vshll.u32 v12, $0x10;
	v12 =	vand.u32 $0xFFFF0000, v12;
	v61 =	vshll.u32 v5, $0x10  }
0x222: {  	v0 =	vld.idx.msk [tilespmem:v0+s16+$0x0], $0xffff;
	v5 =	vand.u32 $0xFFFF0000, v5;
	v62 =	vshll.u32 v1, $0x10;
	v1 =	vand.u32 $0xFFFF0000, v1  }
0x223: {  	v6 =	vld.idx.msk [tilespmem:v6+s16+$0x0], $0xffff;
	v12 =	vsub.f32 v12, v60;
	v5 =	vsub.f32 v5, v61;
	v63 =	vshll.u32 v3, $0x10  }
0x224: {  	v3 =	vand.u32 $0xFFFF0000, v3;
	v1 =	vsub.f32 v1, v62;
	v27 =	vshll.u32 v4, $0x10  }
0x225: {  	v4 =	vand.u32 $0xFFFF0000, v4;
	v9 =	vmul.f32 v12, v9;
	v3 =	vsub.f32 v3, v63  }
0x226: {  	v5 =	vmul.f32 v5, v15;
	v28 =	vshll.u32 v2, $0x10;
	v2 =	vand.u32 $0xFFFF0000, v2  }
0x227: {  	v4 =	vsub.f32 v4, v27;
	v1 =	vmul.f32 v1, v10;
	v29 =	vshll.u32 v0, $0x10  }
0x228: {  	v0 =	vand.u32 $0xFFFF0000, v0;
	v30 =	vshll.u32 v6, $0x10;
	v2 =	vsub.f32 v2, v28  }
0x229: {  	v6 =	vand.u32 $0xFFFF0000, v6;
	v9 =	vadd.f32 v60, v9;
	v5 =	vadd.f32 v61, v5  }
0x22a: {  	v3 =	vmul.f32 v3, v11;
	v0 =	vsub.f32 v0, v29;
	v6 =	vsub.f32 v6, v30  }
0x22b: {  	v1 =	vadd.f32 v62, v1;
	v4 =	vmul.f32 v4, v8;
	[tilespmem:v21+s14+$0x4400 ss:$0x1] =	vst.idx.msk $0xffff, v9  }
0x22c: {  	v3 =	vadd.f32 v63, v3;
	v2 =	vmul.f32 v2, v16;
	[tilespmem:v21+s14+$0x4800 ss:$0x1] =	vst.idx.msk $0xffff, v5  }
0x22d: {  	v0 =	vmul.f32 v0, v22;
	[tilespmem:v21+s14+$0x4C00 ss:$0x1] =	vst.idx.msk $0xffff, v1;
	v1 =	vadd.f32 v27, v4  }
0x22e: {  	v2 =	vadd.f32 v28, v2;
	[tilespmem:v21+s14+$0x5000 ss:$0x1] =	vst.idx.msk $0xffff, v3;
	v3 =	vmul.f32 v6, v17  }
0x22f: {  	v0 =	vadd.f32 v29, v0;
	[tilespmem:v21+s14+$0x5400 ss:$0x1] =	vst.idx.msk $0xffff, v1  }
0x230: {  	[tilespmem:v21+s14+$0x5800 ss:$0x1] =	vst.idx.msk $0xffff, v2;
	v1 =	vadd.f32 v30, v3  }
0x231: {  	[tilespmem:v21+s14+$0x5C00 ss:$0x1] =	vst.idx.msk $0xffff, v0  }
0x232: {  	s10 =	sadd.s32 $0x1, s10;
	[tilespmem:v21+s14+$0x6000 ss:$0x1] =	vst.idx.msk $0xffff, v1  }
0x233: {  	p0 =	sne.s32 s10, $0x8;
	v2 =	vld [tilespmem:$0x1FF00]  }
.Ltmp8:
0x234: {  	v5 =	vld [tilespmem:$0x1FEF0];
	(pc) =	sbr.rel @p0 .LBB2_13-.Ltmp8, $4  }
0x235: {  	v3 =	vld [tilespmem:$0x1FF10]  }
0x236: {  	v4 =	vld [tilespmem:$0x1FF20]  }
0x237: {  	v29 =	vld [tilespmem:$0x1FF40]  }
0x238: {  	s1 =	sadd.s32 $0x80, s1;
	s6 =	sadd.s32 $0x80, s6;
	v1 =	vld [tilespmem:$0x1FEE0]  }
0x239: {  	s1 =	sshll.u32 s0, $0xB  }
0x23a: {  	s1 =	sadd.s32 s13, s1  }
0x23b: {  	s1 =	sshrl.u32 s1, $0x3  }
0x23c: {  	s1 =	sadd.s32 s2, s1  }
0x23d: {  	[hbm4b:s1+s22] =	stream.strided.scatter [tilespmem:s24], [sflag:$0x1], $0x6400, s23, s22, $0x38;
	[tilespmem:$0x13680] =	vst v63  }
0x23e: {  	s5 =	simm.s32 $0x0;
	s6 =	smov.u32 s18;
	v20 =	vld [tilespmem:$0x1FFE0];
	s1 =	simm.s32 $0x9280  }
.LBB2_17:
0x23f: {  	s10 =	sor.u32 s4, s5  }
0x240: {  	v0 =	vmov s10  }
0x241: {  	v22 =	vmov s6;
	_ =	sdelay $0x3  }
0x242: {  	s10 =	simm.s32 $0x0;
	v23 =	vld.idx.msk [tilespmem:v0+s19+$0x0], $0xffff  }
0x243: {  	v0 =	vld.idx.msk [tilespmem:v22+s10+$0x0 ss:$0x1], $0xffff;
	_ =	sdelay $0x4  }
0x244: {  	v0 =	vadd.f32 v0, v23;
	_ =	sdelay $0x1  }
0x245: {  	v0 =	vadd.f32 v0, v1;
	_ =	sdelay $0x1  }
0x246: {  	vm0 =	vle.f32 v0, v13  }
0x247: {  	v0 =	vsel vm0, v2, v0  }
0x248: {  	vm0 =	vge.f32 v0, v14  }
0x249: {  	v0 =	vsel vm0, v5, v0  }
0x24a: {  	v1 =	vsub.f32 v0, v13  }
0x24b: {  	v0 =	vsub.f32 v0, v14  }
0x24c: {  	v2 =	vmul.f32 $1.000000000e+02, v1  }
0x24d: {  	v0 =	vmul.f32 $1.000000000e+02, v0  }
0x24e: {  	(erf) = vrcp.f32 v2  }
0x24f: {  	(erf) = vrcp.f32 v0;
	_ =	sdelay $0x7  }
0x250: {  	v0 =	vpop (erf)  }
0x251: {  	v0 =	vmul.f32 v0, v3;
	v3 =	vpop (erf)  }
0x252: {  	v3 =	vmul.f32 v3, v4  }
0x253: {  	v4 =	vmul.f32 $1.700000000e+01, v0;
	v6 =	vmul.f32 $1.800000000e+01, v0  }
0x254: {  	v9 =	vmul.f32 $1.900000000e+01, v0;
	v11 =	vmul.f32 $2.000000000e+01, v0  }
0x255: {  	v15 =	vmul.f32 $2.100000000e+01, v0;
	v17 =	vmul.f32 $2.200000000e+01, v0  }
0x256: {  	v24 =	vmul.f32 $2.300000000e+01, v0;
	v26 =	vmul.f32 $2.400000000e+01, v0  }
0x257: {  	v32 =	vmul.f32 $9.000000000e+00, v0;
	v27 =	vmul.f32 v0, v7  }
0x258: {  	v10 =	vsub.f32 v1, v20;
	v1 =	vmul.f32 $1.000000000e+01, v0;
	v36 =	vmul.f32 $1.100000000e+01, v0  }
0x259: {  	v37 =	vmul.f32 $1.200000000e+01, v0;
	v5 =	vmul.f32 $1.700000000e+01, v3  }
0x25a: {  	v8 =	vmul.f32 $1.800000000e+01, v3;
	v33 =	vmul.f32 $1.900000000e+01, v3  }
0x25b: {  	vm0 =	vgt.f32 v10, $1.700000020e-01;
	v12 =	vmul.f32 $2.000000000e+01, v3;
	v16 =	vmul.f32 $2.100000000e+01, v3  }
0x25c: {  	v35 =	vadd.f32 v0, v0;
	v21 =	vmul.f32 $2.200000000e+01, v3;
	v2 =	vmul.f32 v3, v2  }
0x25d: {  	v25 =	vmul.f32 $2.300000000e+01, v3;
	v40 =	vmul.f32 $2.400000000e+01, v3;
	v34 =	vadd.f32 v27, v19  }
0x25e: {  	v46 =	vmul.f32 $9.000000000e+00, v3;
	v59 =	vadd.f32 v3, v3;
	v2 =	vsub.f32 v29, v2  }
0x25f: {  	v54 =	vmul.f32 $1.000000000e+01, v3;
	v19 =	vadd.f32 v34, v4;
	v38 =	vadd.f32 v34, v6  }
0x260: {  	v4 =	vmul.f32 $1.300000000e+01, v0;
	v31 =	vadd.f32 v34, v9;
	v30 =	vadd.f32 v34, v11  }
0x261: {  	v6 =	vmul.f32 $1.400000000e+01, v0;
	v29 =	vadd.f32 v34, v15;
	v28 =	vadd.f32 v34, v17  }
0x262: {  	v9 =	vmul.f32 $1.500000000e+01, v0;
	v27 =	vadd.f32 v34, v24;
	v24 =	vadd.f32 v34, v26  }
0x263: {  	v11 =	vmul.f32 $1.600000000e+01, v0;
	v47 =	vadd.f32 v34, v32;
	v45 =	vadd.f32 v34, v1  }
0x264: {  	v1 =	vmul.f32 $0.0e+00, v0;
	v44 =	vadd.f32 v34, v36;
	v43 =	vadd.f32 v34, v37  }
0x265: {  	v15 =	vmul.f32 $3.000000000e+00, v0;
	v52 =	vadd.f32 v34, v0;
	v57 =	vadd.f32 v34, v35  }
0x266: {  	v42 =	vadd.f32 v34, v4;
	v41 =	vadd.f32 v34, v6;
	v4 =	vmul.f32 $4.000000000e+00, v0  }
0x267: {  	v39 =	vadd.f32 v34, v9;
	v37 =	vadd.f32 v34, v11;
	v6 =	vmul.f32 $5.000000000e+00, v0  }
0x268: {  	v56 =	vadd.f32 v34, v1;
	v1 =	vadd.f32 v2, v18;
	v2 =	vmul.f32 v3, v7  }
0x269: {  	v9 =	vmul.f32 $6.000000000e+00, v0;
	v55 =	vadd.f32 v34, v15;
	v51 =	vadd.f32 v34, v4  }
0x26a: {  	v4 =	vmul.f32 $7.000000000e+00, v0;
	v11 =	vadd.f32 v1, v2;
	v0 =	vmul.f32 $8.000000000e+00, v0  }
0x26b: {  	v1 =	vmul.f32 $1.100000000e+01, v3;
	v53 =	vadd.f32 v34, v6;
	v50 =	vadd.f32 v34, v9  }
0x26c: {  	v2 =	vmul.f32 $1.200000000e+01, v3;
	v49 =	vadd.f32 v34, v4;
	v48 =	vadd.f32 v34, v0  }
0x26d: {  	v6 =	vmul.f32 $1.500000000e+01, v3;
	v15 =	vadd.f32 v11, v5;
	v63 =	vadd.f32 v11, v8  }
0x26e: {  	v9 =	vmul.f32 $0.0e+00, v3;
	v36 =	vadd.f32 v11, v33;
	v35 =	vadd.f32 v11, v12  }
0x26f: {  	v4 =	vmul.f32 $1.300000000e+01, v3;
	v34 =	vadd.f32 v11, v16;
	v33 =	vadd.f32 v11, v21  }
0x270: {  	v5 =	vmul.f32 $1.400000000e+01, v3;
	v32 =	vadd.f32 v11, v25;
	v0 =	vadd.f32 v11, v46  }
0x271: {  	v8 =	vmul.f32 $1.600000000e+01, v3;
	v26 =	vadd.f32 v11, v40;
	v62 =	vadd.f32 v11, v54  }
0x272: {  	v12 =	vmul.f32 $3.000000000e+00, v3;
	v61 =	vadd.f32 v11, v1;
	v60 =	vadd.f32 v11, v2  }
0x273: {  	v1 =	vmul.f32 $4.000000000e+00, v3;
	v46 =	vadd.f32 v11, v6;
	v9 =	vadd.f32 v11, v9  }
0x274: {  	v2 =	vmul.f32 $5.000000000e+00, v3;
	v6 =	vadd.f32 v11, v3;
	v58 =	vadd.f32 v11, v4  }
0x275: {  	v16 =	vmul.f32 $6.000000000e+00, v3;
	v54 =	vadd.f32 v11, v5;
	v40 =	vadd.f32 v11, v8  }
0x276: {  	v8 =	vadd.f32 v11, v59;
	v59 =	vmul.f32 $7.000000000e+00, v3;
	v5 =	vadd.f32 v11, v12  }
0x277: {  	v4 =	vadd.f32 v11, v1;
	v12 =	vmul.f32 $8.000000000e+00, v3;
	v3 =	vadd.f32 v11, v2  }
0x278: {  	v2 =	vadd.f32 v11, v16;
	v25 =	vsel vm0, v19, v15;
	vm0 =	vgt.f32 v10, $1.899999980e-01  }
0x279: {  	v1 =	vadd.f32 v11, v59;
	v59 =	vadd.f32 v11, v12;
	v11 =	vimm.s32 $0x0  }
0x27a: {  	v11 =	vsel vm0, $0xFFFFFFFF, v11  }
0x27b: {  	vm0 =	vgt.f32 v10, $1.999999880e-01;
	[tilespmem:$0x1FDC0] =	vst v11;
	v11 =	vimm.s32 $0x0  }
0x27c: {  	v11 =	vsel vm0, $0xFFFFFFFF, v11  }
0x27d: {  	vm0 =	vgt.f32 v10, $2.099999930e-01;
	[tilespmem:$0x1FDD0] =	vst v11;
	v11 =	vimm.s32 $0x0  }
0x27e: {  	v11 =	vsel vm0, $0xFFFFFFFF, v11  }
0x27f: {  	vm0 =	vgt.f32 v10, $2.199999990e-01;
	[tilespmem:$0x1FDE0] =	vst v11;
	v11 =	vimm.s32 $0x0  }
0x280: {  	vm13 =	vgt.f32 v10, $1.799999920e-01;
	vm14 =	vgt.f32 v10, $8.999999610e-02;
	v11 =	vsel vm0, $0xFFFFFFFF, v11  }
0x281: {  	vm12 =	vgt.f32 v10, $9.999999400e-02;
	vm0 =	vgt.f32 v10, $2.299999890e-01;
	[tilespmem:$0x1FDF0] =	vst v11;
	v11 =	vimm.s32 $0x0  }
0x282: {  	vm11 =	vgt.f32 v10, $1.099999990e-01;
	vm10 =	vgt.f32 v10, $1.199999970e-01;
	v11 =	vsel vm0, $0xFFFFFFFF, v11  }
0x283: {  	vm9 =	vgt.f32 v10, $1.299999950e-01;
	vm0 =	vgt.f32 v10, $2.399999950e-01;
	[tilespmem:$0x1FE00] =	vst v11;
	v11 =	vimm.s32 $0x0  }
0x284: {  	vm8 =	vgt.f32 v10, $1.400000010e-01;
	vm6 =	vgt.f32 v10, $0.0e+00;
	v11 =	vsel vm0, $0xFFFFFFFF, v11  }
0x285: {  	vm3 =	vgt.f32 v10, $9.999999770e-03;
	vm0 =	vgt.f32 v10, $1.499999910e-01;
	[tilespmem:$0x1FE10] =	vst v11;
	v11 =	vimm.s32 $0x0  }
0x286: {  	vm15 =	vgt.f32 v10, $1.999999960e-02;
	vm5 =	vgt.f32 v10, $2.999999930e-02;
	v11 =	vsel vm0, $0xFFFFFFFF, v11  }
0x287: {  	vm4 =	vgt.f32 v10, $3.999999910e-02;
	vm0 =	vgt.f32 v10, $1.599999960e-01;
	[tilespmem:$0x1FE20] =	vst v11;
	v11 =	vimm.s32 $0x0  }
0x288: {  	vm1 =	vgt.f32 v10, $4.999999700e-02;
	vm2 =	vgt.f32 v10, $5.999999870e-02;
	v11 =	vsel vm0, $0xFFFFFFFF, v11  }
0x289: {  	s14 =	simm.s32 $0x40;
	vm7 =	vgt.f32 v10, $7.999999820e-02;
	v21 =	vmov s1;
	vm0 =	vgt.f32 v10, $7.000000030e-02;
	[tilespmem:$0x1FE30] =	vst v11  }
.LBB2_18:
0x28a: {  	v9 =	vsel vm6, v56, v9;
	v38 =	vsel vm13, v38, v63  }
0x28b: {  	v6 =	vsel vm3, v52, v6;
	v5 =	vsel vm5, v55, v5;
	v48 =	vsel vm7, v48, v59  }
0x28c: {  	v47 =	vsel vm14, v47, v0;
	v0 =	vtrunc.f32 v9;
	v10 =	vtrunc.f32 v6  }
0x28d: {  	v8 =	vsel vm15, v57, v8;
	v12 =	vtrunc.f32 v5;
	v59 =	vtrunc.f32 v48  }
0x28e: {  	v4 =	vsel vm4, v51, v4;
	v11 =	vtrunc.f32 v8;
	v0 =	vcvt.f32.s32 v0  }
0x28f: {  	v3 =	vsel vm1, v53, v3;
	v10 =	vcvt.f32.s32 v10;
	v15 =	vtrunc.f32 v4  }
0x290: {  	v2 =	vsel vm2, v50, v2;
	v16 =	vtrunc.f32 v3;
	v12 =	vcvt.f32.s32 v12  }
0x291: {  	v18 =	vld [tilespmem:$0x1FE20];
	v1 =	vsel vm0, v49, v1;
	v17 =	vtrunc.f32 v2;
	v50 =	vcvt.f32.s32 v59  }
0x292: {  	v44 =	vsel vm11, v44, v61;
	v49 =	vtrunc.f32 v1;
	v11 =	vcvt.f32.s32 v11  }
0x293: {  	v43 =	vsel vm10, v43, v60;
	v15 =	vcvt.f32.s32 v15;
	v17 =	vcvt.f32.s32 v17  }
0x294: {  	v42 =	vsel vm9, v42, v58;
	v16 =	vcvt.f32.s32 v16;
	v49 =	vcvt.f32.s32 v49;
	v51 =	vld.idx.msk [tilespmem:v0+s16+$0x0], $0xffff  }
0x295: {  	v45 =	vsel vm12, v45, v62;
	v62 =	vcvt.s32.f32 v12;
	v61 =	vcvt.s32.f32 v11;
	v52 =	vld.idx.msk [tilespmem:v10+s16+$0x0], $0xffff  }
0x296: {  	v63 =	vcvt.s32.f32 v15;
	v60 =	vcvt.s32.f32 v17;
	vm0 =	vnez.u8 v18;
	v12 =	vld.idx.msk [tilespmem:v12+s16+$0x0], $0xffff  }
0x297: {  	v5 =	vsub.f32 v5, v62;
	v62 =	vcvt.s32.f32 v50;
	v39 =	vsel vm0, v39, v46;
	v46 =	vld.idx.msk [tilespmem:v50+s16+$0x0], $0xffff  }
0x298: {  	v8 =	vsub.f32 v8, v61;
	v61 =	vcvt.s32.f32 v49;
	v0 =	vcvt.s32.f32 v0;
	v11 =	vld.idx.msk [tilespmem:v11+s16+$0x0], $0xffff  }
0x299: {  	v4 =	vsub.f32 v4, v63;
	v2 =	vsub.f32 v2, v60;
	v10 =	vcvt.s32.f32 v10;
	v17 =	vld.idx.msk [tilespmem:v17+s16+$0x0], $0xffff  }
0x29a: {  	v1 =	vsub.f32 v1, v61;
	v0 =	vsub.f32 v9, v0;
	v9 =	vld.idx.msk [tilespmem:v15+s16+$0x0], $0xffff;
	v15 =	vcvt.s32.f32 v16  }
0x29b: {  	v41 =	vsel vm8, v41, v54;
	v6 =	vsub.f32 v6, v10;
	v10 =	vld.idx.msk [tilespmem:v16+s16+$0x0], $0xffff;
	v16 =	vsub.f32 v48, v62  }
0x29c: {  	v3 =	vsub.f32 v3, v15;
	v15 =	vld.idx.msk [tilespmem:v49+s16+$0x0], $0xffff;
	v49 =	vshll.u32 v51, $0x10;
	v63 =	vand.u32 $0xFFFF0000, v51  }
0x29d: {  	v51 =	vshll.u32 v52, $0x10;
	v52 =	vand.u32 $0xFFFF0000, v52;
	v54 =	vshll.u32 v12, $0x10  }
0x29e: {  	v12 =	vand.u32 $0xFFFF0000, v12;
	v53 =	vshll.u32 v11, $0x10;
	v11 =	vand.u32 $0xFFFF0000, v11  }
0x29f: {  	v61 =	vshll.u32 v17, $0x10;
	v17 =	vand.u32 $0xFFFF0000, v17;
	v50 =	vsub.f32 v63, v49  }
0x2a0: {  	v63 =	vshll.u32 v46, $0x10;
	v52 =	vsub.f32 v52, v51;
	v46 =	vand.u32 $0xFFFF0000, v46  }
0x2a1: {  	v12 =	vsub.f32 v12, v54;
	v55 =	vshll.u32 v9, $0x10;
	v9 =	vand.u32 $0xFFFF0000, v9  }
0x2a2: {  	v60 =	vshll.u32 v10, $0x10;
	v10 =	vand.u32 $0xFFFF0000, v10;
	v11 =	vsub.f32 v11, v53  }
0x2a3: {  	v17 =	vsub.f32 v17, v61;
	v0 =	vmul.f32 v0, v50;
	v9 =	vsub.f32 v9, v55  }
0x2a4: {  	v6 =	vmul.f32 v6, v52;
	v10 =	vsub.f32 v10, v60;
	v5 =	vmul.f32 v5, v12  }
0x2a5: {  	v12 =	vsub.f32 v46, v63;
	v62 =	vshll.u32 v15, $0x10;
	v15 =	vand.u32 $0xFFFF0000, v15  }
0x2a6: {  	v8 =	vmul.f32 v8, v11;
	v2 =	vmul.f32 v2, v17;
	v0 =	vadd.f32 v49, v0  }
0x2a7: {  	v11 =	vsub.f32 v15, v62;
	v6 =	vadd.f32 v51, v6;
	v4 =	vmul.f32 v4, v9;
	v9 =	vld [tilespmem:$0x1FE30]  }
0x2a8: {  	v48 =	vtrunc.f32 v47;
	v3 =	vmul.f32 v3, v10;
	[tilespmem:v21+s10+$0x0 ss:$0x1] =	vst.idx.msk $0xffff, v0;
	v0 =	vadd.f32 v53, v8  }
0x2a9: {  	v5 =	vadd.f32 v54, v5;
	v10 =	vld [tilespmem:$0x1FDC0];
	v54 =	vtrunc.f32 v25;
	v8 =	vtrunc.f32 v45;
	[tilespmem:v21+s10+$0x400 ss:$0x1] =	vst.idx.msk $0xffff, v6  }
0x2aa: {  	v1 =	vmul.f32 v1, v11;
	v11 =	vld [tilespmem:$0x1FDD0];
	v6 =	vtrunc.f32 v44;
	[tilespmem:v21+s10+$0x800 ss:$0x1] =	vst.idx.msk $0xffff, v0;
	v0 =	vadd.f32 v55, v4  }
0x2ab: {  	v3 =	vadd.f32 v60, v3;
	v8 =	vcvt.f32.s32 v8;
	v4 =	vtrunc.f32 v43;
	[tilespmem:v21+s10+$0xC00 ss:$0x1] =	vst.idx.msk $0xffff, v5  }
0x2ac: {  	v1 =	vadd.f32 v62, v1;
	v5 =	vcvt.f32.s32 v48;
	vm0 =	vnez.u8 v9;
	[tilespmem:v21+s10+$0x1000 ss:$0x1] =	vst.idx.msk $0xffff, v0  }
0x2ad: {  	v0 =	vadd.f32 v61, v2;
	v2 =	vmul.f32 v16, v12;
	v9 =	vsel vm0, v37, v40  }
0x2ae: {  	vm0 =	vnez.u8 v10;
	[tilespmem:v21+s10+$0x1400 ss:$0x1] =	vst.idx.msk $0xffff, v3;
	v3 =	vcvt.f32.s32 v6;
	v6 =	vtrunc.f32 v42  }
0x2af: {  	v12 =	vld [tilespmem:$0x1FDE0];
	v31 =	vsel vm0, v31, v36;
	vm0 =	vnez.u8 v11;
	v11 =	vcvt.s32.f32 v8  }
0x2b0: {  	[tilespmem:v21+s10+$0x1800 ss:$0x1] =	vst.idx.msk $0xffff, v0;
	v0 =	vadd.f32 v63, v2;
	v2 =	vcvt.f32.s32 v4;
	v4 =	vtrunc.f32 v41  }
0x2b1: {  	v49 =	vld [tilespmem:$0x1FDF0];
	[tilespmem:v21+s10+$0x1C00 ss:$0x1] =	vst.idx.msk $0xffff, v1;
	v1 =	vcvt.f32.s32 v6;
	v6 =	vtrunc.f32 v39  }
0x2b2: {  	v18 =	vld [tilespmem:$0x1FE00];
	v30 =	vsel vm0, v30, v35;
	[tilespmem:v21+s10+$0x2000 ss:$0x1] =	vst.idx.msk $0xffff, v0;
	v0 =	vcvt.f32.s32 v4;
	v4 =	vtrunc.f32 v9  }
0x2b3: {  	v11 =	vsub.f32 v45, v11;
	v6 =	vcvt.f32.s32 v6;
	v15 =	vcvt.s32.f32 v2  }
0x2b4: {  	v10 =	vld.idx.msk [tilespmem:v5+s16+$0x0], $0xffff;
	v4 =	vcvt.f32.s32 v4;
	v5 =	vcvt.s32.f32 v5;
	vm0 =	vnez.u8 v12  }
0x2b5: {  	v12 =	vcvt.s32.f32 v3;
	v50 =	vcvt.s32.f32 v1;
	v29 =	vsel vm0, v29, v34  }
0x2b6: {  	v8 =	vld.idx.msk [tilespmem:v8+s16+$0x0], $0xffff;
	vm0 =	vnez.u8 v49;
	v51 =	vcvt.s32.f32 v0;
	v52 =	vcvt.s32.f32 v6  }
0x2b7: {  	v15 =	vsub.f32 v43, v15;
	v3 =	vld.idx.msk [tilespmem:v3+s16+$0x0], $0xffff;
	v28 =	vsel vm0, v28, v33;
	vm0 =	vnez.u8 v18  }
0x2b8: {  	v5 =	vsub.f32 v47, v5;
	v12 =	vsub.f32 v44, v12;
	v53 =	vcvt.s32.f32 v4;
	v2 =	vld.idx.msk [tilespmem:v2+s16+$0x0], $0xffff  }
0x2b9: {  	v16 =	vsub.f32 v42, v50;
	v27 =	vsel vm0, v27, v32;
	v17 =	vsub.f32 v41, v51;
	v1 =	vld.idx.msk [tilespmem:v1+s16+$0x0], $0xffff  }
0x2ba: {  	v32 =	vsub.f32 v39, v52;
	v9 =	vsub.f32 v9, v53;
	v0 =	vld.idx.msk [tilespmem:v0+s16+$0x0], $0xffff;
	v56 =	vshll.u32 v10, $0x10  }
0x2bb: {  	v6 =	vld.idx.msk [tilespmem:v6+s16+$0x0], $0xffff;
	v10 =	vand.u32 $0xFFFF0000, v10;
	v57 =	vshll.u32 v8, $0x10;
	v8 =	vand.u32 $0xFFFF0000, v8  }
0x2bc: {  	v10 =	vsub.f32 v10, v56;
	v8 =	vsub.f32 v8, v57;
	v58 =	vshll.u32 v3, $0x10  }
0x2bd: {  	v4 =	vld.idx.msk [tilespmem:v4+s16+$0x0], $0xffff;
	v3 =	vand.u32 $0xFFFF0000, v3;
	v59 =	vshll.u32 v2, $0x10;
	v2 =	vand.u32 $0xFFFF0000, v2  }
0x2be: {  	v5 =	vmul.f32 v10, v5;
	v3 =	vsub.f32 v3, v58;
	v8 =	vmul.f32 v8, v11  }
0x2bf: {  	v60 =	vshll.u32 v1, $0x10;
	v1 =	vand.u32 $0xFFFF0000, v1;
	v2 =	vsub.f32 v2, v59  }
0x2c0: {  	s26 =	sshra.s32 s14, $0x2;
	v61 =	vshll.u32 v0, $0x10;
	v0 =	vand.u32 $0xFFFF0000, v0;
	v62 =	vshll.u32 v6, $0x10  }
0x2c1: {  	v10 =	vld.idx.msk [tilespmem:v22+s26+$0x0 ss:$0x1], $0xffff;
	v6 =	vand.u32 $0xFFFF0000, v6;
	v1 =	vsub.f32 v1, v60;
	v5 =	vadd.f32 v56, v5  }
0x2c2: {  	v3 =	vmul.f32 v3, v12;
	v8 =	vadd.f32 v57, v8;
	v63 =	vshll.u32 v4, $0x10  }
0x2c3: {  	v4 =	vand.u32 $0xFFFF0000, v4;
	v0 =	vsub.f32 v0, v61;
	v6 =	vsub.f32 v6, v62  }
0x2c4: {  	v55 =	vtrunc.f32 v38;
	v2 =	vmul.f32 v2, v15;
	v4 =	vsub.f32 v4, v63;
	[tilespmem:v21+s10+$0x2400 ss:$0x1] =	vst.idx.msk $0xffff, v5  }
0x2c5: {  	v3 =	vadd.f32 v58, v3;
	v1 =	vmul.f32 v1, v16;
	v5 =	vtrunc.f32 v31;
	[tilespmem:v21+s10+$0x2800 ss:$0x1] =	vst.idx.msk $0xffff, v8  }
0x2c6: {  	v12 =	vld [tilespmem:$0x1FEE0];
	v2 =	vadd.f32 v59, v2;
	v0 =	vmul.f32 v0, v17;
	v10 =	vadd.f32 v10, v23  }
0x2c7: {  	v8 =	vtrunc.f32 v30;
	[tilespmem:v21+s10+$0x2C00 ss:$0x1] =	vst.idx.msk $0xffff, v3;
	v1 =	vadd.f32 v60, v1;
	v3 =	vmul.f32 v6, v32  }
0x2c8: {  	v6 =	vcvt.f32.s32 v54;
	[tilespmem:v21+s10+$0x3000 ss:$0x1] =	vst.idx.msk $0xffff, v2;
	v0 =	vadd.f32 v61, v0;
	v2 =	vmul.f32 v4, v9;
	v9 =	vld [tilespmem:$0x1FE10]  }
0x2c9: {  	v4 =	vcvt.f32.s32 v55;
	[tilespmem:v21+s10+$0x3400 ss:$0x1] =	vst.idx.msk $0xffff, v1;
	v1 =	vadd.f32 v62, v3;
	v3 =	vcvt.f32.s32 v5  }
0x2ca: {  	v5 =	vtrunc.f32 v29;
	[tilespmem:v21+s10+$0x3800 ss:$0x1] =	vst.idx.msk $0xffff, v0;
	v0 =	vadd.f32 v63, v2;
	v2 =	vcvt.f32.s32 v8  }
0x2cb: {  	v10 =	vadd.f32 v10, v12;
	v8 =	vtrunc.f32 v28;
	v12 =	vcvt.s32.f32 v4  }
0x2cc: {  	[tilespmem:v21+s10+$0x3C00 ss:$0x1] =	vst.idx.msk $0xffff, v1;
	v1 =	vcvt.f32.s32 v5;
	v5 =	vtrunc.f32 v27  }
0x2cd: {  	v15 =	vcvt.s32.f32 v3;
	[tilespmem:v21+s10+$0x4000 ss:$0x1] =	vst.idx.msk $0xffff, v0;
	v0 =	vcvt.f32.s32 v8;
	vm0 =	vnez.u8 v9  }
0x2ce: {  	v5 =	vcvt.f32.s32 v5;
	v44 =	vcvt.s32.f32 v2;
	v9 =	vsel vm0, v24, v26  }
0x2cf: {  	v11 =	vld.idx.msk [tilespmem:v6+s16+$0x0], $0xffff;
	v6 =	vcvt.s32.f32 v6;
	v8 =	vtrunc.f32 v9  }
0x2d0: {  	v12 =	vsub.f32 v38, v12;
	v45 =	vcvt.s32.f32 v1;
	v4 =	vld.idx.msk [tilespmem:v4+s16+$0x0], $0xffff;
	v8 =	vcvt.f32.s32 v8  }
0x2d1: {  	v18 =	vld [tilespmem:$0x1FF00];
	v15 =	vsub.f32 v31, v15;
	v6 =	vsub.f32 v25, v6;
	v25 =	vcvt.s32.f32 v5  }
0x2d2: {  	vm0 =	vle.f32 v10, v13;
	v16 =	vsub.f32 v30, v44;
	v3 =	vld.idx.msk [tilespmem:v3+s16+$0x0], $0xffff;
	v26 =	vcvt.s32.f32 v8  }
0x2d3: {  	v24 =	vcvt.s32.f32 v0;
	v17 =	vsub.f32 v29, v45;
	v2 =	vld.idx.msk [tilespmem:v2+s16+$0x0], $0xffff;
	v25 =	vsub.f32 v27, v25  }
0x2d4: {  	v9 =	vsub.f32 v9, v26;
	v26 =	vshll.u32 v11, $0x10;
	v11 =	vand.u32 $0xFFFF0000, v11  }
0x2d5: {  	v1 =	vld.idx.msk [tilespmem:v1+s16+$0x0], $0xffff;
	v27 =	vshll.u32 v4, $0x10;
	v4 =	vand.u32 $0xFFFF0000, v4;
	v11 =	vsub.f32 v11, v26  }
0x2d6: {  	v10 =	vsel vm0, v18, v10;
	v24 =	vsub.f32 v28, v24;
	v0 =	vld.idx.msk [tilespmem:v0+s16+$0x0], $0xffff;
	v4 =	vsub.f32 v4, v27  }
0x2d7: {  	vm0 =	vge.f32 v10, v14;
	v5 =	vld.idx.msk [tilespmem:v5+s16+$0x0], $0xffff;
	v28 =	vshll.u32 v3, $0x10;
	v6 =	vmul.f32 v11, v6  }
0x2d8: {  	v3 =	vand.u32 $0xFFFF0000, v3;
	v29 =	vshll.u32 v2, $0x10;
	v4 =	vmul.f32 v4, v12  }
0x2d9: {  	v2 =	vand.u32 $0xFFFF0000, v2;
	v3 =	vsub.f32 v3, v28;
	v6 =	vadd.f32 v26, v6  }
0x2da: {  	v8 =	vld.idx.msk [tilespmem:v8+s16+$0x0], $0xffff;
	v30 =	vshll.u32 v1, $0x10;
	v1 =	vand.u32 $0xFFFF0000, v1;
	v4 =	vadd.f32 v27, v4  }
0x2db: {  	v2 =	vsub.f32 v2, v29;
	v31 =	vshll.u32 v0, $0x10;
	v0 =	vand.u32 $0xFFFF0000, v0;
	[tilespmem:v21+s10+$0x4400 ss:$0x1] =	vst.idx.msk $0xffff, v6  }
0x2dc: {  	v46 =	vshll.u32 v5, $0x10;
	v1 =	vsub.f32 v1, v30;
	v3 =	vmul.f32 v3, v15;
	[tilespmem:v21+s10+$0x4800 ss:$0x1] =	vst.idx.msk $0xffff, v4;
	v4 =	vld [tilespmem:$0x1FEF0]  }
0x2dd: {  	v5 =	vand.u32 $0xFFFF0000, v5;
	v0 =	vsub.f32 v0, v31;
	v2 =	vmul.f32 v2, v16  }
0x2de: {  	v5 =	vsub.f32 v5, v46;
	v3 =	vadd.f32 v28, v3;
	v1 =	vmul.f32 v1, v17  }
0x2df: {  	v2 =	vadd.f32 v29, v2;
	v0 =	vmul.f32 v0, v24;
	v47 =	vshll.u32 v8, $0x10  }
0x2e0: {  	v8 =	vand.u32 $0xFFFF0000, v8;
	v1 =	vadd.f32 v30, v1;
	[tilespmem:v21+s10+$0x4C00 ss:$0x1] =	vst.idx.msk $0xffff, v3;
	v3 =	vmul.f32 v5, v25  }
0x2e1: {  	v8 =	vsub.f32 v8, v47;
	[tilespmem:v21+s10+$0x5000 ss:$0x1] =	vst.idx.msk $0xffff, v2;
	v4 =	vsel vm0, v4, v10  }
0x2e2: {  	[tilespmem:v21+s10+$0x5400 ss:$0x1] =	vst.idx.msk $0xffff, v1;
	v1 =	vadd.f32 v46, v3;
	v3 =	vsub.f32 v4, v13  }
0x2e3: {  	v0 =	vadd.f32 v31, v0;
	v2 =	vmul.f32 v8, v9  }
0x2e4: {  	v48 =	vimm.s32 $0x0;
	v12 =	vimm.s32 $0x0;
	v25 =	vsub.f32 v3, v20  }
0x2e5: {  	v5 =	vimm.s32 $0x0;
	[tilespmem:v21+s10+$0x5800 ss:$0x1] =	vst.idx.msk $0xffff, v0;
	v0 =	vadd.f32 v47, v2;
	v2 =	vsub.f32 v4, v14  }
0x2e6: {  	[tilespmem:v21+s10+$0x5C00 ss:$0x1] =	vst.idx.msk $0xffff, v1;
	v10 =	vimm.s32 $0x0;
	v1 =	vmul.f32 $1.000000000e+02, v3;
	vm0 =	vgt.f32 v25, $1.700000020e-01  }
0x2e7: {  	[tilespmem:v21+s10+$0x6000 ss:$0x1] =	vst.idx.msk $0xffff, v0;
	v0 =	vmul.f32 $1.000000000e+02, v2;
	v15 =	vsel vm0, $0xFFFFFFFF, v48;
	vm0 =	vgt.f32 v25, $1.899999980e-01  }
0x2e8: {  	(erf) = vrcp.f32 v1;
	v11 =	vsel vm0, $0xFFFFFFFF, v12;
	vm0 =	vgt.f32 v25, $1.999999880e-01  }
0x2e9: {  	v8 =	vimm.s32 $0x0;
	v9 =	vsel vm0, $0xFFFFFFFF, v10;
	vm0 =	vgt.f32 v25, $2.099999930e-01  }
0x2ea: {  	(erf) = vrcp.f32 v0;
	v6 =	vsel vm0, $0xFFFFFFFF, v8;
	vm0 =	vgt.f32 v25, $2.199999990e-01  }
0x2eb: {  	v3 =	vimm.s32 $0x0;
	v4 =	vsel vm0, $0xFFFFFFFF, v5;
	vm0 =	vgt.f32 v25, $2.299999890e-01  }
0x2ec: {  	[tilespmem:$0x1FDF0] =	vst v4;
	v2 =	vsel vm0, $0xFFFFFFFF, v3  }
0x2ed: {  	vm0 =	vgt.f32 v25, $2.399999950e-01;
	v4 =	vimm.s32 $0x0;
	[tilespmem:$0x1FE00] =	vst v2;
	v2 =	vld [tilespmem:$0x1FF10]  }
0x2ee: {  	v3 =	vsel vm0, $0xFFFFFFFF, v4  }
0x2ef: {  	[tilespmem:$0x1FE10] =	vst v3;
	v3 =	vld [tilespmem:$0x1FF20];
	_ =	sdelay $0x1  }
0x2f0: {  	v0 =	vpop (erf)  }
0x2f1: {  	v0 =	vmul.f32 v0, v2  }
0x2f2: {  	v2 =	vpop (erf)  }
0x2f3: {  	[tilespmem:$0x1FDC0] =	vst v11;
	v59 =	vmul.f32 v2, v3;
	v2 =	vmul.f32 $1.700000000e+01, v0  }
0x2f4: {  	[tilespmem:$0x1FDE0] =	vst v6;
	v4 =	vmul.f32 $1.800000000e+01, v0;
	v6 =	vmul.f32 $1.900000000e+01, v0  }
0x2f5: {  	[tilespmem:$0x1FDD0] =	vst v9;
	v9 =	vmul.f32 $2.000000000e+01, v0;
	v11 =	vmul.f32 $2.100000000e+01, v0  }
0x2f6: {  	[tilespmem:$0x1FDA0] =	vst v15;
	v8 =	vimm.s32 $0x0;
	v15 =	vmul.f32 $2.200000000e+01, v0;
	v49 =	vmul.f32 $2.300000000e+01, v0  }
0x2f7: {  	vm0 =	vgt.f32 v25, $1.400000010e-01;
	v24 =	vmul.f32 $2.400000000e+01, v0;
	v50 =	vmul.f32 $9.000000000e+00, v0  }
0x2f8: {  	v3 =	vimm.s32 $0x0;
	v51 =	vmul.f32 $1.000000000e+01, v0;
	v27 =	vmul.f32 v0, v7  }
0x2f9: {  	v18 =	vld [tilespmem:$0x1FF30];
	v3 =	vsel vm0, $0xFFFFFFFF, v3;
	v55 =	vmul.f32 $1.100000000e+01, v0;
	v62 =	vmul.f32 $1.200000000e+01, v0  }
0x2fa: {  	v5 =	vimm.s32 $0x0;
	v63 =	vmul.f32 $1.300000000e+01, v0;
	[tilespmem:$0x1FDB0] =	vst v3;
	v3 =	vmul.f32 $1.700000000e+01, v59  }
0x2fb: {  	vm0 =	vgt.f32 v25, $1.499999910e-01;
	v10 =	vmul.f32 $2.000000000e+01, v59;
	v12 =	vmul.f32 $2.100000000e+01, v59  }
0x2fc: {  	v61 =	vadd.f32 v0, v0;
	v16 =	vmul.f32 $2.200000000e+01, v59;
	v26 =	vmul.f32 $2.300000000e+01, v59  }
0x2fd: {  	v5 =	vsel vm0, $0xFFFFFFFF, v5;
	v40 =	vmul.f32 $2.400000000e+01, v59;
	v46 =	vmul.f32 $9.000000000e+00, v59  }
0x2fe: {  	v54 =	vmul.f32 $1.000000000e+01, v59;
	v1 =	vmul.f32 v59, v1;
	v60 =	vadd.f32 v27, v18  }
0x2ff: {  	vm0 =	vgt.f32 v25, $1.599999960e-01;
	v58 =	vmul.f32 $1.100000000e+01, v59;
	[tilespmem:$0x1FE20] =	vst v5;
	v5 =	vmul.f32 $1.800000000e+01, v59  }
0x300: {  	v8 =	vsel vm0, $0xFFFFFFFF, v8;
	v19 =	vadd.f32 v60, v2;
	v38 =	vadd.f32 v60, v4  }
0x301: {  	[tilespmem:$0x1FE30] =	vst v8;
	v8 =	vmul.f32 $1.900000000e+01, v59;
	v31 =	vadd.f32 v60, v6;
	v30 =	vadd.f32 v60, v9  }
0x302: {  	v2 =	vmul.f32 $1.400000000e+01, v0;
	v29 =	vadd.f32 v60, v11;
	v28 =	vadd.f32 v60, v15  }
0x303: {  	v4 =	vmul.f32 $1.500000000e+01, v0;
	v27 =	vadd.f32 v60, v49;
	v24 =	vadd.f32 v60, v24  }
0x304: {  	v18 =	vld [tilespmem:$0x1FF40];
	v6 =	vmul.f32 $1.600000000e+01, v0;
	v47 =	vadd.f32 v60, v50;
	v45 =	vadd.f32 v60, v51  }
0x305: {  	v9 =	vmul.f32 $0.0e+00, v0;
	v44 =	vadd.f32 v60, v55;
	v43 =	vadd.f32 v60, v62  }
0x306: {  	v11 =	vmul.f32 $3.000000000e+00, v0;
	v42 =	vadd.f32 v60, v63;
	v37 =	vadd.f32 v60, v6;
	v6 =	vld [tilespmem:$0x1FFF0]  }
0x307: {  	v15 =	vmul.f32 $4.000000000e+00, v0;
	v52 =	vadd.f32 v60, v0;
	v57 =	vadd.f32 v60, v61  }
0x308: {  	v41 =	vadd.f32 v60, v2;
	v2 =	vmul.f32 $5.000000000e+00, v0;
	v39 =	vadd.f32 v60, v4  }
0x309: {  	v56 =	vadd.f32 v60, v9;
	v4 =	vmul.f32 $6.000000000e+00, v0;
	v1 =	vsub.f32 v18, v1  }
0x30a: {  	v55 =	vadd.f32 v60, v11;
	v51 =	vadd.f32 v60, v15;
	v9 =	vmul.f32 $7.000000000e+00, v0  }
0x30b: {  	v18 =	vadd.f32 v59, v59;
	v1 =	vadd.f32 v1, v6;
	v6 =	vmul.f32 v59, v7  }
0x30c: {  	v0 =	vmul.f32 $8.000000000e+00, v0;
	v53 =	vadd.f32 v60, v2;
	v50 =	vadd.f32 v60, v4  }
0x30d: {  	v49 =	vadd.f32 v60, v9;
	v2 =	vmul.f32 $1.300000000e+01, v59;
	v11 =	vadd.f32 v1, v6  }
0x30e: {  	v48 =	vadd.f32 v60, v0;
	v4 =	vmul.f32 $1.500000000e+01, v59;
	v1 =	vmul.f32 $1.200000000e+01, v59  }
0x30f: {  	v6 =	vmul.f32 $0.0e+00, v59;
	v15 =	vadd.f32 v11, v3;
	v63 =	vadd.f32 v11, v5  }
0x310: {  	v3 =	vmul.f32 $1.400000000e+01, v59;
	v35 =	vadd.f32 v11, v10;
	v34 =	vadd.f32 v11, v12  }
0x311: {  	v5 =	vmul.f32 $1.600000000e+01, v59;
	v33 =	vadd.f32 v11, v16;
	v32 =	vadd.f32 v11, v26  }
0x312: {  	v26 =	vadd.f32 v11, v40;
	v10 =	vmul.f32 $3.000000000e+00, v59;
	v61 =	vadd.f32 v11, v58  }
0x313: {  	v12 =	vmul.f32 $4.000000000e+00, v59;
	v60 =	vadd.f32 v11, v1;
	v58 =	vadd.f32 v11, v2  }
0x314: {  	v40 =	vadd.f32 v11, v5;
	v5 =	vadd.f32 v11, v10;
	v10 =	vmul.f32 $8.000000000e+00, v59  }
0x315: {  	v1 =	vmul.f32 $5.000000000e+00, v59;
	v9 =	vadd.f32 v11, v6;
	v2 =	vmul.f32 $6.000000000e+00, v59  }
0x316: {  	v6 =	vadd.f32 v11, v59;
	v16 =	vmul.f32 $7.000000000e+00, v59;
	v59 =	vadd.f32 v11, v10;
	v10 =	vld [tilespmem:$0x1FDA0]  }
0x317: {  	vm13 =	vgt.f32 v25, $1.799999920e-01  }
0x318: {  	vm14 =	vgt.f32 v25, $8.999999610e-02;
	vm12 =	vgt.f32 v25, $9.999999400e-02;
	vm11 =	vgt.f32 v25, $1.099999990e-01  }
0x319: {  	vm10 =	vgt.f32 v25, $1.199999970e-01;
	vm9 =	vgt.f32 v25, $1.299999950e-01;
	vm6 =	vgt.f32 v25, $0.0e+00  }
0x31a: {  	vm3 =	vgt.f32 v25, $9.999999770e-03;
	vm15 =	vgt.f32 v25, $1.999999960e-02;
	vm5 =	vgt.f32 v25, $2.999999930e-02  }
0x31b: {  	p0 =	sne.s32 s14, $0x1C0;
	vm4 =	vgt.f32 v25, $3.999999910e-02;
	v36 =	vadd.f32 v11, v8;
	vm8 =	vnez.u8 v10;
	v10 =	vld [tilespmem:$0x1FDB0]  }
.Ltmp9:
0x31c: {  	vm1 =	vgt.f32 v25, $4.999999700e-02;
	v0 =	vadd.f32 v11, v46;
	v62 =	vadd.f32 v11, v54;
	(pc) =	sbr.rel @p0 .LBB2_18-.Ltmp9, $4  }
0x31d: {  	vm2 =	vgt.f32 v25, $5.999999870e-02;
	v46 =	vadd.f32 v11, v4;
	v8 =	vadd.f32 v11, v18  }
0x31e: {  	vm7 =	vgt.f32 v25, $7.999999820e-02;
	v54 =	vadd.f32 v11, v3;
	v4 =	vadd.f32 v11, v12  }
0x31f: {  	vm0 =	vgt.f32 v25, $7.000000030e-02;
	v3 =	vadd.f32 v11, v1;
	v2 =	vadd.f32 v11, v2  }
0x320: {  	s14 =	sadd.s32 $0x40, s14;
	s10 =	smov.u32 s26;
	v1 =	vadd.f32 v11, v16;
	v25 =	vsel vm8, v19, v15;
	vm8 =	vnez.u8 v10  }
0x321: {  	v9 =	vsel vm6, v56, v9;
	v23 =	vsel vm14, v47, v0;
	v0 =	vsel vm3, v52, v6  }
0x322: {  	v6 =	vsel vm15, v57, v8;
	v5 =	vsel vm5, v55, v5;
	v4 =	vsel vm4, v51, v4  }
0x323: {  	v3 =	vsel vm1, v53, v3;
	v8 =	vtrunc.f32 v9;
	v10 =	vtrunc.f32 v0  }
0x324: {  	v2 =	vsel vm2, v50, v2;
	v11 =	vtrunc.f32 v6;
	v12 =	vtrunc.f32 v5  }
0x325: {  	v18 =	vsel vm7, v48, v59;
	v15 =	vtrunc.f32 v4;
	v16 =	vtrunc.f32 v3  }
0x326: {  	v17 =	vtrunc.f32 v2;
	v56 =	vtrunc.f32 v18  }
0x327: {  	v8 =	vcvt.f32.s32 v8;
	v10 =	vcvt.f32.s32 v10  }
0x328: {  	v1 =	vsel vm0, v49, v1;
	v11 =	vcvt.f32.s32 v11;
	v12 =	vcvt.f32.s32 v12  }
0x329: {  	v22 =	vsel vm13, v38, v63;
	v15 =	vcvt.f32.s32 v15;
	v19 =	vtrunc.f32 v1  }
0x32a: {  	v38 =	vsel vm12, v45, v62;
	v16 =	vcvt.f32.s32 v16;
	v17 =	vcvt.f32.s32 v17  }
0x32b: {  	v44 =	vsel vm11, v44, v61;
	v55 =	vld [tilespmem:$0x1FE20];
	v45 =	vcvt.f32.s32 v56;
	v19 =	vcvt.f32.s32 v19  }
0x32c: {  	v42 =	vsel vm9, v42, v58;
	v56 =	vld [tilespmem:$0x1FE30];
	v57 =	vcvt.s32.f32 v8;
	v58 =	vcvt.s32.f32 v10  }
0x32d: {  	v43 =	vsel vm10, v43, v60;
	v59 =	vcvt.s32.f32 v11;
	v60 =	vcvt.s32.f32 v12;
	v8 =	vld.idx.msk [tilespmem:v8+s16+$0x0], $0xffff  }
0x32e: {  	v41 =	vsel vm8, v41, v54;
	v61 =	vcvt.s32.f32 v15;
	v62 =	vcvt.s32.f32 v16;
	v10 =	vld.idx.msk [tilespmem:v10+s16+$0x0], $0xffff  }
0x32f: {  	v63 =	vcvt.s32.f32 v17;
	v54 =	vcvt.s32.f32 v45;
	v9 =	vsub.f32 v9, v57;
	v11 =	vld.idx.msk [tilespmem:v11+s16+$0x0], $0xffff  }
0x330: {  	v53 =	vcvt.s32.f32 v19;
	v0 =	vsub.f32 v0, v58;
	v6 =	vsub.f32 v6, v59;
	v12 =	vld.idx.msk [tilespmem:v12+s16+$0x0], $0xffff  }
0x331: {  	vm8 =	vnez.u8 v55;
	v5 =	vsub.f32 v5, v60;
	v4 =	vsub.f32 v4, v61;
	v15 =	vld.idx.msk [tilespmem:v15+s16+$0x0], $0xffff  }
0x332: {  	v39 =	vsel vm8, v39, v46;
	v3 =	vsub.f32 v3, v62;
	v2 =	vsub.f32 v2, v63;
	v16 =	vld.idx.msk [tilespmem:v16+s16+$0x0], $0xffff  }
0x333: {  	v18 =	vsub.f32 v18, v54;
	vm9 =	vnez.u8 v56;
	v1 =	vsub.f32 v1, v53;
	v17 =	vld.idx.msk [tilespmem:v17+s16+$0x0], $0xffff  }
0x334: {  	v37 =	vsel vm9, v37, v40;
	v40 =	vtrunc.f32 v23;
	v45 =	vld.idx.msk [tilespmem:v45+s16+$0x0], $0xffff;
	v46 =	vshll.u32 v8, $0x10  }
0x335: {  	v19 =	vld.idx.msk [tilespmem:v19+s16+$0x0], $0xffff;
	v8 =	vand.u32 $0xFFFF0000, v8;
	v47 =	vshll.u32 v10, $0x10;
	v10 =	vand.u32 $0xFFFF0000, v10  }
0x336: {  	v48 =	vshll.u32 v11, $0x10;
	v11 =	vand.u32 $0xFFFF0000, v11;
	v49 =	vshll.u32 v12, $0x10  }
0x337: {  	v12 =	vand.u32 $0xFFFF0000, v12;
	v57 =	vshll.u32 v15, $0x10;
	v15 =	vand.u32 $0xFFFF0000, v15  }
0x338: {  	v58 =	vshll.u32 v16, $0x10;
	v16 =	vand.u32 $0xFFFF0000, v16;
	v59 =	vshll.u32 v17, $0x10  }
0x339: {  	v17 =	vand.u32 $0xFFFF0000, v17;
	v61 =	vshll.u32 v45, $0x10;
	v8 =	vsub.f32 v8, v46  }
0x33a: {  	v60 =	vshll.u32 v19, $0x10;
	v10 =	vsub.f32 v10, v47;
	v11 =	vsub.f32 v11, v48  }
0x33b: {  	v62 =	vsub.f32 v12, v49;
	v12 =	vsub.f32 v15, v57;
	v8 =	vmul.f32 v9, v8  }
0x33c: {  	v63 =	vsub.f32 v16, v58;
	v15 =	vsub.f32 v17, v59;
	v0 =	vmul.f32 v0, v10  }
0x33d: {  	v6 =	vmul.f32 v6, v11;
	v5 =	vmul.f32 v5, v62;
	v8 =	vadd.f32 v46, v8  }
0x33e: {  	v4 =	vmul.f32 v4, v12;
	v3 =	vmul.f32 v3, v63;
	v0 =	vadd.f32 v47, v0  }
0x33f: {  	v19 =	vand.u32 $0xFFFF0000, v19;
	v2 =	vmul.f32 v2, v15;
	v6 =	vadd.f32 v48, v6;
	[tilespmem:v21+s10+$0x0 ss:$0x1] =	vst.idx.msk $0xffff, v8  }
0x340: {  	v45 =	vand.u32 $0xFFFF0000, v45;
	v46 =	vsub.f32 v19, v60;
	[tilespmem:v21+s10+$0x400 ss:$0x1] =	vst.idx.msk $0xffff, v0;
	v0 =	vadd.f32 v49, v5  }
0x341: {  	v12 =	vtrunc.f32 v38;
	v47 =	vsub.f32 v45, v61;
	v4 =	vadd.f32 v57, v4;
	[tilespmem:v21+s10+$0x800 ss:$0x1] =	vst.idx.msk $0xffff, v6  }
0x342: {  	v48 =	vcvt.f32.s32 v12;
	v1 =	vmul.f32 v1, v46;
	[tilespmem:v21+s10+$0xC00 ss:$0x1] =	vst.idx.msk $0xffff, v0;
	v0 =	vadd.f32 v58, v3  }
0x343: {  	v2 =	vadd.f32 v59, v2;
	v6 =	vcvt.f32.s32 v40;
	v3 =	vmul.f32 v18, v47;
	[tilespmem:v21+s10+$0x1000 ss:$0x1] =	vst.idx.msk $0xffff, v4  }
0x344: {  	[tilespmem:v21+s10+$0x1400 ss:$0x1] =	vst.idx.msk $0xffff, v0;
	v0 =	vadd.f32 v60, v1  }
0x345: {  	v8 =	vtrunc.f32 v44;
	v15 =	vcvt.s32.f32 v48;
	[tilespmem:v21+s10+$0x1800 ss:$0x1] =	vst.idx.msk $0xffff, v2;
	v2 =	vadd.f32 v61, v3  }
0x346: {  	v4 =	vcvt.f32.s32 v8;
	v8 =	vtrunc.f32 v42;
	v49 =	vld [tilespmem:$0x1FDC0];
	[tilespmem:v21+s10+$0x1C00 ss:$0x1] =	vst.idx.msk $0xffff, v0  }
0x347: {  	v3 =	vcvt.f32.s32 v8;
	v8 =	vtrunc.f32 v39;
	v50 =	vld [tilespmem:$0x1FDD0];
	[tilespmem:v21+s10+$0x2000 ss:$0x1] =	vst.idx.msk $0xffff, v2  }
0x348: {  	v5 =	vtrunc.f32 v43;
	v2 =	vcvt.f32.s32 v8;
	v8 =	vld [tilespmem:$0x1FDE0]  }
0x349: {  	v1 =	vcvt.f32.s32 v5;
	v5 =	vtrunc.f32 v41;
	v12 =	vld.idx.msk [tilespmem:v6+s16+$0x0], $0xffff  }
0x34a: {  	v17 =	vcvt.s32.f32 v4;
	v0 =	vcvt.f32.s32 v5;
	v16 =	vld [tilespmem:$0x1FDF0]  }
0x34b: {  	v5 =	vtrunc.f32 v37;
	v6 =	vcvt.s32.f32 v6;
	v19 =	vld [tilespmem:$0x1FE00]  }
0x34c: {  	v15 =	vsub.f32 v38, v15;
	v18 =	vcvt.s32.f32 v1;
	v5 =	vcvt.f32.s32 v5;
	v9 =	vld.idx.msk [tilespmem:v48+s16+$0x0], $0xffff  }
0x34d: {  	v17 =	vsub.f32 v44, v17;
	v6 =	vsub.f32 v23, v6;
	v23 =	vcvt.s32.f32 v2  }
0x34e: {  	v18 =	vsub.f32 v43, v18;
	vm10 =	vnez.u8 v49;
	vm11 =	vnez.u8 v50  }
0x34f: {  	v4 =	vld.idx.msk [tilespmem:v4+s16+$0x0], $0xffff;
	v10 =	vsel vm10, v31, v36;
	v23 =	vsub.f32 v39, v23;
	v11 =	vsel vm11, v30, v35  }
0x350: {  	v1 =	vld.idx.msk [tilespmem:v1+s16+$0x0], $0xffff;
	vm12 =	vnez.u8 v8;
	vm13 =	vnez.u8 v16;
	vm14 =	vnez.u8 v19  }
0x351: {  	v31 =	vshll.u32 v12, $0x10;
	v12 =	vand.u32 $0xFFFF0000, v12;
	v52 =	vshll.u32 v9, $0x10  }
0x352: {  	v9 =	vand.u32 $0xFFFF0000, v9;
	v8 =	vsel vm12, v29, v34;
	v16 =	vsel vm13, v28, v33  }
0x353: {  	v19 =	vsel vm14, v27, v32;
	v27 =	vcvt.s32.f32 v3;
	v28 =	vcvt.s32.f32 v0  }
0x354: {  	v30 =	vld [tilespmem:$0x1FE10];
	v29 =	vcvt.s32.f32 v5;
	v53 =	vshll.u32 v4, $0x10;
	v4 =	vand.u32 $0xFFFF0000, v4  }
0x355: {  	v2 =	vld.idx.msk [tilespmem:v2+s16+$0x0], $0xffff;
	v12 =	vsub.f32 v12, v31;
	v9 =	vsub.f32 v9, v52;
	v54 =	vshll.u32 v1, $0x10  }
0x356: {  	v3 =	vld.idx.msk [tilespmem:v3+s16+$0x0], $0xffff;
	v1 =	vand.u32 $0xFFFF0000, v1;
	v4 =	vsub.f32 v4, v53;
	v51 =	vsub.f32 v42, v27  }
0x357: {  	v0 =	vld.idx.msk [tilespmem:v0+s16+$0x0], $0xffff;
	v27 =	vsub.f32 v41, v28;
	v28 =	vtrunc.f32 v25;
	v6 =	vmul.f32 v12, v6  }
0x358: {  	v5 =	vld.idx.msk [tilespmem:v5+s16+$0x0], $0xffff;
	v29 =	vsub.f32 v37, v29;
	v9 =	vmul.f32 v9, v15;
	v12 =	vtrunc.f32 v10  }
0x359: {  	v1 =	vsub.f32 v1, v54;
	v4 =	vmul.f32 v4, v17;
	v59 =	vcvt.f32.s32 v28  }
0x35a: {  	vm15 =	vnez.u8 v30;
	v57 =	vshll.u32 v2, $0x10;
	v2 =	vand.u32 $0xFFFF0000, v2  }
0x35b: {  	v6 =	vadd.f32 v31, v6;
	v9 =	vadd.f32 v52, v9;
	v1 =	vmul.f32 v1, v18  }
0x35c: {  	v55 =	vshll.u32 v3, $0x10;
	v3 =	vand.u32 $0xFFFF0000, v3;
	v56 =	vshll.u32 v0, $0x10  }
0x35d: {  	v0 =	vand.u32 $0xFFFF0000, v0;
	v58 =	vshll.u32 v5, $0x10;
	v2 =	vsub.f32 v2, v57  }
0x35e: {  	v5 =	vand.u32 $0xFFFF0000, v5;
	v4 =	vadd.f32 v53, v4;
	v3 =	vsub.f32 v3, v55  }
0x35f: {  	v30 =	vtrunc.f32 v22;
	v0 =	vsub.f32 v0, v56;
	v5 =	vsub.f32 v5, v58  }
0x360: {  	[tilespmem:v21+s10+$0x2400 ss:$0x1] =	vst.idx.msk $0xffff, v6;
	v6 =	vtrunc.f32 v11;
	v1 =	vadd.f32 v54, v1;
	v3 =	vmul.f32 v3, v51  }
0x361: {  	[tilespmem:v21+s10+$0x2800 ss:$0x1] =	vst.idx.msk $0xffff, v9;
	v2 =	vmul.f32 v2, v23;
	v0 =	vmul.f32 v0, v27  }
0x362: {  	[tilespmem:v21+s10+$0x2C00 ss:$0x1] =	vst.idx.msk $0xffff, v4;
	v4 =	vmul.f32 v5, v29;
	v5 =	vcvt.f32.s32 v30;
	v3 =	vadd.f32 v55, v3  }
0x363: {  	v9 =	vcvt.s32.f32 v59;
	[tilespmem:v21+s10+$0x3000 ss:$0x1] =	vst.idx.msk $0xffff, v1;
	v1 =	vcvt.f32.s32 v12;
	v0 =	vadd.f32 v56, v0  }
0x364: {  	v12 =	vtrunc.f32 v8;
	v2 =	vadd.f32 v57, v2;
	v15 =	vcvt.s32.f32 v5;
	[tilespmem:v21+s10+$0x3400 ss:$0x1] =	vst.idx.msk $0xffff, v3  }
0x365: {  	v17 =	vcvt.s32.f32 v1;
	v3 =	vcvt.f32.s32 v6;
	[tilespmem:v21+s10+$0x3800 ss:$0x1] =	vst.idx.msk $0xffff, v0;
	v0 =	vadd.f32 v58, v4  }
0x366: {  	v6 =	vtrunc.f32 v16;
	v4 =	vcvt.f32.s32 v12;
	[tilespmem:v21+s10+$0x3C00 ss:$0x1] =	vst.idx.msk $0xffff, v2  }
0x367: {  	v24 =	vsel vm15, v24, v26;
	v12 =	vtrunc.f32 v19;
	v2 =	vcvt.f32.s32 v6;
	[tilespmem:v21+s10+$0x4000 ss:$0x1] =	vst.idx.msk $0xffff, v0  }
0x368: {  	v9 =	vsub.f32 v25, v9;
	v6 =	vtrunc.f32 v24;
	v0 =	vcvt.f32.s32 v12;
	v12 =	vld.idx.msk [tilespmem:v59+s16+$0x0], $0xffff  }
0x369: {  	v15 =	vsub.f32 v22, v15;
	v18 =	vcvt.s32.f32 v3;
	v6 =	vcvt.f32.s32 v6;
	v5 =	vld.idx.msk [tilespmem:v5+s16+$0x0], $0xffff  }
0x36a: {  	v10 =	vsub.f32 v10, v17;
	v23 =	vcvt.s32.f32 v4;
	v1 =	vld.idx.msk [tilespmem:v1+s16+$0x0], $0xffff;
	v60 =	vcvt.s32.f32 v2  }
0x36b: {  	v11 =	vsub.f32 v11, v18;
	v22 =	vcvt.s32.f32 v0;
	v17 =	vcvt.s32.f32 v6;
	v3 =	vld.idx.msk [tilespmem:v3+s16+$0x0], $0xffff  }
0x36c: {  	v8 =	vsub.f32 v8, v23;
	v16 =	vsub.f32 v16, v60;
	v4 =	vld.idx.msk [tilespmem:v4+s16+$0x0], $0xffff  }
0x36d: {  	v18 =	vsub.f32 v19, v22;
	v17 =	vsub.f32 v24, v17;
	v19 =	vshll.u32 v12, $0x10  }
0x36e: {  	v2 =	vld.idx.msk [tilespmem:v2+s16+$0x0], $0xffff;
	v12 =	vand.u32 $0xFFFF0000, v12;
	v22 =	vshll.u32 v5, $0x10;
	v5 =	vand.u32 $0xFFFF0000, v5  }
0x36f: {  	v0 =	vld.idx.msk [tilespmem:v0+s16+$0x0], $0xffff;
	v23 =	vshll.u32 v1, $0x10;
	v1 =	vand.u32 $0xFFFF0000, v1;
	v12 =	vsub.f32 v12, v19  }
0x370: {  	v6 =	vld.idx.msk [tilespmem:v6+s16+$0x0], $0xffff;
	v5 =	vsub.f32 v5, v22;
	v1 =	vsub.f32 v1, v23  }
0x371: {  	v61 =	vshll.u32 v3, $0x10;
	v3 =	vand.u32 $0xFFFF0000, v3;
	v62 =	vshll.u32 v4, $0x10  }
0x372: {  	v4 =	vand.u32 $0xFFFF0000, v4;
	v9 =	vmul.f32 v12, v9;
	v3 =	vsub.f32 v3, v61  }
0x373: {  	v5 =	vmul.f32 v5, v15;
	v1 =	vmul.f32 v1, v10;
	v63 =	vshll.u32 v2, $0x10  }
0x374: {  	v2 =	vand.u32 $0xFFFF0000, v2;
	v4 =	vsub.f32 v4, v62;
	v27 =	vshll.u32 v0, $0x10  }
0x375: {  	v0 =	vand.u32 $0xFFFF0000, v0;
	v28 =	vshll.u32 v6, $0x10;
	v2 =	vsub.f32 v2, v63  }
0x376: {  	v6 =	vand.u32 $0xFFFF0000, v6;
	v9 =	vadd.f32 v19, v9;
	v5 =	vadd.f32 v22, v5  }
0x377: {  	v3 =	vmul.f32 v3, v11;
	v1 =	vadd.f32 v23, v1;
	v0 =	vsub.f32 v0, v27  }
0x378: {  	v6 =	vsub.f32 v6, v28;
	v4 =	vmul.f32 v4, v8;
	[tilespmem:v21+s10+$0x4400 ss:$0x1] =	vst.idx.msk $0xffff, v9  }
0x379: {  	v3 =	vadd.f32 v61, v3;
	v2 =	vmul.f32 v2, v16;
	[tilespmem:v21+s10+$0x4800 ss:$0x1] =	vst.idx.msk $0xffff, v5  }
0x37a: {  	v0 =	vmul.f32 v0, v18;
	[tilespmem:v21+s10+$0x4C00 ss:$0x1] =	vst.idx.msk $0xffff, v1;
	v1 =	vadd.f32 v62, v4  }
0x37b: {  	v2 =	vadd.f32 v63, v2;
	[tilespmem:v21+s10+$0x5000 ss:$0x1] =	vst.idx.msk $0xffff, v3;
	v3 =	vmul.f32 v6, v17  }
0x37c: {  	v0 =	vadd.f32 v27, v0;
	[tilespmem:v21+s10+$0x5400 ss:$0x1] =	vst.idx.msk $0xffff, v1  }
0x37d: {  	[tilespmem:v21+s10+$0x5800 ss:$0x1] =	vst.idx.msk $0xffff, v2;
	v1 =	vadd.f32 v28, v3  }
0x37e: {  	[tilespmem:v21+s10+$0x5C00 ss:$0x1] =	vst.idx.msk $0xffff, v0  }
0x37f: {  	[tilespmem:v21+s10+$0x6000 ss:$0x1] =	vst.idx.msk $0xffff, v1  }
0x380: {  	v18 =	vld [tilespmem:$0x1FFF0]  }
0x381: {  	s5 =	sadd.s32 $0x1, s5;
	v1 =	vld [tilespmem:$0x1FEE0]  }
0x382: {  	p0 =	sne.s32 s5, $0x8;
	v2 =	vld [tilespmem:$0x1FF00]  }
.Ltmp10:
0x383: {  	v5 =	vld [tilespmem:$0x1FEF0];
	(pc) =	sbr.rel @p0 .LBB2_17-.Ltmp10, $4  }
0x384: {  	v3 =	vld [tilespmem:$0x1FF10]  }
0x385: {  	v4 =	vld [tilespmem:$0x1FF20]  }
0x386: {  	v29 =	vld [tilespmem:$0x1FF40]  }
0x387: {  	s6 =	sadd.s32 $0x80, s6;
	s1 =	sadd.s32 $0x80, s1;
	v19 =	vld [tilespmem:$0x1FF30]  }
0x388: {  	s0 =	sadd.s32 $0x1, s0  }
0x389: {  	p0 =	sne.s32 s0, $0x4  }
.Ltmp11:
0x38a: {  	s1 =	sshll.u32 s4, $0x7;
	(pc) =	sbr.rel @p0 .LBB2_12-.Ltmp11, $4  }
0x38b: {  	s1 =	sadd.s32 s13, s1  }
0x38c: {  	s1 =	sshrl.u32 s1, $0x3  }
0x38d: {  	s9 =	sadd.s32 $0x800, s9;
	s18 =	sadd.s32 $0x800, s18;
	s1 =	sadd.s32 s2, s1  }
0x38e: {  	[hbm4b:s1+s22] =	stream.strided.scatter [tilespmem:s25], [sflag:$0x2], $0x6400, s23, s22, $0x38;
	[tilespmem:$0x13680] =	vst v63  }
0x38f: {  	s0 =	simm.s32 $0x1  }
0x390: {  	_ =	swait.ge [sflag:s0], $0x6400  }
0x391: {  	[sflag:s0] =	ssyncset.done $0x0  }
0x392: {  	s26 =	simm.s32 $0x2;
	[sflag:s0] =	ssyncadd.s32 $0xFFFF9C00  }
0x393: {  	_ =	swait.ge [sflag:s26], $0x6400  }
0x394: {  	[sflag:s26] =	ssyncset.done $0x0  }
0x395: {  	[sflag:s26] =	ssyncadd.s32 $0xFFFF9C00  }
0x396: {  	_ =	swait.ge [sflag:s29], $0x2000  }
0x397: {  	[sflag:s29] =	ssyncset.done $0x0  }
0x398: {  	[sflag:s29] =	ssyncadd.s32 $0xFFFFE000  }
0x399: {  	_ =	swait.ge [sflag:s30], $0x2000  }
0x39a: {  	s31 =	sadd.s32 $0x1, s31;
	s28 =	rddreg [dreg:$0x9]  }
0x39b: {  	p0 =	sne.s32 s31, s28  }
.Ltmp12:
0x39c: {  	_ = 	snop;
	(pc) =	sbr.rel @p0 .LBB2_1-.Ltmp12, $3  }
0x39d: {  	_ =	sdelay $0x1  }
0x39e: {  	[sflag:s30] =	ssyncset.done $0x0  }
0x39f: {  	[sflag:s30] =	ssyncadd.s32 $0xFFFFE000  }
0x3a0: {  	_ =	sfence.sel $0x180000  }
0x3a1: {  	[bflag:$0x0] =	sbarrier.arrive $0xFFFF  }
0x3a2: {  	_ =	strace $0x90000047  }
0x3a3: {  	s0 =	stileid.u32;
	[bflag:$0x2] =	sbarrier.arrive $0xFFFF  }
0x3a4: {  	p0 =	sne.s32 s0, $0x0;
	s0 =	rddreg [dreg:$0x3]  }
0x3a5: {  	s0 =	sadd.s32 @!p0 $0x100000, s0  }
0x3a6: {  	[sflag:s0] =	ssyncadd.tile.s32 @!p0 $0x1;
	_ =	shalt  }
.Lfunc_end2:
_tile_overlayer_lowered:
.L_overlay_start_2:
0x3a7: {  	(tag) =	ssettag $0x2  }
0x3a8: {  	s0 =	rddreg [dreg:$0x0];
	s2 =	stileid.u32  }
0x3a9: {  	s1 =	rddreg [dreg:$0x1];
	p0 =	sne.s32 s2, $0x0  }
0x3aa: {  	s3 =	rddreg [dreg:$0x2];
	[bflag:$0x3] =	sbarrier.arrive $0xFFFF;
	s2 =	simm.s32 @!p0 $0x1C05  }
0x3ab: {  	[timem:s3], [sflag:s2] =	dma.local @!p0 [hbm:s0], s1  }
0x3ac: {  	s0 =	simm.s32 @!p0 $0x5  }
0x3ad: {  	_ =	swait.ge @!p0 [sflag:s0], s1  }
0x3ae: {  	s1 =	ssub.s32 @!p0 $0x0, s1;
	[sflag:s0] =	ssyncset.done @!p0 $0x0  }
0x3af: {  	[sflag:s0] =	ssyncadd.s32 @!p0 s1  }
0x3b0: {  	[bflag:$0x3] =	sbarrier.arrive $0xFFFF  }
0x3b1: {  	_ =	shalt  }

</sc_bundles>
